<compile_context>
chip_gen: v7x
topology: tpu7x:2x2x1
jax: 0.10.2.dev20260603
libtpu: 0.0.44.dev20260713+nightly
codegen_flags: <defaults>
</compile_context>

<pallas_src>
import jax
import jax.numpy as jnp
from jax import lax
from jax.experimental import pallas as pl
from jax.experimental.pallas import tpu as pltpu
from jax.experimental.pallas import tpu_sc as plsc

N = 10000
E = 320000
P = 3
D = 128
T = 2000
ALPHA = 0.01

NC, NS = 2, 16
NW = NC * NS
EW = E // NW
OC = 2000
NOC = EW // OC
CH = 32
AW = 256
KCAP = EW + CH
TACC = 2048
SPB = TACC // NW
W = 256
SEGW = 10240
BC = 1024
REC = NW * SEGW
SEGSH = REC // NS

_f32 = jnp.float32
_i32 = jnp.int32


def _s_body(f_ref, a_ref, o_ref):
    o_ref[...] = jnp.sum(f_ref[...] * a_ref[...], axis=1, keepdims=True)


_s_call = pl.pallas_call(
    _s_body,
    out_shape=jax.ShapeDtypeStruct((N, 1), _f32),
)

_sc_params = pltpu.CompilerParams(needs_layout_passes=False)
_sc_mesh = plsc.VectorSubcoreMesh(core_axis_name="c", subcore_axis_name="s",
                                  num_cores=NC, num_subcores=NS)


def _ka_body(s_hbm, edgef, dst_hbm, tgt_hbm,
             ke0d, ke1d, ke2d, ksld, kwd, cntd, rmd,
             slot_v, s_v, tgt_v, dstc, edgec,
             ke0, ke1, ke2, kslot, kw, cnt_v, rmbuf):
    c = lax.axis_index("c")
    sid = lax.axis_index("s")
    w = sid * NC + c
    iota = lax.iota(_i32, 16)

    pltpu.sync_copy(tgt_hbm, tgt_v)
    pltpu.sync_copy(s_hbm, s_v)

    neg1 = jnp.full((16,), -1, _i32)

    def _init(g, carry):
        slot_v[pl.ds(g * 16, 16)] = neg1
        return carry

    lax.fori_loop(0, N // 16, _init, 0)

    def _mark(g, carry):
        idx = tgt_v[pl.ds(g * 16, 16)]
        plsc.store_scatter(slot_v, [idx], g * 16 + iota)
        return carry

    lax.fori_loop(0, T // 16, _mark, 0)

    def _oc_body(oc, cnt):
        base = w * EW + oc * OC
        pltpu.sync_copy(dst_hbm.at[pl.ds(base, OC)], dstc)
        pltpu.sync_copy(edgef.at[pl.ds(base * 3, OC * 3)], edgec)

        def _grp(g, cnt2):
            dv = dstc[pl.ds(g * 16, 16)]
            sl = plsc.load_gather(slot_v, [dv])
            keep = sl >= 0
            eb = (g * 16 + iota) * 3
            e0 = plsc.load_gather(edgec, [eb])
            e1 = plsc.load_gather(edgec, [eb + 1])
            e2 = plsc.load_gather(edgec, [eb + 2])
            s0 = plsc.load_gather(s_v, [e0])
            s1 = plsc.load_gather(s_v, [e1])
            s2 = plsc.load_gather(s_v, [e2])
            a = (s0 + s1 + s2) * (1.0 / 3.0)
            a = jnp.where(a >= 0.0, a, ALPHA * a)
            wv = jnp.exp(a)
            plsc.store_compressed(ke0.at[pl.ds(cnt2, 16)], e0, mask=keep)
            plsc.store_compressed(ke1.at[pl.ds(cnt2, 16)], e1, mask=keep)
            plsc.store_compressed(ke2.at[pl.ds(cnt2, 16)], e2, mask=keep)
            plsc.store_compressed(kslot.at[pl.ds(cnt2, 16)], sl, mask=keep)
            plsc.store_compressed(kw.at[pl.ds(cnt2, 16)], wv, mask=keep)
            pc = plsc.all_reduce_population_count(keep)
            return cnt2 + jnp.max(pc)

        return lax.fori_loop(0, OC // 16, _grp, cnt)

    cnt = lax.fori_loop(0, NOC, _oc_body, jnp.int32(0))

    pltpu.sync_copy(ke0.at[pl.ds(0, EW)], ke0d.at[pl.ds(w * SEGW, EW)])
    pltpu.sync_copy(ke1.at[pl.ds(0, EW)], ke1d.at[pl.ds(w * SEGW, EW)])
    pltpu.sync_copy(ke2.at[pl.ds(0, EW)], ke2d.at[pl.ds(w * SEGW, EW)])
    pltpu.sync_copy(kslot.at[pl.ds(0, EW)], ksld.at[pl.ds(w * SEGW, EW)])
    pltpu.sync_copy(kw.at[pl.ds(0, EW)], kwd.at[pl.ds(w * SEGW, EW)])
    cnt_v[pl.ds(0, 16)] = jnp.full((16,), 1, _i32) * cnt
    pltpu.sync_copy(cnt_v, cntd.at[w])

    for k in range(SPB // 16):
        g = w * (SPB // 16) + k

        @pl.when(g < T // 16)
        def _():
            tg = tgt_v[pl.ds(g * 16, 16)]
            rmbuf[pl.ds(k * 16, 16)] = plsc.load_gather(slot_v, [tg])

        @pl.when(g >= T // 16)
        def _():
            rmbuf[pl.ds(k * 16, 16)] = jnp.zeros((16,), _i32)

    pltpu.sync_copy(rmbuf, rmd.at[pl.ds(w * SPB, SPB)])


_ka_call = pl.kernel(
    _ka_body,
    out_type=(
        jax.ShapeDtypeStruct((REC,), _i32),
        jax.ShapeDtypeStruct((REC,), _i32),
        jax.ShapeDtypeStruct((REC,), _i32),
        jax.ShapeDtypeStruct((REC,), _i32),
        jax.ShapeDtypeStruct((REC,), _f32),
        jax.ShapeDtypeStruct((NW, 16), _i32),
        jax.ShapeDtypeStruct((TACC,), _i32),
    ),
    mesh=_sc_mesh,
    compiler_params=_sc_params,
    scratch_types=[
        pltpu.VMEM((N,), _i32),
        pltpu.VMEM((N,), _f32),
        pltpu.VMEM((T,), _i32),
        pltpu.VMEM((OC,), _i32),
        pltpu.VMEM((OC * 3,), _i32),
        pltpu.VMEM((KCAP,), _i32),
        pltpu.VMEM((KCAP,), _i32),
        pltpu.VMEM((KCAP,), _i32),
        pltpu.VMEM((KCAP,), _i32),
        pltpu.VMEM((KCAP,), _f32),
        pltpu.VMEM((16,), _i32),
        pltpu.VMEM((SPB,), _i32),
    ],
)


def _kb_body(feat, ke0d, ke1d, ke2d, ksld, kwd, cntd,
             accd,
             lsl, lw, le0, le1, le2,
             me0, me1, me2, msl, mw, cntv,
             e012, wch, slch, buf, acc,
             feat_sh,
             sem0):
    c = lax.axis_index("c")
    sid = lax.axis_index("s")
    w = sid * NC + c
    base = w * SPB
    iota = lax.iota(_i32, 16)
    z16f = jnp.zeros((16,), _f32)
    z16i = jnp.zeros((16,), _i32)

    @pl.when(sid < 10)
    def _():
        pltpu.sync_copy(feat.at[pl.ds(sid * 1000, 1000)],
                        feat_sh.at[pl.ds(sid * 1000, 1000)])
    pltpu.sync_copy(cntd, cntv)

    def _zacc(i, carry):
        for q in range(AW // 16):
            acc[i, pl.ds(q * 16, 16)] = z16f
        return carry

    lax.fori_loop(0, SPB, _zacc, 0)
    plsc.subcore_barrier()

    def _seg_body(seg, carry):
        cseg = jnp.max(cntv[seg, pl.ds(0, 16)])
        nchunk = (cseg + BC - 1) // BC

        def _oc_body(oc, carry2):
            sbase = pl.multiple_of(seg * SEGW + oc * BC, 128)
            cpa = pltpu.async_copy(ksld.at[pl.ds(sbase, BC)], lsl, sem0)
            cpb = pltpu.async_copy(kwd.at[pl.ds(sbase, BC)], lw, sem0)
            cpc = pltpu.async_copy(ke0d.at[pl.ds(sbase, BC)], le0, sem0)
            cpd = pltpu.async_copy(ke1d.at[pl.ds(sbase, BC)], le1, sem0)
            cpe = pltpu.async_copy(ke2d.at[pl.ds(sbase, BC)], le2, sem0)
            cpa.wait()
            cpb.wait()
            cpc.wait()
            cpd.wait()
            cpe.wait()
            lim = cseg - oc * BC
            ngrp = (jnp.minimum(lim, BC) + 15) // 16

            def _grp(g, m):
                sl = lsl[pl.ds(g * 16, 16)]
                mine = jnp.logical_and(
                    jnp.logical_and(sl >= base, sl < base + SPB),
                    g * 16 + iota < lim)
                plsc.store_compressed(me0.at[pl.ds(m, 16)],
                                      le0[pl.ds(g * 16, 16)], mask=mine)
                plsc.store_compressed(me1.at[pl.ds(m, 16)],
                                      le1[pl.ds(g * 16, 16)], mask=mine)
                plsc.store_compressed(me2.at[pl.ds(m, 16)],
                                      le2[pl.ds(g * 16, 16)], mask=mine)
                plsc.store_compressed(msl.at[pl.ds(m, 16)], sl - base,
                                      mask=mine)
                plsc.store_compressed(mw.at[pl.ds(m, 16)],
                                      lw[pl.ds(g * 16, 16)], mask=mine)
                pc = plsc.all_reduce_population_count(mine)
                return m + jnp.max(pc)

            with jax.named_scope("b_scan"):
                mcnt = lax.fori_loop(0, ngrp, _grp, jnp.int32(0))

            for k in range(CH // 16):
                me0[pl.ds(mcnt + k * 16, 16)] = z16i
                me1[pl.ds(mcnt + k * 16, 16)] = z16i
                me2[pl.ds(mcnt + k * 16, 16)] = z16i
                msl[pl.ds(mcnt + k * 16, 16)] = z16i
                mw[pl.ds(mcnt + k * 16, 16)] = z16f

            nch = (mcnt + CH - 1) // CH

            def _ch_body(ch, carry3):
                off = ch * CH
                for q in range(CH // 16):
                    e012[pl.ds(q * 16, 16)] = me0[pl.ds(off + q * 16, 16)]
                    e012[pl.ds(CH + q * 16, 16)] = me1[pl.ds(off + q * 16, 16)]
                    e012[pl.ds(2 * CH + q * 16, 16)] = (
                        me2[pl.ds(off + q * 16, 16)])
                    wch[pl.ds(q * 16, 16)] = mw[pl.ds(off + q * 16, 16)]
                    slch[pl.ds(q * 16, 16)] = msl[pl.ds(off + q * 16, 16)]
                with jax.named_scope("b_gath"):
                    pltpu.async_copy(feat_sh.at[e012], buf, sem0).wait()

                def _row(i, carry4):
                    i16 = jnp.full((16,), 1, _i32) * i
                    wb = plsc.load_gather(wch, [i16])
                    wb3 = wb * (1.0 / 3.0)
                    r = jnp.max(plsc.load_gather(slch, [i16]))
                    for cb in range(D // 16):
                        acc[r, pl.ds(cb * 16, 16)] = (
                            acc[r, pl.ds(cb * 16, 16)]
                            + (buf[i, pl.ds(cb * 16, 16)]
                               + buf[CH + i, pl.ds(cb * 16, 16)]
                               + buf[2 * CH + i, pl.ds(cb * 16, 16)]) * wb3)
                    acc[r, pl.ds(D, 16)] = (
                        acc[r, pl.ds(D, 16)] + jnp.where(iota == 0, wb, 0.0))
                    return carry4

                with jax.named_scope("b_rmw"):
                    lax.fori_loop(0, CH, _row, 0)
                return carry3

            lax.fori_loop(0, nch, _ch_body, 0)
            return carry2

        lax.fori_loop(0, nchunk, _oc_body, 0)
        return carry

    lax.fori_loop(0, NW, _seg_body, 0)

    pltpu.sync_copy(acc, accd.at[pl.ds(base, SPB), pl.ds(0, AW)])


_kb_call = pl.kernel(
    _kb_body,
    out_type=jax.ShapeDtypeStruct((TACC, W), _f32),
    mesh=_sc_mesh,
    compiler_params=_sc_params,
    scratch_types=[
        pltpu.VMEM((BC,), _i32),
        pltpu.VMEM((BC,), _f32),
        pltpu.VMEM((BC,), _i32),
        pltpu.VMEM((BC,), _i32),
        pltpu.VMEM((BC,), _i32),
        pltpu.VMEM((BC + CH,), _i32),
        pltpu.VMEM((BC + CH,), _i32),
        pltpu.VMEM((BC + CH,), _i32),
        pltpu.VMEM((BC + CH,), _i32),
        pltpu.VMEM((BC + CH,), _f32),
        pltpu.VMEM((NW, 16), _i32),
        pltpu.VMEM((3 * CH,), _i32),
        pltpu.VMEM((CH,), _f32),
        pltpu.VMEM((CH,), _i32),
        pltpu.VMEM((3 * CH, D), _f32),
        pltpu.VMEM((SPB, AW), _f32),
        pltpu.VMEM_SHARED((N, D), _f32),
        pltpu.SemaphoreType.DMA,
    ],
)


def _kc_body(accd, rmd, outp, rm_v, b0, ob, sem0):
    c = lax.axis_index("c")
    sid = lax.axis_index("s")
    w = sid * NC + c

    pltpu.sync_copy(rmd.at[pl.ds(w * SPB, SPB)], rm_v)
    pltpu.async_copy(accd.at[rm_v], b0, sem0).wait()

    def _row(i, carry):
        i16 = jnp.full((16,), 1, _i32) * i
        d16 = jnp.full((16,), 1, _i32) * D
        dn = plsc.load_gather(b0, [i16, d16])
        inv = 1.0 / jnp.where(dn > 0.0, dn, 1.0)
        for cb in range(D // 16):
            ob[i, pl.ds(cb * 16, 16)] = b0[i, pl.ds(cb * 16, 16)] * inv
        return carry

    lax.fori_loop(0, SPB, _row, 0)
    pltpu.sync_copy(ob, outp.at[pl.ds(w * SPB, SPB)])


_kc_call = pl.kernel(
    _kc_body,
    out_type=jax.ShapeDtypeStruct((TACC, D), _f32),
    mesh=_sc_mesh,
    compiler_params=_sc_params,
    scratch_types=[
        pltpu.VMEM((SPB,), _i32),
        pltpu.VMEM((SPB, W), _f32),
        pltpu.VMEM((SPB, D), _f32),
        pltpu.SemaphoreType.DMA,
    ],
)


@jax.jit
def kernel(features, type_mask, edge, dst, target_idx, attn):
    del type_mask
    s = _s_call(features, attn).reshape(N)
    ke0d, ke1d, ke2d, ksld, kwd, cntd, rmd = _ka_call(
        s, edge.reshape(E * P), dst, target_idx)
    accd = _kb_call(features, ke0d, ke1d, ke2d, ksld, kwd, cntd)
    outp = _kc_call(accd, rmd)
    return outp[:T]

# --- scband reference (transcript-rebuilt; emitter-appended) ---
"""Pipeline reference for scband-star-gat-metapath-specific-14035953123580 (READ-ONLY COPY).

The authoritative reference and input builder live on the scoring server;
editing this copy changes nothing except your own understanding.
"""

import jax, jax.numpy as jnp
import numpy as np

N = 10000
E = 320000
P = 3
D = 128
T = 2000
ALPHA = 0.01


def setup_inputs(seed: int = 0) -> dict:
    key = jax.random.key(seed)
    k1, k2, k3, k4, k5, k6 = jax.random.split(key, 6)
    features = jax.random.normal(k1, (N, D), dtype=jnp.float32)
    type_mask = jax.random.randint(k2, (N,), 0, 4, dtype=jnp.int32)
    edge = jax.random.randint(k3, (E, P), 0, N, dtype=jnp.int32)
    dst = jax.random.randint(k4, (E,), 0, N, dtype=jnp.int32)
    target_idx = jax.random.randint(k5, (T,), 0, N, dtype=jnp.int32)
    # learned parameter: attention vector (1, out_dim), xavier-normal-like scale
    attn = jax.random.normal(k6, (1, D), dtype=jnp.float32) * (1.414 * (2.0 / (1 + D)) ** 0.5)
    return {"features": features, "type_mask": type_mask, "edge": edge,
            "dst": dst, "target_idx": target_idx, "attn": attn}


def reference(features, type_mask, edge, dst, target_idx, attn):
    # edata = F.embedding(edge, features): gather metapath-instance node features
    edata = jnp.take(features, edge, axis=0)            # [E, P, D]
    eft = jnp.mean(edata, axis=1)                        # [E, D]
    # a = leaky_relu((eft * attn).sum(-1))
    a = jnp.sum(eft * attn, axis=-1)                     # [E]
    a = jnp.where(a >= 0, a, ALPHA * a)
    # edge_softmax grouped by destination node (dgl.edge_softmax)
    m = jax.ops.segment_max(a, dst, num_segments=N)      # [N]
    m = jnp.where(jnp.isfinite(m), m, 0.0)
    ex = jnp.exp(a - m[dst])                             # [E]
    s = jax.ops.segment_sum(ex, dst, num_segments=N)     # [N]
    s = jnp.where(s > 0, s, 1.0)
    a_drop = ex / s[dst]                                 # [E] (attn_drop=0 -> identity)
    # message passing: ft[v] = sum_{e: dst(e)=v} eft[e] * a_drop[e]
    ft = jax.ops.segment_sum(eft * a_drop[:, None], dst, num_segments=N)  # [N, D]
    return ft[target_idx]

if __name__ == "__main__":
    import jax
    _d = setup_inputs()
    print(jax.jit(kernel)(*tuple(_d.values())))

</pallas_src>

<mosaic_0001>
#map = affine_map<(d0, d1) -> (0, 0)>
#map1 = affine_map<(d0, d1) -> (0)>
module attributes {stable_mosaic.version = 14 : i64} {
  func.func @_kc_body(%arg0: i32, %arg1: i32, %arg2: memref<2048x256xf32, #tpu.memory_space<hbm>>, %arg3: memref<2048xi32, #tpu.memory_space<hbm>>, %arg4: memref<2048x128xf32, #tpu.memory_space<hbm>>, %arg5: memref<64xi32, #tpu.memory_space<vmem>>, %arg6: memref<64x256xf32, #tpu.memory_space<vmem>>, %arg7: memref<64x128xf32, #tpu.memory_space<vmem>>, %arg8: memref<!tpu.dma_semaphore, #tpu.memory_space<semaphore_mem>>) attributes {dimension_semantics = [#tpu.dimension_semantics<core_parallel>, #tpu.dimension_semantics<subcore_parallel>], iteration_bounds = array<i64: 2, 16>, scalar_prefetch = 0 : i64, scratch_operands = 4 : i64, tpu.core_type = #tpu.core_type<sc_vector_subcore>, window_params = [{transform_indices = #map}, {transform_indices = #map1}, {transform_indices = #map}]} {
    %mul3A = arith.constant 2 : i32
    %mul3A_0 = arith.muli %arg1, %mul3A : i32
    %add3A = arith.addi %mul3A_0, %arg0 : i32
    %mul3A_1 = arith.constant 64 : i32
    %mul3A_2 = arith.muli %add3A, %mul3A_1 : i32
    "tpu.region"() ({
      %run_scoped3A = tpu.sem_alloc : memref<!tpu.dma_semaphore, #tpu.memory_space<semaphore_mem>>
      %dma_start3A_14 = tpu.memref_slice %arg3[%mul3A_2] : memref<2048xi32, #tpu.memory_space<hbm>> -> memref<64xi32, #tpu.memory_space<hbm>>
      %dma_start3A_15 = tpu.memref_slice %arg3[%mul3A_2] : memref<2048xi32, #tpu.memory_space<hbm>> -> memref<64xi32, #tpu.memory_space<hbm>>
      tpu.enqueue_dma source(%dma_start3A_15 : memref<64xi32, #tpu.memory_space<hbm>>) target(%arg5 : memref<64xi32, #tpu.memory_space<vmem>>) target_semaphore(%run_scoped3A : memref<!tpu.dma_semaphore, #tpu.memory_space<semaphore_mem>>)
      %dma_wait3A_16 = tpu.memref_slice %arg3[%mul3A_2] : memref<2048xi32, #tpu.memory_space<hbm>> -> memref<64xi32, #tpu.memory_space<hbm>>
      %dma_wait3A_17 = tpu.memref_slice %arg3[%mul3A_2] : memref<2048xi32, #tpu.memory_space<hbm>> -> memref<64xi32, #tpu.memory_space<hbm>>
      tpu.wait_dma2 semaphore(%run_scoped3A : memref<!tpu.dma_semaphore, #tpu.memory_space<semaphore_mem>>) src(%dma_wait3A_17 : memref<64xi32, #tpu.memory_space<hbm>>) dst(%arg5 : memref<64xi32, #tpu.memory_space<vmem>>)
      tpu.yield
    }) : () -> ()
    %dma_start3A = arith.constant 0 : i32
    %dma_start3A_3 = arith.constant 0 : i32
    %dma_start3A_4 = tpu.memref_slice %arg2[%dma_start3A, %dma_start3A_3] : memref<2048x256xf32, #tpu.memory_space<hbm>> -> memref<2048x256xf32, #tpu.memory_space<hbm>>
    tpu.enqueue_indirect_dma source(%dma_start3A_4 : memref<2048x256xf32, #tpu.memory_space<hbm>>) target(%arg6 : memref<64x256xf32, #tpu.memory_space<vmem>>) offsets(%arg5 : memref<64xi32, #tpu.memory_space<vmem>>) semaphore(%arg8 : memref<!tpu.dma_semaphore, #tpu.memory_space<semaphore_mem>>)
    %dma_wait3A = arith.constant 0 : i32
    %dma_wait3A_5 = arith.constant 0 : i32
    %dma_wait3A_6 = tpu.memref_slice %arg2[%dma_wait3A, %dma_wait3A_5] : memref<2048x256xf32, #tpu.memory_space<hbm>> -> memref<2048x256xf32, #tpu.memory_space<hbm>>
    tpu.wait_indirect_dma semaphore(%arg8 : memref<!tpu.dma_semaphore, #tpu.memory_space<semaphore_mem>>) src(%dma_wait3A_6 : memref<2048x256xf32, #tpu.memory_space<hbm>>) dst(%arg6 : memref<64x256xf32, #tpu.memory_space<vmem>>)
    %scan3A = arith.constant 0 : i32
    %scan3A_7 = arith.constant 0 : i32
    %scan3A_8 = arith.constant 64 : i32
    %scan3A_9 = arith.addi %scan3A_7, %scan3A_8 : i32
    %scan3A_10 = arith.constant 1 : i32
    scf.for %scan3A_14 = %scan3A_7 to %scan3A_9 step %scan3A_10  : i32 {
      %broadcast_in_dim3A = arith.constant 1 : i32
      %broadcast_in_dim3A_15 = vector.broadcast %broadcast_in_dim3A : i32 to vector<16xi32>
      %mul3A_16 = vector.broadcast %scan3A_14 : i32 to vector<16xi32>
      %mul3A_17 = arith.muli %broadcast_in_dim3A_15, %mul3A_16 : vector<16xi32>
      %broadcast_in_dim3A_18 = arith.constant 1 : i32
      %broadcast_in_dim3A_19 = vector.broadcast %broadcast_in_dim3A_18 : i32 to vector<16xi32>
      %mul3A_20 = arith.constant 128 : i32
      %mul3A_21 = vector.broadcast %mul3A_20 : i32 to vector<16xi32>
      %mul3A_22 = arith.muli %broadcast_in_dim3A_19, %mul3A_21 : vector<16xi32>
      %gather3A = tpu.vector_load_idx %arg6[%mul3A_17, %mul3A_22] : memref<64x256xf32, #tpu.memory_space<vmem>>[vector<16xi32>, vector<16xi32>], vector<16xf32>,
      %gt3A = arith.constant 0.000000e+00 : f32
      %gt3A_23 = vector.broadcast %gt3A : f32 to vector<16xf32>
      %gt3A_24 = arith.cmpf ogt, %gather3A, %gt3A_23 : vector<16xf32>
      %jit3A = arith.constant 1.000000e+00 : f32
      %broadcast_in_dim3A_25 = vector.broadcast %jit3A : f32 to vector<16xf32>
      %select_n3A = arith.select %gt3A_24, %gather3A, %broadcast_in_dim3A_25 : vector<16xi1>, vector<16xf32>
      %div3A = arith.constant 1.000000e+00 : f32
      %div3A_26 = vector.broadcast %div3A : f32 to vector<16xf32>
      %div3A_27 = arith.divf %div3A_26, %select_n3A : vector<16xf32>
      %get3A = arith.index_cast %scan3A_14 : i32 to index
      %get3A_28 = arith.constant 0 : index
      %get3A_29 = tpu.vector_load %arg6[%get3A, %get3A_28] {strides = array<i32>} : memref<64x256xf32, #tpu.memory_space<vmem>>, vector<16xf32>,
      %mul3A_30 = arith.mulf %get3A_29, %div3A_27 : vector<16xf32>
      %swap3A = arith.index_cast %scan3A_14 : i32 to index
      %swap3A_31 = arith.constant 0 : index
      %swap3A_32 = tpu.vector_load %arg7[%swap3A, %swap3A_31] {strides = array<i32>} : memref<64x128xf32, #tpu.memory_space<vmem>>, vector<16xf32>,
      tpu.vector_store %arg7[%swap3A, %swap3A_31], %mul3A_30 {strides = array<i32>} : memref<64x128xf32, #tpu.memory_space<vmem>>, vector<16xf32>,
      %get3A_33 = arith.index_cast %scan3A_14 : i32 to index
      %get3A_34 = arith.constant 16 : index
      %get3A_35 = tpu.vector_load %arg6[%get3A_33, %get3A_34] {strides = array<i32>} : memref<64x256xf32, #tpu.memory_space<vmem>>, vector<16xf32>,
      %mul3A_36 = arith.mulf %get3A_35, %div3A_27 : vector<16xf32>
      %swap3A_37 = arith.index_cast %scan3A_14 : i32 to index
      %swap3A_38 = arith.constant 16 : index
      %swap3A_39 = tpu.vector_load %arg7[%swap3A_37, %swap3A_38] {strides = array<i32>} : memref<64x128xf32, #tpu.memory_space<vmem>>, vector<16xf32>,
      tpu.vector_store %arg7[%swap3A_37, %swap3A_38], %mul3A_36 {strides = array<i32>} : memref<64x128xf32, #tpu.memory_space<vmem>>, vector<16xf32>,
      %get3A_40 = arith.index_cast %scan3A_14 : i32 to index
      %get3A_41 = arith.constant 32 : index
      %get3A_42 = tpu.vector_load %arg6[%get3A_40, %get3A_41] {strides = array<i32>} : memref<64x256xf32, #tpu.memory_space<vmem>>, vector<16xf32>,
      %mul3A_43 = arith.mulf %get3A_42, %div3A_27 : vector<16xf32>
      %swap3A_44 = arith.index_cast %scan3A_14 : i32 to index
      %swap3A_45 = arith.constant 32 : index
      %swap3A_46 = tpu.vector_load %arg7[%swap3A_44, %swap3A_45] {strides = array<i32>} : memref<64x128xf32, #tpu.memory_space<vmem>>, vector<16xf32>,
      tpu.vector_store %arg7[%swap3A_44, %swap3A_45], %mul3A_43 {strides = array<i32>} : memref<64x128xf32, #tpu.memory_space<vmem>>, vector<16xf32>,
      %get3A_47 = arith.index_cast %scan3A_14 : i32 to index
      %get3A_48 = arith.constant 48 : index
      %get3A_49 = tpu.vector_load %arg6[%get3A_47, %get3A_48] {strides = array<i32>} : memref<64x256xf32, #tpu.memory_space<vmem>>, vector<16xf32>,
      %mul3A_50 = arith.mulf %get3A_49, %div3A_27 : vector<16xf32>
      %swap3A_51 = arith.index_cast %scan3A_14 : i32 to index
      %swap3A_52 = arith.constant 48 : index
      %swap3A_53 = tpu.vector_load %arg7[%swap3A_51, %swap3A_52] {strides = array<i32>} : memref<64x128xf32, #tpu.memory_space<vmem>>, vector<16xf32>,
      tpu.vector_store %arg7[%swap3A_51, %swap3A_52], %mul3A_50 {strides = array<i32>} : memref<64x128xf32, #tpu.memory_space<vmem>>, vector<16xf32>,
      %get3A_54 = arith.index_cast %scan3A_14 : i32 to index
      %get3A_55 = arith.constant 64 : index
      %get3A_56 = tpu.vector_load %arg6[%get3A_54, %get3A_55] {strides = array<i32>} : memref<64x256xf32, #tpu.memory_space<vmem>>, vector<16xf32>,
      %mul3A_57 = arith.mulf %get3A_56, %div3A_27 : vector<16xf32>
      %swap3A_58 = arith.index_cast %scan3A_14 : i32 to index
      %swap3A_59 = arith.constant 64 : index
      %swap3A_60 = tpu.vector_load %arg7[%swap3A_58, %swap3A_59] {strides = array<i32>} : memref<64x128xf32, #tpu.memory_space<vmem>>, vector<16xf32>,
      tpu.vector_store %arg7[%swap3A_58, %swap3A_59], %mul3A_57 {strides = array<i32>} : memref<64x128xf32, #tpu.memory_space<vmem>>, vector<16xf32>,
      %get3A_61 = arith.index_cast %scan3A_14 : i32 to index
      %get3A_62 = arith.constant 80 : index
      %get3A_63 = tpu.vector_load %arg6[%get3A_61, %get3A_62] {strides = array<i32>} : memref<64x256xf32, #tpu.memory_space<vmem>>, vector<16xf32>,
      %mul3A_64 = arith.mulf %get3A_63, %div3A_27 : vector<16xf32>
      %swap3A_65 = arith.index_cast %scan3A_14 : i32 to index
      %swap3A_66 = arith.constant 80 : index
      %swap3A_67 = tpu.vector_load %arg7[%swap3A_65, %swap3A_66] {strides = array<i32>} : memref<64x128xf32, #tpu.memory_space<vmem>>, vector<16xf32>,
      tpu.vector_store %arg7[%swap3A_65, %swap3A_66], %mul3A_64 {strides = array<i32>} : memref<64x128xf32, #tpu.memory_space<vmem>>, vector<16xf32>,
      %get3A_68 = arith.index_cast %scan3A_14 : i32 to index
      %get3A_69 = arith.constant 96 : index
      %get3A_70 = tpu.vector_load %arg6[%get3A_68, %get3A_69] {strides = array<i32>} : memref<64x256xf32, #tpu.memory_space<vmem>>, vector<16xf32>,
      %mul3A_71 = arith.mulf %get3A_70, %div3A_27 : vector<16xf32>
      %swap3A_72 = arith.index_cast %scan3A_14 : i32 to index
      %swap3A_73 = arith.constant 96 : index
      %swap3A_74 = tpu.vector_load %arg7[%swap3A_72, %swap3A_73] {strides = array<i32>} : memref<64x128xf32, #tpu.memory_space<vmem>>, vector<16xf32>,
      tpu.vector_store %arg7[%swap3A_72, %swap3A_73], %mul3A_71 {strides = array<i32>} : memref<64x128xf32, #tpu.memory_space<vmem>>, vector<16xf32>,
      %get3A_75 = arith.index_cast %scan3A_14 : i32 to index
      %get3A_76 = arith.constant 112 : index
      %get3A_77 = tpu.vector_load %arg6[%get3A_75, %get3A_76] {strides = array<i32>} : memref<64x256xf32, #tpu.memory_space<vmem>>, vector<16xf32>,
      %mul3A_78 = arith.mulf %get3A_77, %div3A_27 : vector<16xf32>
      %swap3A_79 = arith.index_cast %scan3A_14 : i32 to index
      %swap3A_80 = arith.constant 112 : index
      %swap3A_81 = tpu.vector_load %arg7[%swap3A_79, %swap3A_80] {strides = array<i32>} : memref<64x128xf32, #tpu.memory_space<vmem>>, vector<16xf32>,
      tpu.vector_store %arg7[%swap3A_79, %swap3A_80], %mul3A_78 {strides = array<i32>} : memref<64x128xf32, #tpu.memory_space<vmem>>, vector<16xf32>,
    }
    %scan3A_11 = arith.constant 64 : i32
    %mul3A_12 = arith.constant 64 : i32
    %mul3A_13 = arith.muli %add3A, %mul3A_12 : i32
    "tpu.region"() ({
      %run_scoped3A = tpu.sem_alloc : memref<!tpu.dma_semaphore, #tpu.memory_space<semaphore_mem>>
      %dma_start3A_14 = arith.constant 0 : i32
      %dma_start3A_15 = tpu.memref_slice %arg4[%mul3A_13, %dma_start3A_14] : memref<2048x128xf32, #tpu.memory_space<hbm>> -> memref<64x128xf32, #tpu.memory_space<hbm>>
      %dma_start3A_16 = arith.constant 0 : i32
      %dma_start3A_17 = tpu.memref_slice %arg4[%mul3A_13, %dma_start3A_16] : memref<2048x128xf32, #tpu.memory_space<hbm>> -> memref<64x128xf32, #tpu.memory_space<hbm>>
      tpu.enqueue_dma source(%arg7 : memref<64x128xf32, #tpu.memory_space<vmem>>) target(%dma_start3A_17 : memref<64x128xf32, #tpu.memory_space<hbm>>) target_semaphore(%run_scoped3A : memref<!tpu.dma_semaphore, #tpu.memory_space<semaphore_mem>>)
      %dma_wait3A_18 = arith.constant 0 : i32
      %dma_wait3A_19 = tpu.memref_slice %arg4[%mul3A_13, %dma_wait3A_18] : memref<2048x128xf32, #tpu.memory_space<hbm>> -> memref<64x128xf32, #tpu.memory_space<hbm>>
      %dma_wait3A_20 = arith.constant 0 : i32
      %dma_wait3A_21 = tpu.memref_slice %arg4[%mul3A_13, %dma_wait3A_20] : memref<2048x128xf32, #tpu.memory_space<hbm>> -> memref<64x128xf32, #tpu.memory_space<hbm>>
      tpu.wait_dma2 semaphore(%run_scoped3A : memref<!tpu.dma_semaphore, #tpu.memory_space<semaphore_mem>>) src(%arg7 : memref<64x128xf32, #tpu.memory_space<vmem>>) dst(%dma_wait3A_21 : memref<64x128xf32, #tpu.memory_space<hbm>>)
      tpu.yield
    }) : () -> ()
    return
  }
}

#map = affine_map<(d0, d1) -> (0)>
#map1 = affine_map<(d0, d1) -> (0, 0)>
module attributes {stable_mosaic.version = 14 : i64} {
  func.func @_ka_body(%arg0: i32, %arg1: i32, %arg2: memref<10000xf32, #tpu.memory_space<hbm>>, %arg3: memref<960000xi32, #tpu.memory_space<hbm>>, %arg4: memref<320000xi32, #tpu.memory_space<hbm>>, %arg5: memref<2000xi32, #tpu.memory_space<hbm>>, %arg6: memref<327680xi32, #tpu.memory_space<hbm>>, %arg7: memref<327680xi32, #tpu.memory_space<hbm>>, %arg8: memref<327680xi32, #tpu.memory_space<hbm>>, %arg9: memref<327680xi32, #tpu.memory_space<hbm>>, %arg10: memref<327680xf32, #tpu.memory_space<hbm>>, %arg11: memref<32x16xi32, #tpu.memory_space<hbm>>, %arg12: memref<2048xi32, #tpu.memory_space<hbm>>, %arg13: memref<10000xi32, #tpu.memory_space<vmem>>, %arg14: memref<10000xf32, #tpu.memory_space<vmem>>, %arg15: memref<2000xi32, #tpu.memory_space<vmem>>, %arg16: memref<2000xi32, #tpu.memory_space<vmem>>, %arg17: memref<6000xi32, #tpu.memory_space<vmem>>, %arg18: memref<10032xi32, #tpu.memory_space<vmem>>, %arg19: memref<10032xi32, #tpu.memory_space<vmem>>, %arg20: memref<10032xi32, #tpu.memory_space<vmem>>, %arg21: memref<10032xi32, #tpu.memory_space<vmem>>, %arg22: memref<10032xf32, #tpu.memory_space<vmem>>, %arg23: memref<16xi32, #tpu.memory_space<vmem>>, %arg24: memref<64xi32, #tpu.memory_space<vmem>>) attributes {dimension_semantics = [#tpu.dimension_semantics<core_parallel>, #tpu.dimension_semantics<subcore_parallel>], iteration_bounds = array<i64: 2, 16>, scalar_prefetch = 0 : i64, scratch_operands = 12 : i64, tpu.core_type = #tpu.core_type<sc_vector_subcore>, window_params = [{transform_indices = #map}, {transform_indices = #map}, {transform_indices = #map}, {transform_indices = #map}, {transform_indices = #map}, {transform_indices = #map}, {transform_indices = #map}, {transform_indices = #map}, {transform_indices = #map}, {transform_indices = #map1}, {transform_indices = #map}]} {
    %mul3A = arith.constant 2 : i32
    %mul3A_0 = arith.muli %arg1, %mul3A : i32
    %add3A = arith.addi %mul3A_0, %arg0 : i32
    %iota3A = tpu.iota {dimensions = array<i32: 0>} : vector<16xi32>
    "tpu.region"() ({
      %run_scoped3A = tpu.sem_alloc : memref<!tpu.dma_semaphore, #tpu.memory_space<semaphore_mem>>
      tpu.enqueue_dma source(%arg5 : memref<2000xi32, #tpu.memory_space<hbm>>) target(%arg15 : memref<2000xi32, #tpu.memory_space<vmem>>) target_semaphore(%run_scoped3A : memref<!tpu.dma_semaphore, #tpu.memory_space<semaphore_mem>>)
      tpu.wait_dma2 semaphore(%run_scoped3A : memref<!tpu.dma_semaphore, #tpu.memory_space<semaphore_mem>>) src(%arg5 : memref<2000xi32, #tpu.memory_space<hbm>>) dst(%arg15 : memref<2000xi32, #tpu.memory_space<vmem>>)
      tpu.yield
    }) : () -> ()
    "tpu.region"() ({
      %run_scoped3A = tpu.sem_alloc : memref<!tpu.dma_semaphore, #tpu.memory_space<semaphore_mem>>
      tpu.enqueue_dma source(%arg2 : memref<10000xf32, #tpu.memory_space<hbm>>) target(%arg14 : memref<10000xf32, #tpu.memory_space<vmem>>) target_semaphore(%run_scoped3A : memref<!tpu.dma_semaphore, #tpu.memory_space<semaphore_mem>>)
      tpu.wait_dma2 semaphore(%run_scoped3A : memref<!tpu.dma_semaphore, #tpu.memory_space<semaphore_mem>>) src(%arg2 : memref<10000xf32, #tpu.memory_space<hbm>>) dst(%arg14 : memref<10000xf32, #tpu.memory_space<vmem>>)
      tpu.yield
    }) : () -> ()
    %broadcast_in_dim3A = arith.constant -1 : i32
    %broadcast_in_dim3A_1 = vector.broadcast %broadcast_in_dim3A : i32 to vector<16xi32>
    %scan3A = arith.constant 0 : i32
    %scan3A_2 = arith.constant 0 : i32
    %scan3A_3 = arith.constant 625 : i32
    %scan3A_4 = arith.addi %scan3A_2, %scan3A_3 : i32
    %scan3A_5 = arith.constant 1 : i32
    scf.for %scan3A_89 = %scan3A_2 to %scan3A_4 step %scan3A_5  : i32 {
      %mul3A_90 = arith.constant 16 : i32
      %mul3A_91 = arith.muli %scan3A_89, %mul3A_90 : i32
      %swap3A_92 = arith.index_cast %mul3A_91 : i32 to index
      %swap3A_93 = tpu.vector_load %arg13[%swap3A_92] {strides = array<i32>} : memref<10000xi32, #tpu.memory_space<vmem>>, vector<16xi32>,
      tpu.vector_store %arg13[%swap3A_92], %broadcast_in_dim3A_1 {strides = array<i32>} : memref<10000xi32, #tpu.memory_space<vmem>>, vector<16xi32>,
    }
    %scan3A_6 = arith.constant 625 : i32
    %scan3A_7 = arith.constant 0 : i32
    %scan3A_8 = arith.constant 0 : i32
    %scan3A_9 = arith.constant 125 : i32
    %scan3A_10 = arith.addi %scan3A_8, %scan3A_9 : i32
    %scan3A_11 = arith.constant 1 : i32
    scf.for %scan3A_89 = %scan3A_8 to %scan3A_10 step %scan3A_11  : i32 {
      %mul3A_90 = arith.constant 16 : i32
      %mul3A_91 = arith.muli %scan3A_89, %mul3A_90 : i32
      %get3A = arith.index_cast %mul3A_91 : i32 to index
      %get3A_92 = tpu.vector_load %arg15[%get3A] {strides = array<i32>} : memref<2000xi32, #tpu.memory_space<vmem>>, vector<16xi32>,
      %mul3A_93 = arith.constant 16 : i32
      %mul3A_94 = arith.muli %scan3A_89, %mul3A_93 : i32
      %add3A_95 = vector.broadcast %mul3A_94 : i32 to vector<16xi32>
      %add3A_96 = arith.addi %add3A_95, %iota3A : vector<16xi32>
      tpu.vector_store_idx %arg13[%get3A_92], %add3A_96 : memref<10000xi32, #tpu.memory_space<vmem>>[vector<16xi32>], vector<16xi32>,
    }
    %scan3A_12 = arith.constant 125 : i32
    %scan3A_13 = arith.constant 0 : i32
    %scan3A_14 = arith.constant 0 : i32
    %scan3A_15 = arith.constant 5 : i32
    %scan3A_16 = arith.addi %scan3A_14, %scan3A_15 : i32
    %scan3A_17 = arith.constant 1 : i32
    %scan3A_18 = scf.for %scan3A_89 = %scan3A_14 to %scan3A_16 step %scan3A_17 iter_args(%scan3A_90 = %scan3A_13) -> (i32)  : i32 {
      %mul3A_91 = arith.constant 10000 : i32
      %mul3A_92 = arith.muli %add3A, %mul3A_91 : i32
      %mul3A_93 = arith.constant 2000 : i32
      %mul3A_94 = arith.muli %scan3A_89, %mul3A_93 : i32
      %add3A_95 = arith.addi %mul3A_92, %mul3A_94 : i32
      "tpu.region"() ({
        %run_scoped3A = tpu.sem_alloc : memref<!tpu.dma_semaphore, #tpu.memory_space<semaphore_mem>>
        %dma_start3A = tpu.memref_slice %arg4[%add3A_95] : memref<320000xi32, #tpu.memory_space<hbm>> -> memref<2000xi32, #tpu.memory_space<hbm>>
        %dma_start3A_104 = tpu.memref_slice %arg4[%add3A_95] : memref<320000xi32, #tpu.memory_space<hbm>> -> memref<2000xi32, #tpu.memory_space<hbm>>
        tpu.enqueue_dma source(%dma_start3A_104 : memref<2000xi32, #tpu.memory_space<hbm>>) target(%arg16 : memref<2000xi32, #tpu.memory_space<vmem>>) target_semaphore(%run_scoped3A : memref<!tpu.dma_semaphore, #tpu.memory_space<semaphore_mem>>)
        %dma_wait3A = tpu.memref_slice %arg4[%add3A_95] : memref<320000xi32, #tpu.memory_space<hbm>> -> memref<2000xi32, #tpu.memory_space<hbm>>
        %dma_wait3A_105 = tpu.memref_slice %arg4[%add3A_95] : memref<320000xi32, #tpu.memory_space<hbm>> -> memref<2000xi32, #tpu.memory_space<hbm>>
        tpu.wait_dma2 semaphore(%run_scoped3A : memref<!tpu.dma_semaphore, #tpu.memory_space<semaphore_mem>>) src(%dma_wait3A_105 : memref<2000xi32, #tpu.memory_space<hbm>>) dst(%arg16 : memref<2000xi32, #tpu.memory_space<vmem>>)
        tpu.yield
      }) : () -> ()
      %mul3A_96 = arith.constant 3 : i32
      %mul3A_97 = arith.muli %add3A_95, %mul3A_96 : i32
      "tpu.region"() ({
        %run_scoped3A = tpu.sem_alloc : memref<!tpu.dma_semaphore, #tpu.memory_space<semaphore_mem>>
        %dma_start3A = tpu.memref_slice %arg3[%mul3A_97] : memref<960000xi32, #tpu.memory_space<hbm>> -> memref<6000xi32, #tpu.memory_space<hbm>>
        %dma_start3A_104 = tpu.memref_slice %arg3[%mul3A_97] : memref<960000xi32, #tpu.memory_space<hbm>> -> memref<6000xi32, #tpu.memory_space<hbm>>
        tpu.enqueue_dma source(%dma_start3A_104 : memref<6000xi32, #tpu.memory_space<hbm>>) target(%arg17 : memref<6000xi32, #tpu.memory_space<vmem>>) target_semaphore(%run_scoped3A : memref<!tpu.dma_semaphore, #tpu.memory_space<semaphore_mem>>)
        %dma_wait3A = tpu.memref_slice %arg3[%mul3A_97] : memref<960000xi32, #tpu.memory_space<hbm>> -> memref<6000xi32, #tpu.memory_space<hbm>>
        %dma_wait3A_105 = tpu.memref_slice %arg3[%mul3A_97] : memref<960000xi32, #tpu.memory_space<hbm>> -> memref<6000xi32, #tpu.memory_space<hbm>>
        tpu.wait_dma2 semaphore(%run_scoped3A : memref<!tpu.dma_semaphore, #tpu.memory_space<semaphore_mem>>) src(%dma_wait3A_105 : memref<6000xi32, #tpu.memory_space<hbm>>) dst(%arg17 : memref<6000xi32, #tpu.memory_space<vmem>>)
        tpu.yield
      }) : () -> ()
      %scan3A_98 = arith.constant 0 : i32
      %scan3A_99 = arith.constant 125 : i32
      %scan3A_100 = arith.addi %scan3A_98, %scan3A_99 : i32
      %scan3A_101 = arith.constant 1 : i32
      %scan3A_102 = scf.for %scan3A_104 = %scan3A_98 to %scan3A_100 step %scan3A_101 iter_args(%scan3A_105 = %scan3A_90) -> (i32)  : i32 {
        %mul3A_106 = arith.constant 16 : i32
        %mul3A_107 = arith.muli %scan3A_104, %mul3A_106 : i32
        %get3A = arith.index_cast %mul3A_107 : i32 to index
        %get3A_108 = tpu.vector_load %arg16[%get3A] {strides = array<i32>} : memref<2000xi32, #tpu.memory_space<vmem>>, vector<16xi32>,
        %gather3A = tpu.vector_load_idx %arg13[%get3A_108] : memref<10000xi32, #tpu.memory_space<vmem>>[vector<16xi32>], vector<16xi32>,
        %ge3A_109 = arith.constant 0 : i32
        %ge3A_110 = vector.broadcast %ge3A_109 : i32 to vector<16xi32>
        %ge3A_111 = arith.cmpi sge, %gather3A, %ge3A_110 : vector<16xi32>
        %mul3A_112 = arith.constant 16 : i32
        %mul3A_113 = arith.muli %scan3A_104, %mul3A_112 : i32
        %add3A_114 = vector.broadcast %mul3A_113 : i32 to vector<16xi32>
        %add3A_115 = arith.addi %add3A_114, %iota3A : vector<16xi32>
        %mul3A_116 = arith.constant 3 : i32
        %mul3A_117 = vector.broadcast %mul3A_116 : i32 to vector<16xi32>
        %mul3A_118 = arith.muli %add3A_115, %mul3A_117 : vector<16xi32>
        %gather3A_119 = tpu.vector_load_idx %arg17[%mul3A_118] : memref<6000xi32, #tpu.memory_space<vmem>>[vector<16xi32>], vector<16xi32>,
        %add3A_120 = arith.constant 1 : i32
        %add3A_121 = vector.broadcast %add3A_120 : i32 to vector<16xi32>
        %add3A_122 = arith.addi %mul3A_118, %add3A_121 : vector<16xi32>
        %gather3A_123 = tpu.vector_load_idx %arg17[%add3A_122] : memref<6000xi32, #tpu.memory_space<vmem>>[vector<16xi32>], vector<16xi32>,
        %add3A_124 = arith.constant 2 : i32
        %add3A_125 = vector.broadcast %add3A_124 : i32 to vector<16xi32>
        %add3A_126 = arith.addi %mul3A_118, %add3A_125 : vector<16xi32>
        %gather3A_127 = tpu.vector_load_idx %arg17[%add3A_126] : memref<6000xi32, #tpu.memory_space<vmem>>[vector<16xi32>], vector<16xi32>,
        %gather3A_128 = tpu.vector_load_idx %arg14[%gather3A_119] : memref<10000xf32, #tpu.memory_space<vmem>>[vector<16xi32>], vector<16xf32>,
        %gather3A_129 = tpu.vector_load_idx %arg14[%gather3A_123] : memref<10000xf32, #tpu.memory_space<vmem>>[vector<16xi32>], vector<16xf32>,
        %gather3A_130 = tpu.vector_load_idx %arg14[%gather3A_127] : memref<10000xf32, #tpu.memory_space<vmem>>[vector<16xi32>], vector<16xf32>,
        %add3A_131 = arith.addf %gather3A_128, %gather3A_129 : vector<16xf32>
        %add3A_132 = arith.addf %add3A_131, %gather3A_130 : vector<16xf32>
        %mul3A_133 = arith.constant 0.333333343 : f32
        %mul3A_134 = vector.broadcast %mul3A_133 : f32 to vector<16xf32>
        %mul3A_135 = arith.mulf %add3A_132, %mul3A_134 : vector<16xf32>
        %ge3A_136 = arith.constant 0.000000e+00 : f32
        %ge3A_137 = vector.broadcast %ge3A_136 : f32 to vector<16xf32>
        %ge3A_138 = arith.cmpf oge, %mul3A_135, %ge3A_137 : vector<16xf32>
        %mul3A_139 = arith.constant 0.00999999977 : f32
        %mul3A_140 = vector.broadcast %mul3A_139 : f32 to vector<16xf32>
        %mul3A_141 = arith.mulf %mul3A_140, %mul3A_135 : vector<16xf32>
        %select_n3A = arith.select %ge3A_138, %mul3A_135, %mul3A_141 : vector<16xi1>, vector<16xf32>
        %exp3A = math.exp %select_n3A : vector<16xf32>
        %swap3A_142 = arith.index_cast %scan3A_105 : i32 to index
        %swap3A_143 = tpu.vector_load %arg18[%swap3A_142] masked %ge3A_111 {strides = array<i32>} : memref<10032xi32, #tpu.memory_space<vmem>>, vector<16xi32>, vector<16xi1>
        tpu.vector_store %arg18[%swap3A_142], %gather3A_119 masked %ge3A_111 {strides = array<i32>} : memref<10032xi32, #tpu.memory_space<vmem>>, vector<16xi32>, vector<16xi1>
        %swap3A_144 = arith.index_cast %scan3A_105 : i32 to index
        %swap3A_145 = tpu.vector_load %arg19[%swap3A_144] masked %ge3A_111 {strides = array<i32>} : memref<10032xi32, #tpu.memory_space<vmem>>, vector<16xi32>, vector<16xi1>
        tpu.vector_store %arg19[%swap3A_144], %gather3A_123 masked %ge3A_111 {strides = array<i32>} : memref<10032xi32, #tpu.memory_space<vmem>>, vector<16xi32>, vector<16xi1>
        %swap3A_146 = arith.index_cast %scan3A_105 : i32 to index
        %swap3A_147 = tpu.vector_load %arg20[%swap3A_146] masked %ge3A_111 {strides = array<i32>} : memref<10032xi32, #tpu.memory_space<vmem>>, vector<16xi32>, vector<16xi1>
        tpu.vector_store %arg20[%swap3A_146], %gather3A_127 masked %ge3A_111 {strides = array<i32>} : memref<10032xi32, #tpu.memory_space<vmem>>, vector<16xi32>, vector<16xi1>
        %swap3A_148 = arith.index_cast %scan3A_105 : i32 to index
        %swap3A_149 = tpu.vector_load %arg21[%swap3A_148] masked %ge3A_111 {strides = array<i32>} : memref<10032xi32, #tpu.memory_space<vmem>>, vector<16xi32>, vector<16xi1>
        tpu.vector_store %arg21[%swap3A_148], %gather3A masked %ge3A_111 {strides = array<i32>} : memref<10032xi32, #tpu.memory_space<vmem>>, vector<16xi32>, vector<16xi1>
        %swap3A_150 = arith.index_cast %scan3A_105 : i32 to index
        %swap3A_151 = tpu.vector_load %arg22[%swap3A_150] masked %ge3A_111 {strides = array<i32>} : memref<10032xf32, #tpu.memory_space<vmem>>, vector<16xf32>, vector<16xi1>
        tpu.vector_store %arg22[%swap3A_150], %exp3A masked %ge3A_111 {strides = array<i32>} : memref<10032xf32, #tpu.memory_space<vmem>>, vector<16xf32>, vector<16xi1>
        %all_reduce_population_count3A = tpu.all_reduce %ge3A_111 {dim = 0 : i64, kind = #tpu.reduction_kind<sum>} : vector<16xi1> -> vector<16xi32>
        %reduce_max3A = arith.constant true
        %reduce_max3A_152 = vector.broadcast %reduce_max3A : i1 to vector<16xi1>
        %reduce_max3A_153 = arith.constant -2147483648 : i32
        %reduce_max3A_154 = vector.broadcast %reduce_max3A_153 : i32 to vector<16xi32>
        %reduce_max3A_155 = arith.xori %all_reduce_population_count3A, %reduce_max3A_154 : vector<16xi32>
        %reduce_max3A_156 = tpu.scan <max>, %reduce_max3A_155 masked %reduce_max3A_152 : vector<16xi32>, vector<16xi1> -> vector<16xi32>
        %reduce_max3A_157 = arith.xori %reduce_max3A_156, %reduce_max3A_154 : vector<16xi32>
        %reduce_max3A_158 = vector.extract %reduce_max3A_157[15] : i32 from vector<16xi32>
        %add3A_159 = arith.addi %scan3A_105, %reduce_max3A_158 : i32
        scf.yield %add3A_159 : i32
      }
      %scan3A_103 = arith.constant 125 : i32
      scf.yield %scan3A_102 : i32
    }
    %scan3A_19 = arith.constant 5 : i32
    %mul3A_20 = arith.constant 10240 : i32
    %mul3A_21 = arith.muli %add3A, %mul3A_20 : i32
    "tpu.region"() ({
      %run_scoped3A = tpu.sem_alloc : memref<!tpu.dma_semaphore, #tpu.memory_space<semaphore_mem>>
      %dma_start3A = arith.constant 0 : i32
      %dma_start3A_89 = tpu.memref_slice %arg18[%dma_start3A] : memref<10032xi32, #tpu.memory_space<vmem>> -> memref<10000xi32, #tpu.memory_space<vmem>>
      %dma_start3A_90 = tpu.memref_slice %arg6[%mul3A_21] : memref<327680xi32, #tpu.memory_space<hbm>> -> memref<10000xi32, #tpu.memory_space<hbm>>
      %dma_start3A_91 = tpu.memref_slice %arg6[%mul3A_21] : memref<327680xi32, #tpu.memory_space<hbm>> -> memref<10000xi32, #tpu.memory_space<hbm>>
      %dma_start3A_92 = arith.constant 0 : i32
      %dma_start3A_93 = tpu.memref_slice %arg18[%dma_start3A_92] : memref<10032xi32, #tpu.memory_space<vmem>> -> memref<10000xi32, #tpu.memory_space<vmem>>
      tpu.enqueue_dma source(%dma_start3A_93 : memref<10000xi32, #tpu.memory_space<vmem>>) target(%dma_start3A_91 : memref<10000xi32, #tpu.memory_space<hbm>>) target_semaphore(%run_scoped3A : memref<!tpu.dma_semaphore, #tpu.memory_space<semaphore_mem>>)
      %dma_wait3A = arith.constant 0 : i32
      %dma_wait3A_94 = tpu.memref_slice %arg18[%dma_wait3A] : memref<10032xi32, #tpu.memory_space<vmem>> -> memref<10000xi32, #tpu.memory_space<vmem>>
      %dma_wait3A_95 = tpu.memref_slice %arg6[%mul3A_21] : memref<327680xi32, #tpu.memory_space<hbm>> -> memref<10000xi32, #tpu.memory_space<hbm>>
      %dma_wait3A_96 = tpu.memref_slice %arg6[%mul3A_21] : memref<327680xi32, #tpu.memory_space<hbm>> -> memref<10000xi32, #tpu.memory_space<hbm>>
      %dma_wait3A_97 = arith.constant 0 : i32
      %dma_wait3A_98 = tpu.memref_slice %arg18[%dma_wait3A_97] : memref<10032xi32, #tpu.memory_space<vmem>> -> memref<10000xi32, #tpu.memory_space<vmem>>
      tpu.wait_dma2 semaphore(%run_scoped3A : memref<!tpu.dma_semaphore, #tpu.memory_space<semaphore_mem>>) src(%dma_wait3A_98 : memref<10000xi32, #tpu.memory_space<vmem>>) dst(%dma_wait3A_96 : memref<10000xi32, #tpu.memory_space<hbm>>)
      tpu.yield
    }) : () -> ()
    %mul3A_22 = arith.constant 10240 : i32
    %mul3A_23 = arith.muli %add3A, %mul3A_22 : i32
    "tpu.region"() ({
      %run_scoped3A = tpu.sem_alloc : memref<!tpu.dma_semaphore, #tpu.memory_space<semaphore_mem>>
      %dma_start3A = arith.constant 0 : i32
      %dma_start3A_89 = tpu.memref_slice %arg19[%dma_start3A] : memref<10032xi32, #tpu.memory_space<vmem>> -> memref<10000xi32, #tpu.memory_space<vmem>>
      %dma_start3A_90 = tpu.memref_slice %arg7[%mul3A_23] : memref<327680xi32, #tpu.memory_space<hbm>> -> memref<10000xi32, #tpu.memory_space<hbm>>
      %dma_start3A_91 = tpu.memref_slice %arg7[%mul3A_23] : memref<327680xi32, #tpu.memory_space<hbm>> -> memref<10000xi32, #tpu.memory_space<hbm>>
      %dma_start3A_92 = arith.constant 0 : i32
      %dma_start3A_93 = tpu.memref_slice %arg19[%dma_start3A_92] : memref<10032xi32, #tpu.memory_space<vmem>> -> memref<10000xi32, #tpu.memory_space<vmem>>
      tpu.enqueue_dma source(%dma_start3A_93 : memref<10000xi32, #tpu.memory_space<vmem>>) target(%dma_start3A_91 : memref<10000xi32, #tpu.memory_space<hbm>>) target_semaphore(%run_scoped3A : memref<!tpu.dma_semaphore, #tpu.memory_space<semaphore_mem>>)
      %dma_wait3A = arith.constant 0 : i32
      %dma_wait3A_94 = tpu.memref_slice %arg19[%dma_wait3A] : memref<10032xi32, #tpu.memory_space<vmem>> -> memref<10000xi32, #tpu.memory_space<vmem>>
      %dma_wait3A_95 = tpu.memref_slice %arg7[%mul3A_23] : memref<327680xi32, #tpu.memory_space<hbm>> -> memref<10000xi32, #tpu.memory_space<hbm>>
      %dma_wait3A_96 = tpu.memref_slice %arg7[%mul3A_23] : memref<327680xi32, #tpu.memory_space<hbm>> -> memref<10000xi32, #tpu.memory_space<hbm>>
      %dma_wait3A_97 = arith.constant 0 : i32
      %dma_wait3A_98 = tpu.memref_slice %arg19[%dma_wait3A_97] : memref<10032xi32, #tpu.memory_space<vmem>> -> memref<10000xi32, #tpu.memory_space<vmem>>
      tpu.wait_dma2 semaphore(%run_scoped3A : memref<!tpu.dma_semaphore, #tpu.memory_space<semaphore_mem>>) src(%dma_wait3A_98 : memref<10000xi32, #tpu.memory_space<vmem>>) dst(%dma_wait3A_96 : memref<10000xi32, #tpu.memory_space<hbm>>)
      tpu.yield
    }) : () -> ()
    %mul3A_24 = arith.constant 10240 : i32
    %mul3A_25 = arith.muli %add3A, %mul3A_24 : i32
    "tpu.region"() ({
      %run_scoped3A = tpu.sem_alloc : memref<!tpu.dma_semaphore, #tpu.memory_space<semaphore_mem>>
      %dma_start3A = arith.constant 0 : i32
      %dma_start3A_89 = tpu.memref_slice %arg20[%dma_start3A] : memref<10032xi32, #tpu.memory_space<vmem>> -> memref<10000xi32, #tpu.memory_space<vmem>>
      %dma_start3A_90 = tpu.memref_slice %arg8[%mul3A_25] : memref<327680xi32, #tpu.memory_space<hbm>> -> memref<10000xi32, #tpu.memory_space<hbm>>
      %dma_start3A_91 = tpu.memref_slice %arg8[%mul3A_25] : memref<327680xi32, #tpu.memory_space<hbm>> -> memref<10000xi32, #tpu.memory_space<hbm>>
      %dma_start3A_92 = arith.constant 0 : i32
      %dma_start3A_93 = tpu.memref_slice %arg20[%dma_start3A_92] : memref<10032xi32, #tpu.memory_space<vmem>> -> memref<10000xi32, #tpu.memory_space<vmem>>
      tpu.enqueue_dma source(%dma_start3A_93 : memref<10000xi32, #tpu.memory_space<vmem>>) target(%dma_start3A_91 : memref<10000xi32, #tpu.memory_space<hbm>>) target_semaphore(%run_scoped3A : memref<!tpu.dma_semaphore, #tpu.memory_space<semaphore_mem>>)
      %dma_wait3A = arith.constant 0 : i32
      %dma_wait3A_94 = tpu.memref_slice %arg20[%dma_wait3A] : memref<10032xi32, #tpu.memory_space<vmem>> -> memref<10000xi32, #tpu.memory_space<vmem>>
      %dma_wait3A_95 = tpu.memref_slice %arg8[%mul3A_25] : memref<327680xi32, #tpu.memory_space<hbm>> -> memref<10000xi32, #tpu.memory_space<hbm>>
      %dma_wait3A_96 = tpu.memref_slice %arg8[%mul3A_25] : memref<327680xi32, #tpu.memory_space<hbm>> -> memref<10000xi32, #tpu.memory_space<hbm>>
      %dma_wait3A_97 = arith.constant 0 : i32
      %dma_wait3A_98 = tpu.memref_slice %arg20[%dma_wait3A_97] : memref<10032xi32, #tpu.memory_space<vmem>> -> memref<10000xi32, #tpu.memory_space<vmem>>
      tpu.wait_dma2 semaphore(%run_scoped3A : memref<!tpu.dma_semaphore, #tpu.memory_space<semaphore_mem>>) src(%dma_wait3A_98 : memref<10000xi32, #tpu.memory_space<vmem>>) dst(%dma_wait3A_96 : memref<10000xi32, #tpu.memory_space<hbm>>)
      tpu.yield
    }) : () -> ()
    %mul3A_26 = arith.constant 10240 : i32
    %mul3A_27 = arith.muli %add3A, %mul3A_26 : i32
    "tpu.region"() ({
      %run_scoped3A = tpu.sem_alloc : memref<!tpu.dma_semaphore, #tpu.memory_space<semaphore_mem>>
      %dma_start3A = arith.constant 0 : i32
      %dma_start3A_89 = tpu.memref_slice %arg21[%dma_start3A] : memref<10032xi32, #tpu.memory_space<vmem>> -> memref<10000xi32, #tpu.memory_space<vmem>>
      %dma_start3A_90 = tpu.memref_slice %arg9[%mul3A_27] : memref<327680xi32, #tpu.memory_space<hbm>> -> memref<10000xi32, #tpu.memory_space<hbm>>
      %dma_start3A_91 = tpu.memref_slice %arg9[%mul3A_27] : memref<327680xi32, #tpu.memory_space<hbm>> -> memref<10000xi32, #tpu.memory_space<hbm>>
      %dma_start3A_92 = arith.constant 0 : i32
      %dma_start3A_93 = tpu.memref_slice %arg21[%dma_start3A_92] : memref<10032xi32, #tpu.memory_space<vmem>> -> memref<10000xi32, #tpu.memory_space<vmem>>
      tpu.enqueue_dma source(%dma_start3A_93 : memref<10000xi32, #tpu.memory_space<vmem>>) target(%dma_start3A_91 : memref<10000xi32, #tpu.memory_space<hbm>>) target_semaphore(%run_scoped3A : memref<!tpu.dma_semaphore, #tpu.memory_space<semaphore_mem>>)
      %dma_wait3A = arith.constant 0 : i32
      %dma_wait3A_94 = tpu.memref_slice %arg21[%dma_wait3A] : memref<10032xi32, #tpu.memory_space<vmem>> -> memref<10000xi32, #tpu.memory_space<vmem>>
      %dma_wait3A_95 = tpu.memref_slice %arg9[%mul3A_27] : memref<327680xi32, #tpu.memory_space<hbm>> -> memref<10000xi32, #tpu.memory_space<hbm>>
      %dma_wait3A_96 = tpu.memref_slice %arg9[%mul3A_27] : memref<327680xi32, #tpu.memory_space<hbm>> -> memref<10000xi32, #tpu.memory_space<hbm>>
      %dma_wait3A_97 = arith.constant 0 : i32
      %dma_wait3A_98 = tpu.memref_slice %arg21[%dma_wait3A_97] : memref<10032xi32, #tpu.memory_space<vmem>> -> memref<10000xi32, #tpu.memory_space<vmem>>
      tpu.wait_dma2 semaphore(%run_scoped3A : memref<!tpu.dma_semaphore, #tpu.memory_space<semaphore_mem>>) src(%dma_wait3A_98 : memref<10000xi32, #tpu.memory_space<vmem>>) dst(%dma_wait3A_96 : memref<10000xi32, #tpu.memory_space<hbm>>)
      tpu.yield
    }) : () -> ()
    %mul3A_28 = arith.constant 10240 : i32
    %mul3A_29 = arith.muli %add3A, %mul3A_28 : i32
    "tpu.region"() ({
      %run_scoped3A = tpu.sem_alloc : memref<!tpu.dma_semaphore, #tpu.memory_space<semaphore_mem>>
      %dma_start3A = arith.constant 0 : i32
      %dma_start3A_89 = tpu.memref_slice %arg22[%dma_start3A] : memref<10032xf32, #tpu.memory_space<vmem>> -> memref<10000xf32, #tpu.memory_space<vmem>>
      %dma_start3A_90 = tpu.memref_slice %arg10[%mul3A_29] : memref<327680xf32, #tpu.memory_space<hbm>> -> memref<10000xf32, #tpu.memory_space<hbm>>
      %dma_start3A_91 = tpu.memref_slice %arg10[%mul3A_29] : memref<327680xf32, #tpu.memory_space<hbm>> -> memref<10000xf32, #tpu.memory_space<hbm>>
      %dma_start3A_92 = arith.constant 0 : i32
      %dma_start3A_93 = tpu.memref_slice %arg22[%dma_start3A_92] : memref<10032xf32, #tpu.memory_space<vmem>> -> memref<10000xf32, #tpu.memory_space<vmem>>
      tpu.enqueue_dma source(%dma_start3A_93 : memref<10000xf32, #tpu.memory_space<vmem>>) target(%dma_start3A_91 : memref<10000xf32, #tpu.memory_space<hbm>>) target_semaphore(%run_scoped3A : memref<!tpu.dma_semaphore, #tpu.memory_space<semaphore_mem>>)
      %dma_wait3A = arith.constant 0 : i32
      %dma_wait3A_94 = tpu.memref_slice %arg22[%dma_wait3A] : memref<10032xf32, #tpu.memory_space<vmem>> -> memref<10000xf32, #tpu.memory_space<vmem>>
      %dma_wait3A_95 = tpu.memref_slice %arg10[%mul3A_29] : memref<327680xf32, #tpu.memory_space<hbm>> -> memref<10000xf32, #tpu.memory_space<hbm>>
      %dma_wait3A_96 = tpu.memref_slice %arg10[%mul3A_29] : memref<327680xf32, #tpu.memory_space<hbm>> -> memref<10000xf32, #tpu.memory_space<hbm>>
      %dma_wait3A_97 = arith.constant 0 : i32
      %dma_wait3A_98 = tpu.memref_slice %arg22[%dma_wait3A_97] : memref<10032xf32, #tpu.memory_space<vmem>> -> memref<10000xf32, #tpu.memory_space<vmem>>
      tpu.wait_dma2 semaphore(%run_scoped3A : memref<!tpu.dma_semaphore, #tpu.memory_space<semaphore_mem>>) src(%dma_wait3A_98 : memref<10000xf32, #tpu.memory_space<vmem>>) dst(%dma_wait3A_96 : memref<10000xf32, #tpu.memory_space<hbm>>)
      tpu.yield
    }) : () -> ()
    %broadcast_in_dim3A_30 = arith.constant 1 : i32
    %broadcast_in_dim3A_31 = vector.broadcast %broadcast_in_dim3A_30 : i32 to vector<16xi32>
    %mul3A_32 = vector.broadcast %scan3A_18 : i32 to vector<16xi32>
    %mul3A_33 = arith.muli %broadcast_in_dim3A_31, %mul3A_32 : vector<16xi32>
    %swap3A = arith.constant 0 : index
    %swap3A_34 = tpu.vector_load %arg23[%swap3A] {strides = array<i32>} : memref<16xi32, #tpu.memory_space<vmem>>, vector<16xi32>,
    tpu.vector_store %arg23[%swap3A], %mul3A_33 {strides = array<i32>} : memref<16xi32, #tpu.memory_space<vmem>>, vector<16xi32>,
    "tpu.region"() ({
      %run_scoped3A = tpu.sem_alloc : memref<!tpu.dma_semaphore, #tpu.memory_space<semaphore_mem>>
      %dma_start3A = arith.constant 0 : i32
      %dma_start3A_89 = tpu.memref_slice %arg11[%add3A, %dma_start3A] : memref<32x16xi32, #tpu.memory_space<hbm>> -> memref<1x16xi32, #tpu.memory_space<hbm>>
      %dma_start3A_90 = tpu.memref_squeeze %dma_start3A_89 : memref<1x16xi32, #tpu.memory_space<hbm>> -> memref<16xi32, #tpu.memory_space<hbm>>
      %dma_start3A_91 = arith.constant 0 : i32
      %dma_start3A_92 = tpu.memref_slice %arg11[%add3A, %dma_start3A_91] : memref<32x16xi32, #tpu.memory_space<hbm>> -> memref<1x16xi32, #tpu.memory_space<hbm>>
      %dma_start3A_93 = tpu.memref_squeeze %dma_start3A_92 : memref<1x16xi32, #tpu.memory_space<hbm>> -> memref<16xi32, #tpu.memory_space<hbm>>
      tpu.enqueue_dma source(%arg23 : memref<16xi32, #tpu.memory_space<vmem>>) target(%dma_start3A_93 : memref<16xi32, #tpu.memory_space<hbm>>) target_semaphore(%run_scoped3A : memref<!tpu.dma_semaphore, #tpu.memory_space<semaphore_mem>>)
      %dma_wait3A = arith.constant 0 : i32
      %dma_wait3A_94 = tpu.memref_slice %arg11[%add3A, %dma_wait3A] : memref<32x16xi32, #tpu.memory_space<hbm>> -> memref<1x16xi32, #tpu.memory_space<hbm>>
      %dma_wait3A_95 = tpu.memref_squeeze %dma_wait3A_94 : memref<1x16xi32, #tpu.memory_space<hbm>> -> memref<16xi32, #tpu.memory_space<hbm>>
      %dma_wait3A_96 = arith.constant 0 : i32
      %dma_wait3A_97 = tpu.memref_slice %arg11[%add3A, %dma_wait3A_96] : memref<32x16xi32, #tpu.memory_space<hbm>> -> memref<1x16xi32, #tpu.memory_space<hbm>>
      %dma_wait3A_98 = tpu.memref_squeeze %dma_wait3A_97 : memref<1x16xi32, #tpu.memory_space<hbm>> -> memref<16xi32, #tpu.memory_space<hbm>>
      tpu.wait_dma2 semaphore(%run_scoped3A : memref<!tpu.dma_semaphore, #tpu.memory_space<semaphore_mem>>) src(%arg23 : memref<16xi32, #tpu.memory_space<vmem>>) dst(%dma_wait3A_98 : memref<16xi32, #tpu.memory_space<hbm>>)
      tpu.yield
    }) : () -> ()
    %mul3A_35 = arith.constant 4 : i32
    %mul3A_36 = arith.muli %add3A, %mul3A_35 : i32
    %add3A_37 = arith.constant 0 : i32
    %add3A_38 = arith.addi %mul3A_36, %add3A_37 : i32
    %lt3A = arith.constant 125 : i32
    %lt3A_39 = arith.cmpi slt, %add3A_38, %lt3A : i32
    %convert_element_type3A = arith.extui %lt3A_39 : i1 to i32
    %cond3A = arith.constant 0 : i32
    %cond3A_40 = arith.cmpi ne, %convert_element_type3A, %cond3A : i32
    scf.if %cond3A_40 {
      %mul3A_89 = arith.constant 16 : i32
      %mul3A_90 = arith.muli %add3A_38, %mul3A_89 : i32
      %get3A = arith.index_cast %mul3A_90 : i32 to index
      %get3A_91 = tpu.vector_load %arg15[%get3A] {strides = array<i32>} : memref<2000xi32, #tpu.memory_space<vmem>>, vector<16xi32>,
      %gather3A = tpu.vector_load_idx %arg13[%get3A_91] : memref<10000xi32, #tpu.memory_space<vmem>>[vector<16xi32>], vector<16xi32>,
      %swap3A_92 = arith.constant 0 : index
      %swap3A_93 = tpu.vector_load %arg24[%swap3A_92] {strides = array<i32>} : memref<64xi32, #tpu.memory_space<vmem>>, vector<16xi32>,
      tpu.vector_store %arg24[%swap3A_92], %gather3A {strides = array<i32>} : memref<64xi32, #tpu.memory_space<vmem>>, vector<16xi32>,
    } else {
    }
    %ge3A = arith.constant 125 : i32
    %ge3A_41 = arith.cmpi sge, %add3A_38, %ge3A : i32
    %convert_element_type3A_42 = arith.extui %ge3A_41 : i1 to i32
    %cond3A_43 = arith.constant 0 : i32
    %cond3A_44 = arith.cmpi ne, %convert_element_type3A_42, %cond3A_43 : i32
    scf.if %cond3A_44 {
      %broadcast_in_dim3A_89 = arith.constant 0 : i32
      %broadcast_in_dim3A_90 = vector.broadcast %broadcast_in_dim3A_89 : i32 to vector<16xi32>
      %swap3A_91 = arith.constant 0 : index
      %swap3A_92 = tpu.vector_load %arg24[%swap3A_91] {strides = array<i32>} : memref<64xi32, #tpu.memory_space<vmem>>, vector<16xi32>,
      tpu.vector_store %arg24[%swap3A_91], %broadcast_in_dim3A_90 {strides = array<i32>} : memref<64xi32, #tpu.memory_space<vmem>>, vector<16xi32>,
    } else {
    }
    %mul3A_45 = arith.constant 4 : i32
    %mul3A_46 = arith.muli %add3A, %mul3A_45 : i32
    %add3A_47 = arith.constant 1 : i32
    %add3A_48 = arith.addi %mul3A_46, %add3A_47 : i32
    %lt3A_49 = arith.constant 125 : i32
    %lt3A_50 = arith.cmpi slt, %add3A_48, %lt3A_49 : i32
    %convert_element_type3A_51 = arith.extui %lt3A_50 : i1 to i32
    %cond3A_52 = arith.constant 0 : i32
    %cond3A_53 = arith.cmpi ne, %convert_element_type3A_51, %cond3A_52 : i32
    scf.if %cond3A_53 {
      %mul3A_89 = arith.constant 16 : i32
      %mul3A_90 = arith.muli %add3A_48, %mul3A_89 : i32
      %get3A = arith.index_cast %mul3A_90 : i32 to index
      %get3A_91 = tpu.vector_load %arg15[%get3A] {strides = array<i32>} : memref<2000xi32, #tpu.memory_space<vmem>>, vector<16xi32>,
      %gather3A = tpu.vector_load_idx %arg13[%get3A_91] : memref<10000xi32, #tpu.memory_space<vmem>>[vector<16xi32>], vector<16xi32>,
      %swap3A_92 = arith.constant 16 : index
      %swap3A_93 = tpu.vector_load %arg24[%swap3A_92] {strides = array<i32>} : memref<64xi32, #tpu.memory_space<vmem>>, vector<16xi32>,
      tpu.vector_store %arg24[%swap3A_92], %gather3A {strides = array<i32>} : memref<64xi32, #tpu.memory_space<vmem>>, vector<16xi32>,
    } else {
    }
    %ge3A_54 = arith.constant 125 : i32
    %ge3A_55 = arith.cmpi sge, %add3A_48, %ge3A_54 : i32
    %convert_element_type3A_56 = arith.extui %ge3A_55 : i1 to i32
    %cond3A_57 = arith.constant 0 : i32
    %cond3A_58 = arith.cmpi ne, %convert_element_type3A_56, %cond3A_57 : i32
    scf.if %cond3A_58 {
      %broadcast_in_dim3A_89 = arith.constant 0 : i32
      %broadcast_in_dim3A_90 = vector.broadcast %broadcast_in_dim3A_89 : i32 to vector<16xi32>
      %swap3A_91 = arith.constant 16 : index
      %swap3A_92 = tpu.vector_load %arg24[%swap3A_91] {strides = array<i32>} : memref<64xi32, #tpu.memory_space<vmem>>, vector<16xi32>,
      tpu.vector_store %arg24[%swap3A_91], %broadcast_in_dim3A_90 {strides = array<i32>} : memref<64xi32, #tpu.memory_space<vmem>>, vector<16xi32>,
    } else {
    }
    %mul3A_59 = arith.constant 4 : i32
    %mul3A_60 = arith.muli %add3A, %mul3A_59 : i32
    %add3A_61 = arith.constant 2 : i32
    %add3A_62 = arith.addi %mul3A_60, %add3A_61 : i32
    %lt3A_63 = arith.constant 125 : i32
    %lt3A_64 = arith.cmpi slt, %add3A_62, %lt3A_63 : i32
    %convert_element_type3A_65 = arith.extui %lt3A_64 : i1 to i32
    %cond3A_66 = arith.constant 0 : i32
    %cond3A_67 = arith.cmpi ne, %convert_element_type3A_65, %cond3A_66 : i32
    scf.if %cond3A_67 {
      %mul3A_89 = arith.constant 16 : i32
      %mul3A_90 = arith.muli %add3A_62, %mul3A_89 : i32
      %get3A = arith.index_cast %mul3A_90 : i32 to index
      %get3A_91 = tpu.vector_load %arg15[%get3A] {strides = array<i32>} : memref<2000xi32, #tpu.memory_space<vmem>>, vector<16xi32>,
      %gather3A = tpu.vector_load_idx %arg13[%get3A_91] : memref<10000xi32, #tpu.memory_space<vmem>>[vector<16xi32>], vector<16xi32>,
      %swap3A_92 = arith.constant 32 : index
      %swap3A_93 = tpu.vector_load %arg24[%swap3A_92] {strides = array<i32>} : memref<64xi32, #tpu.memory_space<vmem>>, vector<16xi32>,
      tpu.vector_store %arg24[%swap3A_92], %gather3A {strides = array<i32>} : memref<64xi32, #tpu.memory_space<vmem>>, vector<16xi32>,
    } else {
    }
    %ge3A_68 = arith.constant 125 : i32
    %ge3A_69 = arith.cmpi sge, %add3A_62, %ge3A_68 : i32
    %convert_element_type3A_70 = arith.extui %ge3A_69 : i1 to i32
    %cond3A_71 = arith.constant 0 : i32
    %cond3A_72 = arith.cmpi ne, %convert_element_type3A_70, %cond3A_71 : i32
    scf.if %cond3A_72 {
      %broadcast_in_dim3A_89 = arith.constant 0 : i32
      %broadcast_in_dim3A_90 = vector.broadcast %broadcast_in_dim3A_89 : i32 to vector<16xi32>
      %swap3A_91 = arith.constant 32 : index
      %swap3A_92 = tpu.vector_load %arg24[%swap3A_91] {strides = array<i32>} : memref<64xi32, #tpu.memory_space<vmem>>, vector<16xi32>,
      tpu.vector_store %arg24[%swap3A_91], %broadcast_in_dim3A_90 {strides = array<i32>} : memref<64xi32, #tpu.memory_space<vmem>>, vector<16xi32>,
    } else {
    }
    %mul3A_73 = arith.constant 4 : i32
    %mul3A_74 = arith.muli %add3A, %mul3A_73 : i32
    %add3A_75 = arith.constant 3 : i32
    %add3A_76 = arith.addi %mul3A_74, %add3A_75 : i32
    %lt3A_77 = arith.constant 125 : i32
    %lt3A_78 = arith.cmpi slt, %add3A_76, %lt3A_77 : i32
    %convert_element_type3A_79 = arith.extui %lt3A_78 : i1 to i32
    %cond3A_80 = arith.constant 0 : i32
    %cond3A_81 = arith.cmpi ne, %convert_element_type3A_79, %cond3A_80 : i32
    scf.if %cond3A_81 {
      %mul3A_89 = arith.constant 16 : i32
      %mul3A_90 = arith.muli %add3A_76, %mul3A_89 : i32
      %get3A = arith.index_cast %mul3A_90 : i32 to index
      %get3A_91 = tpu.vector_load %arg15[%get3A] {strides = array<i32>} : memref<2000xi32, #tpu.memory_space<vmem>>, vector<16xi32>,
      %gather3A = tpu.vector_load_idx %arg13[%get3A_91] : memref<10000xi32, #tpu.memory_space<vmem>>[vector<16xi32>], vector<16xi32>,
      %swap3A_92 = arith.constant 48 : index
      %swap3A_93 = tpu.vector_load %arg24[%swap3A_92] {strides = array<i32>} : memref<64xi32, #tpu.memory_space<vmem>>, vector<16xi32>,
      tpu.vector_store %arg24[%swap3A_92], %gather3A {strides = array<i32>} : memref<64xi32, #tpu.memory_space<vmem>>, vector<16xi32>,
    } else {
    }
    %ge3A_82 = arith.constant 125 : i32
    %ge3A_83 = arith.cmpi sge, %add3A_76, %ge3A_82 : i32
    %convert_element_type3A_84 = arith.extui %ge3A_83 : i1 to i32
    %cond3A_85 = arith.constant 0 : i32
    %cond3A_86 = arith.cmpi ne, %convert_element_type3A_84, %cond3A_85 : i32
    scf.if %cond3A_86 {
      %broadcast_in_dim3A_89 = arith.constant 0 : i32
      %broadcast_in_dim3A_90 = vector.broadcast %broadcast_in_dim3A_89 : i32 to vector<16xi32>
      %swap3A_91 = arith.constant 48 : index
      %swap3A_92 = tpu.vector_load %arg24[%swap3A_91] {strides = array<i32>} : memref<64xi32, #tpu.memory_space<vmem>>, vector<16xi32>,
      tpu.vector_store %arg24[%swap3A_91], %broadcast_in_dim3A_90 {strides = array<i32>} : memref<64xi32, #tpu.memory_space<vmem>>, vector<16xi32>,
    } else {
    }
    %mul3A_87 = arith.constant 64 : i32
    %mul3A_88 = arith.muli %add3A, %mul3A_87 : i32
    "tpu.region"() ({
      %run_scoped3A = tpu.sem_alloc : memref<!tpu.dma_semaphore, #tpu.memory_space<semaphore_mem>>
      %dma_start3A = tpu.memref_slice %arg12[%mul3A_88] : memref<2048xi32, #tpu.memory_space<hbm>> -> memref<64xi32, #tpu.memory_space<hbm>>
      %dma_start3A_89 = tpu.memref_slice %arg12[%mul3A_88] : memref<2048xi32, #tpu.memory_space<hbm>> -> memref<64xi32, #tpu.memory_space<hbm>>
      tpu.enqueue_dma source(%arg24 : memref<64xi32, #tpu.memory_space<vmem>>) target(%dma_start3A_89 : memref<64xi32, #tpu.memory_space<hbm>>) target_semaphore(%run_scoped3A : memref<!tpu.dma_semaphore, #tpu.memory_space<semaphore_mem>>)
      %dma_wait3A = tpu.memref_slice %arg12[%mul3A_88] : memref<2048xi32, #tpu.memory_space<hbm>> -> memref<64xi32, #tpu.memory_space<hbm>>
      %dma_wait3A_90 = tpu.memref_slice %arg12[%mul3A_88] : memref<2048xi32, #tpu.memory_space<hbm>> -> memref<64xi32, #tpu.memory_space<hbm>>
      tpu.wait_dma2 semaphore(%run_scoped3A : memref<!tpu.dma_semaphore, #tpu.memory_space<semaphore_mem>>) src(%arg24 : memref<64xi32, #tpu.memory_space<vmem>>) dst(%dma_wait3A_90 : memref<64xi32, #tpu.memory_space<hbm>>)
      tpu.yield
    }) : () -> ()
    return
  }
}

#map = affine_map<(d0, d1) -> (0, 0)>
#map1 = affine_map<(d0, d1) -> (0)>
module attributes {stable_mosaic.version = 14 : i64} {
  func.func @_kb_body(%arg0: i32, %arg1: i32, %arg2: memref<10000x128xf32, #tpu.memory_space<hbm>>, %arg3: memref<327680xi32, #tpu.memory_space<hbm>>, %arg4: memref<327680xi32, #tpu.memory_space<hbm>>, %arg5: memref<327680xi32, #tpu.memory_space<hbm>>, %arg6: memref<327680xi32, #tpu.memory_space<hbm>>, %arg7: memref<327680xf32, #tpu.memory_space<hbm>>, %arg8: memref<32x16xi32, #tpu.memory_space<hbm>>, %arg9: memref<2048x256xf32, #tpu.memory_space<hbm>>, %arg10: memref<1024xi32, #tpu.memory_space<vmem>>, %arg11: memref<1024xf32, #tpu.memory_space<vmem>>, %arg12: memref<1024xi32, #tpu.memory_space<vmem>>, %arg13: memref<1024xi32, #tpu.memory_space<vmem>>, %arg14: memref<1024xi32, #tpu.memory_space<vmem>>, %arg15: memref<1056xi32, #tpu.memory_space<vmem>>, %arg16: memref<1056xi32, #tpu.memory_space<vmem>>, %arg17: memref<1056xi32, #tpu.memory_space<vmem>>, %arg18: memref<1056xi32, #tpu.memory_space<vmem>>, %arg19: memref<1056xf32, #tpu.memory_space<vmem>>, %arg20: memref<32x16xi32, #tpu.memory_space<vmem>>, %arg21: memref<96xi32, #tpu.memory_space<vmem>>, %arg22: memref<32xf32, #tpu.memory_space<vmem>>, %arg23: memref<32xi32, #tpu.memory_space<vmem>>, %arg24: memref<96x128xf32, #tpu.memory_space<vmem>>, %arg25: memref<64x256xf32, #tpu.memory_space<vmem>>, %arg26: memref<10000x128xf32, #tpu.memory_space<vmem_shared>>, %arg27: memref<!tpu.dma_semaphore, #tpu.memory_space<semaphore_mem>>) attributes {dimension_semantics = [#tpu.dimension_semantics<core_parallel>, #tpu.dimension_semantics<subcore_parallel>], iteration_bounds = array<i64: 2, 16>, scalar_prefetch = 0 : i64, scratch_operands = 18 : i64, tpu.core_type = #tpu.core_type<sc_vector_subcore>, window_params = [{transform_indices = #map}, {transform_indices = #map1}, {transform_indices = #map1}, {transform_indices = #map1}, {transform_indices = #map1}, {transform_indices = #map1}, {transform_indices = #map}, {transform_indices = #map}]} {
    %mul3A = arith.constant 2 : i32
    %mul3A_0 = arith.muli %arg1, %mul3A : i32
    %add3A = arith.addi %mul3A_0, %arg0 : i32
    %mul3A_1 = arith.constant 64 : i32
    %mul3A_2 = arith.muli %add3A, %mul3A_1 : i32
    %iota3A = tpu.iota {dimensions = array<i32: 0>} : vector<16xi32>
    %broadcast_in_dim3A = arith.constant 0.000000e+00 : f32
    %broadcast_in_dim3A_3 = vector.broadcast %broadcast_in_dim3A : f32 to vector<16xf32>
    %broadcast_in_dim3A_4 = arith.constant 0 : i32
    %broadcast_in_dim3A_5 = vector.broadcast %broadcast_in_dim3A_4 : i32 to vector<16xi32>
    %lt3A = arith.constant 10 : i32
    %lt3A_6 = arith.cmpi slt, %arg1, %lt3A : i32
    %convert_element_type3A = arith.extui %lt3A_6 : i1 to i32
    %cond3A = arith.constant 0 : i32
    %cond3A_7 = arith.cmpi ne, %convert_element_type3A, %cond3A : i32
    scf.if %cond3A_7 {
      %mul3A_19 = arith.constant 1000 : i32
      %mul3A_20 = arith.muli %arg1, %mul3A_19 : i32
      %mul3A_21 = arith.constant 1000 : i32
      %mul3A_22 = arith.muli %arg1, %mul3A_21 : i32
      "tpu.region"() ({
        %run_scoped3A = tpu.sem_alloc : memref<!tpu.dma_semaphore, #tpu.memory_space<semaphore_mem>>
        %dma_start3A = arith.constant 0 : i32
        %dma_start3A_23 = tpu.memref_slice %arg26[%mul3A_22, %dma_start3A] : memref<10000x128xf32, #tpu.memory_space<vmem_shared>> -> memref<1000x128xf32, #tpu.memory_space<vmem_shared>>
        %dma_start3A_24 = arith.constant 0 : i32
        %dma_start3A_25 = tpu.memref_slice %arg2[%mul3A_20, %dma_start3A_24] : memref<10000x128xf32, #tpu.memory_space<hbm>> -> memref<1000x128xf32, #tpu.memory_space<hbm>>
        tpu.enqueue_dma source(%dma_start3A_25 : memref<1000x128xf32, #tpu.memory_space<hbm>>) target(%dma_start3A_23 : memref<1000x128xf32, #tpu.memory_space<vmem_shared>>) target_semaphore(%run_scoped3A : memref<!tpu.dma_semaphore, #tpu.memory_space<semaphore_mem>>)
        %dma_wait3A = arith.constant 0 : i32
        %dma_wait3A_26 = tpu.memref_slice %arg26[%mul3A_22, %dma_wait3A] : memref<10000x128xf32, #tpu.memory_space<vmem_shared>> -> memref<1000x128xf32, #tpu.memory_space<vmem_shared>>
        %dma_wait3A_27 = arith.constant 0 : i32
        %dma_wait3A_28 = tpu.memref_slice %arg2[%mul3A_20, %dma_wait3A_27] : memref<10000x128xf32, #tpu.memory_space<hbm>> -> memref<1000x128xf32, #tpu.memory_space<hbm>>
        tpu.wait_dma2 semaphore(%run_scoped3A : memref<!tpu.dma_semaphore, #tpu.memory_space<semaphore_mem>>) src(%dma_wait3A_28 : memref<1000x128xf32, #tpu.memory_space<hbm>>) dst(%dma_wait3A_26 : memref<1000x128xf32, #tpu.memory_space<vmem_shared>>)
        tpu.yield
      }) : () -> ()
    } else {
    }
    "tpu.region"() ({
      %run_scoped3A = tpu.sem_alloc : memref<!tpu.dma_semaphore, #tpu.memory_space<semaphore_mem>>
      tpu.enqueue_dma source(%arg8 : memref<32x16xi32, #tpu.memory_space<hbm>>) target(%arg20 : memref<32x16xi32, #tpu.memory_space<vmem>>) target_semaphore(%run_scoped3A : memref<!tpu.dma_semaphore, #tpu.memory_space<semaphore_mem>>)
      tpu.wait_dma2 semaphore(%run_scoped3A : memref<!tpu.dma_semaphore, #tpu.memory_space<semaphore_mem>>) src(%arg8 : memref<32x16xi32, #tpu.memory_space<hbm>>) dst(%arg20 : memref<32x16xi32, #tpu.memory_space<vmem>>)
      tpu.yield
    }) : () -> ()
    %scan3A = arith.constant 0 : i32
    %scan3A_8 = arith.constant 0 : i32
    %scan3A_9 = arith.constant 64 : i32
    %scan3A_10 = arith.addi %scan3A_8, %scan3A_9 : i32
    %scan3A_11 = arith.constant 1 : i32
    scf.for %scan3A_19 = %scan3A_8 to %scan3A_10 step %scan3A_11  : i32 {
      %swap3A = arith.index_cast %scan3A_19 : i32 to index
      %swap3A_20 = arith.constant 0 : index
      %swap3A_21 = tpu.vector_load %arg25[%swap3A, %swap3A_20] {strides = array<i32>} : memref<64x256xf32, #tpu.memory_space<vmem>>, vector<16xf32>,
      tpu.vector_store %arg25[%swap3A, %swap3A_20], %broadcast_in_dim3A_3 {strides = array<i32>} : memref<64x256xf32, #tpu.memory_space<vmem>>, vector<16xf32>,
      %swap3A_22 = arith.index_cast %scan3A_19 : i32 to index
      %swap3A_23 = arith.constant 16 : index
      %swap3A_24 = tpu.vector_load %arg25[%swap3A_22, %swap3A_23] {strides = array<i32>} : memref<64x256xf32, #tpu.memory_space<vmem>>, vector<16xf32>,
      tpu.vector_store %arg25[%swap3A_22, %swap3A_23], %broadcast_in_dim3A_3 {strides = array<i32>} : memref<64x256xf32, #tpu.memory_space<vmem>>, vector<16xf32>,
      %swap3A_25 = arith.index_cast %scan3A_19 : i32 to index
      %swap3A_26 = arith.constant 32 : index
      %swap3A_27 = tpu.vector_load %arg25[%swap3A_25, %swap3A_26] {strides = array<i32>} : memref<64x256xf32, #tpu.memory_space<vmem>>, vector<16xf32>,
      tpu.vector_store %arg25[%swap3A_25, %swap3A_26], %broadcast_in_dim3A_3 {strides = array<i32>} : memref<64x256xf32, #tpu.memory_space<vmem>>, vector<16xf32>,
      %swap3A_28 = arith.index_cast %scan3A_19 : i32 to index
      %swap3A_29 = arith.constant 48 : index
      %swap3A_30 = tpu.vector_load %arg25[%swap3A_28, %swap3A_29] {strides = array<i32>} : memref<64x256xf32, #tpu.memory_space<vmem>>, vector<16xf32>,
      tpu.vector_store %arg25[%swap3A_28, %swap3A_29], %broadcast_in_dim3A_3 {strides = array<i32>} : memref<64x256xf32, #tpu.memory_space<vmem>>, vector<16xf32>,
      %swap3A_31 = arith.index_cast %scan3A_19 : i32 to index
      %swap3A_32 = arith.constant 64 : index
      %swap3A_33 = tpu.vector_load %arg25[%swap3A_31, %swap3A_32] {strides = array<i32>} : memref<64x256xf32, #tpu.memory_space<vmem>>, vector<16xf32>,
      tpu.vector_store %arg25[%swap3A_31, %swap3A_32], %broadcast_in_dim3A_3 {strides = array<i32>} : memref<64x256xf32, #tpu.memory_space<vmem>>, vector<16xf32>,
      %swap3A_34 = arith.index_cast %scan3A_19 : i32 to index
      %swap3A_35 = arith.constant 80 : index
      %swap3A_36 = tpu.vector_load %arg25[%swap3A_34, %swap3A_35] {strides = array<i32>} : memref<64x256xf32, #tpu.memory_space<vmem>>, vector<16xf32>,
      tpu.vector_store %arg25[%swap3A_34, %swap3A_35], %broadcast_in_dim3A_3 {strides = array<i32>} : memref<64x256xf32, #tpu.memory_space<vmem>>, vector<16xf32>,
      %swap3A_37 = arith.index_cast %scan3A_19 : i32 to index
      %swap3A_38 = arith.constant 96 : index
      %swap3A_39 = tpu.vector_load %arg25[%swap3A_37, %swap3A_38] {strides = array<i32>} : memref<64x256xf32, #tpu.memory_space<vmem>>, vector<16xf32>,
      tpu.vector_store %arg25[%swap3A_37, %swap3A_38], %broadcast_in_dim3A_3 {strides = array<i32>} : memref<64x256xf32, #tpu.memory_space<vmem>>, vector<16xf32>,
      %swap3A_40 = arith.index_cast %scan3A_19 : i32 to index
      %swap3A_41 = arith.constant 112 : index
      %swap3A_42 = tpu.vector_load %arg25[%swap3A_40, %swap3A_41] {strides = array<i32>} : memref<64x256xf32, #tpu.memory_space<vmem>>, vector<16xf32>,
      tpu.vector_store %arg25[%swap3A_40, %swap3A_41], %broadcast_in_dim3A_3 {strides = array<i32>} : memref<64x256xf32, #tpu.memory_space<vmem>>, vector<16xf32>,
      %swap3A_43 = arith.index_cast %scan3A_19 : i32 to index
      %swap3A_44 = arith.constant 128 : index
      %swap3A_45 = tpu.vector_load %arg25[%swap3A_43, %swap3A_44] {strides = array<i32>} : memref<64x256xf32, #tpu.memory_space<vmem>>, vector<16xf32>,
      tpu.vector_store %arg25[%swap3A_43, %swap3A_44], %broadcast_in_dim3A_3 {strides = array<i32>} : memref<64x256xf32, #tpu.memory_space<vmem>>, vector<16xf32>,
      %swap3A_46 = arith.index_cast %scan3A_19 : i32 to index
      %swap3A_47 = arith.constant 144 : index
      %swap3A_48 = tpu.vector_load %arg25[%swap3A_46, %swap3A_47] {strides = array<i32>} : memref<64x256xf32, #tpu.memory_space<vmem>>, vector<16xf32>,
      tpu.vector_store %arg25[%swap3A_46, %swap3A_47], %broadcast_in_dim3A_3 {strides = array<i32>} : memref<64x256xf32, #tpu.memory_space<vmem>>, vector<16xf32>,
      %swap3A_49 = arith.index_cast %scan3A_19 : i32 to index
      %swap3A_50 = arith.constant 160 : index
      %swap3A_51 = tpu.vector_load %arg25[%swap3A_49, %swap3A_50] {strides = array<i32>} : memref<64x256xf32, #tpu.memory_space<vmem>>, vector<16xf32>,
      tpu.vector_store %arg25[%swap3A_49, %swap3A_50], %broadcast_in_dim3A_3 {strides = array<i32>} : memref<64x256xf32, #tpu.memory_space<vmem>>, vector<16xf32>,
      %swap3A_52 = arith.index_cast %scan3A_19 : i32 to index
      %swap3A_53 = arith.constant 176 : index
      %swap3A_54 = tpu.vector_load %arg25[%swap3A_52, %swap3A_53] {strides = array<i32>} : memref<64x256xf32, #tpu.memory_space<vmem>>, vector<16xf32>,
      tpu.vector_store %arg25[%swap3A_52, %swap3A_53], %broadcast_in_dim3A_3 {strides = array<i32>} : memref<64x256xf32, #tpu.memory_space<vmem>>, vector<16xf32>,
      %swap3A_55 = arith.index_cast %scan3A_19 : i32 to index
      %swap3A_56 = arith.constant 192 : index
      %swap3A_57 = tpu.vector_load %arg25[%swap3A_55, %swap3A_56] {strides = array<i32>} : memref<64x256xf32, #tpu.memory_space<vmem>>, vector<16xf32>,
      tpu.vector_store %arg25[%swap3A_55, %swap3A_56], %broadcast_in_dim3A_3 {strides = array<i32>} : memref<64x256xf32, #tpu.memory_space<vmem>>, vector<16xf32>,
      %swap3A_58 = arith.index_cast %scan3A_19 : i32 to index
      %swap3A_59 = arith.constant 208 : index
      %swap3A_60 = tpu.vector_load %arg25[%swap3A_58, %swap3A_59] {strides = array<i32>} : memref<64x256xf32, #tpu.memory_space<vmem>>, vector<16xf32>,
      tpu.vector_store %arg25[%swap3A_58, %swap3A_59], %broadcast_in_dim3A_3 {strides = array<i32>} : memref<64x256xf32, #tpu.memory_space<vmem>>, vector<16xf32>,
      %swap3A_61 = arith.index_cast %scan3A_19 : i32 to index
      %swap3A_62 = arith.constant 224 : index
      %swap3A_63 = tpu.vector_load %arg25[%swap3A_61, %swap3A_62] {strides = array<i32>} : memref<64x256xf32, #tpu.memory_space<vmem>>, vector<16xf32>,
      tpu.vector_store %arg25[%swap3A_61, %swap3A_62], %broadcast_in_dim3A_3 {strides = array<i32>} : memref<64x256xf32, #tpu.memory_space<vmem>>, vector<16xf32>,
      %swap3A_64 = arith.index_cast %scan3A_19 : i32 to index
      %swap3A_65 = arith.constant 240 : index
      %swap3A_66 = tpu.vector_load %arg25[%swap3A_64, %swap3A_65] {strides = array<i32>} : memref<64x256xf32, #tpu.memory_space<vmem>>, vector<16xf32>,
      tpu.vector_store %arg25[%swap3A_64, %swap3A_65], %broadcast_in_dim3A_3 {strides = array<i32>} : memref<64x256xf32, #tpu.memory_space<vmem>>, vector<16xf32>,
    }
    %scan3A_12 = arith.constant 64 : i32
    %barrier3A = arith.constant 0 : index
    tpu.barrier barrier_id(%barrier3A)
    %scan3A_13 = arith.constant 0 : i32
    %scan3A_14 = arith.constant 0 : i32
    %scan3A_15 = arith.constant 32 : i32
    %scan3A_16 = arith.addi %scan3A_14, %scan3A_15 : i32
    %scan3A_17 = arith.constant 1 : i32
    scf.for %scan3A_19 = %scan3A_14 to %scan3A_16 step %scan3A_17  : i32 {
      %get3A = arith.index_cast %scan3A_19 : i32 to index
      %get3A_20 = arith.constant 0 : index
      %get3A_21 = tpu.vector_load %arg20[%get3A, %get3A_20] {strides = array<i32>} : memref<32x16xi32, #tpu.memory_space<vmem>>, vector<16xi32>,
      %reduce_max3A = arith.constant true
      %reduce_max3A_22 = vector.broadcast %reduce_max3A : i1 to vector<16xi1>
      %reduce_max3A_23 = arith.constant -2147483648 : i32
      %reduce_max3A_24 = vector.broadcast %reduce_max3A_23 : i32 to vector<16xi32>
      %reduce_max3A_25 = arith.xori %get3A_21, %reduce_max3A_24 : vector<16xi32>
      %reduce_max3A_26 = tpu.scan <max>, %reduce_max3A_25 masked %reduce_max3A_22 : vector<16xi32>, vector<16xi1> -> vector<16xi32>
      %reduce_max3A_27 = arith.xori %reduce_max3A_26, %reduce_max3A_24 : vector<16xi32>
      %reduce_max3A_28 = vector.extract %reduce_max3A_27[15] : i32 from vector<16xi32>
      %add3A_29 = arith.constant 1024 : i32
      %add3A_30 = arith.addi %reduce_max3A_28, %add3A_29 : i32
      %sub3A = arith.constant 1 : i32
      %sub3A_31 = arith.subi %add3A_30, %sub3A : i32
      %jit3A = arith.constant 1024 : i32
      %div3A = arith.divsi %sub3A_31, %jit3A : i32
      %sign3A = arith.constant 0 : i32
      %sign3A_32 = arith.cmpi sgt, %sub3A_31, %sign3A : i32
      %sign3A_33 = arith.extui %sign3A_32 : i1 to i32
      %sign3A_34 = arith.constant 0 : i32
      %sign3A_35 = arith.cmpi slt, %sub3A_31, %sign3A_34 : i32
      %sign3A_36 = arith.extui %sign3A_35 : i1 to i32
      %sign3A_37 = arith.subi %sign3A_33, %sign3A_36 : i32
      %sign3A_38 = arith.constant 0 : i32
      %sign3A_39 = arith.cmpi sgt, %jit3A, %sign3A_38 : i32
      %sign3A_40 = arith.extui %sign3A_39 : i1 to i32
      %sign3A_41 = arith.constant 0 : i32
      %sign3A_42 = arith.cmpi slt, %jit3A, %sign3A_41 : i32
      %sign3A_43 = arith.extui %sign3A_42 : i1 to i32
      %sign3A_44 = arith.subi %sign3A_40, %sign3A_43 : i32
      %ne3A = arith.cmpi ne, %sign3A_37, %sign3A_44 : i32
      %rem3A = arith.remsi %sub3A_31, %jit3A : i32
      %ne3A_45 = arith.constant 0 : i32
      %ne3A_46 = arith.cmpi ne, %rem3A, %ne3A_45 : i32
      %and3A = arith.andi %ne3A, %ne3A_46 : i1
      %sub3A_47 = arith.constant 1 : i32
      %sub3A_48 = arith.subi %div3A, %sub3A_47 : i32
      %select_n3A = arith.select %and3A, %sub3A_48, %div3A : i32
      %while3A = arith.constant 0 : i32
      %while3A_49 = arith.constant 0 : i32
      %while3A_50 = arith.subi %select_n3A, %while3A_49 : i32
      %while3A_51 = arith.addi %while3A_49, %while3A_50 : i32
      %while3A_52 = arith.constant 1 : i32
      %while3A_53 = arith.divsi %while3A_50, %while3A_52 : i32
      %while3A_54 = arith.muli %while3A_53, %while3A_52 : i32
      %while3A_55 = arith.addi %while3A_49, %while3A_54 : i32
      %while3A_56 = arith.constant 1 : i32
      scf.for %while3A_58 = %while3A_49 to %while3A_55 step %while3A_56  : i32 {
        %mul3A_59 = arith.constant 10240 : i32
        %mul3A_60 = arith.muli %scan3A_19, %mul3A_59 : i32
        %mul3A_61 = arith.constant 1024 : i32
        %mul3A_62 = arith.muli %while3A_58, %mul3A_61 : i32
        %add3A_63 = arith.addi %mul3A_60, %mul3A_62 : i32
        %multiple_of3A = tpu.assume_multiple %add3A_63, 128 : i32
        %dma_start3A = tpu.memref_slice %arg6[%multiple_of3A] : memref<327680xi32, #tpu.memory_space<hbm>> -> memref<1024xi32, #tpu.memory_space<hbm>>
        %dma_start3A_64 = tpu.memref_slice %arg6[%multiple_of3A] : memref<327680xi32, #tpu.memory_space<hbm>> -> memref<1024xi32, #tpu.memory_space<hbm>>
        tpu.enqueue_dma source(%dma_start3A_64 : memref<1024xi32, #tpu.memory_space<hbm>>) target(%arg10 : memref<1024xi32, #tpu.memory_space<vmem>>) target_semaphore(%arg27 : memref<!tpu.dma_semaphore, #tpu.memory_space<semaphore_mem>>)
        %dma_start3A_65 = tpu.memref_slice %arg7[%multiple_of3A] : memref<327680xf32, #tpu.memory_space<hbm>> -> memref<1024xf32, #tpu.memory_space<hbm>>
        %dma_start3A_66 = tpu.memref_slice %arg7[%multiple_of3A] : memref<327680xf32, #tpu.memory_space<hbm>> -> memref<1024xf32, #tpu.memory_space<hbm>>
        tpu.enqueue_dma source(%dma_start3A_66 : memref<1024xf32, #tpu.memory_space<hbm>>) target(%arg11 : memref<1024xf32, #tpu.memory_space<vmem>>) target_semaphore(%arg27 : memref<!tpu.dma_semaphore, #tpu.memory_space<semaphore_mem>>)
        %dma_start3A_67 = tpu.memref_slice %arg3[%multiple_of3A] : memref<327680xi32, #tpu.memory_space<hbm>> -> memref<1024xi32, #tpu.memory_space<hbm>>
        %dma_start3A_68 = tpu.memref_slice %arg3[%multiple_of3A] : memref<327680xi32, #tpu.memory_space<hbm>> -> memref<1024xi32, #tpu.memory_space<hbm>>
        tpu.enqueue_dma source(%dma_start3A_68 : memref<1024xi32, #tpu.memory_space<hbm>>) target(%arg12 : memref<1024xi32, #tpu.memory_space<vmem>>) target_semaphore(%arg27 : memref<!tpu.dma_semaphore, #tpu.memory_space<semaphore_mem>>)
        %dma_start3A_69 = tpu.memref_slice %arg4[%multiple_of3A] : memref<327680xi32, #tpu.memory_space<hbm>> -> memref<1024xi32, #tpu.memory_space<hbm>>
        %dma_start3A_70 = tpu.memref_slice %arg4[%multiple_of3A] : memref<327680xi32, #tpu.memory_space<hbm>> -> memref<1024xi32, #tpu.memory_space<hbm>>
        tpu.enqueue_dma source(%dma_start3A_70 : memref<1024xi32, #tpu.memory_space<hbm>>) target(%arg13 : memref<1024xi32, #tpu.memory_space<vmem>>) target_semaphore(%arg27 : memref<!tpu.dma_semaphore, #tpu.memory_space<semaphore_mem>>)
        %dma_start3A_71 = tpu.memref_slice %arg5[%multiple_of3A] : memref<327680xi32, #tpu.memory_space<hbm>> -> memref<1024xi32, #tpu.memory_space<hbm>>
        %dma_start3A_72 = tpu.memref_slice %arg5[%multiple_of3A] : memref<327680xi32, #tpu.memory_space<hbm>> -> memref<1024xi32, #tpu.memory_space<hbm>>
        tpu.enqueue_dma source(%dma_start3A_72 : memref<1024xi32, #tpu.memory_space<hbm>>) target(%arg14 : memref<1024xi32, #tpu.memory_space<vmem>>) target_semaphore(%arg27 : memref<!tpu.dma_semaphore, #tpu.memory_space<semaphore_mem>>)
        %dma_wait3A = tpu.memref_slice %arg6[%multiple_of3A] : memref<327680xi32, #tpu.memory_space<hbm>> -> memref<1024xi32, #tpu.memory_space<hbm>>
        %dma_wait3A_73 = tpu.memref_slice %arg6[%multiple_of3A] : memref<327680xi32, #tpu.memory_space<hbm>> -> memref<1024xi32, #tpu.memory_space<hbm>>
        tpu.wait_dma2 semaphore(%arg27 : memref<!tpu.dma_semaphore, #tpu.memory_space<semaphore_mem>>) src(%dma_wait3A_73 : memref<1024xi32, #tpu.memory_space<hbm>>) dst(%arg10 : memref<1024xi32, #tpu.memory_space<vmem>>)
        %dma_wait3A_74 = tpu.memref_slice %arg7[%multiple_of3A] : memref<327680xf32, #tpu.memory_space<hbm>> -> memref<1024xf32, #tpu.memory_space<hbm>>
        %dma_wait3A_75 = tpu.memref_slice %arg7[%multiple_of3A] : memref<327680xf32, #tpu.memory_space<hbm>> -> memref<1024xf32, #tpu.memory_space<hbm>>
        tpu.wait_dma2 semaphore(%arg27 : memref<!tpu.dma_semaphore, #tpu.memory_space<semaphore_mem>>) src(%dma_wait3A_75 : memref<1024xf32, #tpu.memory_space<hbm>>) dst(%arg11 : memref<1024xf32, #tpu.memory_space<vmem>>)
        %dma_wait3A_76 = tpu.memref_slice %arg3[%multiple_of3A] : memref<327680xi32, #tpu.memory_space<hbm>> -> memref<1024xi32, #tpu.memory_space<hbm>>
        %dma_wait3A_77 = tpu.memref_slice %arg3[%multiple_of3A] : memref<327680xi32, #tpu.memory_space<hbm>> -> memref<1024xi32, #tpu.memory_space<hbm>>
        tpu.wait_dma2 semaphore(%arg27 : memref<!tpu.dma_semaphore, #tpu.memory_space<semaphore_mem>>) src(%dma_wait3A_77 : memref<1024xi32, #tpu.memory_space<hbm>>) dst(%arg12 : memref<1024xi32, #tpu.memory_space<vmem>>)
        %dma_wait3A_78 = tpu.memref_slice %arg4[%multiple_of3A] : memref<327680xi32, #tpu.memory_space<hbm>> -> memref<1024xi32, #tpu.memory_space<hbm>>
        %dma_wait3A_79 = tpu.memref_slice %arg4[%multiple_of3A] : memref<327680xi32, #tpu.memory_space<hbm>> -> memref<1024xi32, #tpu.memory_space<hbm>>
        tpu.wait_dma2 semaphore(%arg27 : memref<!tpu.dma_semaphore, #tpu.memory_space<semaphore_mem>>) src(%dma_wait3A_79 : memref<1024xi32, #tpu.memory_space<hbm>>) dst(%arg13 : memref<1024xi32, #tpu.memory_space<vmem>>)
        %dma_wait3A_80 = tpu.memref_slice %arg5[%multiple_of3A] : memref<327680xi32, #tpu.memory_space<hbm>> -> memref<1024xi32, #tpu.memory_space<hbm>>
        %dma_wait3A_81 = tpu.memref_slice %arg5[%multiple_of3A] : memref<327680xi32, #tpu.memory_space<hbm>> -> memref<1024xi32, #tpu.memory_space<hbm>>
        tpu.wait_dma2 semaphore(%arg27 : memref<!tpu.dma_semaphore, #tpu.memory_space<semaphore_mem>>) src(%dma_wait3A_81 : memref<1024xi32, #tpu.memory_space<hbm>>) dst(%arg14 : memref<1024xi32, #tpu.memory_space<vmem>>)
        %mul3A_82 = arith.constant 1024 : i32
        %mul3A_83 = arith.muli %while3A_58, %mul3A_82 : i32
        %sub3A_84 = arith.subi %reduce_max3A_28, %mul3A_83 : i32
        %min3A = arith.constant 1024 : i32
        %min3A_85 = arith.minsi %sub3A_84, %min3A : i32
        %add3A_86 = arith.constant 15 : i32
        %add3A_87 = arith.addi %min3A_85, %add3A_86 : i32
        %jit3A_88 = arith.constant 16 : i32
        %div3A_89 = arith.divsi %add3A_87, %jit3A_88 : i32
        %sign3A_90 = arith.constant 0 : i32
        %sign3A_91 = arith.cmpi sgt, %add3A_87, %sign3A_90 : i32
        %sign3A_92 = arith.extui %sign3A_91 : i1 to i32
        %sign3A_93 = arith.constant 0 : i32
        %sign3A_94 = arith.cmpi slt, %add3A_87, %sign3A_93 : i32
        %sign3A_95 = arith.extui %sign3A_94 : i1 to i32
        %sign3A_96 = arith.subi %sign3A_92, %sign3A_95 : i32
        %sign3A_97 = arith.constant 0 : i32
        %sign3A_98 = arith.cmpi sgt, %jit3A_88, %sign3A_97 : i32
        %sign3A_99 = arith.extui %sign3A_98 : i1 to i32
        %sign3A_100 = arith.constant 0 : i32
        %sign3A_101 = arith.cmpi slt, %jit3A_88, %sign3A_100 : i32
        %sign3A_102 = arith.extui %sign3A_101 : i1 to i32
        %sign3A_103 = arith.subi %sign3A_99, %sign3A_102 : i32
        %ne3A_104 = arith.cmpi ne, %sign3A_96, %sign3A_103 : i32
        %rem3A_105 = arith.remsi %add3A_87, %jit3A_88 : i32
        %ne3A_106 = arith.constant 0 : i32
        %ne3A_107 = arith.cmpi ne, %rem3A_105, %ne3A_106 : i32
        %and3A_108 = arith.andi %ne3A_104, %ne3A_107 : i1
        %sub3A_109 = arith.constant 1 : i32
        %sub3A_110 = arith.subi %div3A_89, %sub3A_109 : i32
        %select_n3A_111 = arith.select %and3A_108, %sub3A_110, %div3A_89 : i32
        %while3A_112 = arith.constant 0 : i32
        %while3A_113 = arith.constant 0 : i32
        "tpu.trace_start"() <{level = 10 : i32, message = "b_scan"}> : () -> ()
        %while3A_114 = arith.subi %select_n3A_111, %while3A_112 : i32
        %while3A_115 = arith.addi %while3A_112, %while3A_114 : i32
        %while3A_116 = arith.constant 1 : i32
        %while3A_117 = arith.divsi %while3A_114, %while3A_116 : i32
        %while3A_118 = arith.muli %while3A_117, %while3A_116 : i32
        %while3A_119 = arith.addi %while3A_112, %while3A_118 : i32
        %while3A_120 = arith.constant 1 : i32
        %while3A_121 = scf.for %while3A_201 = %while3A_112 to %while3A_119 step %while3A_120 iter_args(%while3A_202 = %while3A_113) -> (i32)  : i32 {
          %mul3A_203 = arith.constant 16 : i32
          %mul3A_204 = arith.muli %while3A_201, %mul3A_203 : i32
          %get3A_205 = arith.index_cast %mul3A_204 : i32 to index
          %get3A_206 = tpu.vector_load %arg10[%get3A_205] {strides = array<i32>} : memref<1024xi32, #tpu.memory_space<vmem>>, vector<16xi32>,
          %ge3A = vector.broadcast %mul3A_2 : i32 to vector<16xi32>
          %ge3A_207 = arith.cmpi sge, %get3A_206, %ge3A : vector<16xi32>
          %add3A_208 = arith.constant 64 : i32
          %add3A_209 = arith.addi %mul3A_2, %add3A_208 : i32
          %lt3A_210 = vector.broadcast %add3A_209 : i32 to vector<16xi32>
          %lt3A_211 = arith.cmpi slt, %get3A_206, %lt3A_210 : vector<16xi32>
          %and3A_212 = arith.andi %ge3A_207, %lt3A_211 : vector<16xi1>
          %mul3A_213 = arith.constant 16 : i32
          %mul3A_214 = arith.muli %while3A_201, %mul3A_213 : i32
          %add3A_215 = vector.broadcast %mul3A_214 : i32 to vector<16xi32>
          %add3A_216 = arith.addi %add3A_215, %iota3A : vector<16xi32>
          %lt3A_217 = vector.broadcast %sub3A_84 : i32 to vector<16xi32>
          %lt3A_218 = arith.cmpi slt, %add3A_216, %lt3A_217 : vector<16xi32>
          %and3A_219 = arith.andi %and3A_212, %lt3A_218 : vector<16xi1>
          %mul3A_220 = arith.constant 16 : i32
          %mul3A_221 = arith.muli %while3A_201, %mul3A_220 : i32
          %get3A_222 = arith.index_cast %mul3A_221 : i32 to index
          %get3A_223 = tpu.vector_load %arg12[%get3A_222] {strides = array<i32>} : memref<1024xi32, #tpu.memory_space<vmem>>, vector<16xi32>,
          %swap3A_224 = arith.index_cast %while3A_202 : i32 to index
          %swap3A_225 = tpu.vector_load %arg15[%swap3A_224] masked %and3A_219 {strides = array<i32>} : memref<1056xi32, #tpu.memory_space<vmem>>, vector<16xi32>, vector<16xi1>
          tpu.vector_store %arg15[%swap3A_224], %get3A_223 masked %and3A_219 {strides = array<i32>} : memref<1056xi32, #tpu.memory_space<vmem>>, vector<16xi32>, vector<16xi1>
          %mul3A_226 = arith.constant 16 : i32
          %mul3A_227 = arith.muli %while3A_201, %mul3A_226 : i32
          %get3A_228 = arith.index_cast %mul3A_227 : i32 to index
          %get3A_229 = tpu.vector_load %arg13[%get3A_228] {strides = array<i32>} : memref<1024xi32, #tpu.memory_space<vmem>>, vector<16xi32>,
          %swap3A_230 = arith.index_cast %while3A_202 : i32 to index
          %swap3A_231 = tpu.vector_load %arg16[%swap3A_230] masked %and3A_219 {strides = array<i32>} : memref<1056xi32, #tpu.memory_space<vmem>>, vector<16xi32>, vector<16xi1>
          tpu.vector_store %arg16[%swap3A_230], %get3A_229 masked %and3A_219 {strides = array<i32>} : memref<1056xi32, #tpu.memory_space<vmem>>, vector<16xi32>, vector<16xi1>
          %mul3A_232 = arith.constant 16 : i32
          %mul3A_233 = arith.muli %while3A_201, %mul3A_232 : i32
          %get3A_234 = arith.index_cast %mul3A_233 : i32 to index
          %get3A_235 = tpu.vector_load %arg14[%get3A_234] {strides = array<i32>} : memref<1024xi32, #tpu.memory_space<vmem>>, vector<16xi32>,
          %swap3A_236 = arith.index_cast %while3A_202 : i32 to index
          %swap3A_237 = tpu.vector_load %arg17[%swap3A_236] masked %and3A_219 {strides = array<i32>} : memref<1056xi32, #tpu.memory_space<vmem>>, vector<16xi32>, vector<16xi1>
          tpu.vector_store %arg17[%swap3A_236], %get3A_235 masked %and3A_219 {strides = array<i32>} : memref<1056xi32, #tpu.memory_space<vmem>>, vector<16xi32>, vector<16xi1>
          %sub3A_238 = vector.broadcast %mul3A_2 : i32 to vector<16xi32>
          %sub3A_239 = arith.subi %get3A_206, %sub3A_238 : vector<16xi32>
          %swap3A_240 = arith.index_cast %while3A_202 : i32 to index
          %swap3A_241 = tpu.vector_load %arg18[%swap3A_240] masked %and3A_219 {strides = array<i32>} : memref<1056xi32, #tpu.memory_space<vmem>>, vector<16xi32>, vector<16xi1>
          tpu.vector_store %arg18[%swap3A_240], %sub3A_239 masked %and3A_219 {strides = array<i32>} : memref<1056xi32, #tpu.memory_space<vmem>>, vector<16xi32>, vector<16xi1>
          %mul3A_242 = arith.constant 16 : i32
          %mul3A_243 = arith.muli %while3A_201, %mul3A_242 : i32
          %get3A_244 = arith.index_cast %mul3A_243 : i32 to index
          %get3A_245 = tpu.vector_load %arg11[%get3A_244] {strides = array<i32>} : memref<1024xf32, #tpu.memory_space<vmem>>, vector<16xf32>,
          %swap3A_246 = arith.index_cast %while3A_202 : i32 to index
          %swap3A_247 = tpu.vector_load %arg19[%swap3A_246] masked %and3A_219 {strides = array<i32>} : memref<1056xf32, #tpu.memory_space<vmem>>, vector<16xf32>, vector<16xi1>
          tpu.vector_store %arg19[%swap3A_246], %get3A_245 masked %and3A_219 {strides = array<i32>} : memref<1056xf32, #tpu.memory_space<vmem>>, vector<16xf32>, vector<16xi1>
          %all_reduce_population_count3A = tpu.all_reduce %and3A_219 {dim = 0 : i64, kind = #tpu.reduction_kind<sum>} : vector<16xi1> -> vector<16xi32>
          %reduce_max3A_248 = arith.constant true
          %reduce_max3A_249 = vector.broadcast %reduce_max3A_248 : i1 to vector<16xi1>
          %reduce_max3A_250 = arith.constant -2147483648 : i32
          %reduce_max3A_251 = vector.broadcast %reduce_max3A_250 : i32 to vector<16xi32>
          %reduce_max3A_252 = arith.xori %all_reduce_population_count3A, %reduce_max3A_251 : vector<16xi32>
          %reduce_max3A_253 = tpu.scan <max>, %reduce_max3A_252 masked %reduce_max3A_249 : vector<16xi32>, vector<16xi1> -> vector<16xi32>
          %reduce_max3A_254 = arith.xori %reduce_max3A_253, %reduce_max3A_251 : vector<16xi32>
          %reduce_max3A_255 = vector.extract %reduce_max3A_254[15] : i32 from vector<16xi32>
          %add3A_256 = arith.addi %while3A_202, %reduce_max3A_255 : i32
          scf.yield %add3A_256 : i32
        }
        %while3A_122 = arith.constant 1 : i32
        %while3A_123 = scf.for %while3A_201 = %while3A_119 to %while3A_115 step %while3A_122 iter_args(%while3A_202 = %while3A_121) -> (i32)  : i32 {
          %mul3A_203 = arith.constant 16 : i32
          %mul3A_204 = arith.muli %while3A_201, %mul3A_203 : i32
          %get3A_205 = arith.index_cast %mul3A_204 : i32 to index
          %get3A_206 = tpu.vector_load %arg10[%get3A_205] {strides = array<i32>} : memref<1024xi32, #tpu.memory_space<vmem>>, vector<16xi32>,
          %ge3A = vector.broadcast %mul3A_2 : i32 to vector<16xi32>
          %ge3A_207 = arith.cmpi sge, %get3A_206, %ge3A : vector<16xi32>
          %add3A_208 = arith.constant 64 : i32
          %add3A_209 = arith.addi %mul3A_2, %add3A_208 : i32
          %lt3A_210 = vector.broadcast %add3A_209 : i32 to vector<16xi32>
          %lt3A_211 = arith.cmpi slt, %get3A_206, %lt3A_210 : vector<16xi32>
          %and3A_212 = arith.andi %ge3A_207, %lt3A_211 : vector<16xi1>
          %mul3A_213 = arith.constant 16 : i32
          %mul3A_214 = arith.muli %while3A_201, %mul3A_213 : i32
          %add3A_215 = vector.broadcast %mul3A_214 : i32 to vector<16xi32>
          %add3A_216 = arith.addi %add3A_215, %iota3A : vector<16xi32>
          %lt3A_217 = vector.broadcast %sub3A_84 : i32 to vector<16xi32>
          %lt3A_218 = arith.cmpi slt, %add3A_216, %lt3A_217 : vector<16xi32>
          %and3A_219 = arith.andi %and3A_212, %lt3A_218 : vector<16xi1>
          %mul3A_220 = arith.constant 16 : i32
          %mul3A_221 = arith.muli %while3A_201, %mul3A_220 : i32
          %get3A_222 = arith.index_cast %mul3A_221 : i32 to index
          %get3A_223 = tpu.vector_load %arg12[%get3A_222] {strides = array<i32>} : memref<1024xi32, #tpu.memory_space<vmem>>, vector<16xi32>,
          %swap3A_224 = arith.index_cast %while3A_202 : i32 to index
          %swap3A_225 = tpu.vector_load %arg15[%swap3A_224] masked %and3A_219 {strides = array<i32>} : memref<1056xi32, #tpu.memory_space<vmem>>, vector<16xi32>, vector<16xi1>
          tpu.vector_store %arg15[%swap3A_224], %get3A_223 masked %and3A_219 {strides = array<i32>} : memref<1056xi32, #tpu.memory_space<vmem>>, vector<16xi32>, vector<16xi1>
          %mul3A_226 = arith.constant 16 : i32
          %mul3A_227 = arith.muli %while3A_201, %mul3A_226 : i32
          %get3A_228 = arith.index_cast %mul3A_227 : i32 to index
          %get3A_229 = tpu.vector_load %arg13[%get3A_228] {strides = array<i32>} : memref<1024xi32, #tpu.memory_space<vmem>>, vector<16xi32>,
          %swap3A_230 = arith.index_cast %while3A_202 : i32 to index
          %swap3A_231 = tpu.vector_load %arg16[%swap3A_230] masked %and3A_219 {strides = array<i32>} : memref<1056xi32, #tpu.memory_space<vmem>>, vector<16xi32>, vector<16xi1>
          tpu.vector_store %arg16[%swap3A_230], %get3A_229 masked %and3A_219 {strides = array<i32>} : memref<1056xi32, #tpu.memory_space<vmem>>, vector<16xi32>, vector<16xi1>
          %mul3A_232 = arith.constant 16 : i32
          %mul3A_233 = arith.muli %while3A_201, %mul3A_232 : i32
          %get3A_234 = arith.index_cast %mul3A_233 : i32 to index
          %get3A_235 = tpu.vector_load %arg14[%get3A_234] {strides = array<i32>} : memref<1024xi32, #tpu.memory_space<vmem>>, vector<16xi32>,
          %swap3A_236 = arith.index_cast %while3A_202 : i32 to index
          %swap3A_237 = tpu.vector_load %arg17[%swap3A_236] masked %and3A_219 {strides = array<i32>} : memref<1056xi32, #tpu.memory_space<vmem>>, vector<16xi32>, vector<16xi1>
          tpu.vector_store %arg17[%swap3A_236], %get3A_235 masked %and3A_219 {strides = array<i32>} : memref<1056xi32, #tpu.memory_space<vmem>>, vector<16xi32>, vector<16xi1>
          %sub3A_238 = vector.broadcast %mul3A_2 : i32 to vector<16xi32>
          %sub3A_239 = arith.subi %get3A_206, %sub3A_238 : vector<16xi32>
          %swap3A_240 = arith.index_cast %while3A_202 : i32 to index
          %swap3A_241 = tpu.vector_load %arg18[%swap3A_240] masked %and3A_219 {strides = array<i32>} : memref<1056xi32, #tpu.memory_space<vmem>>, vector<16xi32>, vector<16xi1>
          tpu.vector_store %arg18[%swap3A_240], %sub3A_239 masked %and3A_219 {strides = array<i32>} : memref<1056xi32, #tpu.memory_space<vmem>>, vector<16xi32>, vector<16xi1>
          %mul3A_242 = arith.constant 16 : i32
          %mul3A_243 = arith.muli %while3A_201, %mul3A_242 : i32
          %get3A_244 = arith.index_cast %mul3A_243 : i32 to index
          %get3A_245 = tpu.vector_load %arg11[%get3A_244] {strides = array<i32>} : memref<1024xf32, #tpu.memory_space<vmem>>, vector<16xf32>,
          %swap3A_246 = arith.index_cast %while3A_202 : i32 to index
          %swap3A_247 = tpu.vector_load %arg19[%swap3A_246] masked %and3A_219 {strides = array<i32>} : memref<1056xf32, #tpu.memory_space<vmem>>, vector<16xf32>, vector<16xi1>
          tpu.vector_store %arg19[%swap3A_246], %get3A_245 masked %and3A_219 {strides = array<i32>} : memref<1056xf32, #tpu.memory_space<vmem>>, vector<16xf32>, vector<16xi1>
          %all_reduce_population_count3A = tpu.all_reduce %and3A_219 {dim = 0 : i64, kind = #tpu.reduction_kind<sum>} : vector<16xi1> -> vector<16xi32>
          %reduce_max3A_248 = arith.constant true
          %reduce_max3A_249 = vector.broadcast %reduce_max3A_248 : i1 to vector<16xi1>
          %reduce_max3A_250 = arith.constant -2147483648 : i32
          %reduce_max3A_251 = vector.broadcast %reduce_max3A_250 : i32 to vector<16xi32>
          %reduce_max3A_252 = arith.xori %all_reduce_population_count3A, %reduce_max3A_251 : vector<16xi32>
          %reduce_max3A_253 = tpu.scan <max>, %reduce_max3A_252 masked %reduce_max3A_249 : vector<16xi32>, vector<16xi1> -> vector<16xi32>
          %reduce_max3A_254 = arith.xori %reduce_max3A_253, %reduce_max3A_251 : vector<16xi32>
          %reduce_max3A_255 = vector.extract %reduce_max3A_254[15] : i32 from vector<16xi32>
          %add3A_256 = arith.addi %while3A_202, %reduce_max3A_255 : i32
          scf.yield %add3A_256 : i32
        }
        "tpu.trace_stop"() : () -> ()
        %add3A_124 = arith.constant 0 : i32
        %add3A_125 = arith.addi %while3A_123, %add3A_124 : i32
        %swap3A = arith.index_cast %add3A_125 : i32 to index
        %swap3A_126 = tpu.vector_load %arg15[%swap3A] {strides = array<i32>} : memref<1056xi32, #tpu.memory_space<vmem>>, vector<16xi32>,
        tpu.vector_store %arg15[%swap3A], %broadcast_in_dim3A_5 {strides = array<i32>} : memref<1056xi32, #tpu.memory_space<vmem>>, vector<16xi32>,
        %add3A_127 = arith.constant 0 : i32
        %add3A_128 = arith.addi %while3A_123, %add3A_127 : i32
        %swap3A_129 = arith.index_cast %add3A_128 : i32 to index
        %swap3A_130 = tpu.vector_load %arg16[%swap3A_129] {strides = array<i32>} : memref<1056xi32, #tpu.memory_space<vmem>>, vector<16xi32>,
        tpu.vector_store %arg16[%swap3A_129], %broadcast_in_dim3A_5 {strides = array<i32>} : memref<1056xi32, #tpu.memory_space<vmem>>, vector<16xi32>,
        %add3A_131 = arith.constant 0 : i32
        %add3A_132 = arith.addi %while3A_123, %add3A_131 : i32
        %swap3A_133 = arith.index_cast %add3A_132 : i32 to index
        %swap3A_134 = tpu.vector_load %arg17[%swap3A_133] {strides = array<i32>} : memref<1056xi32, #tpu.memory_space<vmem>>, vector<16xi32>,
        tpu.vector_store %arg17[%swap3A_133], %broadcast_in_dim3A_5 {strides = array<i32>} : memref<1056xi32, #tpu.memory_space<vmem>>, vector<16xi32>,
        %add3A_135 = arith.constant 0 : i32
        %add3A_136 = arith.addi %while3A_123, %add3A_135 : i32
        %swap3A_137 = arith.index_cast %add3A_136 : i32 to index
        %swap3A_138 = tpu.vector_load %arg18[%swap3A_137] {strides = array<i32>} : memref<1056xi32, #tpu.memory_space<vmem>>, vector<16xi32>,
        tpu.vector_store %arg18[%swap3A_137], %broadcast_in_dim3A_5 {strides = array<i32>} : memref<1056xi32, #tpu.memory_space<vmem>>, vector<16xi32>,
        %add3A_139 = arith.constant 0 : i32
        %add3A_140 = arith.addi %while3A_123, %add3A_139 : i32
        %swap3A_141 = arith.index_cast %add3A_140 : i32 to index
        %swap3A_142 = tpu.vector_load %arg19[%swap3A_141] {strides = array<i32>} : memref<1056xf32, #tpu.memory_space<vmem>>, vector<16xf32>,
        tpu.vector_store %arg19[%swap3A_141], %broadcast_in_dim3A_3 {strides = array<i32>} : memref<1056xf32, #tpu.memory_space<vmem>>, vector<16xf32>,
        %add3A_143 = arith.constant 16 : i32
        %add3A_144 = arith.addi %while3A_123, %add3A_143 : i32
        %swap3A_145 = arith.index_cast %add3A_144 : i32 to index
        %swap3A_146 = tpu.vector_load %arg15[%swap3A_145] {strides = array<i32>} : memref<1056xi32, #tpu.memory_space<vmem>>, vector<16xi32>,
        tpu.vector_store %arg15[%swap3A_145], %broadcast_in_dim3A_5 {strides = array<i32>} : memref<1056xi32, #tpu.memory_space<vmem>>, vector<16xi32>,
        %add3A_147 = arith.constant 16 : i32
        %add3A_148 = arith.addi %while3A_123, %add3A_147 : i32
        %swap3A_149 = arith.index_cast %add3A_148 : i32 to index
        %swap3A_150 = tpu.vector_load %arg16[%swap3A_149] {strides = array<i32>} : memref<1056xi32, #tpu.memory_space<vmem>>, vector<16xi32>,
        tpu.vector_store %arg16[%swap3A_149], %broadcast_in_dim3A_5 {strides = array<i32>} : memref<1056xi32, #tpu.memory_space<vmem>>, vector<16xi32>,
        %add3A_151 = arith.constant 16 : i32
        %add3A_152 = arith.addi %while3A_123, %add3A_151 : i32
        %swap3A_153 = arith.index_cast %add3A_152 : i32 to index
        %swap3A_154 = tpu.vector_load %arg17[%swap3A_153] {strides = array<i32>} : memref<1056xi32, #tpu.memory_space<vmem>>, vector<16xi32>,
        tpu.vector_store %arg17[%swap3A_153], %broadcast_in_dim3A_5 {strides = array<i32>} : memref<1056xi32, #tpu.memory_space<vmem>>, vector<16xi32>,
        %add3A_155 = arith.constant 16 : i32
        %add3A_156 = arith.addi %while3A_123, %add3A_155 : i32
        %swap3A_157 = arith.index_cast %add3A_156 : i32 to index
        %swap3A_158 = tpu.vector_load %arg18[%swap3A_157] {strides = array<i32>} : memref<1056xi32, #tpu.memory_space<vmem>>, vector<16xi32>,
        tpu.vector_store %arg18[%swap3A_157], %broadcast_in_dim3A_5 {strides = array<i32>} : memref<1056xi32, #tpu.memory_space<vmem>>, vector<16xi32>,
        %add3A_159 = arith.constant 16 : i32
        %add3A_160 = arith.addi %while3A_123, %add3A_159 : i32
        %swap3A_161 = arith.index_cast %add3A_160 : i32 to index
        %swap3A_162 = tpu.vector_load %arg19[%swap3A_161] {strides = array<i32>} : memref<1056xf32, #tpu.memory_space<vmem>>, vector<16xf32>,
        tpu.vector_store %arg19[%swap3A_161], %broadcast_in_dim3A_3 {strides = array<i32>} : memref<1056xf32, #tpu.memory_space<vmem>>, vector<16xf32>,
        %add3A_163 = arith.constant 32 : i32
        %add3A_164 = arith.addi %while3A_123, %add3A_163 : i32
        %sub3A_165 = arith.constant 1 : i32
        %sub3A_166 = arith.subi %add3A_164, %sub3A_165 : i32
        %jit3A_167 = arith.constant 32 : i32
        %div3A_168 = arith.divsi %sub3A_166, %jit3A_167 : i32
        %sign3A_169 = arith.constant 0 : i32
        %sign3A_170 = arith.cmpi sgt, %sub3A_166, %sign3A_169 : i32
        %sign3A_171 = arith.extui %sign3A_170 : i1 to i32
        %sign3A_172 = arith.constant 0 : i32
        %sign3A_173 = arith.cmpi slt, %sub3A_166, %sign3A_172 : i32
        %sign3A_174 = arith.extui %sign3A_173 : i1 to i32
        %sign3A_175 = arith.subi %sign3A_171, %sign3A_174 : i32
        %sign3A_176 = arith.constant 0 : i32
        %sign3A_177 = arith.cmpi sgt, %jit3A_167, %sign3A_176 : i32
        %sign3A_178 = arith.extui %sign3A_177 : i1 to i32
        %sign3A_179 = arith.constant 0 : i32
        %sign3A_180 = arith.cmpi slt, %jit3A_167, %sign3A_179 : i32
        %sign3A_181 = arith.extui %sign3A_180 : i1 to i32
        %sign3A_182 = arith.subi %sign3A_178, %sign3A_181 : i32
        %ne3A_183 = arith.cmpi ne, %sign3A_175, %sign3A_182 : i32
        %rem3A_184 = arith.remsi %sub3A_166, %jit3A_167 : i32
        %ne3A_185 = arith.constant 0 : i32
        %ne3A_186 = arith.cmpi ne, %rem3A_184, %ne3A_185 : i32
        %and3A_187 = arith.andi %ne3A_183, %ne3A_186 : i1
        %sub3A_188 = arith.constant 1 : i32
        %sub3A_189 = arith.subi %div3A_168, %sub3A_188 : i32
        %select_n3A_190 = arith.select %and3A_187, %sub3A_189, %div3A_168 : i32
        %while3A_191 = arith.constant 0 : i32
        %while3A_192 = arith.constant 0 : i32
        %while3A_193 = arith.subi %select_n3A_190, %while3A_192 : i32
        %while3A_194 = arith.addi %while3A_192, %while3A_193 : i32
        %while3A_195 = arith.constant 1 : i32
        %while3A_196 = arith.divsi %while3A_193, %while3A_195 : i32
        %while3A_197 = arith.muli %while3A_196, %while3A_195 : i32
        %while3A_198 = arith.addi %while3A_192, %while3A_197 : i32
        %while3A_199 = arith.constant 1 : i32
        scf.for %while3A_201 = %while3A_192 to %while3A_198 step %while3A_199  : i32 {
          %mul3A_202 = arith.constant 32 : i32
          %mul3A_203 = arith.muli %while3A_201, %mul3A_202 : i32
          %add3A_204 = arith.constant 0 : i32
          %add3A_205 = arith.addi %mul3A_203, %add3A_204 : i32
          %get3A_206 = arith.index_cast %add3A_205 : i32 to index
          %get3A_207 = tpu.vector_load %arg15[%get3A_206] {strides = array<i32>} : memref<1056xi32, #tpu.memory_space<vmem>>, vector<16xi32>,
          %swap3A_208 = arith.constant 0 : index
          %swap3A_209 = tpu.vector_load %arg21[%swap3A_208] {strides = array<i32>} : memref<96xi32, #tpu.memory_space<vmem>>, vector<16xi32>,
          tpu.vector_store %arg21[%swap3A_208], %get3A_207 {strides = array<i32>} : memref<96xi32, #tpu.memory_space<vmem>>, vector<16xi32>,
          %add3A_210 = arith.constant 0 : i32
          %add3A_211 = arith.addi %mul3A_203, %add3A_210 : i32
          %get3A_212 = arith.index_cast %add3A_211 : i32 to index
          %get3A_213 = tpu.vector_load %arg16[%get3A_212] {strides = array<i32>} : memref<1056xi32, #tpu.memory_space<vmem>>, vector<16xi32>,
          %swap3A_214 = arith.constant 32 : index
          %swap3A_215 = tpu.vector_load %arg21[%swap3A_214] {strides = array<i32>} : memref<96xi32, #tpu.memory_space<vmem>>, vector<16xi32>,
          tpu.vector_store %arg21[%swap3A_214], %get3A_213 {strides = array<i32>} : memref<96xi32, #tpu.memory_space<vmem>>, vector<16xi32>,
          %add3A_216 = arith.constant 0 : i32
          %add3A_217 = arith.addi %mul3A_203, %add3A_216 : i32
          %get3A_218 = arith.index_cast %add3A_217 : i32 to index
          %get3A_219 = tpu.vector_load %arg17[%get3A_218] {strides = array<i32>} : memref<1056xi32, #tpu.memory_space<vmem>>, vector<16xi32>,
          %swap3A_220 = arith.constant 64 : index
          %swap3A_221 = tpu.vector_load %arg21[%swap3A_220] {strides = array<i32>} : memref<96xi32, #tpu.memory_space<vmem>>, vector<16xi32>,
          tpu.vector_store %arg21[%swap3A_220], %get3A_219 {strides = array<i32>} : memref<96xi32, #tpu.memory_space<vmem>>, vector<16xi32>,
          %add3A_222 = arith.constant 0 : i32
          %add3A_223 = arith.addi %mul3A_203, %add3A_222 : i32
          %get3A_224 = arith.index_cast %add3A_223 : i32 to index
          %get3A_225 = tpu.vector_load %arg19[%get3A_224] {strides = array<i32>} : memref<1056xf32, #tpu.memory_space<vmem>>, vector<16xf32>,
          %swap3A_226 = arith.constant 0 : index
          %swap3A_227 = tpu.vector_load %arg22[%swap3A_226] {strides = array<i32>} : memref<32xf32, #tpu.memory_space<vmem>>, vector<16xf32>,
          tpu.vector_store %arg22[%swap3A_226], %get3A_225 {strides = array<i32>} : memref<32xf32, #tpu.memory_space<vmem>>, vector<16xf32>,
          %add3A_228 = arith.constant 0 : i32
          %add3A_229 = arith.addi %mul3A_203, %add3A_228 : i32
          %get3A_230 = arith.index_cast %add3A_229 : i32 to index
          %get3A_231 = tpu.vector_load %arg18[%get3A_230] {strides = array<i32>} : memref<1056xi32, #tpu.memory_space<vmem>>, vector<16xi32>,
          %swap3A_232 = arith.constant 0 : index
          %swap3A_233 = tpu.vector_load %arg23[%swap3A_232] {strides = array<i32>} : memref<32xi32, #tpu.memory_space<vmem>>, vector<16xi32>,
          tpu.vector_store %arg23[%swap3A_232], %get3A_231 {strides = array<i32>} : memref<32xi32, #tpu.memory_space<vmem>>, vector<16xi32>,
          %add3A_234 = arith.constant 16 : i32
          %add3A_235 = arith.addi %mul3A_203, %add3A_234 : i32
          %get3A_236 = arith.index_cast %add3A_235 : i32 to index
          %get3A_237 = tpu.vector_load %arg15[%get3A_236] {strides = array<i32>} : memref<1056xi32, #tpu.memory_space<vmem>>, vector<16xi32>,
          %swap3A_238 = arith.constant 16 : index
          %swap3A_239 = tpu.vector_load %arg21[%swap3A_238] {strides = array<i32>} : memref<96xi32, #tpu.memory_space<vmem>>, vector<16xi32>,
          tpu.vector_store %arg21[%swap3A_238], %get3A_237 {strides = array<i32>} : memref<96xi32, #tpu.memory_space<vmem>>, vector<16xi32>,
          %add3A_240 = arith.constant 16 : i32
          %add3A_241 = arith.addi %mul3A_203, %add3A_240 : i32
          %get3A_242 = arith.index_cast %add3A_241 : i32 to index
          %get3A_243 = tpu.vector_load %arg16[%get3A_242] {strides = array<i32>} : memref<1056xi32, #tpu.memory_space<vmem>>, vector<16xi32>,
          %swap3A_244 = arith.constant 48 : index
          %swap3A_245 = tpu.vector_load %arg21[%swap3A_244] {strides = array<i32>} : memref<96xi32, #tpu.memory_space<vmem>>, vector<16xi32>,
          tpu.vector_store %arg21[%swap3A_244], %get3A_243 {strides = array<i32>} : memref<96xi32, #tpu.memory_space<vmem>>, vector<16xi32>,
          %add3A_246 = arith.constant 16 : i32
          %add3A_247 = arith.addi %mul3A_203, %add3A_246 : i32
          %get3A_248 = arith.index_cast %add3A_247 : i32 to index
          %get3A_249 = tpu.vector_load %arg17[%get3A_248] {strides = array<i32>} : memref<1056xi32, #tpu.memory_space<vmem>>, vector<16xi32>,
          %swap3A_250 = arith.constant 80 : index
          %swap3A_251 = tpu.vector_load %arg21[%swap3A_250] {strides = array<i32>} : memref<96xi32, #tpu.memory_space<vmem>>, vector<16xi32>,
          tpu.vector_store %arg21[%swap3A_250], %get3A_249 {strides = array<i32>} : memref<96xi32, #tpu.memory_space<vmem>>, vector<16xi32>,
          %add3A_252 = arith.constant 16 : i32
          %add3A_253 = arith.addi %mul3A_203, %add3A_252 : i32
          %get3A_254 = arith.index_cast %add3A_253 : i32 to index
          %get3A_255 = tpu.vector_load %arg19[%get3A_254] {strides = array<i32>} : memref<1056xf32, #tpu.memory_space<vmem>>, vector<16xf32>,
          %swap3A_256 = arith.constant 16 : index
          %swap3A_257 = tpu.vector_load %arg22[%swap3A_256] {strides = array<i32>} : memref<32xf32, #tpu.memory_space<vmem>>, vector<16xf32>,
          tpu.vector_store %arg22[%swap3A_256], %get3A_255 {strides = array<i32>} : memref<32xf32, #tpu.memory_space<vmem>>, vector<16xf32>,
          %add3A_258 = arith.constant 16 : i32
          %add3A_259 = arith.addi %mul3A_203, %add3A_258 : i32
          %get3A_260 = arith.index_cast %add3A_259 : i32 to index
          %get3A_261 = tpu.vector_load %arg18[%get3A_260] {strides = array<i32>} : memref<1056xi32, #tpu.memory_space<vmem>>, vector<16xi32>,
          %swap3A_262 = arith.constant 16 : index
          %swap3A_263 = tpu.vector_load %arg23[%swap3A_262] {strides = array<i32>} : memref<32xi32, #tpu.memory_space<vmem>>, vector<16xi32>,
          tpu.vector_store %arg23[%swap3A_262], %get3A_261 {strides = array<i32>} : memref<32xi32, #tpu.memory_space<vmem>>, vector<16xi32>,
          "tpu.trace_start"() <{level = 10 : i32, message = "b_gath"}> : () -> ()
          %dma_start3A_264 = arith.constant 0 : i32
          %dma_start3A_265 = arith.constant 0 : i32
          %dma_start3A_266 = tpu.memref_slice %arg26[%dma_start3A_264, %dma_start3A_265] : memref<10000x128xf32, #tpu.memory_space<vmem_shared>> -> memref<10000x128xf32, #tpu.memory_space<vmem_shared>>
          tpu.enqueue_indirect_dma source(%dma_start3A_266 : memref<10000x128xf32, #tpu.memory_space<vmem_shared>>) target(%arg24 : memref<96x128xf32, #tpu.memory_space<vmem>>) offsets(%arg21 : memref<96xi32, #tpu.memory_space<vmem>>) semaphore(%arg27 : memref<!tpu.dma_semaphore, #tpu.memory_space<semaphore_mem>>)
          %dma_wait3A_267 = arith.constant 0 : i32
          %dma_wait3A_268 = arith.constant 0 : i32
          %dma_wait3A_269 = tpu.memref_slice %arg26[%dma_wait3A_267, %dma_wait3A_268] : memref<10000x128xf32, #tpu.memory_space<vmem_shared>> -> memref<10000x128xf32, #tpu.memory_space<vmem_shared>>
          tpu.wait_indirect_dma semaphore(%arg27 : memref<!tpu.dma_semaphore, #tpu.memory_space<semaphore_mem>>) src(%dma_wait3A_269 : memref<10000x128xf32, #tpu.memory_space<vmem_shared>>) dst(%arg24 : memref<96x128xf32, #tpu.memory_space<vmem>>)
          "tpu.trace_stop"() : () -> ()
          "tpu.trace_start"() <{level = 10 : i32, message = "b_rmw"}> : () -> ()
          %scan3A_270 = arith.constant 0 : i32
          %scan3A_271 = arith.constant 0 : i32
          %scan3A_272 = arith.constant 32 : i32
          %scan3A_273 = arith.addi %scan3A_271, %scan3A_272 : i32
          %scan3A_274 = arith.constant 1 : i32
          scf.for %scan3A_276 = %scan3A_271 to %scan3A_273 step %scan3A_274  : i32 {
            %broadcast_in_dim3A_277 = arith.constant 1 : i32
            %broadcast_in_dim3A_278 = vector.broadcast %broadcast_in_dim3A_277 : i32 to vector<16xi32>
            %mul3A_279 = vector.broadcast %scan3A_276 : i32 to vector<16xi32>
            %mul3A_280 = arith.muli %broadcast_in_dim3A_278, %mul3A_279 : vector<16xi32>
            %gather3A = tpu.vector_load_idx %arg22[%mul3A_280] : memref<32xf32, #tpu.memory_space<vmem>>[vector<16xi32>], vector<16xf32>,
            %mul3A_281 = arith.constant 0.333333343 : f32
            %mul3A_282 = vector.broadcast %mul3A_281 : f32 to vector<16xf32>
            %mul3A_283 = arith.mulf %gather3A, %mul3A_282 : vector<16xf32>
            %gather3A_284 = tpu.vector_load_idx %arg23[%mul3A_280] : memref<32xi32, #tpu.memory_space<vmem>>[vector<16xi32>], vector<16xi32>,
            %reduce_max3A_285 = arith.constant true
            %reduce_max3A_286 = vector.broadcast %reduce_max3A_285 : i1 to vector<16xi1>
            %reduce_max3A_287 = arith.constant -2147483648 : i32
            %reduce_max3A_288 = vector.broadcast %reduce_max3A_287 : i32 to vector<16xi32>
            %reduce_max3A_289 = arith.xori %gather3A_284, %reduce_max3A_288 : vector<16xi32>
            %reduce_max3A_290 = tpu.scan <max>, %reduce_max3A_289 masked %reduce_max3A_286 : vector<16xi32>, vector<16xi1> -> vector<16xi32>
            %reduce_max3A_291 = arith.xori %reduce_max3A_290, %reduce_max3A_288 : vector<16xi32>
            %reduce_max3A_292 = vector.extract %reduce_max3A_291[15] : i32 from vector<16xi32>
            %get3A_293 = arith.index_cast %reduce_max3A_292 : i32 to index
            %get3A_294 = arith.constant 0 : index
            %get3A_295 = tpu.vector_load %arg25[%get3A_293, %get3A_294] {strides = array<i32>} : memref<64x256xf32, #tpu.memory_space<vmem>>, vector<16xf32>,
            %get3A_296 = arith.index_cast %scan3A_276 : i32 to index
            %get3A_297 = arith.constant 0 : index
            %get3A_298 = tpu.vector_load %arg24[%get3A_296, %get3A_297] {strides = array<i32>} : memref<96x128xf32, #tpu.memory_space<vmem>>, vector<16xf32>,
            %add3A_299 = arith.constant 32 : i32
            %add3A_300 = arith.addi %add3A_299, %scan3A_276 : i32
            %get3A_301 = arith.index_cast %add3A_300 : i32 to index
            %get3A_302 = arith.constant 0 : index
            %get3A_303 = tpu.vector_load %arg24[%get3A_301, %get3A_302] {strides = array<i32>} : memref<96x128xf32, #tpu.memory_space<vmem>>, vector<16xf32>,
            %add3A_304 = arith.addf %get3A_298, %get3A_303 : vector<16xf32>
            %add3A_305 = arith.constant 64 : i32
            %add3A_306 = arith.addi %add3A_305, %scan3A_276 : i32
            %get3A_307 = arith.index_cast %add3A_306 : i32 to index
            %get3A_308 = arith.constant 0 : index
            %get3A_309 = tpu.vector_load %arg24[%get3A_307, %get3A_308] {strides = array<i32>} : memref<96x128xf32, #tpu.memory_space<vmem>>, vector<16xf32>,
            %add3A_310 = arith.addf %add3A_304, %get3A_309 : vector<16xf32>
            %mul3A_311 = arith.mulf %add3A_310, %mul3A_283 : vector<16xf32>
            %add3A_312 = arith.addf %get3A_295, %mul3A_311 : vector<16xf32>
            %swap3A_313 = arith.index_cast %reduce_max3A_292 : i32 to index
            %swap3A_314 = arith.constant 0 : index
            %swap3A_315 = tpu.vector_load %arg25[%swap3A_313, %swap3A_314] {strides = array<i32>} : memref<64x256xf32, #tpu.memory_space<vmem>>, vector<16xf32>,
            tpu.vector_store %arg25[%swap3A_313, %swap3A_314], %add3A_312 {strides = array<i32>} : memref<64x256xf32, #tpu.memory_space<vmem>>, vector<16xf32>,
            %get3A_316 = arith.index_cast %reduce_max3A_292 : i32 to index
            %get3A_317 = arith.constant 16 : index
            %get3A_318 = tpu.vector_load %arg25[%get3A_316, %get3A_317] {strides = array<i32>} : memref<64x256xf32, #tpu.memory_space<vmem>>, vector<16xf32>,
            %get3A_319 = arith.index_cast %scan3A_276 : i32 to index
            %get3A_320 = arith.constant 16 : index
            %get3A_321 = tpu.vector_load %arg24[%get3A_319, %get3A_320] {strides = array<i32>} : memref<96x128xf32, #tpu.memory_space<vmem>>, vector<16xf32>,
            %add3A_322 = arith.constant 32 : i32
            %add3A_323 = arith.addi %add3A_322, %scan3A_276 : i32
            %get3A_324 = arith.index_cast %add3A_323 : i32 to index
            %get3A_325 = arith.constant 16 : index
            %get3A_326 = tpu.vector_load %arg24[%get3A_324, %get3A_325] {strides = array<i32>} : memref<96x128xf32, #tpu.memory_space<vmem>>, vector<16xf32>,
            %add3A_327 = arith.addf %get3A_321, %get3A_326 : vector<16xf32>
            %add3A_328 = arith.constant 64 : i32
            %add3A_329 = arith.addi %add3A_328, %scan3A_276 : i32
            %get3A_330 = arith.index_cast %add3A_329 : i32 to index
            %get3A_331 = arith.constant 16 : index
            %get3A_332 = tpu.vector_load %arg24[%get3A_330, %get3A_331] {strides = array<i32>} : memref<96x128xf32, #tpu.memory_space<vmem>>, vector<16xf32>,
            %add3A_333 = arith.addf %add3A_327, %get3A_332 : vector<16xf32>
            %mul3A_334 = arith.mulf %add3A_333, %mul3A_283 : vector<16xf32>
            %add3A_335 = arith.addf %get3A_318, %mul3A_334 : vector<16xf32>
            %swap3A_336 = arith.index_cast %reduce_max3A_292 : i32 to index
            %swap3A_337 = arith.constant 16 : index
            %swap3A_338 = tpu.vector_load %arg25[%swap3A_336, %swap3A_337] {strides = array<i32>} : memref<64x256xf32, #tpu.memory_space<vmem>>, vector<16xf32>,
            tpu.vector_store %arg25[%swap3A_336, %swap3A_337], %add3A_335 {strides = array<i32>} : memref<64x256xf32, #tpu.memory_space<vmem>>, vector<16xf32>,
            %get3A_339 = arith.index_cast %reduce_max3A_292 : i32 to index
            %get3A_340 = arith.constant 32 : index
            %get3A_341 = tpu.vector_load %arg25[%get3A_339, %get3A_340] {strides = array<i32>} : memref<64x256xf32, #tpu.memory_space<vmem>>, vector<16xf32>,
            %get3A_342 = arith.index_cast %scan3A_276 : i32 to index
            %get3A_343 = arith.constant 32 : index
            %get3A_344 = tpu.vector_load %arg24[%get3A_342, %get3A_343] {strides = array<i32>} : memref<96x128xf32, #tpu.memory_space<vmem>>, vector<16xf32>,
            %add3A_345 = arith.constant 32 : i32
            %add3A_346 = arith.addi %add3A_345, %scan3A_276 : i32
            %get3A_347 = arith.index_cast %add3A_346 : i32 to index
            %get3A_348 = arith.constant 32 : index
            %get3A_349 = tpu.vector_load %arg24[%get3A_347, %get3A_348] {strides = array<i32>} : memref<96x128xf32, #tpu.memory_space<vmem>>, vector<16xf32>,
            %add3A_350 = arith.addf %get3A_344, %get3A_349 : vector<16xf32>
            %add3A_351 = arith.constant 64 : i32
            %add3A_352 = arith.addi %add3A_351, %scan3A_276 : i32
            %get3A_353 = arith.index_cast %add3A_352 : i32 to index
            %get3A_354 = arith.constant 32 : index
            %get3A_355 = tpu.vector_load %arg24[%get3A_353, %get3A_354] {strides = array<i32>} : memref<96x128xf32, #tpu.memory_space<vmem>>, vector<16xf32>,
            %add3A_356 = arith.addf %add3A_350, %get3A_355 : vector<16xf32>
            %mul3A_357 = arith.mulf %add3A_356, %mul3A_283 : vector<16xf32>
            %add3A_358 = arith.addf %get3A_341, %mul3A_357 : vector<16xf32>
            %swap3A_359 = arith.index_cast %reduce_max3A_292 : i32 to index
            %swap3A_360 = arith.constant 32 : index
            %swap3A_361 = tpu.vector_load %arg25[%swap3A_359, %swap3A_360] {strides = array<i32>} : memref<64x256xf32, #tpu.memory_space<vmem>>, vector<16xf32>,
            tpu.vector_store %arg25[%swap3A_359, %swap3A_360], %add3A_358 {strides = array<i32>} : memref<64x256xf32, #tpu.memory_space<vmem>>, vector<16xf32>,
            %get3A_362 = arith.index_cast %reduce_max3A_292 : i32 to index
            %get3A_363 = arith.constant 48 : index
            %get3A_364 = tpu.vector_load %arg25[%get3A_362, %get3A_363] {strides = array<i32>} : memref<64x256xf32, #tpu.memory_space<vmem>>, vector<16xf32>,
            %get3A_365 = arith.index_cast %scan3A_276 : i32 to index
            %get3A_366 = arith.constant 48 : index
            %get3A_367 = tpu.vector_load %arg24[%get3A_365, %get3A_366] {strides = array<i32>} : memref<96x128xf32, #tpu.memory_space<vmem>>, vector<16xf32>,
            %add3A_368 = arith.constant 32 : i32
            %add3A_369 = arith.addi %add3A_368, %scan3A_276 : i32
            %get3A_370 = arith.index_cast %add3A_369 : i32 to index
            %get3A_371 = arith.constant 48 : index
            %get3A_372 = tpu.vector_load %arg24[%get3A_370, %get3A_371] {strides = array<i32>} : memref<96x128xf32, #tpu.memory_space<vmem>>, vector<16xf32>,
            %add3A_373 = arith.addf %get3A_367, %get3A_372 : vector<16xf32>
            %add3A_374 = arith.constant 64 : i32
            %add3A_375 = arith.addi %add3A_374, %scan3A_276 : i32
            %get3A_376 = arith.index_cast %add3A_375 : i32 to index
            %get3A_377 = arith.constant 48 : index
            %get3A_378 = tpu.vector_load %arg24[%get3A_376, %get3A_377] {strides = array<i32>} : memref<96x128xf32, #tpu.memory_space<vmem>>, vector<16xf32>,
            %add3A_379 = arith.addf %add3A_373, %get3A_378 : vector<16xf32>
            %mul3A_380 = arith.mulf %add3A_379, %mul3A_283 : vector<16xf32>
            %add3A_381 = arith.addf %get3A_364, %mul3A_380 : vector<16xf32>
            %swap3A_382 = arith.index_cast %reduce_max3A_292 : i32 to index
            %swap3A_383 = arith.constant 48 : index
            %swap3A_384 = tpu.vector_load %arg25[%swap3A_382, %swap3A_383] {strides = array<i32>} : memref<64x256xf32, #tpu.memory_space<vmem>>, vector<16xf32>,
            tpu.vector_store %arg25[%swap3A_382, %swap3A_383], %add3A_381 {strides = array<i32>} : memref<64x256xf32, #tpu.memory_space<vmem>>, vector<16xf32>,
            %get3A_385 = arith.index_cast %reduce_max3A_292 : i32 to index
            %get3A_386 = arith.constant 64 : index
            %get3A_387 = tpu.vector_load %arg25[%get3A_385, %get3A_386] {strides = array<i32>} : memref<64x256xf32, #tpu.memory_space<vmem>>, vector<16xf32>,
            %get3A_388 = arith.index_cast %scan3A_276 : i32 to index
            %get3A_389 = arith.constant 64 : index
            %get3A_390 = tpu.vector_load %arg24[%get3A_388, %get3A_389] {strides = array<i32>} : memref<96x128xf32, #tpu.memory_space<vmem>>, vector<16xf32>,
            %add3A_391 = arith.constant 32 : i32
            %add3A_392 = arith.addi %add3A_391, %scan3A_276 : i32
            %get3A_393 = arith.index_cast %add3A_392 : i32 to index
            %get3A_394 = arith.constant 64 : index
            %get3A_395 = tpu.vector_load %arg24[%get3A_393, %get3A_394] {strides = array<i32>} : memref<96x128xf32, #tpu.memory_space<vmem>>, vector<16xf32>,
            %add3A_396 = arith.addf %get3A_390, %get3A_395 : vector<16xf32>
            %add3A_397 = arith.constant 64 : i32
            %add3A_398 = arith.addi %add3A_397, %scan3A_276 : i32
            %get3A_399 = arith.index_cast %add3A_398 : i32 to index
            %get3A_400 = arith.constant 64 : index
            %get3A_401 = tpu.vector_load %arg24[%get3A_399, %get3A_400] {strides = array<i32>} : memref<96x128xf32, #tpu.memory_space<vmem>>, vector<16xf32>,
            %add3A_402 = arith.addf %add3A_396, %get3A_401 : vector<16xf32>
            %mul3A_403 = arith.mulf %add3A_402, %mul3A_283 : vector<16xf32>
            %add3A_404 = arith.addf %get3A_387, %mul3A_403 : vector<16xf32>
            %swap3A_405 = arith.index_cast %reduce_max3A_292 : i32 to index
            %swap3A_406 = arith.constant 64 : index
            %swap3A_407 = tpu.vector_load %arg25[%swap3A_405, %swap3A_406] {strides = array<i32>} : memref<64x256xf32, #tpu.memory_space<vmem>>, vector<16xf32>,
            tpu.vector_store %arg25[%swap3A_405, %swap3A_406], %add3A_404 {strides = array<i32>} : memref<64x256xf32, #tpu.memory_space<vmem>>, vector<16xf32>,
            %get3A_408 = arith.index_cast %reduce_max3A_292 : i32 to index
            %get3A_409 = arith.constant 80 : index
            %get3A_410 = tpu.vector_load %arg25[%get3A_408, %get3A_409] {strides = array<i32>} : memref<64x256xf32, #tpu.memory_space<vmem>>, vector<16xf32>,
            %get3A_411 = arith.index_cast %scan3A_276 : i32 to index
            %get3A_412 = arith.constant 80 : index
            %get3A_413 = tpu.vector_load %arg24[%get3A_411, %get3A_412] {strides = array<i32>} : memref<96x128xf32, #tpu.memory_space<vmem>>, vector<16xf32>,
            %add3A_414 = arith.constant 32 : i32
            %add3A_415 = arith.addi %add3A_414, %scan3A_276 : i32
            %get3A_416 = arith.index_cast %add3A_415 : i32 to index
            %get3A_417 = arith.constant 80 : index
            %get3A_418 = tpu.vector_load %arg24[%get3A_416, %get3A_417] {strides = array<i32>} : memref<96x128xf32, #tpu.memory_space<vmem>>, vector<16xf32>,
            %add3A_419 = arith.addf %get3A_413, %get3A_418 : vector<16xf32>
            %add3A_420 = arith.constant 64 : i32
            %add3A_421 = arith.addi %add3A_420, %scan3A_276 : i32
            %get3A_422 = arith.index_cast %add3A_421 : i32 to index
            %get3A_423 = arith.constant 80 : index
            %get3A_424 = tpu.vector_load %arg24[%get3A_422, %get3A_423] {strides = array<i32>} : memref<96x128xf32, #tpu.memory_space<vmem>>, vector<16xf32>,
            %add3A_425 = arith.addf %add3A_419, %get3A_424 : vector<16xf32>
            %mul3A_426 = arith.mulf %add3A_425, %mul3A_283 : vector<16xf32>
            %add3A_427 = arith.addf %get3A_410, %mul3A_426 : vector<16xf32>
            %swap3A_428 = arith.index_cast %reduce_max3A_292 : i32 to index
            %swap3A_429 = arith.constant 80 : index
            %swap3A_430 = tpu.vector_load %arg25[%swap3A_428, %swap3A_429] {strides = array<i32>} : memref<64x256xf32, #tpu.memory_space<vmem>>, vector<16xf32>,
            tpu.vector_store %arg25[%swap3A_428, %swap3A_429], %add3A_427 {strides = array<i32>} : memref<64x256xf32, #tpu.memory_space<vmem>>, vector<16xf32>,
            %get3A_431 = arith.index_cast %reduce_max3A_292 : i32 to index
            %get3A_432 = arith.constant 96 : index
            %get3A_433 = tpu.vector_load %arg25[%get3A_431, %get3A_432] {strides = array<i32>} : memref<64x256xf32, #tpu.memory_space<vmem>>, vector<16xf32>,
            %get3A_434 = arith.index_cast %scan3A_276 : i32 to index
            %get3A_435 = arith.constant 96 : index
            %get3A_436 = tpu.vector_load %arg24[%get3A_434, %get3A_435] {strides = array<i32>} : memref<96x128xf32, #tpu.memory_space<vmem>>, vector<16xf32>,
            %add3A_437 = arith.constant 32 : i32
            %add3A_438 = arith.addi %add3A_437, %scan3A_276 : i32
            %get3A_439 = arith.index_cast %add3A_438 : i32 to index
            %get3A_440 = arith.constant 96 : index
            %get3A_441 = tpu.vector_load %arg24[%get3A_439, %get3A_440] {strides = array<i32>} : memref<96x128xf32, #tpu.memory_space<vmem>>, vector<16xf32>,
            %add3A_442 = arith.addf %get3A_436, %get3A_441 : vector<16xf32>
            %add3A_443 = arith.constant 64 : i32
            %add3A_444 = arith.addi %add3A_443, %scan3A_276 : i32
            %get3A_445 = arith.index_cast %add3A_444 : i32 to index
            %get3A_446 = arith.constant 96 : index
            %get3A_447 = tpu.vector_load %arg24[%get3A_445, %get3A_446] {strides = array<i32>} : memref<96x128xf32, #tpu.memory_space<vmem>>, vector<16xf32>,
            %add3A_448 = arith.addf %add3A_442, %get3A_447 : vector<16xf32>
            %mul3A_449 = arith.mulf %add3A_448, %mul3A_283 : vector<16xf32>
            %add3A_450 = arith.addf %get3A_433, %mul3A_449 : vector<16xf32>
            %swap3A_451 = arith.index_cast %reduce_max3A_292 : i32 to index
            %swap3A_452 = arith.constant 96 : index
            %swap3A_453 = tpu.vector_load %arg25[%swap3A_451, %swap3A_452] {strides = array<i32>} : memref<64x256xf32, #tpu.memory_space<vmem>>, vector<16xf32>,
            tpu.vector_store %arg25[%swap3A_451, %swap3A_452], %add3A_450 {strides = array<i32>} : memref<64x256xf32, #tpu.memory_space<vmem>>, vector<16xf32>,
            %get3A_454 = arith.index_cast %reduce_max3A_292 : i32 to index
            %get3A_455 = arith.constant 112 : index
            %get3A_456 = tpu.vector_load %arg25[%get3A_454, %get3A_455] {strides = array<i32>} : memref<64x256xf32, #tpu.memory_space<vmem>>, vector<16xf32>,
            %get3A_457 = arith.index_cast %scan3A_276 : i32 to index
            %get3A_458 = arith.constant 112 : index
            %get3A_459 = tpu.vector_load %arg24[%get3A_457, %get3A_458] {strides = array<i32>} : memref<96x128xf32, #tpu.memory_space<vmem>>, vector<16xf32>,
            %add3A_460 = arith.constant 32 : i32
            %add3A_461 = arith.addi %add3A_460, %scan3A_276 : i32
            %get3A_462 = arith.index_cast %add3A_461 : i32 to index
            %get3A_463 = arith.constant 112 : index
            %get3A_464 = tpu.vector_load %arg24[%get3A_462, %get3A_463] {strides = array<i32>} : memref<96x128xf32, #tpu.memory_space<vmem>>, vector<16xf32>,
            %add3A_465 = arith.addf %get3A_459, %get3A_464 : vector<16xf32>
            %add3A_466 = arith.constant 64 : i32
            %add3A_467 = arith.addi %add3A_466, %scan3A_276 : i32
            %get3A_468 = arith.index_cast %add3A_467 : i32 to index
            %get3A_469 = arith.constant 112 : index
            %get3A_470 = tpu.vector_load %arg24[%get3A_468, %get3A_469] {strides = array<i32>} : memref<96x128xf32, #tpu.memory_space<vmem>>, vector<16xf32>,
            %add3A_471 = arith.addf %add3A_465, %get3A_470 : vector<16xf32>
            %mul3A_472 = arith.mulf %add3A_471, %mul3A_283 : vector<16xf32>
            %add3A_473 = arith.addf %get3A_456, %mul3A_472 : vector<16xf32>
            %swap3A_474 = arith.index_cast %reduce_max3A_292 : i32 to index
            %swap3A_475 = arith.constant 112 : index
            %swap3A_476 = tpu.vector_load %arg25[%swap3A_474, %swap3A_475] {strides = array<i32>} : memref<64x256xf32, #tpu.memory_space<vmem>>, vector<16xf32>,
            tpu.vector_store %arg25[%swap3A_474, %swap3A_475], %add3A_473 {strides = array<i32>} : memref<64x256xf32, #tpu.memory_space<vmem>>, vector<16xf32>,
            %get3A_477 = arith.index_cast %reduce_max3A_292 : i32 to index
            %get3A_478 = arith.constant 128 : index
            %get3A_479 = tpu.vector_load %arg25[%get3A_477, %get3A_478] {strides = array<i32>} : memref<64x256xf32, #tpu.memory_space<vmem>>, vector<16xf32>,
            %eq3A = arith.constant 0 : i32
            %eq3A_480 = vector.broadcast %eq3A : i32 to vector<16xi32>
            %eq3A_481 = arith.cmpi eq, %iota3A, %eq3A_480 : vector<16xi32>
            %jit3A_482 = arith.constant 0.000000e+00 : f32
            %broadcast_in_dim3A_483 = vector.broadcast %jit3A_482 : f32 to vector<16xf32>
            %select_n3A_484 = arith.select %eq3A_481, %gather3A, %broadcast_in_dim3A_483 : vector<16xi1>, vector<16xf32>
            %add3A_485 = arith.addf %get3A_479, %select_n3A_484 : vector<16xf32>
            %swap3A_486 = arith.index_cast %reduce_max3A_292 : i32 to index
            %swap3A_487 = arith.constant 128 : index
            %swap3A_488 = tpu.vector_load %arg25[%swap3A_486, %swap3A_487] {strides = array<i32>} : memref<64x256xf32, #tpu.memory_space<vmem>>, vector<16xf32>,
            tpu.vector_store %arg25[%swap3A_486, %swap3A_487], %add3A_485 {strides = array<i32>} : memref<64x256xf32, #tpu.memory_space<vmem>>, vector<16xf32>,
          }
          %scan3A_275 = arith.constant 32 : i32
          "tpu.trace_stop"() : () -> ()
        }
        %while3A_200 = arith.constant 1 : i32
        scf.for %while3A_201 = %while3A_198 to %while3A_194 step %while3A_200  : i32 {
          %mul3A_202 = arith.constant 32 : i32
          %mul3A_203 = arith.muli %while3A_201, %mul3A_202 : i32
          %add3A_204 = arith.constant 0 : i32
          %add3A_205 = arith.addi %mul3A_203, %add3A_204 : i32
          %get3A_206 = arith.index_cast %add3A_205 : i32 to index
          %get3A_207 = tpu.vector_load %arg15[%get3A_206] {strides = array<i32>} : memref<1056xi32, #tpu.memory_space<vmem>>, vector<16xi32>,
          %swap3A_208 = arith.constant 0 : index
          %swap3A_209 = tpu.vector_load %arg21[%swap3A_208] {strides = array<i32>} : memref<96xi32, #tpu.memory_space<vmem>>, vector<16xi32>,
          tpu.vector_store %arg21[%swap3A_208], %get3A_207 {strides = array<i32>} : memref<96xi32, #tpu.memory_space<vmem>>, vector<16xi32>,
          %add3A_210 = arith.constant 0 : i32
          %add3A_211 = arith.addi %mul3A_203, %add3A_210 : i32
          %get3A_212 = arith.index_cast %add3A_211 : i32 to index
          %get3A_213 = tpu.vector_load %arg16[%get3A_212] {strides = array<i32>} : memref<1056xi32, #tpu.memory_space<vmem>>, vector<16xi32>,
          %swap3A_214 = arith.constant 32 : index
          %swap3A_215 = tpu.vector_load %arg21[%swap3A_214] {strides = array<i32>} : memref<96xi32, #tpu.memory_space<vmem>>, vector<16xi32>,
          tpu.vector_store %arg21[%swap3A_214], %get3A_213 {strides = array<i32>} : memref<96xi32, #tpu.memory_space<vmem>>, vector<16xi32>,
          %add3A_216 = arith.constant 0 : i32
          %add3A_217 = arith.addi %mul3A_203, %add3A_216 : i32
          %get3A_218 = arith.index_cast %add3A_217 : i32 to index
          %get3A_219 = tpu.vector_load %arg17[%get3A_218] {strides = array<i32>} : memref<1056xi32, #tpu.memory_space<vmem>>, vector<16xi32>,
          %swap3A_220 = arith.constant 64 : index
          %swap3A_221 = tpu.vector_load %arg21[%swap3A_220] {strides = array<i32>} : memref<96xi32, #tpu.memory_space<vmem>>, vector<16xi32>,
          tpu.vector_store %arg21[%swap3A_220], %get3A_219 {strides = array<i32>} : memref<96xi32, #tpu.memory_space<vmem>>, vector<16xi32>,
          %add3A_222 = arith.constant 0 : i32
          %add3A_223 = arith.addi %mul3A_203, %add3A_222 : i32
          %get3A_224 = arith.index_cast %add3A_223 : i32 to index
          %get3A_225 = tpu.vector_load %arg19[%get3A_224] {strides = array<i32>} : memref<1056xf32, #tpu.memory_space<vmem>>, vector<16xf32>,
          %swap3A_226 = arith.constant 0 : index
          %swap3A_227 = tpu.vector_load %arg22[%swap3A_226] {strides = array<i32>} : memref<32xf32, #tpu.memory_space<vmem>>, vector<16xf32>,
          tpu.vector_store %arg22[%swap3A_226], %get3A_225 {strides = array<i32>} : memref<32xf32, #tpu.memory_space<vmem>>, vector<16xf32>,
          %add3A_228 = arith.constant 0 : i32
          %add3A_229 = arith.addi %mul3A_203, %add3A_228 : i32
          %get3A_230 = arith.index_cast %add3A_229 : i32 to index
          %get3A_231 = tpu.vector_load %arg18[%get3A_230] {strides = array<i32>} : memref<1056xi32, #tpu.memory_space<vmem>>, vector<16xi32>,
          %swap3A_232 = arith.constant 0 : index
          %swap3A_233 = tpu.vector_load %arg23[%swap3A_232] {strides = array<i32>} : memref<32xi32, #tpu.memory_space<vmem>>, vector<16xi32>,
          tpu.vector_store %arg23[%swap3A_232], %get3A_231 {strides = array<i32>} : memref<32xi32, #tpu.memory_space<vmem>>, vector<16xi32>,
          %add3A_234 = arith.constant 16 : i32
          %add3A_235 = arith.addi %mul3A_203, %add3A_234 : i32
          %get3A_236 = arith.index_cast %add3A_235 : i32 to index
          %get3A_237 = tpu.vector_load %arg15[%get3A_236] {strides = array<i32>} : memref<1056xi32, #tpu.memory_space<vmem>>, vector<16xi32>,
          %swap3A_238 = arith.constant 16 : index
          %swap3A_239 = tpu.vector_load %arg21[%swap3A_238] {strides = array<i32>} : memref<96xi32, #tpu.memory_space<vmem>>, vector<16xi32>,
          tpu.vector_store %arg21[%swap3A_238], %get3A_237 {strides = array<i32>} : memref<96xi32, #tpu.memory_space<vmem>>, vector<16xi32>,
          %add3A_240 = arith.constant 16 : i32
          %add3A_241 = arith.addi %mul3A_203, %add3A_240 : i32
          %get3A_242 = arith.index_cast %add3A_241 : i32 to index
          %get3A_243 = tpu.vector_load %arg16[%get3A_242] {strides = array<i32>} : memref<1056xi32, #tpu.memory_space<vmem>>, vector<16xi32>,
          %swap3A_244 = arith.constant 48 : index
          %swap3A_245 = tpu.vector_load %arg21[%swap3A_244] {strides = array<i32>} : memref<96xi32, #tpu.memory_space<vmem>>, vector<16xi32>,
          tpu.vector_store %arg21[%swap3A_244], %get3A_243 {strides = array<i32>} : memref<96xi32, #tpu.memory_space<vmem>>, vector<16xi32>,
          %add3A_246 = arith.constant 16 : i32
          %add3A_247 = arith.addi %mul3A_203, %add3A_246 : i32
          %get3A_248 = arith.index_cast %add3A_247 : i32 to index
          %get3A_249 = tpu.vector_load %arg17[%get3A_248] {strides = array<i32>} : memref<1056xi32, #tpu.memory_space<vmem>>, vector<16xi32>,
          %swap3A_250 = arith.constant 80 : index
          %swap3A_251 = tpu.vector_load %arg21[%swap3A_250] {strides = array<i32>} : memref<96xi32, #tpu.memory_space<vmem>>, vector<16xi32>,
          tpu.vector_store %arg21[%swap3A_250], %get3A_249 {strides = array<i32>} : memref<96xi32, #tpu.memory_space<vmem>>, vector<16xi32>,
          %add3A_252 = arith.constant 16 : i32
          %add3A_253 = arith.addi %mul3A_203, %add3A_252 : i32
          %get3A_254 = arith.index_cast %add3A_253 : i32 to index
          %get3A_255 = tpu.vector_load %arg19[%get3A_254] {strides = array<i32>} : memref<1056xf32, #tpu.memory_space<vmem>>, vector<16xf32>,
          %swap3A_256 = arith.constant 16 : index
          %swap3A_257 = tpu.vector_load %arg22[%swap3A_256] {strides = array<i32>} : memref<32xf32, #tpu.memory_space<vmem>>, vector<16xf32>,
          tpu.vector_store %arg22[%swap3A_256], %get3A_255 {strides = array<i32>} : memref<32xf32, #tpu.memory_space<vmem>>, vector<16xf32>,
          %add3A_258 = arith.constant 16 : i32
          %add3A_259 = arith.addi %mul3A_203, %add3A_258 : i32
          %get3A_260 = arith.index_cast %add3A_259 : i32 to index
          %get3A_261 = tpu.vector_load %arg18[%get3A_260] {strides = array<i32>} : memref<1056xi32, #tpu.memory_space<vmem>>, vector<16xi32>,
          %swap3A_262 = arith.constant 16 : index
          %swap3A_263 = tpu.vector_load %arg23[%swap3A_262] {strides = array<i32>} : memref<32xi32, #tpu.memory_space<vmem>>, vector<16xi32>,
          tpu.vector_store %arg23[%swap3A_262], %get3A_261 {strides = array<i32>} : memref<32xi32, #tpu.memory_space<vmem>>, vector<16xi32>,
          "tpu.trace_start"() <{level = 10 : i32, message = "b_gath"}> : () -> ()
          %dma_start3A_264 = arith.constant 0 : i32
          %dma_start3A_265 = arith.constant 0 : i32
          %dma_start3A_266 = tpu.memref_slice %arg26[%dma_start3A_264, %dma_start3A_265] : memref<10000x128xf32, #tpu.memory_space<vmem_shared>> -> memref<10000x128xf32, #tpu.memory_space<vmem_shared>>
          tpu.enqueue_indirect_dma source(%dma_start3A_266 : memref<10000x128xf32, #tpu.memory_space<vmem_shared>>) target(%arg24 : memref<96x128xf32, #tpu.memory_space<vmem>>) offsets(%arg21 : memref<96xi32, #tpu.memory_space<vmem>>) semaphore(%arg27 : memref<!tpu.dma_semaphore, #tpu.memory_space<semaphore_mem>>)
          %dma_wait3A_267 = arith.constant 0 : i32
          %dma_wait3A_268 = arith.constant 0 : i32
          %dma_wait3A_269 = tpu.memref_slice %arg26[%dma_wait3A_267, %dma_wait3A_268] : memref<10000x128xf32, #tpu.memory_space<vmem_shared>> -> memref<10000x128xf32, #tpu.memory_space<vmem_shared>>
          tpu.wait_indirect_dma semaphore(%arg27 : memref<!tpu.dma_semaphore, #tpu.memory_space<semaphore_mem>>) src(%dma_wait3A_269 : memref<10000x128xf32, #tpu.memory_space<vmem_shared>>) dst(%arg24 : memref<96x128xf32, #tpu.memory_space<vmem>>)
          "tpu.trace_stop"() : () -> ()
          "tpu.trace_start"() <{level = 10 : i32, message = "b_rmw"}> : () -> ()
          %scan3A_270 = arith.constant 0 : i32
          %scan3A_271 = arith.constant 0 : i32
          %scan3A_272 = arith.constant 32 : i32
          %scan3A_273 = arith.addi %scan3A_271, %scan3A_272 : i32
          %scan3A_274 = arith.constant 1 : i32
          scf.for %scan3A_276 = %scan3A_271 to %scan3A_273 step %scan3A_274  : i32 {
            %broadcast_in_dim3A_277 = arith.constant 1 : i32
            %broadcast_in_dim3A_278 = vector.broadcast %broadcast_in_dim3A_277 : i32 to vector<16xi32>
            %mul3A_279 = vector.broadcast %scan3A_276 : i32 to vector<16xi32>
            %mul3A_280 = arith.muli %broadcast_in_dim3A_278, %mul3A_279 : vector<16xi32>
            %gather3A = tpu.vector_load_idx %arg22[%mul3A_280] : memref<32xf32, #tpu.memory_space<vmem>>[vector<16xi32>], vector<16xf32>,
            %mul3A_281 = arith.constant 0.333333343 : f32
            %mul3A_282 = vector.broadcast %mul3A_281 : f32 to vector<16xf32>
            %mul3A_283 = arith.mulf %gather3A, %mul3A_282 : vector<16xf32>
            %gather3A_284 = tpu.vector_load_idx %arg23[%mul3A_280] : memref<32xi32, #tpu.memory_space<vmem>>[vector<16xi32>], vector<16xi32>,
            %reduce_max3A_285 = arith.constant true
            %reduce_max3A_286 = vector.broadcast %reduce_max3A_285 : i1 to vector<16xi1>
            %reduce_max3A_287 = arith.constant -2147483648 : i32
            %reduce_max3A_288 = vector.broadcast %reduce_max3A_287 : i32 to vector<16xi32>
            %reduce_max3A_289 = arith.xori %gather3A_284, %reduce_max3A_288 : vector<16xi32>
            %reduce_max3A_290 = tpu.scan <max>, %reduce_max3A_289 masked %reduce_max3A_286 : vector<16xi32>, vector<16xi1> -> vector<16xi32>
            %reduce_max3A_291 = arith.xori %reduce_max3A_290, %reduce_max3A_288 : vector<16xi32>
            %reduce_max3A_292 = vector.extract %reduce_max3A_291[15] : i32 from vector<16xi32>
            %get3A_293 = arith.index_cast %reduce_max3A_292 : i32 to index
            %get3A_294 = arith.constant 0 : index
            %get3A_295 = tpu.vector_load %arg25[%get3A_293, %get3A_294] {strides = array<i32>} : memref<64x256xf32, #tpu.memory_space<vmem>>, vector<16xf32>,
            %get3A_296 = arith.index_cast %scan3A_276 : i32 to index
            %get3A_297 = arith.constant 0 : index
            %get3A_298 = tpu.vector_load %arg24[%get3A_296, %get3A_297] {strides = array<i32>} : memref<96x128xf32, #tpu.memory_space<vmem>>, vector<16xf32>,
            %add3A_299 = arith.constant 32 : i32
            %add3A_300 = arith.addi %add3A_299, %scan3A_276 : i32
            %get3A_301 = arith.index_cast %add3A_300 : i32 to index
            %get3A_302 = arith.constant 0 : index
            %get3A_303 = tpu.vector_load %arg24[%get3A_301, %get3A_302] {strides = array<i32>} : memref<96x128xf32, #tpu.memory_space<vmem>>, vector<16xf32>,
            %add3A_304 = arith.addf %get3A_298, %get3A_303 : vector<16xf32>
            %add3A_305 = arith.constant 64 : i32
            %add3A_306 = arith.addi %add3A_305, %scan3A_276 : i32
            %get3A_307 = arith.index_cast %add3A_306 : i32 to index
            %get3A_308 = arith.constant 0 : index
            %get3A_309 = tpu.vector_load %arg24[%get3A_307, %get3A_308] {strides = array<i32>} : memref<96x128xf32, #tpu.memory_space<vmem>>, vector<16xf32>,
            %add3A_310 = arith.addf %add3A_304, %get3A_309 : vector<16xf32>
            %mul3A_311 = arith.mulf %add3A_310, %mul3A_283 : vector<16xf32>
            %add3A_312 = arith.addf %get3A_295, %mul3A_311 : vector<16xf32>
            %swap3A_313 = arith.index_cast %reduce_max3A_292 : i32 to index
            %swap3A_314 = arith.constant 0 : index
            %swap3A_315 = tpu.vector_load %arg25[%swap3A_313, %swap3A_314] {strides = array<i32>} : memref<64x256xf32, #tpu.memory_space<vmem>>, vector<16xf32>,
            tpu.vector_store %arg25[%swap3A_313, %swap3A_314], %add3A_312 {strides = array<i32>} : memref<64x256xf32, #tpu.memory_space<vmem>>, vector<16xf32>,
            %get3A_316 = arith.index_cast %reduce_max3A_292 : i32 to index
            %get3A_317 = arith.constant 16 : index
            %get3A_318 = tpu.vector_load %arg25[%get3A_316, %get3A_317] {strides = array<i32>} : memref<64x256xf32, #tpu.memory_space<vmem>>, vector<16xf32>,
            %get3A_319 = arith.index_cast %scan3A_276 : i32 to index
            %get3A_320 = arith.constant 16 : index
            %get3A_321 = tpu.vector_load %arg24[%get3A_319, %get3A_320] {strides = array<i32>} : memref<96x128xf32, #tpu.memory_space<vmem>>, vector<16xf32>,
            %add3A_322 = arith.constant 32 : i32
            %add3A_323 = arith.addi %add3A_322, %scan3A_276 : i32
            %get3A_324 = arith.index_cast %add3A_323 : i32 to index
            %get3A_325 = arith.constant 16 : index
            %get3A_326 = tpu.vector_load %arg24[%get3A_324, %get3A_325] {strides = array<i32>} : memref<96x128xf32, #tpu.memory_space<vmem>>, vector<16xf32>,
            %add3A_327 = arith.addf %get3A_321, %get3A_326 : vector<16xf32>
            %add3A_328 = arith.constant 64 : i32
            %add3A_329 = arith.addi %add3A_328, %scan3A_276 : i32
            %get3A_330 = arith.index_cast %add3A_329 : i32 to index
            %get3A_331 = arith.constant 16 : index
            %get3A_332 = tpu.vector_load %arg24[%get3A_330, %get3A_331] {strides = array<i32>} : memref<96x128xf32, #tpu.memory_space<vmem>>, vector<16xf32>,
            %add3A_333 = arith.addf %add3A_327, %get3A_332 : vector<16xf32>
            %mul3A_334 = arith.mulf %add3A_333, %mul3A_283 : vector<16xf32>
            %add3A_335 = arith.addf %get3A_318, %mul3A_334 : vector<16xf32>
            %swap3A_336 = arith.index_cast %reduce_max3A_292 : i32 to index
            %swap3A_337 = arith.constant 16 : index
            %swap3A_338 = tpu.vector_load %arg25[%swap3A_336, %swap3A_337] {strides = array<i32>} : memref<64x256xf32, #tpu.memory_space<vmem>>, vector<16xf32>,
            tpu.vector_store %arg25[%swap3A_336, %swap3A_337], %add3A_335 {strides = array<i32>} : memref<64x256xf32, #tpu.memory_space<vmem>>, vector<16xf32>,
            %get3A_339 = arith.index_cast %reduce_max3A_292 : i32 to index
            %get3A_340 = arith.constant 32 : index
            %get3A_341 = tpu.vector_load %arg25[%get3A_339, %get3A_340] {strides = array<i32>} : memref<64x256xf32, #tpu.memory_space<vmem>>, vector<16xf32>,
            %get3A_342 = arith.index_cast %scan3A_276 : i32 to index
            %get3A_343 = arith.constant 32 : index
            %get3A_344 = tpu.vector_load %arg24[%get3A_342, %get3A_343] {strides = array<i32>} : memref<96x128xf32, #tpu.memory_space<vmem>>, vector<16xf32>,
            %add3A_345 = arith.constant 32 : i32
            %add3A_346 = arith.addi %add3A_345, %scan3A_276 : i32
            %get3A_347 = arith.index_cast %add3A_346 : i32 to index
            %get3A_348 = arith.constant 32 : index
            %get3A_349 = tpu.vector_load %arg24[%get3A_347, %get3A_348] {strides = array<i32>} : memref<96x128xf32, #tpu.memory_space<vmem>>, vector<16xf32>,
            %add3A_350 = arith.addf %get3A_344, %get3A_349 : vector<16xf32>
            %add3A_351 = arith.constant 64 : i32
            %add3A_352 = arith.addi %add3A_351, %scan3A_276 : i32
            %get3A_353 = arith.index_cast %add3A_352 : i32 to index
            %get3A_354 = arith.constant 32 : index
            %get3A_355 = tpu.vector_load %arg24[%get3A_353, %get3A_354] {strides = array<i32>} : memref<96x128xf32, #tpu.memory_space<vmem>>, vector<16xf32>,
            %add3A_356 = arith.addf %add3A_350, %get3A_355 : vector<16xf32>
            %mul3A_357 = arith.mulf %add3A_356, %mul3A_283 : vector<16xf32>
            %add3A_358 = arith.addf %get3A_341, %mul3A_357 : vector<16xf32>
            %swap3A_359 = arith.index_cast %reduce_max3A_292 : i32 to index
            %swap3A_360 = arith.constant 32 : index
            %swap3A_361 = tpu.vector_load %arg25[%swap3A_359, %swap3A_360] {strides = array<i32>} : memref<64x256xf32, #tpu.memory_space<vmem>>, vector<16xf32>,
            tpu.vector_store %arg25[%swap3A_359, %swap3A_360], %add3A_358 {strides = array<i32>} : memref<64x256xf32, #tpu.memory_space<vmem>>, vector<16xf32>,
            %get3A_362 = arith.index_cast %reduce_max3A_292 : i32 to index
            %get3A_363 = arith.constant 48 : index
            %get3A_364 = tpu.vector_load %arg25[%get3A_362, %get3A_363] {strides = array<i32>} : memref<64x256xf32, #tpu.memory_space<vmem>>, vector<16xf32>,
            %get3A_365 = arith.index_cast %scan3A_276 : i32 to index
            %get3A_366 = arith.constant 48 : index
            %get3A_367 = tpu.vector_load %arg24[%get3A_365, %get3A_366] {strides = array<i32>} : memref<96x128xf32, #tpu.memory_space<vmem>>, vector<16xf32>,
            %add3A_368 = arith.constant 32 : i32
            %add3A_369 = arith.addi %add3A_368, %scan3A_276 : i32
            %get3A_370 = arith.index_cast %add3A_369 : i32 to index
            %get3A_371 = arith.constant 48 : index
            %get3A_372 = tpu.vector_load %arg24[%get3A_370, %get3A_371] {strides = array<i32>} : memref<96x128xf32, #tpu.memory_space<vmem>>, vector<16xf32>,
            %add3A_373 = arith.addf %get3A_367, %get3A_372 : vector<16xf32>
            %add3A_374 = arith.constant 64 : i32
            %add3A_375 = arith.addi %add3A_374, %scan3A_276 : i32
            %get3A_376 = arith.index_cast %add3A_375 : i32 to index
            %get3A_377 = arith.constant 48 : index
            %get3A_378 = tpu.vector_load %arg24[%get3A_376, %get3A_377] {strides = array<i32>} : memref<96x128xf32, #tpu.memory_space<vmem>>, vector<16xf32>,
            %add3A_379 = arith.addf %add3A_373, %get3A_378 : vector<16xf32>
            %mul3A_380 = arith.mulf %add3A_379, %mul3A_283 : vector<16xf32>
            %add3A_381 = arith.addf %get3A_364, %mul3A_380 : vector<16xf32>
            %swap3A_382 = arith.index_cast %reduce_max3A_292 : i32 to index
            %swap3A_383 = arith.constant 48 : index
            %swap3A_384 = tpu.vector_load %arg25[%swap3A_382, %swap3A_383] {strides = array<i32>} : memref<64x256xf32, #tpu.memory_space<vmem>>, vector<16xf32>,
            tpu.vector_store %arg25[%swap3A_382, %swap3A_383], %add3A_381 {strides = array<i32>} : memref<64x256xf32, #tpu.memory_space<vmem>>, vector<16xf32>,
            %get3A_385 = arith.index_cast %reduce_max3A_292 : i32 to index
            %get3A_386 = arith.constant 64 : index
            %get3A_387 = tpu.vector_load %arg25[%get3A_385, %get3A_386] {strides = array<i32>} : memref<64x256xf32, #tpu.memory_space<vmem>>, vector<16xf32>,
            %get3A_388 = arith.index_cast %scan3A_276 : i32 to index
            %get3A_389 = arith.constant 64 : index
            %get3A_390 = tpu.vector_load %arg24[%get3A_388, %get3A_389] {strides = array<i32>} : memref<96x128xf32, #tpu.memory_space<vmem>>, vector<16xf32>,
            %add3A_391 = arith.constant 32 : i32
            %add3A_392 = arith.addi %add3A_391, %scan3A_276 : i32
            %get3A_393 = arith.index_cast %add3A_392 : i32 to index
            %get3A_394 = arith.constant 64 : index
            %get3A_395 = tpu.vector_load %arg24[%get3A_393, %get3A_394] {strides = array<i32>} : memref<96x128xf32, #tpu.memory_space<vmem>>, vector<16xf32>,
            %add3A_396 = arith.addf %get3A_390, %get3A_395 : vector<16xf32>
            %add3A_397 = arith.constant 64 : i32
            %add3A_398 = arith.addi %add3A_397, %scan3A_276 : i32
            %get3A_399 = arith.index_cast %add3A_398 : i32 to index
            %get3A_400 = arith.constant 64 : index
            %get3A_401 = tpu.vector_load %arg24[%get3A_399, %get3A_400] {strides = array<i32>} : memref<96x128xf32, #tpu.memory_space<vmem>>, vector<16xf32>,
            %add3A_402 = arith.addf %add3A_396, %get3A_401 : vector<16xf32>
            %mul3A_403 = arith.mulf %add3A_402, %mul3A_283 : vector<16xf32>
            %add3A_404 = arith.addf %get3A_387, %mul3A_403 : vector<16xf32>
            %swap3A_405 = arith.index_cast %reduce_max3A_292 : i32 to index
            %swap3A_406 = arith.constant 64 : index
            %swap3A_407 = tpu.vector_load %arg25[%swap3A_405, %swap3A_406] {strides = array<i32>} : memref<64x256xf32, #tpu.memory_space<vmem>>, vector<16xf32>,
            tpu.vector_store %arg25[%swap3A_405, %swap3A_406], %add3A_404 {strides = array<i32>} : memref<64x256xf32, #tpu.memory_space<vmem>>, vector<16xf32>,
            %get3A_408 = arith.index_cast %reduce_max3A_292 : i32 to index
            %get3A_409 = arith.constant 80 : index
            %get3A_410 = tpu.vector_load %arg25[%get3A_408, %get3A_409] {strides = array<i32>} : memref<64x256xf32, #tpu.memory_space<vmem>>, vector<16xf32>,
            %get3A_411 = arith.index_cast %scan3A_276 : i32 to index
            %get3A_412 = arith.constant 80 : index
            %get3A_413 = tpu.vector_load %arg24[%get3A_411, %get3A_412] {strides = array<i32>} : memref<96x128xf32, #tpu.memory_space<vmem>>, vector<16xf32>,
            %add3A_414 = arith.constant 32 : i32
            %add3A_415 = arith.addi %add3A_414, %scan3A_276 : i32
            %get3A_416 = arith.index_cast %add3A_415 : i32 to index
            %get3A_417 = arith.constant 80 : index
            %get3A_418 = tpu.vector_load %arg24[%get3A_416, %get3A_417] {strides = array<i32>} : memref<96x128xf32, #tpu.memory_space<vmem>>, vector<16xf32>,
            %add3A_419 = arith.addf %get3A_413, %get3A_418 : vector<16xf32>
            %add3A_420 = arith.constant 64 : i32
            %add3A_421 = arith.addi %add3A_420, %scan3A_276 : i32
            %get3A_422 = arith.index_cast %add3A_421 : i32 to index
            %get3A_423 = arith.constant 80 : index
            %get3A_424 = tpu.vector_load %arg24[%get3A_422, %get3A_423] {strides = array<i32>} : memref<96x128xf32, #tpu.memory_space<vmem>>, vector<16xf32>,
            %add3A_425 = arith.addf %add3A_419, %get3A_424 : vector<16xf32>
            %mul3A_426 = arith.mulf %add3A_425, %mul3A_283 : vector<16xf32>
            %add3A_427 = arith.addf %get3A_410, %mul3A_426 : vector<16xf32>
            %swap3A_428 = arith.index_cast %reduce_max3A_292 : i32 to index
            %swap3A_429 = arith.constant 80 : index
            %swap3A_430 = tpu.vector_load %arg25[%swap3A_428, %swap3A_429] {strides = array<i32>} : memref<64x256xf32, #tpu.memory_space<vmem>>, vector<16xf32>,
            tpu.vector_store %arg25[%swap3A_428, %swap3A_429], %add3A_427 {strides = array<i32>} : memref<64x256xf32, #tpu.memory_space<vmem>>, vector<16xf32>,
            %get3A_431 = arith.index_cast %reduce_max3A_292 : i32 to index
            %get3A_432 = arith.constant 96 : index
            %get3A_433 = tpu.vector_load %arg25[%get3A_431, %get3A_432] {strides = array<i32>} : memref<64x256xf32, #tpu.memory_space<vmem>>, vector<16xf32>,
            %get3A_434 = arith.index_cast %scan3A_276 : i32 to index
            %get3A_435 = arith.constant 96 : index
            %get3A_436 = tpu.vector_load %arg24[%get3A_434, %get3A_435] {strides = array<i32>} : memref<96x128xf32, #tpu.memory_space<vmem>>, vector<16xf32>,
            %add3A_437 = arith.constant 32 : i32
            %add3A_438 = arith.addi %add3A_437, %scan3A_276 : i32
            %get3A_439 = arith.index_cast %add3A_438 : i32 to index
            %get3A_440 = arith.constant 96 : index
            %get3A_441 = tpu.vector_load %arg24[%get3A_439, %get3A_440] {strides = array<i32>} : memref<96x128xf32, #tpu.memory_space<vmem>>, vector<16xf32>,
            %add3A_442 = arith.addf %get3A_436, %get3A_441 : vector<16xf32>
            %add3A_443 = arith.constant 64 : i32
            %add3A_444 = arith.addi %add3A_443, %scan3A_276 : i32
            %get3A_445 = arith.index_cast %add3A_444 : i32 to index
            %get3A_446 = arith.constant 96 : index
            %get3A_447 = tpu.vector_load %arg24[%get3A_445, %get3A_446] {strides = array<i32>} : memref<96x128xf32, #tpu.memory_space<vmem>>, vector<16xf32>,
            %add3A_448 = arith.addf %add3A_442, %get3A_447 : vector<16xf32>
            %mul3A_449 = arith.mulf %add3A_448, %mul3A_283 : vector<16xf32>
            %add3A_450 = arith.addf %get3A_433, %mul3A_449 : vector<16xf32>
            %swap3A_451 = arith.index_cast %reduce_max3A_292 : i32 to index
            %swap3A_452 = arith.constant 96 : index
            %swap3A_453 = tpu.vector_load %arg25[%swap3A_451, %swap3A_452] {strides = array<i32>} : memref<64x256xf32, #tpu.memory_space<vmem>>, vector<16xf32>,
            tpu.vector_store %arg25[%swap3A_451, %swap3A_452], %add3A_450 {strides = array<i32>} : memref<64x256xf32, #tpu.memory_space<vmem>>, vector<16xf32>,
            %get3A_454 = arith.index_cast %reduce_max3A_292 : i32 to index
            %get3A_455 = arith.constant 112 : index
            %get3A_456 = tpu.vector_load %arg25[%get3A_454, %get3A_455] {strides = array<i32>} : memref<64x256xf32, #tpu.memory_space<vmem>>, vector<16xf32>,
            %get3A_457 = arith.index_cast %scan3A_276 : i32 to index
            %get3A_458 = arith.constant 112 : index
            %get3A_459 = tpu.vector_load %arg24[%get3A_457, %get3A_458] {strides = array<i32>} : memref<96x128xf32, #tpu.memory_space<vmem>>, vector<16xf32>,
            %add3A_460 = arith.constant 32 : i32
            %add3A_461 = arith.addi %add3A_460, %scan3A_276 : i32
            %get3A_462 = arith.index_cast %add3A_461 : i32 to index
            %get3A_463 = arith.constant 112 : index
            %get3A_464 = tpu.vector_load %arg24[%get3A_462, %get3A_463] {strides = array<i32>} : memref<96x128xf32, #tpu.memory_space<vmem>>, vector<16xf32>,
            %add3A_465 = arith.addf %get3A_459, %get3A_464 : vector<16xf32>
            %add3A_466 = arith.constant 64 : i32
            %add3A_467 = arith.addi %add3A_466, %scan3A_276 : i32
            %get3A_468 = arith.index_cast %add3A_467 : i32 to index
            %get3A_469 = arith.constant 112 : index
            %get3A_470 = tpu.vector_load %arg24[%get3A_468, %get3A_469] {strides = array<i32>} : memref<96x128xf32, #tpu.memory_space<vmem>>, vector<16xf32>,
            %add3A_471 = arith.addf %add3A_465, %get3A_470 : vector<16xf32>
            %mul3A_472 = arith.mulf %add3A_471, %mul3A_283 : vector<16xf32>
            %add3A_473 = arith.addf %get3A_456, %mul3A_472 : vector<16xf32>
            %swap3A_474 = arith.index_cast %reduce_max3A_292 : i32 to index
            %swap3A_475 = arith.constant 112 : index
            %swap3A_476 = tpu.vector_load %arg25[%swap3A_474, %swap3A_475] {strides = array<i32>} : memref<64x256xf32, #tpu.memory_space<vmem>>, vector<16xf32>,
            tpu.vector_store %arg25[%swap3A_474, %swap3A_475], %add3A_473 {strides = array<i32>} : memref<64x256xf32, #tpu.memory_space<vmem>>, vector<16xf32>,
            %get3A_477 = arith.index_cast %reduce_max3A_292 : i32 to index
            %get3A_478 = arith.constant 128 : index
            %get3A_479 = tpu.vector_load %arg25[%get3A_477, %get3A_478] {strides = array<i32>} : memref<64x256xf32, #tpu.memory_space<vmem>>, vector<16xf32>,
            %eq3A = arith.constant 0 : i32
            %eq3A_480 = vector.broadcast %eq3A : i32 to vector<16xi32>
            %eq3A_481 = arith.cmpi eq, %iota3A, %eq3A_480 : vector<16xi32>
            %jit3A_482 = arith.constant 0.000000e+00 : f32
            %broadcast_in_dim3A_483 = vector.broadcast %jit3A_482 : f32 to vector<16xf32>
            %select_n3A_484 = arith.select %eq3A_481, %gather3A, %broadcast_in_dim3A_483 : vector<16xi1>, vector<16xf32>
            %add3A_485 = arith.addf %get3A_479, %select_n3A_484 : vector<16xf32>
            %swap3A_486 = arith.index_cast %reduce_max3A_292 : i32 to index
            %swap3A_487 = arith.constant 128 : index
            %swap3A_488 = tpu.vector_load %arg25[%swap3A_486, %swap3A_487] {strides = array<i32>} : memref<64x256xf32, #tpu.memory_space<vmem>>, vector<16xf32>,
            tpu.vector_store %arg25[%swap3A_486, %swap3A_487], %add3A_485 {strides = array<i32>} : memref<64x256xf32, #tpu.memory_space<vmem>>, vector<16xf32>,
          }
          %scan3A_275 = arith.constant 32 : i32
          "tpu.trace_stop"() : () -> ()
        }
      }
      %while3A_57 = arith.constant 1 : i32
      scf.for %while3A_58 = %while3A_55 to %while3A_51 step %while3A_57  : i32 {
        %mul3A_59 = arith.constant 10240 : i32
        %mul3A_60 = arith.muli %scan3A_19, %mul3A_59 : i32
        %mul3A_61 = arith.constant 1024 : i32
        %mul3A_62 = arith.muli %while3A_58, %mul3A_61 : i32
        %add3A_63 = arith.addi %mul3A_60, %mul3A_62 : i32
        %multiple_of3A = tpu.assume_multiple %add3A_63, 128 : i32
        %dma_start3A = tpu.memref_slice %arg6[%multiple_of3A] : memref<327680xi32, #tpu.memory_space<hbm>> -> memref<1024xi32, #tpu.memory_space<hbm>>
        %dma_start3A_64 = tpu.memref_slice %arg6[%multiple_of3A] : memref<327680xi32, #tpu.memory_space<hbm>> -> memref<1024xi32, #tpu.memory_space<hbm>>
        tpu.enqueue_dma source(%dma_start3A_64 : memref<1024xi32, #tpu.memory_space<hbm>>) target(%arg10 : memref<1024xi32, #tpu.memory_space<vmem>>) target_semaphore(%arg27 : memref<!tpu.dma_semaphore, #tpu.memory_space<semaphore_mem>>)
        %dma_start3A_65 = tpu.memref_slice %arg7[%multiple_of3A] : memref<327680xf32, #tpu.memory_space<hbm>> -> memref<1024xf32, #tpu.memory_space<hbm>>
        %dma_start3A_66 = tpu.memref_slice %arg7[%multiple_of3A] : memref<327680xf32, #tpu.memory_space<hbm>> -> memref<1024xf32, #tpu.memory_space<hbm>>
        tpu.enqueue_dma source(%dma_start3A_66 : memref<1024xf32, #tpu.memory_space<hbm>>) target(%arg11 : memref<1024xf32, #tpu.memory_space<vmem>>) target_semaphore(%arg27 : memref<!tpu.dma_semaphore, #tpu.memory_space<semaphore_mem>>)
        %dma_start3A_67 = tpu.memref_slice %arg3[%multiple_of3A] : memref<327680xi32, #tpu.memory_space<hbm>> -> memref<1024xi32, #tpu.memory_space<hbm>>
        %dma_start3A_68 = tpu.memref_slice %arg3[%multiple_of3A] : memref<327680xi32, #tpu.memory_space<hbm>> -> memref<1024xi32, #tpu.memory_space<hbm>>
        tpu.enqueue_dma source(%dma_start3A_68 : memref<1024xi32, #tpu.memory_space<hbm>>) target(%arg12 : memref<1024xi32, #tpu.memory_space<vmem>>) target_semaphore(%arg27 : memref<!tpu.dma_semaphore, #tpu.memory_space<semaphore_mem>>)
        %dma_start3A_69 = tpu.memref_slice %arg4[%multiple_of3A] : memref<327680xi32, #tpu.memory_space<hbm>> -> memref<1024xi32, #tpu.memory_space<hbm>>
        %dma_start3A_70 = tpu.memref_slice %arg4[%multiple_of3A] : memref<327680xi32, #tpu.memory_space<hbm>> -> memref<1024xi32, #tpu.memory_space<hbm>>
        tpu.enqueue_dma source(%dma_start3A_70 : memref<1024xi32, #tpu.memory_space<hbm>>) target(%arg13 : memref<1024xi32, #tpu.memory_space<vmem>>) target_semaphore(%arg27 : memref<!tpu.dma_semaphore, #tpu.memory_space<semaphore_mem>>)
        %dma_start3A_71 = tpu.memref_slice %arg5[%multiple_of3A] : memref<327680xi32, #tpu.memory_space<hbm>> -> memref<1024xi32, #tpu.memory_space<hbm>>
        %dma_start3A_72 = tpu.memref_slice %arg5[%multiple_of3A] : memref<327680xi32, #tpu.memory_space<hbm>> -> memref<1024xi32, #tpu.memory_space<hbm>>
        tpu.enqueue_dma source(%dma_start3A_72 : memref<1024xi32, #tpu.memory_space<hbm>>) target(%arg14 : memref<1024xi32, #tpu.memory_space<vmem>>) target_semaphore(%arg27 : memref<!tpu.dma_semaphore, #tpu.memory_space<semaphore_mem>>)
        %dma_wait3A = tpu.memref_slice %arg6[%multiple_of3A] : memref<327680xi32, #tpu.memory_space<hbm>> -> memref<1024xi32, #tpu.memory_space<hbm>>
        %dma_wait3A_73 = tpu.memref_slice %arg6[%multiple_of3A] : memref<327680xi32, #tpu.memory_space<hbm>> -> memref<1024xi32, #tpu.memory_space<hbm>>
        tpu.wait_dma2 semaphore(%arg27 : memref<!tpu.dma_semaphore, #tpu.memory_space<semaphore_mem>>) src(%dma_wait3A_73 : memref<1024xi32, #tpu.memory_space<hbm>>) dst(%arg10 : memref<1024xi32, #tpu.memory_space<vmem>>)
        %dma_wait3A_74 = tpu.memref_slice %arg7[%multiple_of3A] : memref<327680xf32, #tpu.memory_space<hbm>> -> memref<1024xf32, #tpu.memory_space<hbm>>
        %dma_wait3A_75 = tpu.memref_slice %arg7[%multiple_of3A] : memref<327680xf32, #tpu.memory_space<hbm>> -> memref<1024xf32, #tpu.memory_space<hbm>>
        tpu.wait_dma2 semaphore(%arg27 : memref<!tpu.dma_semaphore, #tpu.memory_space<semaphore_mem>>) src(%dma_wait3A_75 : memref<1024xf32, #tpu.memory_space<hbm>>) dst(%arg11 : memref<1024xf32, #tpu.memory_space<vmem>>)
        %dma_wait3A_76 = tpu.memref_slice %arg3[%multiple_of3A] : memref<327680xi32, #tpu.memory_space<hbm>> -> memref<1024xi32, #tpu.memory_space<hbm>>
        %dma_wait3A_77 = tpu.memref_slice %arg3[%multiple_of3A] : memref<327680xi32, #tpu.memory_space<hbm>> -> memref<1024xi32, #tpu.memory_space<hbm>>
        tpu.wait_dma2 semaphore(%arg27 : memref<!tpu.dma_semaphore, #tpu.memory_space<semaphore_mem>>) src(%dma_wait3A_77 : memref<1024xi32, #tpu.memory_space<hbm>>) dst(%arg12 : memref<1024xi32, #tpu.memory_space<vmem>>)
        %dma_wait3A_78 = tpu.memref_slice %arg4[%multiple_of3A] : memref<327680xi32, #tpu.memory_space<hbm>> -> memref<1024xi32, #tpu.memory_space<hbm>>
        %dma_wait3A_79 = tpu.memref_slice %arg4[%multiple_of3A] : memref<327680xi32, #tpu.memory_space<hbm>> -> memref<1024xi32, #tpu.memory_space<hbm>>
        tpu.wait_dma2 semaphore(%arg27 : memref<!tpu.dma_semaphore, #tpu.memory_space<semaphore_mem>>) src(%dma_wait3A_79 : memref<1024xi32, #tpu.memory_space<hbm>>) dst(%arg13 : memref<1024xi32, #tpu.memory_space<vmem>>)
        %dma_wait3A_80 = tpu.memref_slice %arg5[%multiple_of3A] : memref<327680xi32, #tpu.memory_space<hbm>> -> memref<1024xi32, #tpu.memory_space<hbm>>
        %dma_wait3A_81 = tpu.memref_slice %arg5[%multiple_of3A] : memref<327680xi32, #tpu.memory_space<hbm>> -> memref<1024xi32, #tpu.memory_space<hbm>>
        tpu.wait_dma2 semaphore(%arg27 : memref<!tpu.dma_semaphore, #tpu.memory_space<semaphore_mem>>) src(%dma_wait3A_81 : memref<1024xi32, #tpu.memory_space<hbm>>) dst(%arg14 : memref<1024xi32, #tpu.memory_space<vmem>>)
        %mul3A_82 = arith.constant 1024 : i32
        %mul3A_83 = arith.muli %while3A_58, %mul3A_82 : i32
        %sub3A_84 = arith.subi %reduce_max3A_28, %mul3A_83 : i32
        %min3A = arith.constant 1024 : i32
        %min3A_85 = arith.minsi %sub3A_84, %min3A : i32
        %add3A_86 = arith.constant 15 : i32
        %add3A_87 = arith.addi %min3A_85, %add3A_86 : i32
        %jit3A_88 = arith.constant 16 : i32
        %div3A_89 = arith.divsi %add3A_87, %jit3A_88 : i32
        %sign3A_90 = arith.constant 0 : i32
        %sign3A_91 = arith.cmpi sgt, %add3A_87, %sign3A_90 : i32
        %sign3A_92 = arith.extui %sign3A_91 : i1 to i32
        %sign3A_93 = arith.constant 0 : i32
        %sign3A_94 = arith.cmpi slt, %add3A_87, %sign3A_93 : i32
        %sign3A_95 = arith.extui %sign3A_94 : i1 to i32
        %sign3A_96 = arith.subi %sign3A_92, %sign3A_95 : i32
        %sign3A_97 = arith.constant 0 : i32
        %sign3A_98 = arith.cmpi sgt, %jit3A_88, %sign3A_97 : i32
        %sign3A_99 = arith.extui %sign3A_98 : i1 to i32
        %sign3A_100 = arith.constant 0 : i32
        %sign3A_101 = arith.cmpi slt, %jit3A_88, %sign3A_100 : i32
        %sign3A_102 = arith.extui %sign3A_101 : i1 to i32
        %sign3A_103 = arith.subi %sign3A_99, %sign3A_102 : i32
        %ne3A_104 = arith.cmpi ne, %sign3A_96, %sign3A_103 : i32
        %rem3A_105 = arith.remsi %add3A_87, %jit3A_88 : i32
        %ne3A_106 = arith.constant 0 : i32
        %ne3A_107 = arith.cmpi ne, %rem3A_105, %ne3A_106 : i32
        %and3A_108 = arith.andi %ne3A_104, %ne3A_107 : i1
        %sub3A_109 = arith.constant 1 : i32
        %sub3A_110 = arith.subi %div3A_89, %sub3A_109 : i32
        %select_n3A_111 = arith.select %and3A_108, %sub3A_110, %div3A_89 : i32
        %while3A_112 = arith.constant 0 : i32
        %while3A_113 = arith.constant 0 : i32
        "tpu.trace_start"() <{level = 10 : i32, message = "b_scan"}> : () -> ()
        %while3A_114 = arith.subi %select_n3A_111, %while3A_112 : i32
        %while3A_115 = arith.addi %while3A_112, %while3A_114 : i32
        %while3A_116 = arith.constant 1 : i32
        %while3A_117 = arith.divsi %while3A_114, %while3A_116 : i32
        %while3A_118 = arith.muli %while3A_117, %while3A_116 : i32
        %while3A_119 = arith.addi %while3A_112, %while3A_118 : i32
        %while3A_120 = arith.constant 1 : i32
        %while3A_121 = scf.for %while3A_201 = %while3A_112 to %while3A_119 step %while3A_120 iter_args(%while3A_202 = %while3A_113) -> (i32)  : i32 {
          %mul3A_203 = arith.constant 16 : i32
          %mul3A_204 = arith.muli %while3A_201, %mul3A_203 : i32
          %get3A_205 = arith.index_cast %mul3A_204 : i32 to index
          %get3A_206 = tpu.vector_load %arg10[%get3A_205] {strides = array<i32>} : memref<1024xi32, #tpu.memory_space<vmem>>, vector<16xi32>,
          %ge3A = vector.broadcast %mul3A_2 : i32 to vector<16xi32>
          %ge3A_207 = arith.cmpi sge, %get3A_206, %ge3A : vector<16xi32>
          %add3A_208 = arith.constant 64 : i32
          %add3A_209 = arith.addi %mul3A_2, %add3A_208 : i32
          %lt3A_210 = vector.broadcast %add3A_209 : i32 to vector<16xi32>
          %lt3A_211 = arith.cmpi slt, %get3A_206, %lt3A_210 : vector<16xi32>
          %and3A_212 = arith.andi %ge3A_207, %lt3A_211 : vector<16xi1>
          %mul3A_213 = arith.constant 16 : i32
          %mul3A_214 = arith.muli %while3A_201, %mul3A_213 : i32
          %add3A_215 = vector.broadcast %mul3A_214 : i32 to vector<16xi32>
          %add3A_216 = arith.addi %add3A_215, %iota3A : vector<16xi32>
          %lt3A_217 = vector.broadcast %sub3A_84 : i32 to vector<16xi32>
          %lt3A_218 = arith.cmpi slt, %add3A_216, %lt3A_217 : vector<16xi32>
          %and3A_219 = arith.andi %and3A_212, %lt3A_218 : vector<16xi1>
          %mul3A_220 = arith.constant 16 : i32
          %mul3A_221 = arith.muli %while3A_201, %mul3A_220 : i32
          %get3A_222 = arith.index_cast %mul3A_221 : i32 to index
          %get3A_223 = tpu.vector_load %arg12[%get3A_222] {strides = array<i32>} : memref<1024xi32, #tpu.memory_space<vmem>>, vector<16xi32>,
          %swap3A_224 = arith.index_cast %while3A_202 : i32 to index
          %swap3A_225 = tpu.vector_load %arg15[%swap3A_224] masked %and3A_219 {strides = array<i32>} : memref<1056xi32, #tpu.memory_space<vmem>>, vector<16xi32>, vector<16xi1>
          tpu.vector_store %arg15[%swap3A_224], %get3A_223 masked %and3A_219 {strides = array<i32>} : memref<1056xi32, #tpu.memory_space<vmem>>, vector<16xi32>, vector<16xi1>
          %mul3A_226 = arith.constant 16 : i32
          %mul3A_227 = arith.muli %while3A_201, %mul3A_226 : i32
          %get3A_228 = arith.index_cast %mul3A_227 : i32 to index
          %get3A_229 = tpu.vector_load %arg13[%get3A_228] {strides = array<i32>} : memref<1024xi32, #tpu.memory_space<vmem>>, vector<16xi32>,
          %swap3A_230 = arith.index_cast %while3A_202 : i32 to index
          %swap3A_231 = tpu.vector_load %arg16[%swap3A_230] masked %and3A_219 {strides = array<i32>} : memref<1056xi32, #tpu.memory_space<vmem>>, vector<16xi32>, vector<16xi1>
          tpu.vector_store %arg16[%swap3A_230], %get3A_229 masked %and3A_219 {strides = array<i32>} : memref<1056xi32, #tpu.memory_space<vmem>>, vector<16xi32>, vector<16xi1>
          %mul3A_232 = arith.constant 16 : i32
          %mul3A_233 = arith.muli %while3A_201, %mul3A_232 : i32
          %get3A_234 = arith.index_cast %mul3A_233 : i32 to index
          %get3A_235 = tpu.vector_load %arg14[%get3A_234] {strides = array<i32>} : memref<1024xi32, #tpu.memory_space<vmem>>, vector<16xi32>,
          %swap3A_236 = arith.index_cast %while3A_202 : i32 to index
          %swap3A_237 = tpu.vector_load %arg17[%swap3A_236] masked %and3A_219 {strides = array<i32>} : memref<1056xi32, #tpu.memory_space<vmem>>, vector<16xi32>, vector<16xi1>
          tpu.vector_store %arg17[%swap3A_236], %get3A_235 masked %and3A_219 {strides = array<i32>} : memref<1056xi32, #tpu.memory_space<vmem>>, vector<16xi32>, vector<16xi1>
          %sub3A_238 = vector.broadcast %mul3A_2 : i32 to vector<16xi32>
          %sub3A_239 = arith.subi %get3A_206, %sub3A_238 : vector<16xi32>
          %swap3A_240 = arith.index_cast %while3A_202 : i32 to index
          %swap3A_241 = tpu.vector_load %arg18[%swap3A_240] masked %and3A_219 {strides = array<i32>} : memref<1056xi32, #tpu.memory_space<vmem>>, vector<16xi32>, vector<16xi1>
          tpu.vector_store %arg18[%swap3A_240], %sub3A_239 masked %and3A_219 {strides = array<i32>} : memref<1056xi32, #tpu.memory_space<vmem>>, vector<16xi32>, vector<16xi1>
          %mul3A_242 = arith.constant 16 : i32
          %mul3A_243 = arith.muli %while3A_201, %mul3A_242 : i32
          %get3A_244 = arith.index_cast %mul3A_243 : i32 to index
          %get3A_245 = tpu.vector_load %arg11[%get3A_244] {strides = array<i32>} : memref<1024xf32, #tpu.memory_space<vmem>>, vector<16xf32>,
          %swap3A_246 = arith.index_cast %while3A_202 : i32 to index
          %swap3A_247 = tpu.vector_load %arg19[%swap3A_246] masked %and3A_219 {strides = array<i32>} : memref<1056xf32, #tpu.memory_space<vmem>>, vector<16xf32>, vector<16xi1>
          tpu.vector_store %arg19[%swap3A_246], %get3A_245 masked %and3A_219 {strides = array<i32>} : memref<1056xf32, #tpu.memory_space<vmem>>, vector<16xf32>, vector<16xi1>
          %all_reduce_population_count3A = tpu.all_reduce %and3A_219 {dim = 0 : i64, kind = #tpu.reduction_kind<sum>} : vector<16xi1> -> vector<16xi32>
          %reduce_max3A_248 = arith.constant true
          %reduce_max3A_249 = vector.broadcast %reduce_max3A_248 : i1 to vector<16xi1>
          %reduce_max3A_250 = arith.constant -2147483648 : i32
          %reduce_max3A_251 = vector.broadcast %reduce_max3A_250 : i32 to vector<16xi32>
          %reduce_max3A_252 = arith.xori %all_reduce_population_count3A, %reduce_max3A_251 : vector<16xi32>
          %reduce_max3A_253 = tpu.scan <max>, %reduce_max3A_252 masked %reduce_max3A_249 : vector<16xi32>, vector<16xi1> -> vector<16xi32>
          %reduce_max3A_254 = arith.xori %reduce_max3A_253, %reduce_max3A_251 : vector<16xi32>
          %reduce_max3A_255 = vector.extract %reduce_max3A_254[15] : i32 from vector<16xi32>
          %add3A_256 = arith.addi %while3A_202, %reduce_max3A_255 : i32
          scf.yield %add3A_256 : i32
        }
        %while3A_122 = arith.constant 1 : i32
        %while3A_123 = scf.for %while3A_201 = %while3A_119 to %while3A_115 step %while3A_122 iter_args(%while3A_202 = %while3A_121) -> (i32)  : i32 {
          %mul3A_203 = arith.constant 16 : i32
          %mul3A_204 = arith.muli %while3A_201, %mul3A_203 : i32
          %get3A_205 = arith.index_cast %mul3A_204 : i32 to index
          %get3A_206 = tpu.vector_load %arg10[%get3A_205] {strides = array<i32>} : memref<1024xi32, #tpu.memory_space<vmem>>, vector<16xi32>,
          %ge3A = vector.broadcast %mul3A_2 : i32 to vector<16xi32>
          %ge3A_207 = arith.cmpi sge, %get3A_206, %ge3A : vector<16xi32>
          %add3A_208 = arith.constant 64 : i32
          %add3A_209 = arith.addi %mul3A_2, %add3A_208 : i32
          %lt3A_210 = vector.broadcast %add3A_209 : i32 to vector<16xi32>
          %lt3A_211 = arith.cmpi slt, %get3A_206, %lt3A_210 : vector<16xi32>
          %and3A_212 = arith.andi %ge3A_207, %lt3A_211 : vector<16xi1>
          %mul3A_213 = arith.constant 16 : i32
          %mul3A_214 = arith.muli %while3A_201, %mul3A_213 : i32
          %add3A_215 = vector.broadcast %mul3A_214 : i32 to vector<16xi32>
          %add3A_216 = arith.addi %add3A_215, %iota3A : vector<16xi32>
          %lt3A_217 = vector.broadcast %sub3A_84 : i32 to vector<16xi32>
          %lt3A_218 = arith.cmpi slt, %add3A_216, %lt3A_217 : vector<16xi32>
          %and3A_219 = arith.andi %and3A_212, %lt3A_218 : vector<16xi1>
          %mul3A_220 = arith.constant 16 : i32
          %mul3A_221 = arith.muli %while3A_201, %mul3A_220 : i32
          %get3A_222 = arith.index_cast %mul3A_221 : i32 to index
          %get3A_223 = tpu.vector_load %arg12[%get3A_222] {strides = array<i32>} : memref<1024xi32, #tpu.memory_space<vmem>>, vector<16xi32>,
          %swap3A_224 = arith.index_cast %while3A_202 : i32 to index
          %swap3A_225 = tpu.vector_load %arg15[%swap3A_224] masked %and3A_219 {strides = array<i32>} : memref<1056xi32, #tpu.memory_space<vmem>>, vector<16xi32>, vector<16xi1>
          tpu.vector_store %arg15[%swap3A_224], %get3A_223 masked %and3A_219 {strides = array<i32>} : memref<1056xi32, #tpu.memory_space<vmem>>, vector<16xi32>, vector<16xi1>
          %mul3A_226 = arith.constant 16 : i32
          %mul3A_227 = arith.muli %while3A_201, %mul3A_226 : i32
          %get3A_228 = arith.index_cast %mul3A_227 : i32 to index
          %get3A_229 = tpu.vector_load %arg13[%get3A_228] {strides = array<i32>} : memref<1024xi32, #tpu.memory_space<vmem>>, vector<16xi32>,
          %swap3A_230 = arith.index_cast %while3A_202 : i32 to index
          %swap3A_231 = tpu.vector_load %arg16[%swap3A_230] masked %and3A_219 {strides = array<i32>} : memref<1056xi32, #tpu.memory_space<vmem>>, vector<16xi32>, vector<16xi1>
          tpu.vector_store %arg16[%swap3A_230], %get3A_229 masked %and3A_219 {strides = array<i32>} : memref<1056xi32, #tpu.memory_space<vmem>>, vector<16xi32>, vector<16xi1>
          %mul3A_232 = arith.constant 16 : i32
          %mul3A_233 = arith.muli %while3A_201, %mul3A_232 : i32
          %get3A_234 = arith.index_cast %mul3A_233 : i32 to index
          %get3A_235 = tpu.vector_load %arg14[%get3A_234] {strides = array<i32>} : memref<1024xi32, #tpu.memory_space<vmem>>, vector<16xi32>,
          %swap3A_236 = arith.index_cast %while3A_202 : i32 to index
          %swap3A_237 = tpu.vector_load %arg17[%swap3A_236] masked %and3A_219 {strides = array<i32>} : memref<1056xi32, #tpu.memory_space<vmem>>, vector<16xi32>, vector<16xi1>
          tpu.vector_store %arg17[%swap3A_236], %get3A_235 masked %and3A_219 {strides = array<i32>} : memref<1056xi32, #tpu.memory_space<vmem>>, vector<16xi32>, vector<16xi1>
          %sub3A_238 = vector.broadcast %mul3A_2 : i32 to vector<16xi32>
          %sub3A_239 = arith.subi %get3A_206, %sub3A_238 : vector<16xi32>
          %swap3A_240 = arith.index_cast %while3A_202 : i32 to index
          %swap3A_241 = tpu.vector_load %arg18[%swap3A_240] masked %and3A_219 {strides = array<i32>} : memref<1056xi32, #tpu.memory_space<vmem>>, vector<16xi32>, vector<16xi1>
          tpu.vector_store %arg18[%swap3A_240], %sub3A_239 masked %and3A_219 {strides = array<i32>} : memref<1056xi32, #tpu.memory_space<vmem>>, vector<16xi32>, vector<16xi1>
          %mul3A_242 = arith.constant 16 : i32
          %mul3A_243 = arith.muli %while3A_201, %mul3A_242 : i32
          %get3A_244 = arith.index_cast %mul3A_243 : i32 to index
          %get3A_245 = tpu.vector_load %arg11[%get3A_244] {strides = array<i32>} : memref<1024xf32, #tpu.memory_space<vmem>>, vector<16xf32>,
          %swap3A_246 = arith.index_cast %while3A_202 : i32 to index
          %swap3A_247 = tpu.vector_load %arg19[%swap3A_246] masked %and3A_219 {strides = array<i32>} : memref<1056xf32, #tpu.memory_space<vmem>>, vector<16xf32>, vector<16xi1>
          tpu.vector_store %arg19[%swap3A_246], %get3A_245 masked %and3A_219 {strides = array<i32>} : memref<1056xf32, #tpu.memory_space<vmem>>, vector<16xf32>, vector<16xi1>
          %all_reduce_population_count3A = tpu.all_reduce %and3A_219 {dim = 0 : i64, kind = #tpu.reduction_kind<sum>} : vector<16xi1> -> vector<16xi32>
          %reduce_max3A_248 = arith.constant true
          %reduce_max3A_249 = vector.broadcast %reduce_max3A_248 : i1 to vector<16xi1>
          %reduce_max3A_250 = arith.constant -2147483648 : i32
          %reduce_max3A_251 = vector.broadcast %reduce_max3A_250 : i32 to vector<16xi32>
          %reduce_max3A_252 = arith.xori %all_reduce_population_count3A, %reduce_max3A_251 : vector<16xi32>
          %reduce_max3A_253 = tpu.scan <max>, %reduce_max3A_252 masked %reduce_max3A_249 : vector<16xi32>, vector<16xi1> -> vector<16xi32>
          %reduce_max3A_254 = arith.xori %reduce_max3A_253, %reduce_max3A_251 : vector<16xi32>
          %reduce_max3A_255 = vector.extract %reduce_max3A_254[15] : i32 from vector<16xi32>
          %add3A_256 = arith.addi %while3A_202, %reduce_max3A_255 : i32
          scf.yield %add3A_256 : i32
        }
        "tpu.trace_stop"() : () -> ()
        %add3A_124 = arith.constant 0 : i32
        %add3A_125 = arith.addi %while3A_123, %add3A_124 : i32
        %swap3A = arith.index_cast %add3A_125 : i32 to index
        %swap3A_126 = tpu.vector_load %arg15[%swap3A] {strides = array<i32>} : memref<1056xi32, #tpu.memory_space<vmem>>, vector<16xi32>,
        tpu.vector_store %arg15[%swap3A], %broadcast_in_dim3A_5 {strides = array<i32>} : memref<1056xi32, #tpu.memory_space<vmem>>, vector<16xi32>,
        %add3A_127 = arith.constant 0 : i32
        %add3A_128 = arith.addi %while3A_123, %add3A_127 : i32
        %swap3A_129 = arith.index_cast %add3A_128 : i32 to index
        %swap3A_130 = tpu.vector_load %arg16[%swap3A_129] {strides = array<i32>} : memref<1056xi32, #tpu.memory_space<vmem>>, vector<16xi32>,
        tpu.vector_store %arg16[%swap3A_129], %broadcast_in_dim3A_5 {strides = array<i32>} : memref<1056xi32, #tpu.memory_space<vmem>>, vector<16xi32>,
        %add3A_131 = arith.constant 0 : i32
        %add3A_132 = arith.addi %while3A_123, %add3A_131 : i32
        %swap3A_133 = arith.index_cast %add3A_132 : i32 to index
        %swap3A_134 = tpu.vector_load %arg17[%swap3A_133] {strides = array<i32>} : memref<1056xi32, #tpu.memory_space<vmem>>, vector<16xi32>,
        tpu.vector_store %arg17[%swap3A_133], %broadcast_in_dim3A_5 {strides = array<i32>} : memref<1056xi32, #tpu.memory_space<vmem>>, vector<16xi32>,
        %add3A_135 = arith.constant 0 : i32
        %add3A_136 = arith.addi %while3A_123, %add3A_135 : i32
        %swap3A_137 = arith.index_cast %add3A_136 : i32 to index
        %swap3A_138 = tpu.vector_load %arg18[%swap3A_137] {strides = array<i32>} : memref<1056xi32, #tpu.memory_space<vmem>>, vector<16xi32>,
        tpu.vector_store %arg18[%swap3A_137], %broadcast_in_dim3A_5 {strides = array<i32>} : memref<1056xi32, #tpu.memory_space<vmem>>, vector<16xi32>,
        %add3A_139 = arith.constant 0 : i32
        %add3A_140 = arith.addi %while3A_123, %add3A_139 : i32
        %swap3A_141 = arith.index_cast %add3A_140 : i32 to index
        %swap3A_142 = tpu.vector_load %arg19[%swap3A_141] {strides = array<i32>} : memref<1056xf32, #tpu.memory_space<vmem>>, vector<16xf32>,
        tpu.vector_store %arg19[%swap3A_141], %broadcast_in_dim3A_3 {strides = array<i32>} : memref<1056xf32, #tpu.memory_space<vmem>>, vector<16xf32>,
        %add3A_143 = arith.constant 16 : i32
        %add3A_144 = arith.addi %while3A_123, %add3A_143 : i32
        %swap3A_145 = arith.index_cast %add3A_144 : i32 to index
        %swap3A_146 = tpu.vector_load %arg15[%swap3A_145] {strides = array<i32>} : memref<1056xi32, #tpu.memory_space<vmem>>, vector<16xi32>,
        tpu.vector_store %arg15[%swap3A_145], %broadcast_in_dim3A_5 {strides = array<i32>} : memref<1056xi32, #tpu.memory_space<vmem>>, vector<16xi32>,
        %add3A_147 = arith.constant 16 : i32
        %add3A_148 = arith.addi %while3A_123, %add3A_147 : i32
        %swap3A_149 = arith.index_cast %add3A_148 : i32 to index
        %swap3A_150 = tpu.vector_load %arg16[%swap3A_149] {strides = array<i32>} : memref<1056xi32, #tpu.memory_space<vmem>>, vector<16xi32>,
        tpu.vector_store %arg16[%swap3A_149], %broadcast_in_dim3A_5 {strides = array<i32>} : memref<1056xi32, #tpu.memory_space<vmem>>, vector<16xi32>,
        %add3A_151 = arith.constant 16 : i32
        %add3A_152 = arith.addi %while3A_123, %add3A_151 : i32
        %swap3A_153 = arith.index_cast %add3A_152 : i32 to index
        %swap3A_154 = tpu.vector_load %arg17[%swap3A_153] {strides = array<i32>} : memref<1056xi32, #tpu.memory_space<vmem>>, vector<16xi32>,
        tpu.vector_store %arg17[%swap3A_153], %broadcast_in_dim3A_5 {strides = array<i32>} : memref<1056xi32, #tpu.memory_space<vmem>>, vector<16xi32>,
        %add3A_155 = arith.constant 16 : i32
        %add3A_156 = arith.addi %while3A_123, %add3A_155 : i32
        %swap3A_157 = arith.index_cast %add3A_156 : i32 to index
        %swap3A_158 = tpu.vector_load %arg18[%swap3A_157] {strides = array<i32>} : memref<1056xi32, #tpu.memory_space<vmem>>, vector<16xi32>,
        tpu.vector_store %arg18[%swap3A_157], %broadcast_in_dim3A_5 {strides = array<i32>} : memref<1056xi32, #tpu.memory_space<vmem>>, vector<16xi32>,
        %add3A_159 = arith.constant 16 : i32
        %add3A_160 = arith.addi %while3A_123, %add3A_159 : i32
        %swap3A_161 = arith.index_cast %add3A_160 : i32 to index
        %swap3A_162 = tpu.vector_load %arg19[%swap3A_161] {strides = array<i32>} : memref<1056xf32, #tpu.memory_space<vmem>>, vector<16xf32>,
        tpu.vector_store %arg19[%swap3A_161], %broadcast_in_dim3A_3 {strides = array<i32>} : memref<1056xf32, #tpu.memory_space<vmem>>, vector<16xf32>,
        %add3A_163 = arith.constant 32 : i32
        %add3A_164 = arith.addi %while3A_123, %add3A_163 : i32
        %sub3A_165 = arith.constant 1 : i32
        %sub3A_166 = arith.subi %add3A_164, %sub3A_165 : i32
        %jit3A_167 = arith.constant 32 : i32
        %div3A_168 = arith.divsi %sub3A_166, %jit3A_167 : i32
        %sign3A_169 = arith.constant 0 : i32
        %sign3A_170 = arith.cmpi sgt, %sub3A_166, %sign3A_169 : i32
        %sign3A_171 = arith.extui %sign3A_170 : i1 to i32
        %sign3A_172 = arith.constant 0 : i32
        %sign3A_173 = arith.cmpi slt, %sub3A_166, %sign3A_172 : i32
        %sign3A_174 = arith.extui %sign3A_173 : i1 to i32
        %sign3A_175 = arith.subi %sign3A_171, %sign3A_174 : i32
        %sign3A_176 = arith.constant 0 : i32
        %sign3A_177 = arith.cmpi sgt, %jit3A_167, %sign3A_176 : i32
        %sign3A_178 = arith.extui %sign3A_177 : i1 to i32
        %sign3A_179 = arith.constant 0 : i32
        %sign3A_180 = arith.cmpi slt, %jit3A_167, %sign3A_179 : i32
        %sign3A_181 = arith.extui %sign3A_180 : i1 to i32
        %sign3A_182 = arith.subi %sign3A_178, %sign3A_181 : i32
        %ne3A_183 = arith.cmpi ne, %sign3A_175, %sign3A_182 : i32
        %rem3A_184 = arith.remsi %sub3A_166, %jit3A_167 : i32
        %ne3A_185 = arith.constant 0 : i32
        %ne3A_186 = arith.cmpi ne, %rem3A_184, %ne3A_185 : i32
        %and3A_187 = arith.andi %ne3A_183, %ne3A_186 : i1
        %sub3A_188 = arith.constant 1 : i32
        %sub3A_189 = arith.subi %div3A_168, %sub3A_188 : i32
        %select_n3A_190 = arith.select %and3A_187, %sub3A_189, %div3A_168 : i32
        %while3A_191 = arith.constant 0 : i32
        %while3A_192 = arith.constant 0 : i32
        %while3A_193 = arith.subi %select_n3A_190, %while3A_192 : i32
        %while3A_194 = arith.addi %while3A_192, %while3A_193 : i32
        %while3A_195 = arith.constant 1 : i32
        %while3A_196 = arith.divsi %while3A_193, %while3A_195 : i32
        %while3A_197 = arith.muli %while3A_196, %while3A_195 : i32
        %while3A_198 = arith.addi %while3A_192, %while3A_197 : i32
        %while3A_199 = arith.constant 1 : i32
        scf.for %while3A_201 = %while3A_192 to %while3A_198 step %while3A_199  : i32 {
          %mul3A_202 = arith.constant 32 : i32
          %mul3A_203 = arith.muli %while3A_201, %mul3A_202 : i32
          %add3A_204 = arith.constant 0 : i32
          %add3A_205 = arith.addi %mul3A_203, %add3A_204 : i32
          %get3A_206 = arith.index_cast %add3A_205 : i32 to index
          %get3A_207 = tpu.vector_load %arg15[%get3A_206] {strides = array<i32>} : memref<1056xi32, #tpu.memory_space<vmem>>, vector<16xi32>,
          %swap3A_208 = arith.constant 0 : index
          %swap3A_209 = tpu.vector_load %arg21[%swap3A_208] {strides = array<i32>} : memref<96xi32, #tpu.memory_space<vmem>>, vector<16xi32>,
          tpu.vector_store %arg21[%swap3A_208], %get3A_207 {strides = array<i32>} : memref<96xi32, #tpu.memory_space<vmem>>, vector<16xi32>,
          %add3A_210 = arith.constant 0 : i32
          %add3A_211 = arith.addi %mul3A_203, %add3A_210 : i32
          %get3A_212 = arith.index_cast %add3A_211 : i32 to index
          %get3A_213 = tpu.vector_load %arg16[%get3A_212] {strides = array<i32>} : memref<1056xi32, #tpu.memory_space<vmem>>, vector<16xi32>,
          %swap3A_214 = arith.constant 32 : index
          %swap3A_215 = tpu.vector_load %arg21[%swap3A_214] {strides = array<i32>} : memref<96xi32, #tpu.memory_space<vmem>>, vector<16xi32>,
          tpu.vector_store %arg21[%swap3A_214], %get3A_213 {strides = array<i32>} : memref<96xi32, #tpu.memory_space<vmem>>, vector<16xi32>,
          %add3A_216 = arith.constant 0 : i32
          %add3A_217 = arith.addi %mul3A_203, %add3A_216 : i32
          %get3A_218 = arith.index_cast %add3A_217 : i32 to index
          %get3A_219 = tpu.vector_load %arg17[%get3A_218] {strides = array<i32>} : memref<1056xi32, #tpu.memory_space<vmem>>, vector<16xi32>,
          %swap3A_220 = arith.constant 64 : index
          %swap3A_221 = tpu.vector_load %arg21[%swap3A_220] {strides = array<i32>} : memref<96xi32, #tpu.memory_space<vmem>>, vector<16xi32>,
          tpu.vector_store %arg21[%swap3A_220], %get3A_219 {strides = array<i32>} : memref<96xi32, #tpu.memory_space<vmem>>, vector<16xi32>,
          %add3A_222 = arith.constant 0 : i32
          %add3A_223 = arith.addi %mul3A_203, %add3A_222 : i32
          %get3A_224 = arith.index_cast %add3A_223 : i32 to index
          %get3A_225 = tpu.vector_load %arg19[%get3A_224] {strides = array<i32>} : memref<1056xf32, #tpu.memory_space<vmem>>, vector<16xf32>,
          %swap3A_226 = arith.constant 0 : index
          %swap3A_227 = tpu.vector_load %arg22[%swap3A_226] {strides = array<i32>} : memref<32xf32, #tpu.memory_space<vmem>>, vector<16xf32>,
          tpu.vector_store %arg22[%swap3A_226], %get3A_225 {strides = array<i32>} : memref<32xf32, #tpu.memory_space<vmem>>, vector<16xf32>,
          %add3A_228 = arith.constant 0 : i32
          %add3A_229 = arith.addi %mul3A_203, %add3A_228 : i32
          %get3A_230 = arith.index_cast %add3A_229 : i32 to index
          %get3A_231 = tpu.vector_load %arg18[%get3A_230] {strides = array<i32>} : memref<1056xi32, #tpu.memory_space<vmem>>, vector<16xi32>,
          %swap3A_232 = arith.constant 0 : index
          %swap3A_233 = tpu.vector_load %arg23[%swap3A_232] {strides = array<i32>} : memref<32xi32, #tpu.memory_space<vmem>>, vector<16xi32>,
          tpu.vector_store %arg23[%swap3A_232], %get3A_231 {strides = array<i32>} : memref<32xi32, #tpu.memory_space<vmem>>, vector<16xi32>,
          %add3A_234 = arith.constant 16 : i32
          %add3A_235 = arith.addi %mul3A_203, %add3A_234 : i32
          %get3A_236 = arith.index_cast %add3A_235 : i32 to index
          %get3A_237 = tpu.vector_load %arg15[%get3A_236] {strides = array<i32>} : memref<1056xi32, #tpu.memory_space<vmem>>, vector<16xi32>,
          %swap3A_238 = arith.constant 16 : index
          %swap3A_239 = tpu.vector_load %arg21[%swap3A_238] {strides = array<i32>} : memref<96xi32, #tpu.memory_space<vmem>>, vector<16xi32>,
          tpu.vector_store %arg21[%swap3A_238], %get3A_237 {strides = array<i32>} : memref<96xi32, #tpu.memory_space<vmem>>, vector<16xi32>,
          %add3A_240 = arith.constant 16 : i32
          %add3A_241 = arith.addi %mul3A_203, %add3A_240 : i32
          %get3A_242 = arith.index_cast %add3A_241 : i32 to index
          %get3A_243 = tpu.vector_load %arg16[%get3A_242] {strides = array<i32>} : memref<1056xi32, #tpu.memory_space<vmem>>, vector<16xi32>,
          %swap3A_244 = arith.constant 48 : index
          %swap3A_245 = tpu.vector_load %arg21[%swap3A_244] {strides = array<i32>} : memref<96xi32, #tpu.memory_space<vmem>>, vector<16xi32>,
          tpu.vector_store %arg21[%swap3A_244], %get3A_243 {strides = array<i32>} : memref<96xi32, #tpu.memory_space<vmem>>, vector<16xi32>,
          %add3A_246 = arith.constant 16 : i32
          %add3A_247 = arith.addi %mul3A_203, %add3A_246 : i32
          %get3A_248 = arith.index_cast %add3A_247 : i32 to index
          %get3A_249 = tpu.vector_load %arg17[%get3A_248] {strides = array<i32>} : memref<1056xi32, #tpu.memory_space<vmem>>, vector<16xi32>,
          %swap3A_250 = arith.constant 80 : index
          %swap3A_251 = tpu.vector_load %arg21[%swap3A_250] {strides = array<i32>} : memref<96xi32, #tpu.memory_space<vmem>>, vector<16xi32>,
          tpu.vector_store %arg21[%swap3A_250], %get3A_249 {strides = array<i32>} : memref<96xi32, #tpu.memory_space<vmem>>, vector<16xi32>,
          %add3A_252 = arith.constant 16 : i32
          %add3A_253 = arith.addi %mul3A_203, %add3A_252 : i32
          %get3A_254 = arith.index_cast %add3A_253 : i32 to index
          %get3A_255 = tpu.vector_load %arg19[%get3A_254] {strides = array<i32>} : memref<1056xf32, #tpu.memory_space<vmem>>, vector<16xf32>,
          %swap3A_256 = arith.constant 16 : index
          %swap3A_257 = tpu.vector_load %arg22[%swap3A_256] {strides = array<i32>} : memref<32xf32, #tpu.memory_space<vmem>>, vector<16xf32>,
          tpu.vector_store %arg22[%swap3A_256], %get3A_255 {strides = array<i32>} : memref<32xf32, #tpu.memory_space<vmem>>, vector<16xf32>,
          %add3A_258 = arith.constant 16 : i32
          %add3A_259 = arith.addi %mul3A_203, %add3A_258 : i32
          %get3A_260 = arith.index_cast %add3A_259 : i32 to index
          %get3A_261 = tpu.vector_load %arg18[%get3A_260] {strides = array<i32>} : memref<1056xi32, #tpu.memory_space<vmem>>, vector<16xi32>,
          %swap3A_262 = arith.constant 16 : index
          %swap3A_263 = tpu.vector_load %arg23[%swap3A_262] {strides = array<i32>} : memref<32xi32, #tpu.memory_space<vmem>>, vector<16xi32>,
          tpu.vector_store %arg23[%swap3A_262], %get3A_261 {strides = array<i32>} : memref<32xi32, #tpu.memory_space<vmem>>, vector<16xi32>,
          "tpu.trace_start"() <{level = 10 : i32, message = "b_gath"}> : () -> ()
          %dma_start3A_264 = arith.constant 0 : i32
          %dma_start3A_265 = arith.constant 0 : i32
          %dma_start3A_266 = tpu.memref_slice %arg26[%dma_start3A_264, %dma_start3A_265] : memref<10000x128xf32, #tpu.memory_space<vmem_shared>> -> memref<10000x128xf32, #tpu.memory_space<vmem_shared>>
          tpu.enqueue_indirect_dma source(%dma_start3A_266 : memref<10000x128xf32, #tpu.memory_space<vmem_shared>>) target(%arg24 : memref<96x128xf32, #tpu.memory_space<vmem>>) offsets(%arg21 : memref<96xi32, #tpu.memory_space<vmem>>) semaphore(%arg27 : memref<!tpu.dma_semaphore, #tpu.memory_space<semaphore_mem>>)
          %dma_wait3A_267 = arith.constant 0 : i32
          %dma_wait3A_268 = arith.constant 0 : i32
          %dma_wait3A_269 = tpu.memref_slice %arg26[%dma_wait3A_267, %dma_wait3A_268] : memref<10000x128xf32, #tpu.memory_space<vmem_shared>> -> memref<10000x128xf32, #tpu.memory_space<vmem_shared>>
          tpu.wait_indirect_dma semaphore(%arg27 : memref<!tpu.dma_semaphore, #tpu.memory_space<semaphore_mem>>) src(%dma_wait3A_269 : memref<10000x128xf32, #tpu.memory_space<vmem_shared>>) dst(%arg24 : memref<96x128xf32, #tpu.memory_space<vmem>>)
          "tpu.trace_stop"() : () -> ()
          "tpu.trace_start"() <{level = 10 : i32, message = "b_rmw"}> : () -> ()
          %scan3A_270 = arith.constant 0 : i32
          %scan3A_271 = arith.constant 0 : i32
          %scan3A_272 = arith.constant 32 : i32
          %scan3A_273 = arith.addi %scan3A_271, %scan3A_272 : i32
          %scan3A_274 = arith.constant 1 : i32
          scf.for %scan3A_276 = %scan3A_271 to %scan3A_273 step %scan3A_274  : i32 {
            %broadcast_in_dim3A_277 = arith.constant 1 : i32
            %broadcast_in_dim3A_278 = vector.broadcast %broadcast_in_dim3A_277 : i32 to vector<16xi32>
            %mul3A_279 = vector.broadcast %scan3A_276 : i32 to vector<16xi32>
            %mul3A_280 = arith.muli %broadcast_in_dim3A_278, %mul3A_279 : vector<16xi32>
            %gather3A = tpu.vector_load_idx %arg22[%mul3A_280] : memref<32xf32, #tpu.memory_space<vmem>>[vector<16xi32>], vector<16xf32>,
            %mul3A_281 = arith.constant 0.333333343 : f32
            %mul3A_282 = vector.broadcast %mul3A_281 : f32 to vector<16xf32>
            %mul3A_283 = arith.mulf %gather3A, %mul3A_282 : vector<16xf32>
            %gather3A_284 = tpu.vector_load_idx %arg23[%mul3A_280] : memref<32xi32, #tpu.memory_space<vmem>>[vector<16xi32>], vector<16xi32>,
            %reduce_max3A_285 = arith.constant true
            %reduce_max3A_286 = vector.broadcast %reduce_max3A_285 : i1 to vector<16xi1>
            %reduce_max3A_287 = arith.constant -2147483648 : i32
            %reduce_max3A_288 = vector.broadcast %reduce_max3A_287 : i32 to vector<16xi32>
            %reduce_max3A_289 = arith.xori %gather3A_284, %reduce_max3A_288 : vector<16xi32>
            %reduce_max3A_290 = tpu.scan <max>, %reduce_max3A_289 masked %reduce_max3A_286 : vector<16xi32>, vector<16xi1> -> vector<16xi32>
            %reduce_max3A_291 = arith.xori %reduce_max3A_290, %reduce_max3A_288 : vector<16xi32>
            %reduce_max3A_292 = vector.extract %reduce_max3A_291[15] : i32 from vector<16xi32>
            %get3A_293 = arith.index_cast %reduce_max3A_292 : i32 to index
            %get3A_294 = arith.constant 0 : index
            %get3A_295 = tpu.vector_load %arg25[%get3A_293, %get3A_294] {strides = array<i32>} : memref<64x256xf32, #tpu.memory_space<vmem>>, vector<16xf32>,
            %get3A_296 = arith.index_cast %scan3A_276 : i32 to index
            %get3A_297 = arith.constant 0 : index
            %get3A_298 = tpu.vector_load %arg24[%get3A_296, %get3A_297] {strides = array<i32>} : memref<96x128xf32, #tpu.memory_space<vmem>>, vector<16xf32>,
            %add3A_299 = arith.constant 32 : i32
            %add3A_300 = arith.addi %add3A_299, %scan3A_276 : i32
            %get3A_301 = arith.index_cast %add3A_300 : i32 to index
            %get3A_302 = arith.constant 0 : index
            %get3A_303 = tpu.vector_load %arg24[%get3A_301, %get3A_302] {strides = array<i32>} : memref<96x128xf32, #tpu.memory_space<vmem>>, vector<16xf32>,
            %add3A_304 = arith.addf %get3A_298, %get3A_303 : vector<16xf32>
            %add3A_305 = arith.constant 64 : i32
            %add3A_306 = arith.addi %add3A_305, %scan3A_276 : i32
            %get3A_307 = arith.index_cast %add3A_306 : i32 to index
            %get3A_308 = arith.constant 0 : index
            %get3A_309 = tpu.vector_load %arg24[%get3A_307, %get3A_308] {strides = array<i32>} : memref<96x128xf32, #tpu.memory_space<vmem>>, vector<16xf32>,
            %add3A_310 = arith.addf %add3A_304, %get3A_309 : vector<16xf32>
            %mul3A_311 = arith.mulf %add3A_310, %mul3A_283 : vector<16xf32>
            %add3A_312 = arith.addf %get3A_295, %mul3A_311 : vector<16xf32>
            %swap3A_313 = arith.index_cast %reduce_max3A_292 : i32 to index
            %swap3A_314 = arith.constant 0 : index
            %swap3A_315 = tpu.vector_load %arg25[%swap3A_313, %swap3A_314] {strides = array<i32>} : memref<64x256xf32, #tpu.memory_space<vmem>>, vector<16xf32>,
            tpu.vector_store %arg25[%swap3A_313, %swap3A_314], %add3A_312 {strides = array<i32>} : memref<64x256xf32, #tpu.memory_space<vmem>>, vector<16xf32>,
            %get3A_316 = arith.index_cast %reduce_max3A_292 : i32 to index
            %get3A_317 = arith.constant 16 : index
            %get3A_318 = tpu.vector_load %arg25[%get3A_316, %get3A_317] {strides = array<i32>} : memref<64x256xf32, #tpu.memory_space<vmem>>, vector<16xf32>,
            %get3A_319 = arith.index_cast %scan3A_276 : i32 to index
            %get3A_320 = arith.constant 16 : index
            %get3A_321 = tpu.vector_load %arg24[%get3A_319, %get3A_320] {strides = array<i32>} : memref<96x128xf32, #tpu.memory_space<vmem>>, vector<16xf32>,
            %add3A_322 = arith.constant 32 : i32
            %add3A_323 = arith.addi %add3A_322, %scan3A_276 : i32
            %get3A_324 = arith.index_cast %add3A_323 : i32 to index
            %get3A_325 = arith.constant 16 : index
            %get3A_326 = tpu.vector_load %arg24[%get3A_324, %get3A_325] {strides = array<i32>} : memref<96x128xf32, #tpu.memory_space<vmem>>, vector<16xf32>,
            %add3A_327 = arith.addf %get3A_321, %get3A_326 : vector<16xf32>
            %add3A_328 = arith.constant 64 : i32
            %add3A_329 = arith.addi %add3A_328, %scan3A_276 : i32
            %get3A_330 = arith.index_cast %add3A_329 : i32 to index
            %get3A_331 = arith.constant 16 : index
            %get3A_332 = tpu.vector_load %arg24[%get3A_330, %get3A_331] {strides = array<i32>} : memref<96x128xf32, #tpu.memory_space<vmem>>, vector<16xf32>,
            %add3A_333 = arith.addf %add3A_327, %get3A_332 : vector<16xf32>
            %mul3A_334 = arith.mulf %add3A_333, %mul3A_283 : vector<16xf32>
            %add3A_335 = arith.addf %get3A_318, %mul3A_334 : vector<16xf32>
            %swap3A_336 = arith.index_cast %reduce_max3A_292 : i32 to index
            %swap3A_337 = arith.constant 16 : index
            %swap3A_338 = tpu.vector_load %arg25[%swap3A_336, %swap3A_337] {strides = array<i32>} : memref<64x256xf32, #tpu.memory_space<vmem>>, vector<16xf32>,
            tpu.vector_store %arg25[%swap3A_336, %swap3A_337], %add3A_335 {strides = array<i32>} : memref<64x256xf32, #tpu.memory_space<vmem>>, vector<16xf32>,
            %get3A_339 = arith.index_cast %reduce_max3A_292 : i32 to index
            %get3A_340 = arith.constant 32 : index
            %get3A_341 = tpu.vector_load %arg25[%get3A_339, %get3A_340] {strides = array<i32>} : memref<64x256xf32, #tpu.memory_space<vmem>>, vector<16xf32>,
            %get3A_342 = arith.index_cast %scan3A_276 : i32 to index
            %get3A_343 = arith.constant 32 : index
            %get3A_344 = tpu.vector_load %arg24[%get3A_342, %get3A_343] {strides = array<i32>} : memref<96x128xf32, #tpu.memory_space<vmem>>, vector<16xf32>,
            %add3A_345 = arith.constant 32 : i32
            %add3A_346 = arith.addi %add3A_345, %scan3A_276 : i32
            %get3A_347 = arith.index_cast %add3A_346 : i32 to index
            %get3A_348 = arith.constant 32 : index
            %get3A_349 = tpu.vector_load %arg24[%get3A_347, %get3A_348] {strides = array<i32>} : memref<96x128xf32, #tpu.memory_space<vmem>>, vector<16xf32>,
            %add3A_350 = arith.addf %get3A_344, %get3A_349 : vector<16xf32>
            %add3A_351 = arith.constant 64 : i32
            %add3A_352 = arith.addi %add3A_351, %scan3A_276 : i32
            %get3A_353 = arith.index_cast %add3A_352 : i32 to index
            %get3A_354 = arith.constant 32 : index
            %get3A_355 = tpu.vector_load %arg24[%get3A_353, %get3A_354] {strides = array<i32>} : memref<96x128xf32, #tpu.memory_space<vmem>>, vector<16xf32>,
            %add3A_356 = arith.addf %add3A_350, %get3A_355 : vector<16xf32>
            %mul3A_357 = arith.mulf %add3A_356, %mul3A_283 : vector<16xf32>
            %add3A_358 = arith.addf %get3A_341, %mul3A_357 : vector<16xf32>
            %swap3A_359 = arith.index_cast %reduce_max3A_292 : i32 to index
            %swap3A_360 = arith.constant 32 : index
            %swap3A_361 = tpu.vector_load %arg25[%swap3A_359, %swap3A_360] {strides = array<i32>} : memref<64x256xf32, #tpu.memory_space<vmem>>, vector<16xf32>,
            tpu.vector_store %arg25[%swap3A_359, %swap3A_360], %add3A_358 {strides = array<i32>} : memref<64x256xf32, #tpu.memory_space<vmem>>, vector<16xf32>,
            %get3A_362 = arith.index_cast %reduce_max3A_292 : i32 to index
            %get3A_363 = arith.constant 48 : index
            %get3A_364 = tpu.vector_load %arg25[%get3A_362, %get3A_363] {strides = array<i32>} : memref<64x256xf32, #tpu.memory_space<vmem>>, vector<16xf32>,
            %get3A_365 = arith.index_cast %scan3A_276 : i32 to index
            %get3A_366 = arith.constant 48 : index
            %get3A_367 = tpu.vector_load %arg24[%get3A_365, %get3A_366] {strides = array<i32>} : memref<96x128xf32, #tpu.memory_space<vmem>>, vector<16xf32>,
            %add3A_368 = arith.constant 32 : i32
            %add3A_369 = arith.addi %add3A_368, %scan3A_276 : i32
            %get3A_370 = arith.index_cast %add3A_369 : i32 to index
            %get3A_371 = arith.constant 48 : index
            %get3A_372 = tpu.vector_load %arg24[%get3A_370, %get3A_371] {strides = array<i32>} : memref<96x128xf32, #tpu.memory_space<vmem>>, vector<16xf32>,
            %add3A_373 = arith.addf %get3A_367, %get3A_372 : vector<16xf32>
            %add3A_374 = arith.constant 64 : i32
            %add3A_375 = arith.addi %add3A_374, %scan3A_276 : i32
            %get3A_376 = arith.index_cast %add3A_375 : i32 to index
            %get3A_377 = arith.constant 48 : index
            %get3A_378 = tpu.vector_load %arg24[%get3A_376, %get3A_377] {strides = array<i32>} : memref<96x128xf32, #tpu.memory_space<vmem>>, vector<16xf32>,
            %add3A_379 = arith.addf %add3A_373, %get3A_378 : vector<16xf32>
            %mul3A_380 = arith.mulf %add3A_379, %mul3A_283 : vector<16xf32>
            %add3A_381 = arith.addf %get3A_364, %mul3A_380 : vector<16xf32>
            %swap3A_382 = arith.index_cast %reduce_max3A_292 : i32 to index
            %swap3A_383 = arith.constant 48 : index
            %swap3A_384 = tpu.vector_load %arg25[%swap3A_382, %swap3A_383] {strides = array<i32>} : memref<64x256xf32, #tpu.memory_space<vmem>>, vector<16xf32>,
            tpu.vector_store %arg25[%swap3A_382, %swap3A_383], %add3A_381 {strides = array<i32>} : memref<64x256xf32, #tpu.memory_space<vmem>>, vector<16xf32>,
            %get3A_385 = arith.index_cast %reduce_max3A_292 : i32 to index
            %get3A_386 = arith.constant 64 : index
            %get3A_387 = tpu.vector_load %arg25[%get3A_385, %get3A_386] {strides = array<i32>} : memref<64x256xf32, #tpu.memory_space<vmem>>, vector<16xf32>,
            %get3A_388 = arith.index_cast %scan3A_276 : i32 to index
            %get3A_389 = arith.constant 64 : index
            %get3A_390 = tpu.vector_load %arg24[%get3A_388, %get3A_389] {strides = array<i32>} : memref<96x128xf32, #tpu.memory_space<vmem>>, vector<16xf32>,
            %add3A_391 = arith.constant 32 : i32
            %add3A_392 = arith.addi %add3A_391, %scan3A_276 : i32
            %get3A_393 = arith.index_cast %add3A_392 : i32 to index
            %get3A_394 = arith.constant 64 : index
            %get3A_395 = tpu.vector_load %arg24[%get3A_393, %get3A_394] {strides = array<i32>} : memref<96x128xf32, #tpu.memory_space<vmem>>, vector<16xf32>,
            %add3A_396 = arith.addf %get3A_390, %get3A_395 : vector<16xf32>
            %add3A_397 = arith.constant 64 : i32
            %add3A_398 = arith.addi %add3A_397, %scan3A_276 : i32
            %get3A_399 = arith.index_cast %add3A_398 : i32 to index
            %get3A_400 = arith.constant 64 : index
            %get3A_401 = tpu.vector_load %arg24[%get3A_399, %get3A_400] {strides = array<i32>} : memref<96x128xf32, #tpu.memory_space<vmem>>, vector<16xf32>,
            %add3A_402 = arith.addf %add3A_396, %get3A_401 : vector<16xf32>
            %mul3A_403 = arith.mulf %add3A_402, %mul3A_283 : vector<16xf32>
            %add3A_404 = arith.addf %get3A_387, %mul3A_403 : vector<16xf32>
            %swap3A_405 = arith.index_cast %reduce_max3A_292 : i32 to index
            %swap3A_406 = arith.constant 64 : index
            %swap3A_407 = tpu.vector_load %arg25[%swap3A_405, %swap3A_406] {strides = array<i32>} : memref<64x256xf32, #tpu.memory_space<vmem>>, vector<16xf32>,
            tpu.vector_store %arg25[%swap3A_405, %swap3A_406], %add3A_404 {strides = array<i32>} : memref<64x256xf32, #tpu.memory_space<vmem>>, vector<16xf32>,
            %get3A_408 = arith.index_cast %reduce_max3A_292 : i32 to index
            %get3A_409 = arith.constant 80 : index
            %get3A_410 = tpu.vector_load %arg25[%get3A_408, %get3A_409] {strides = array<i32>} : memref<64x256xf32, #tpu.memory_space<vmem>>, vector<16xf32>,
            %get3A_411 = arith.index_cast %scan3A_276 : i32 to index
            %get3A_412 = arith.constant 80 : index
            %get3A_413 = tpu.vector_load %arg24[%get3A_411, %get3A_412] {strides = array<i32>} : memref<96x128xf32, #tpu.memory_space<vmem>>, vector<16xf32>,
            %add3A_414 = arith.constant 32 : i32
            %add3A_415 = arith.addi %add3A_414, %scan3A_276 : i32
            %get3A_416 = arith.index_cast %add3A_415 : i32 to index
            %get3A_417 = arith.constant 80 : index
            %get3A_418 = tpu.vector_load %arg24[%get3A_416, %get3A_417] {strides = array<i32>} : memref<96x128xf32, #tpu.memory_space<vmem>>, vector<16xf32>,
            %add3A_419 = arith.addf %get3A_413, %get3A_418 : vector<16xf32>
            %add3A_420 = arith.constant 64 : i32
            %add3A_421 = arith.addi %add3A_420, %scan3A_276 : i32
            %get3A_422 = arith.index_cast %add3A_421 : i32 to index
            %get3A_423 = arith.constant 80 : index
            %get3A_424 = tpu.vector_load %arg24[%get3A_422, %get3A_423] {strides = array<i32>} : memref<96x128xf32, #tpu.memory_space<vmem>>, vector<16xf32>,
            %add3A_425 = arith.addf %add3A_419, %get3A_424 : vector<16xf32>
            %mul3A_426 = arith.mulf %add3A_425, %mul3A_283 : vector<16xf32>
            %add3A_427 = arith.addf %get3A_410, %mul3A_426 : vector<16xf32>
            %swap3A_428 = arith.index_cast %reduce_max3A_292 : i32 to index
            %swap3A_429 = arith.constant 80 : index
            %swap3A_430 = tpu.vector_load %arg25[%swap3A_428, %swap3A_429] {strides = array<i32>} : memref<64x256xf32, #tpu.memory_space<vmem>>, vector<16xf32>,
            tpu.vector_store %arg25[%swap3A_428, %swap3A_429], %add3A_427 {strides = array<i32>} : memref<64x256xf32, #tpu.memory_space<vmem>>, vector<16xf32>,
            %get3A_431 = arith.index_cast %reduce_max3A_292 : i32 to index
            %get3A_432 = arith.constant 96 : index
            %get3A_433 = tpu.vector_load %arg25[%get3A_431, %get3A_432] {strides = array<i32>} : memref<64x256xf32, #tpu.memory_space<vmem>>, vector<16xf32>,
            %get3A_434 = arith.index_cast %scan3A_276 : i32 to index
            %get3A_435 = arith.constant 96 : index
            %get3A_436 = tpu.vector_load %arg24[%get3A_434, %get3A_435] {strides = array<i32>} : memref<96x128xf32, #tpu.memory_space<vmem>>, vector<16xf32>,
            %add3A_437 = arith.constant 32 : i32
            %add3A_438 = arith.addi %add3A_437, %scan3A_276 : i32
            %get3A_439 = arith.index_cast %add3A_438 : i32 to index
            %get3A_440 = arith.constant 96 : index
            %get3A_441 = tpu.vector_load %arg24[%get3A_439, %get3A_440] {strides = array<i32>} : memref<96x128xf32, #tpu.memory_space<vmem>>, vector<16xf32>,
            %add3A_442 = arith.addf %get3A_436, %get3A_441 : vector<16xf32>
            %add3A_443 = arith.constant 64 : i32
            %add3A_444 = arith.addi %add3A_443, %scan3A_276 : i32
            %get3A_445 = arith.index_cast %add3A_444 : i32 to index
            %get3A_446 = arith.constant 96 : index
            %get3A_447 = tpu.vector_load %arg24[%get3A_445, %get3A_446] {strides = array<i32>} : memref<96x128xf32, #tpu.memory_space<vmem>>, vector<16xf32>,
            %add3A_448 = arith.addf %add3A_442, %get3A_447 : vector<16xf32>
            %mul3A_449 = arith.mulf %add3A_448, %mul3A_283 : vector<16xf32>
            %add3A_450 = arith.addf %get3A_433, %mul3A_449 : vector<16xf32>
            %swap3A_451 = arith.index_cast %reduce_max3A_292 : i32 to index
            %swap3A_452 = arith.constant 96 : index
            %swap3A_453 = tpu.vector_load %arg25[%swap3A_451, %swap3A_452] {strides = array<i32>} : memref<64x256xf32, #tpu.memory_space<vmem>>, vector<16xf32>,
            tpu.vector_store %arg25[%swap3A_451, %swap3A_452], %add3A_450 {strides = array<i32>} : memref<64x256xf32, #tpu.memory_space<vmem>>, vector<16xf32>,
            %get3A_454 = arith.index_cast %reduce_max3A_292 : i32 to index
            %get3A_455 = arith.constant 112 : index
            %get3A_456 = tpu.vector_load %arg25[%get3A_454, %get3A_455] {strides = array<i32>} : memref<64x256xf32, #tpu.memory_space<vmem>>, vector<16xf32>,
            %get3A_457 = arith.index_cast %scan3A_276 : i32 to index
            %get3A_458 = arith.constant 112 : index
            %get3A_459 = tpu.vector_load %arg24[%get3A_457, %get3A_458] {strides = array<i32>} : memref<96x128xf32, #tpu.memory_space<vmem>>, vector<16xf32>,
            %add3A_460 = arith.constant 32 : i32
            %add3A_461 = arith.addi %add3A_460, %scan3A_276 : i32
            %get3A_462 = arith.index_cast %add3A_461 : i32 to index
            %get3A_463 = arith.constant 112 : index
            %get3A_464 = tpu.vector_load %arg24[%get3A_462, %get3A_463] {strides = array<i32>} : memref<96x128xf32, #tpu.memory_space<vmem>>, vector<16xf32>,
            %add3A_465 = arith.addf %get3A_459, %get3A_464 : vector<16xf32>
            %add3A_466 = arith.constant 64 : i32
            %add3A_467 = arith.addi %add3A_466, %scan3A_276 : i32
            %get3A_468 = arith.index_cast %add3A_467 : i32 to index
            %get3A_469 = arith.constant 112 : index
            %get3A_470 = tpu.vector_load %arg24[%get3A_468, %get3A_469] {strides = array<i32>} : memref<96x128xf32, #tpu.memory_space<vmem>>, vector<16xf32>,
            %add3A_471 = arith.addf %add3A_465, %get3A_470 : vector<16xf32>
            %mul3A_472 = arith.mulf %add3A_471, %mul3A_283 : vector<16xf32>
            %add3A_473 = arith.addf %get3A_456, %mul3A_472 : vector<16xf32>
            %swap3A_474 = arith.index_cast %reduce_max3A_292 : i32 to index
            %swap3A_475 = arith.constant 112 : index
            %swap3A_476 = tpu.vector_load %arg25[%swap3A_474, %swap3A_475] {strides = array<i32>} : memref<64x256xf32, #tpu.memory_space<vmem>>, vector<16xf32>,
            tpu.vector_store %arg25[%swap3A_474, %swap3A_475], %add3A_473 {strides = array<i32>} : memref<64x256xf32, #tpu.memory_space<vmem>>, vector<16xf32>,
            %get3A_477 = arith.index_cast %reduce_max3A_292 : i32 to index
            %get3A_478 = arith.constant 128 : index
            %get3A_479 = tpu.vector_load %arg25[%get3A_477, %get3A_478] {strides = array<i32>} : memref<64x256xf32, #tpu.memory_space<vmem>>, vector<16xf32>,
            %eq3A = arith.constant 0 : i32
            %eq3A_480 = vector.broadcast %eq3A : i32 to vector<16xi32>
            %eq3A_481 = arith.cmpi eq, %iota3A, %eq3A_480 : vector<16xi32>
            %jit3A_482 = arith.constant 0.000000e+00 : f32
            %broadcast_in_dim3A_483 = vector.broadcast %jit3A_482 : f32 to vector<16xf32>
            %select_n3A_484 = arith.select %eq3A_481, %gather3A, %broadcast_in_dim3A_483 : vector<16xi1>, vector<16xf32>
            %add3A_485 = arith.addf %get3A_479, %select_n3A_484 : vector<16xf32>
            %swap3A_486 = arith.index_cast %reduce_max3A_292 : i32 to index
            %swap3A_487 = arith.constant 128 : index
            %swap3A_488 = tpu.vector_load %arg25[%swap3A_486, %swap3A_487] {strides = array<i32>} : memref<64x256xf32, #tpu.memory_space<vmem>>, vector<16xf32>,
            tpu.vector_store %arg25[%swap3A_486, %swap3A_487], %add3A_485 {strides = array<i32>} : memref<64x256xf32, #tpu.memory_space<vmem>>, vector<16xf32>,
          }
          %scan3A_275 = arith.constant 32 : i32
          "tpu.trace_stop"() : () -> ()
        }
        %while3A_200 = arith.constant 1 : i32
        scf.for %while3A_201 = %while3A_198 to %while3A_194 step %while3A_200  : i32 {
          %mul3A_202 = arith.constant 32 : i32
          %mul3A_203 = arith.muli %while3A_201, %mul3A_202 : i32
          %add3A_204 = arith.constant 0 : i32
          %add3A_205 = arith.addi %mul3A_203, %add3A_204 : i32
          %get3A_206 = arith.index_cast %add3A_205 : i32 to index
          %get3A_207 = tpu.vector_load %arg15[%get3A_206] {strides = array<i32>} : memref<1056xi32, #tpu.memory_space<vmem>>, vector<16xi32>,
          %swap3A_208 = arith.constant 0 : index
          %swap3A_209 = tpu.vector_load %arg21[%swap3A_208] {strides = array<i32>} : memref<96xi32, #tpu.memory_space<vmem>>, vector<16xi32>,
          tpu.vector_store %arg21[%swap3A_208], %get3A_207 {strides = array<i32>} : memref<96xi32, #tpu.memory_space<vmem>>, vector<16xi32>,
          %add3A_210 = arith.constant 0 : i32
          %add3A_211 = arith.addi %mul3A_203, %add3A_210 : i32
          %get3A_212 = arith.index_cast %add3A_211 : i32 to index
          %get3A_213 = tpu.vector_load %arg16[%get3A_212] {strides = array<i32>} : memref<1056xi32, #tpu.memory_space<vmem>>, vector<16xi32>,
          %swap3A_214 = arith.constant 32 : index
          %swap3A_215 = tpu.vector_load %arg21[%swap3A_214] {strides = array<i32>} : memref<96xi32, #tpu.memory_space<vmem>>, vector<16xi32>,
          tpu.vector_store %arg21[%swap3A_214], %get3A_213 {strides = array<i32>} : memref<96xi32, #tpu.memory_space<vmem>>, vector<16xi32>,
          %add3A_216 = arith.constant 0 : i32
          %add3A_217 = arith.addi %mul3A_203, %add3A_216 : i32
          %get3A_218 = arith.index_cast %add3A_217 : i32 to index
          %get3A_219 = tpu.vector_load %arg17[%get3A_218] {strides = array<i32>} : memref<1056xi32, #tpu.memory_space<vmem>>, vector<16xi32>,
          %swap3A_220 = arith.constant 64 : index
          %swap3A_221 = tpu.vector_load %arg21[%swap3A_220] {strides = array<i32>} : memref<96xi32, #tpu.memory_space<vmem>>, vector<16xi32>,
          tpu.vector_store %arg21[%swap3A_220], %get3A_219 {strides = array<i32>} : memref<96xi32, #tpu.memory_space<vmem>>, vector<16xi32>,
          %add3A_222 = arith.constant 0 : i32
          %add3A_223 = arith.addi %mul3A_203, %add3A_222 : i32
          %get3A_224 = arith.index_cast %add3A_223 : i32 to index
          %get3A_225 = tpu.vector_load %arg19[%get3A_224] {strides = array<i32>} : memref<1056xf32, #tpu.memory_space<vmem>>, vector<16xf32>,
          %swap3A_226 = arith.constant 0 : index
          %swap3A_227 = tpu.vector_load %arg22[%swap3A_226] {strides = array<i32>} : memref<32xf32, #tpu.memory_space<vmem>>, vector<16xf32>,
          tpu.vector_store %arg22[%swap3A_226], %get3A_225 {strides = array<i32>} : memref<32xf32, #tpu.memory_space<vmem>>, vector<16xf32>,
          %add3A_228 = arith.constant 0 : i32
          %add3A_229 = arith.addi %mul3A_203, %add3A_228 : i32
          %get3A_230 = arith.index_cast %add3A_229 : i32 to index
          %get3A_231 = tpu.vector_load %arg18[%get3A_230] {strides = array<i32>} : memref<1056xi32, #tpu.memory_space<vmem>>, vector<16xi32>,
          %swap3A_232 = arith.constant 0 : index
          %swap3A_233 = tpu.vector_load %arg23[%swap3A_232] {strides = array<i32>} : memref<32xi32, #tpu.memory_space<vmem>>, vector<16xi32>,
          tpu.vector_store %arg23[%swap3A_232], %get3A_231 {strides = array<i32>} : memref<32xi32, #tpu.memory_space<vmem>>, vector<16xi32>,
          %add3A_234 = arith.constant 16 : i32
          %add3A_235 = arith.addi %mul3A_203, %add3A_234 : i32
          %get3A_236 = arith.index_cast %add3A_235 : i32 to index
          %get3A_237 = tpu.vector_load %arg15[%get3A_236] {strides = array<i32>} : memref<1056xi32, #tpu.memory_space<vmem>>, vector<16xi32>,
          %swap3A_238 = arith.constant 16 : index
          %swap3A_239 = tpu.vector_load %arg21[%swap3A_238] {strides = array<i32>} : memref<96xi32, #tpu.memory_space<vmem>>, vector<16xi32>,
          tpu.vector_store %arg21[%swap3A_238], %get3A_237 {strides = array<i32>} : memref<96xi32, #tpu.memory_space<vmem>>, vector<16xi32>,
          %add3A_240 = arith.constant 16 : i32
          %add3A_241 = arith.addi %mul3A_203, %add3A_240 : i32
          %get3A_242 = arith.index_cast %add3A_241 : i32 to index
          %get3A_243 = tpu.vector_load %arg16[%get3A_242] {strides = array<i32>} : memref<1056xi32, #tpu.memory_space<vmem>>, vector<16xi32>,
          %swap3A_244 = arith.constant 48 : index
          %swap3A_245 = tpu.vector_load %arg21[%swap3A_244] {strides = array<i32>} : memref<96xi32, #tpu.memory_space<vmem>>, vector<16xi32>,
          tpu.vector_store %arg21[%swap3A_244], %get3A_243 {strides = array<i32>} : memref<96xi32, #tpu.memory_space<vmem>>, vector<16xi32>,
          %add3A_246 = arith.constant 16 : i32
          %add3A_247 = arith.addi %mul3A_203, %add3A_246 : i32
          %get3A_248 = arith.index_cast %add3A_247 : i32 to index
          %get3A_249 = tpu.vector_load %arg17[%get3A_248] {strides = array<i32>} : memref<1056xi32, #tpu.memory_space<vmem>>, vector<16xi32>,
          %swap3A_250 = arith.constant 80 : index
          %swap3A_251 = tpu.vector_load %arg21[%swap3A_250] {strides = array<i32>} : memref<96xi32, #tpu.memory_space<vmem>>, vector<16xi32>,
          tpu.vector_store %arg21[%swap3A_250], %get3A_249 {strides = array<i32>} : memref<96xi32, #tpu.memory_space<vmem>>, vector<16xi32>,
          %add3A_252 = arith.constant 16 : i32
          %add3A_253 = arith.addi %mul3A_203, %add3A_252 : i32
          %get3A_254 = arith.index_cast %add3A_253 : i32 to index
          %get3A_255 = tpu.vector_load %arg19[%get3A_254] {strides = array<i32>} : memref<1056xf32, #tpu.memory_space<vmem>>, vector<16xf32>,
          %swap3A_256 = arith.constant 16 : index
          %swap3A_257 = tpu.vector_load %arg22[%swap3A_256] {strides = array<i32>} : memref<32xf32, #tpu.memory_space<vmem>>, vector<16xf32>,
          tpu.vector_store %arg22[%swap3A_256], %get3A_255 {strides = array<i32>} : memref<32xf32, #tpu.memory_space<vmem>>, vector<16xf32>,
          %add3A_258 = arith.constant 16 : i32
          %add3A_259 = arith.addi %mul3A_203, %add3A_258 : i32
          %get3A_260 = arith.index_cast %add3A_259 : i32 to index
          %get3A_261 = tpu.vector_load %arg18[%get3A_260] {strides = array<i32>} : memref<1056xi32, #tpu.memory_space<vmem>>, vector<16xi32>,
          %swap3A_262 = arith.constant 16 : index
          %swap3A_263 = tpu.vector_load %arg23[%swap3A_262] {strides = array<i32>} : memref<32xi32, #tpu.memory_space<vmem>>, vector<16xi32>,
          tpu.vector_store %arg23[%swap3A_262], %get3A_261 {strides = array<i32>} : memref<32xi32, #tpu.memory_space<vmem>>, vector<16xi32>,
          "tpu.trace_start"() <{level = 10 : i32, message = "b_gath"}> : () -> ()
          %dma_start3A_264 = arith.constant 0 : i32
          %dma_start3A_265 = arith.constant 0 : i32
          %dma_start3A_266 = tpu.memref_slice %arg26[%dma_start3A_264, %dma_start3A_265] : memref<10000x128xf32, #tpu.memory_space<vmem_shared>> -> memref<10000x128xf32, #tpu.memory_space<vmem_shared>>
          tpu.enqueue_indirect_dma source(%dma_start3A_266 : memref<10000x128xf32, #tpu.memory_space<vmem_shared>>) target(%arg24 : memref<96x128xf32, #tpu.memory_space<vmem>>) offsets(%arg21 : memref<96xi32, #tpu.memory_space<vmem>>) semaphore(%arg27 : memref<!tpu.dma_semaphore, #tpu.memory_space<semaphore_mem>>)
          %dma_wait3A_267 = arith.constant 0 : i32
          %dma_wait3A_268 = arith.constant 0 : i32
          %dma_wait3A_269 = tpu.memref_slice %arg26[%dma_wait3A_267, %dma_wait3A_268] : memref<10000x128xf32, #tpu.memory_space<vmem_shared>> -> memref<10000x128xf32, #tpu.memory_space<vmem_shared>>
          tpu.wait_indirect_dma semaphore(%arg27 : memref<!tpu.dma_semaphore, #tpu.memory_space<semaphore_mem>>) src(%dma_wait3A_269 : memref<10000x128xf32, #tpu.memory_space<vmem_shared>>) dst(%arg24 : memref<96x128xf32, #tpu.memory_space<vmem>>)
          "tpu.trace_stop"() : () -> ()
          "tpu.trace_start"() <{level = 10 : i32, message = "b_rmw"}> : () -> ()
          %scan3A_270 = arith.constant 0 : i32
          %scan3A_271 = arith.constant 0 : i32
          %scan3A_272 = arith.constant 32 : i32
          %scan3A_273 = arith.addi %scan3A_271, %scan3A_272 : i32
          %scan3A_274 = arith.constant 1 : i32
          scf.for %scan3A_276 = %scan3A_271 to %scan3A_273 step %scan3A_274  : i32 {
            %broadcast_in_dim3A_277 = arith.constant 1 : i32
            %broadcast_in_dim3A_278 = vector.broadcast %broadcast_in_dim3A_277 : i32 to vector<16xi32>
            %mul3A_279 = vector.broadcast %scan3A_276 : i32 to vector<16xi32>
            %mul3A_280 = arith.muli %broadcast_in_dim3A_278, %mul3A_279 : vector<16xi32>
            %gather3A = tpu.vector_load_idx %arg22[%mul3A_280] : memref<32xf32, #tpu.memory_space<vmem>>[vector<16xi32>], vector<16xf32>,
            %mul3A_281 = arith.constant 0.333333343 : f32
            %mul3A_282 = vector.broadcast %mul3A_281 : f32 to vector<16xf32>
            %mul3A_283 = arith.mulf %gather3A, %mul3A_282 : vector<16xf32>
            %gather3A_284 = tpu.vector_load_idx %arg23[%mul3A_280] : memref<32xi32, #tpu.memory_space<vmem>>[vector<16xi32>], vector<16xi32>,
            %reduce_max3A_285 = arith.constant true
            %reduce_max3A_286 = vector.broadcast %reduce_max3A_285 : i1 to vector<16xi1>
            %reduce_max3A_287 = arith.constant -2147483648 : i32
            %reduce_max3A_288 = vector.broadcast %reduce_max3A_287 : i32 to vector<16xi32>
            %reduce_max3A_289 = arith.xori %gather3A_284, %reduce_max3A_288 : vector<16xi32>
            %reduce_max3A_290 = tpu.scan <max>, %reduce_max3A_289 masked %reduce_max3A_286 : vector<16xi32>, vector<16xi1> -> vector<16xi32>
            %reduce_max3A_291 = arith.xori %reduce_max3A_290, %reduce_max3A_288 : vector<16xi32>
            %reduce_max3A_292 = vector.extract %reduce_max3A_291[15] : i32 from vector<16xi32>
            %get3A_293 = arith.index_cast %reduce_max3A_292 : i32 to index
            %get3A_294 = arith.constant 0 : index
            %get3A_295 = tpu.vector_load %arg25[%get3A_293, %get3A_294] {strides = array<i32>} : memref<64x256xf32, #tpu.memory_space<vmem>>, vector<16xf32>,
            %get3A_296 = arith.index_cast %scan3A_276 : i32 to index
            %get3A_297 = arith.constant 0 : index
            %get3A_298 = tpu.vector_load %arg24[%get3A_296, %get3A_297] {strides = array<i32>} : memref<96x128xf32, #tpu.memory_space<vmem>>, vector<16xf32>,
            %add3A_299 = arith.constant 32 : i32
            %add3A_300 = arith.addi %add3A_299, %scan3A_276 : i32
            %get3A_301 = arith.index_cast %add3A_300 : i32 to index
            %get3A_302 = arith.constant 0 : index
            %get3A_303 = tpu.vector_load %arg24[%get3A_301, %get3A_302] {strides = array<i32>} : memref<96x128xf32, #tpu.memory_space<vmem>>, vector<16xf32>,
            %add3A_304 = arith.addf %get3A_298, %get3A_303 : vector<16xf32>
            %add3A_305 = arith.constant 64 : i32
            %add3A_306 = arith.addi %add3A_305, %scan3A_276 : i32
            %get3A_307 = arith.index_cast %add3A_306 : i32 to index
            %get3A_308 = arith.constant 0 : index
            %get3A_309 = tpu.vector_load %arg24[%get3A_307, %get3A_308] {strides = array<i32>} : memref<96x128xf32, #tpu.memory_space<vmem>>, vector<16xf32>,
            %add3A_310 = arith.addf %add3A_304, %get3A_309 : vector<16xf32>
            %mul3A_311 = arith.mulf %add3A_310, %mul3A_283 : vector<16xf32>
            %add3A_312 = arith.addf %get3A_295, %mul3A_311 : vector<16xf32>
            %swap3A_313 = arith.index_cast %reduce_max3A_292 : i32 to index
            %swap3A_314 = arith.constant 0 : index
            %swap3A_315 = tpu.vector_load %arg25[%swap3A_313, %swap3A_314] {strides = array<i32>} : memref<64x256xf32, #tpu.memory_space<vmem>>, vector<16xf32>,
            tpu.vector_store %arg25[%swap3A_313, %swap3A_314], %add3A_312 {strides = array<i32>} : memref<64x256xf32, #tpu.memory_space<vmem>>, vector<16xf32>,
            %get3A_316 = arith.index_cast %reduce_max3A_292 : i32 to index
            %get3A_317 = arith.constant 16 : index
            %get3A_318 = tpu.vector_load %arg25[%get3A_316, %get3A_317] {strides = array<i32>} : memref<64x256xf32, #tpu.memory_space<vmem>>, vector<16xf32>,
            %get3A_319 = arith.index_cast %scan3A_276 : i32 to index
            %get3A_320 = arith.constant 16 : index
            %get3A_321 = tpu.vector_load %arg24[%get3A_319, %get3A_320] {strides = array<i32>} : memref<96x128xf32, #tpu.memory_space<vmem>>, vector<16xf32>,
            %add3A_322 = arith.constant 32 : i32
            %add3A_323 = arith.addi %add3A_322, %scan3A_276 : i32
            %get3A_324 = arith.index_cast %add3A_323 : i32 to index
            %get3A_325 = arith.constant 16 : index
            %get3A_326 = tpu.vector_load %arg24[%get3A_324, %get3A_325] {strides = array<i32>} : memref<96x128xf32, #tpu.memory_space<vmem>>, vector<16xf32>,
            %add3A_327 = arith.addf %get3A_321, %get3A_326 : vector<16xf32>
            %add3A_328 = arith.constant 64 : i32
            %add3A_329 = arith.addi %add3A_328, %scan3A_276 : i32
            %get3A_330 = arith.index_cast %add3A_329 : i32 to index
            %get3A_331 = arith.constant 16 : index
            %get3A_332 = tpu.vector_load %arg24[%get3A_330, %get3A_331] {strides = array<i32>} : memref<96x128xf32, #tpu.memory_space<vmem>>, vector<16xf32>,
            %add3A_333 = arith.addf %add3A_327, %get3A_332 : vector<16xf32>
            %mul3A_334 = arith.mulf %add3A_333, %mul3A_283 : vector<16xf32>
            %add3A_335 = arith.addf %get3A_318, %mul3A_334 : vector<16xf32>
            %swap3A_336 = arith.index_cast %reduce_max3A_292 : i32 to index
            %swap3A_337 = arith.constant 16 : index
            %swap3A_338 = tpu.vector_load %arg25[%swap3A_336, %swap3A_337] {strides = array<i32>} : memref<64x256xf32, #tpu.memory_space<vmem>>, vector<16xf32>,
            tpu.vector_store %arg25[%swap3A_336, %swap3A_337], %add3A_335 {strides = array<i32>} : memref<64x256xf32, #tpu.memory_space<vmem>>, vector<16xf32>,
            %get3A_339 = arith.index_cast %reduce_max3A_292 : i32 to index
            %get3A_340 = arith.constant 32 : index
            %get3A_341 = tpu.vector_load %arg25[%get3A_339, %get3A_340] {strides = array<i32>} : memref<64x256xf32, #tpu.memory_space<vmem>>, vector<16xf32>,
            %get3A_342 = arith.index_cast %scan3A_276 : i32 to index
            %get3A_343 = arith.constant 32 : index
            %get3A_344 = tpu.vector_load %arg24[%get3A_342, %get3A_343] {strides = array<i32>} : memref<96x128xf32, #tpu.memory_space<vmem>>, vector<16xf32>,
            %add3A_345 = arith.constant 32 : i32
            %add3A_346 = arith.addi %add3A_345, %scan3A_276 : i32
            %get3A_347 = arith.index_cast %add3A_346 : i32 to index
            %get3A_348 = arith.constant 32 : index
            %get3A_349 = tpu.vector_load %arg24[%get3A_347, %get3A_348] {strides = array<i32>} : memref<96x128xf32, #tpu.memory_space<vmem>>, vector<16xf32>,
            %add3A_350 = arith.addf %get3A_344, %get3A_349 : vector<16xf32>
            %add3A_351 = arith.constant 64 : i32
            %add3A_352 = arith.addi %add3A_351, %scan3A_276 : i32
            %get3A_353 = arith.index_cast %add3A_352 : i32 to index
            %get3A_354 = arith.constant 32 : index
            %get3A_355 = tpu.vector_load %arg24[%get3A_353, %get3A_354] {strides = array<i32>} : memref<96x128xf32, #tpu.memory_space<vmem>>, vector<16xf32>,
            %add3A_356 = arith.addf %add3A_350, %get3A_355 : vector<16xf32>
            %mul3A_357 = arith.mulf %add3A_356, %mul3A_283 : vector<16xf32>
            %add3A_358 = arith.addf %get3A_341, %mul3A_357 : vector<16xf32>
            %swap3A_359 = arith.index_cast %reduce_max3A_292 : i32 to index
            %swap3A_360 = arith.constant 32 : index
            %swap3A_361 = tpu.vector_load %arg25[%swap3A_359, %swap3A_360] {strides = array<i32>} : memref<64x256xf32, #tpu.memory_space<vmem>>, vector<16xf32>,
            tpu.vector_store %arg25[%swap3A_359, %swap3A_360], %add3A_358 {strides = array<i32>} : memref<64x256xf32, #tpu.memory_space<vmem>>, vector<16xf32>,
            %get3A_362 = arith.index_cast %reduce_max3A_292 : i32 to index
            %get3A_363 = arith.constant 48 : index
            %get3A_364 = tpu.vector_load %arg25[%get3A_362, %get3A_363] {strides = array<i32>} : memref<64x256xf32, #tpu.memory_space<vmem>>, vector<16xf32>,
            %get3A_365 = arith.index_cast %scan3A_276 : i32 to index
            %get3A_366 = arith.constant 48 : index
            %get3A_367 = tpu.vector_load %arg24[%get3A_365, %get3A_366] {strides = array<i32>} : memref<96x128xf32, #tpu.memory_space<vmem>>, vector<16xf32>,
            %add3A_368 = arith.constant 32 : i32
            %add3A_369 = arith.addi %add3A_368, %scan3A_276 : i32
            %get3A_370 = arith.index_cast %add3A_369 : i32 to index
            %get3A_371 = arith.constant 48 : index
            %get3A_372 = tpu.vector_load %arg24[%get3A_370, %get3A_371] {strides = array<i32>} : memref<96x128xf32, #tpu.memory_space<vmem>>, vector<16xf32>,
            %add3A_373 = arith.addf %get3A_367, %get3A_372 : vector<16xf32>
            %add3A_374 = arith.constant 64 : i32
            %add3A_375 = arith.addi %add3A_374, %scan3A_276 : i32
            %get3A_376 = arith.index_cast %add3A_375 : i32 to index
            %get3A_377 = arith.constant 48 : index
            %get3A_378 = tpu.vector_load %arg24[%get3A_376, %get3A_377] {strides = array<i32>} : memref<96x128xf32, #tpu.memory_space<vmem>>, vector<16xf32>,
            %add3A_379 = arith.addf %add3A_373, %get3A_378 : vector<16xf32>
            %mul3A_380 = arith.mulf %add3A_379, %mul3A_283 : vector<16xf32>
            %add3A_381 = arith.addf %get3A_364, %mul3A_380 : vector<16xf32>
            %swap3A_382 = arith.index_cast %reduce_max3A_292 : i32 to index
            %swap3A_383 = arith.constant 48 : index
            %swap3A_384 = tpu.vector_load %arg25[%swap3A_382, %swap3A_383] {strides = array<i32>} : memref<64x256xf32, #tpu.memory_space<vmem>>, vector<16xf32>,
            tpu.vector_store %arg25[%swap3A_382, %swap3A_383], %add3A_381 {strides = array<i32>} : memref<64x256xf32, #tpu.memory_space<vmem>>, vector<16xf32>,
            %get3A_385 = arith.index_cast %reduce_max3A_292 : i32 to index
            %get3A_386 = arith.constant 64 : index
            %get3A_387 = tpu.vector_load %arg25[%get3A_385, %get3A_386] {strides = array<i32>} : memref<64x256xf32, #tpu.memory_space<vmem>>, vector<16xf32>,
            %get3A_388 = arith.index_cast %scan3A_276 : i32 to index
            %get3A_389 = arith.constant 64 : index
            %get3A_390 = tpu.vector_load %arg24[%get3A_388, %get3A_389] {strides = array<i32>} : memref<96x128xf32, #tpu.memory_space<vmem>>, vector<16xf32>,
            %add3A_391 = arith.constant 32 : i32
            %add3A_392 = arith.addi %add3A_391, %scan3A_276 : i32
            %get3A_393 = arith.index_cast %add3A_392 : i32 to index
            %get3A_394 = arith.constant 64 : index
            %get3A_395 = tpu.vector_load %arg24[%get3A_393, %get3A_394] {strides = array<i32>} : memref<96x128xf32, #tpu.memory_space<vmem>>, vector<16xf32>,
            %add3A_396 = arith.addf %get3A_390, %get3A_395 : vector<16xf32>
            %add3A_397 = arith.constant 64 : i32
            %add3A_398 = arith.addi %add3A_397, %scan3A_276 : i32
            %get3A_399 = arith.index_cast %add3A_398 : i32 to index
            %get3A_400 = arith.constant 64 : index
            %get3A_401 = tpu.vector_load %arg24[%get3A_399, %get3A_400] {strides = array<i32>} : memref<96x128xf32, #tpu.memory_space<vmem>>, vector<16xf32>,
            %add3A_402 = arith.addf %add3A_396, %get3A_401 : vector<16xf32>
            %mul3A_403 = arith.mulf %add3A_402, %mul3A_283 : vector<16xf32>
            %add3A_404 = arith.addf %get3A_387, %mul3A_403 : vector<16xf32>
            %swap3A_405 = arith.index_cast %reduce_max3A_292 : i32 to index
            %swap3A_406 = arith.constant 64 : index
            %swap3A_407 = tpu.vector_load %arg25[%swap3A_405, %swap3A_406] {strides = array<i32>} : memref<64x256xf32, #tpu.memory_space<vmem>>, vector<16xf32>,
            tpu.vector_store %arg25[%swap3A_405, %swap3A_406], %add3A_404 {strides = array<i32>} : memref<64x256xf32, #tpu.memory_space<vmem>>, vector<16xf32>,
            %get3A_408 = arith.index_cast %reduce_max3A_292 : i32 to index
            %get3A_409 = arith.constant 80 : index
            %get3A_410 = tpu.vector_load %arg25[%get3A_408, %get3A_409] {strides = array<i32>} : memref<64x256xf32, #tpu.memory_space<vmem>>, vector<16xf32>,
            %get3A_411 = arith.index_cast %scan3A_276 : i32 to index
            %get3A_412 = arith.constant 80 : index
            %get3A_413 = tpu.vector_load %arg24[%get3A_411, %get3A_412] {strides = array<i32>} : memref<96x128xf32, #tpu.memory_space<vmem>>, vector<16xf32>,
            %add3A_414 = arith.constant 32 : i32
            %add3A_415 = arith.addi %add3A_414, %scan3A_276 : i32
            %get3A_416 = arith.index_cast %add3A_415 : i32 to index
            %get3A_417 = arith.constant 80 : index
            %get3A_418 = tpu.vector_load %arg24[%get3A_416, %get3A_417] {strides = array<i32>} : memref<96x128xf32, #tpu.memory_space<vmem>>, vector<16xf32>,
            %add3A_419 = arith.addf %get3A_413, %get3A_418 : vector<16xf32>
            %add3A_420 = arith.constant 64 : i32
            %add3A_421 = arith.addi %add3A_420, %scan3A_276 : i32
            %get3A_422 = arith.index_cast %add3A_421 : i32 to index
            %get3A_423 = arith.constant 80 : index
            %get3A_424 = tpu.vector_load %arg24[%get3A_422, %get3A_423] {strides = array<i32>} : memref<96x128xf32, #tpu.memory_space<vmem>>, vector<16xf32>,
            %add3A_425 = arith.addf %add3A_419, %get3A_424 : vector<16xf32>
            %mul3A_426 = arith.mulf %add3A_425, %mul3A_283 : vector<16xf32>
            %add3A_427 = arith.addf %get3A_410, %mul3A_426 : vector<16xf32>
            %swap3A_428 = arith.index_cast %reduce_max3A_292 : i32 to index
            %swap3A_429 = arith.constant 80 : index
            %swap3A_430 = tpu.vector_load %arg25[%swap3A_428, %swap3A_429] {strides = array<i32>} : memref<64x256xf32, #tpu.memory_space<vmem>>, vector<16xf32>,
            tpu.vector_store %arg25[%swap3A_428, %swap3A_429], %add3A_427 {strides = array<i32>} : memref<64x256xf32, #tpu.memory_space<vmem>>, vector<16xf32>,
            %get3A_431 = arith.index_cast %reduce_max3A_292 : i32 to index
            %get3A_432 = arith.constant 96 : index
            %get3A_433 = tpu.vector_load %arg25[%get3A_431, %get3A_432] {strides = array<i32>} : memref<64x256xf32, #tpu.memory_space<vmem>>, vector<16xf32>,
            %get3A_434 = arith.index_cast %scan3A_276 : i32 to index
            %get3A_435 = arith.constant 96 : index
            %get3A_436 = tpu.vector_load %arg24[%get3A_434, %get3A_435] {strides = array<i32>} : memref<96x128xf32, #tpu.memory_space<vmem>>, vector<16xf32>,
            %add3A_437 = arith.constant 32 : i32
            %add3A_438 = arith.addi %add3A_437, %scan3A_276 : i32
            %get3A_439 = arith.index_cast %add3A_438 : i32 to index
            %get3A_440 = arith.constant 96 : index
            %get3A_441 = tpu.vector_load %arg24[%get3A_439, %get3A_440] {strides = array<i32>} : memref<96x128xf32, #tpu.memory_space<vmem>>, vector<16xf32>,
            %add3A_442 = arith.addf %get3A_436, %get3A_441 : vector<16xf32>
            %add3A_443 = arith.constant 64 : i32
            %add3A_444 = arith.addi %add3A_443, %scan3A_276 : i32
            %get3A_445 = arith.index_cast %add3A_444 : i32 to index
            %get3A_446 = arith.constant 96 : index
            %get3A_447 = tpu.vector_load %arg24[%get3A_445, %get3A_446] {strides = array<i32>} : memref<96x128xf32, #tpu.memory_space<vmem>>, vector<16xf32>,
            %add3A_448 = arith.addf %add3A_442, %get3A_447 : vector<16xf32>
            %mul3A_449 = arith.mulf %add3A_448, %mul3A_283 : vector<16xf32>
            %add3A_450 = arith.addf %get3A_433, %mul3A_449 : vector<16xf32>
            %swap3A_451 = arith.index_cast %reduce_max3A_292 : i32 to index
            %swap3A_452 = arith.constant 96 : index
            %swap3A_453 = tpu.vector_load %arg25[%swap3A_451, %swap3A_452] {strides = array<i32>} : memref<64x256xf32, #tpu.memory_space<vmem>>, vector<16xf32>,
            tpu.vector_store %arg25[%swap3A_451, %swap3A_452], %add3A_450 {strides = array<i32>} : memref<64x256xf32, #tpu.memory_space<vmem>>, vector<16xf32>,
            %get3A_454 = arith.index_cast %reduce_max3A_292 : i32 to index
            %get3A_455 = arith.constant 112 : index
            %get3A_456 = tpu.vector_load %arg25[%get3A_454, %get3A_455] {strides = array<i32>} : memref<64x256xf32, #tpu.memory_space<vmem>>, vector<16xf32>,
            %get3A_457 = arith.index_cast %scan3A_276 : i32 to index
            %get3A_458 = arith.constant 112 : index
            %get3A_459 = tpu.vector_load %arg24[%get3A_457, %get3A_458] {strides = array<i32>} : memref<96x128xf32, #tpu.memory_space<vmem>>, vector<16xf32>,
            %add3A_460 = arith.constant 32 : i32
            %add3A_461 = arith.addi %add3A_460, %scan3A_276 : i32
            %get3A_462 = arith.index_cast %add3A_461 : i32 to index
            %get3A_463 = arith.constant 112 : index
            %get3A_464 = tpu.vector_load %arg24[%get3A_462, %get3A_463] {strides = array<i32>} : memref<96x128xf32, #tpu.memory_space<vmem>>, vector<16xf32>,
            %add3A_465 = arith.addf %get3A_459, %get3A_464 : vector<16xf32>
            %add3A_466 = arith.constant 64 : i32
            %add3A_467 = arith.addi %add3A_466, %scan3A_276 : i32
            %get3A_468 = arith.index_cast %add3A_467 : i32 to index
            %get3A_469 = arith.constant 112 : index
            %get3A_470 = tpu.vector_load %arg24[%get3A_468, %get3A_469] {strides = array<i32>} : memref<96x128xf32, #tpu.memory_space<vmem>>, vector<16xf32>,
            %add3A_471 = arith.addf %add3A_465, %get3A_470 : vector<16xf32>
            %mul3A_472 = arith.mulf %add3A_471, %mul3A_283 : vector<16xf32>
            %add3A_473 = arith.addf %get3A_456, %mul3A_472 : vector<16xf32>
            %swap3A_474 = arith.index_cast %reduce_max3A_292 : i32 to index
            %swap3A_475 = arith.constant 112 : index
            %swap3A_476 = tpu.vector_load %arg25[%swap3A_474, %swap3A_475] {strides = array<i32>} : memref<64x256xf32, #tpu.memory_space<vmem>>, vector<16xf32>,
            tpu.vector_store %arg25[%swap3A_474, %swap3A_475], %add3A_473 {strides = array<i32>} : memref<64x256xf32, #tpu.memory_space<vmem>>, vector<16xf32>,
            %get3A_477 = arith.index_cast %reduce_max3A_292 : i32 to index
            %get3A_478 = arith.constant 128 : index
            %get3A_479 = tpu.vector_load %arg25[%get3A_477, %get3A_478] {strides = array<i32>} : memref<64x256xf32, #tpu.memory_space<vmem>>, vector<16xf32>,
            %eq3A = arith.constant 0 : i32
            %eq3A_480 = vector.broadcast %eq3A : i32 to vector<16xi32>
            %eq3A_481 = arith.cmpi eq, %iota3A, %eq3A_480 : vector<16xi32>
            %jit3A_482 = arith.constant 0.000000e+00 : f32
            %broadcast_in_dim3A_483 = vector.broadcast %jit3A_482 : f32 to vector<16xf32>
            %select_n3A_484 = arith.select %eq3A_481, %gather3A, %broadcast_in_dim3A_483 : vector<16xi1>, vector<16xf32>
            %add3A_485 = arith.addf %get3A_479, %select_n3A_484 : vector<16xf32>
            %swap3A_486 = arith.index_cast %reduce_max3A_292 : i32 to index
            %swap3A_487 = arith.constant 128 : index
            %swap3A_488 = tpu.vector_load %arg25[%swap3A_486, %swap3A_487] {strides = array<i32>} : memref<64x256xf32, #tpu.memory_space<vmem>>, vector<16xf32>,
            tpu.vector_store %arg25[%swap3A_486, %swap3A_487], %add3A_485 {strides = array<i32>} : memref<64x256xf32, #tpu.memory_space<vmem>>, vector<16xf32>,
          }
          %scan3A_275 = arith.constant 32 : i32
          "tpu.trace_stop"() : () -> ()
        }
      }
    }
    %scan3A_18 = arith.constant 32 : i32
    "tpu.region"() ({
      %run_scoped3A = tpu.sem_alloc : memref<!tpu.dma_semaphore, #tpu.memory_space<semaphore_mem>>
      %dma_start3A = arith.constant 0 : i32
      %dma_start3A_19 = tpu.memref_slice %arg9[%mul3A_2, %dma_start3A] : memref<2048x256xf32, #tpu.memory_space<hbm>> -> memref<64x256xf32, #tpu.memory_space<hbm>>
      %dma_start3A_20 = arith.constant 0 : i32
      %dma_start3A_21 = tpu.memref_slice %arg9[%mul3A_2, %dma_start3A_20] : memref<2048x256xf32, #tpu.memory_space<hbm>> -> memref<64x256xf32, #tpu.memory_space<hbm>>
      tpu.enqueue_dma source(%arg25 : memref<64x256xf32, #tpu.memory_space<vmem>>) target(%dma_start3A_21 : memref<64x256xf32, #tpu.memory_space<hbm>>) target_semaphore(%run_scoped3A : memref<!tpu.dma_semaphore, #tpu.memory_space<semaphore_mem>>)
      %dma_wait3A = arith.constant 0 : i32
      %dma_wait3A_22 = tpu.memref_slice %arg9[%mul3A_2, %dma_wait3A] : memref<2048x256xf32, #tpu.memory_space<hbm>> -> memref<64x256xf32, #tpu.memory_space<hbm>>
      %dma_wait3A_23 = arith.constant 0 : i32
      %dma_wait3A_24 = tpu.memref_slice %arg9[%mul3A_2, %dma_wait3A_23] : memref<2048x256xf32, #tpu.memory_space<hbm>> -> memref<64x256xf32, #tpu.memory_space<hbm>>
      tpu.wait_dma2 semaphore(%run_scoped3A : memref<!tpu.dma_semaphore, #tpu.memory_space<semaphore_mem>>) src(%arg25 : memref<64x256xf32, #tpu.memory_space<vmem>>) dst(%dma_wait3A_24 : memref<64x256xf32, #tpu.memory_space<hbm>>)
      tpu.yield
    }) : () -> ()
    return
  }
}

module attributes {stable_mosaic.version = 14 : i64} {
  func.func @_s_body(%arg0: memref<10000x128xf32, #tpu.memory_space<vmem>>, %arg1: memref<1x128xf32, #tpu.memory_space<vmem>>, %arg2: memref<10000x1xf32, #tpu.memory_space<vmem>>) attributes {dimension_semantics = [], scalar_prefetch = 0 : i64, scratch_operands = 0 : i64, tpu.core_type = #tpu.core_type<tc>} {
    %get3A = arith.constant 0 : index
    %get3A_0 = arith.constant 0 : index
    %get3A_1 = vector.load %arg0[%get3A, %get3A_0] : memref<10000x128xf32, #tpu.memory_space<vmem>>, vector<10000x128xf32>
    %get3A_2 = arith.constant 0 : index
    %get3A_3 = arith.constant 0 : index
    %get3A_4 = vector.load %arg1[%get3A_2, %get3A_3] : memref<1x128xf32, #tpu.memory_space<vmem>>, vector<1x128xf32>
    %mul3A = vector.broadcast %get3A_4 : vector<1x128xf32> to vector<10000x128xf32>
    %mul3A_5 = arith.mulf %get3A_1, %mul3A : vector<10000x128xf32>
    %reduce_sum3A = arith.constant dense<0.000000e+00> : vector<10000xf32>
    %reduce_sum3A_6 = vector.multi_reduction <add>, %mul3A_5, %reduce_sum3A [1] : vector<10000x128xf32> to vector<10000xf32>
    %broadcast_in_dim3A = vector.shape_cast %reduce_sum3A_6 : vector<10000xf32> to vector<10000x1xf32>
    %swap3A = arith.constant 0 : index
    %swap3A_7 = arith.constant 0 : index
    %swap3A_8 = vector.load %arg2[%swap3A, %swap3A_7] : memref<10000x1xf32, #tpu.memory_space<vmem>>, vector<10000x1xf32>
    tpu.vector_store %arg2[%swap3A, %swap3A_7], %broadcast_in_dim3A {strides = array<i32>} : memref<10000x1xf32, #tpu.memory_space<vmem>>, vector<10000x1xf32>,
    return
  }
}

</mosaic_0001>

<sc_bundles>
// kernel: kernel.12.cloned.1.call-start
scs
__scs_entry_jumppad:
0x0: {  	(pc) =	sbr.rel $0x88, $3  }
0x1: {  	(tag) =	ssettag $0x0;
	lr =	simm.s32 $0x1  }
0x2: {  	[smem:$0x3F9C] =	sst lr;
	_ =	strace $0xD0000000  }
0x3: {  	_ = 	snop  }
0x4: {  	_ = 	snop  }
0x5: {  	_ = 	snop  }
0x6: {  	_ = 	snop  }
0x7: {  	_ = 	snop  }
__scs_overlays_trampoline_lowered:
0x8: {  	[smem:$0x3FAB] =	sst s0  }
0x9: {  	[smem:$0x3FAC] =	sst s1  }
0xa: {  	[smem:$0x3FAD] =	sst s2  }
0xb: {  	[smem:$0x3FAE] =	sst s3  }
0xc: {  	[smem:$0x3FAF] =	sst s4  }
0xd: {  	[smem:$0x3FB0] =	sst s5  }
0xe: {  	[smem:$0x3FB1] =	sst s6  }
0xf: {  	[smem:$0x3FB2] =	sst s7  }
0x10: {  	[smem:$0x3FB3] =	sst s8  }
0x11: {  	[smem:$0x3FB4] =	sst s9;
	s0 =	simm.s32 @!p0 $0x0  }
0x12: {  	s1 =	sld [smem:$0x3F9A];
	s0 =	simm.s32 @p0 $0x1  }
0x13: {  	[smem:$0x3FB5] =	sst s0;
	s0 =	simm.s32 @!p1 $0x0  }
0x14: {  	s2 =	sld [smem:$0x3F99];
	s0 =	simm.s32 @p1 $0x1  }
0x15: {  	[smem:$0x3FB6] =	sst s0;
	s0 =	simm.s32 @!p2 $0x0  }
0x16: {  	s3 =	sld [smem:$0x3FDB];
	s0 =	simm.s32 @p2 $0x1  }
0x17: {  	s4 =	simm.s32 $0x1BF5;
	[smem:$0x3FB8] =	sst s0  }
0x18: {  	s0 =	sld [smem:$0x3F9B];
	_ =	swait.ge [sflag:s4], $0x0  }
0x19: {  	s7 =	sld [smem:$0x3F9C]  }
0x1a: {  	s8 =	sadd.s32 $0xFFFFE003, lr  }
0x1b: {  	s9 =	sadd.s32 $0xFFFFFEF7, lr;
	s5 =	simm.s32 $0xFFFFFFFF;
	p2 =	slt.u32 s8, $0xFFFFF086  }
0x1c: {  	p1 =	slt.u32 s9, $0xF7A;
	s5 =	simm.s32 @!p2 $0x0  }
0x1d: {  	s5 =	simm.s32 @p1 $0x1;
	p0 =	seq.s32 s7, s2  }
0x1e: {  	s7 =	smul.u32 @!p0 $0xF7A, s2;
	p2 =	seq.s32 @!p0 s5, $0x0  }
0x1f: {  	s9 =	smul.u32 $0xF7A, s1;
	s8 =	simm.s32 @!p0 $0x1BF5;
	p2 =	por !p2, p0  }
0x20: {  	[sflag:s8] =	ssyncset.s32 @!p0 $0xFFFFF086;
	s6 =	sadd.s32 @!p0 s3, s7;
	s7 =	simm.s32 @!p0 $0x108  }
0x21: {  	s3 =	sadd.s32 s3, s9;
	s6 =	sadd.s32 @!p0 $0x88, s6;
	s7 =	simm.s32 @p2 $0x1082  }
0x22: {  	[simem:s7], [sflag:s8] =	dma.local @!p0 [hbm:s6], $0xF7A  }
0x23: {  	s9 =	sor.u32 $0xD0000000, s2;
	s6 =	simm.s32 $0x108;
	_ =	swait.ge @!p0 [sflag:s8], $0x0  }
0x24: {  	s3 =	sadd.s32 $0x88, s3;
	s6 =	simm.s32 @!p1 $0x1082;
	[sflag:s4] =	ssyncset.s32 $0xFFFFF086  }
0x25: {  	[simem:s6], [sflag:s4] =	dma.local [hbm:s3], $0xF7A  }
0x26: {  	[smem:$0x3F9C] =	sst s1;
	(tag) =	ssettag s2;
	_ =	strace s9  }
0x27: {  	s1 =	sld [smem:$0x3FAC]  }
0x28: {  	s2 =	sld [smem:$0x3FAD]  }
0x29: {  	s4 =	sld [smem:$0x3FAF]  }
0x2a: {  	p0 =	seq.s32 s5, $0x0;
	s5 =	sld [smem:$0x3FB0]  }
0x2b: {  	s6 =	sld [smem:$0x3FB1]  }
0x2c: {  	s7 =	sld [smem:$0x3FB2]  }
0x2d: {  	s3 =	simm.s32 $0x108;
	s8 =	sld [smem:$0x3FB3]  }
0x2e: {  	s3 =	simm.s32 @!p0 $0x1082;
	s9 =	sld [smem:$0x3FB4]  }
0x2f: {  	lr =	sadd.s32 s0, s3;
	s0 =	sld [smem:$0x3FAB]  }
0x30: {  	s3 =	sld [smem:$0x3FAE]  }
0x31: {  	[smem:$0x3FB7] =	sst s10  }
0x32: {  	s10 =	sld [smem:$0x3FB5];
	_ =	sdelay $0x3  }
0x33: {  	p0 =	seq.s32 s10, $0x1;
	s10 =	sld [smem:$0x3FB7];
	_ =	sdelay $0x3  }
0x34: {  	[smem:$0x3FB7] =	sst s10  }
0x35: {  	s10 =	sld [smem:$0x3FB6];
	_ =	sdelay $0x3  }
0x36: {  	p1 =	seq.s32 s10, $0x1;
	s10 =	sld [smem:$0x3FB7];
	_ =	sdelay $0x3  }
0x37: {  	[smem:$0x3FB7] =	sst s10  }
0x38: {  	s10 =	sld [smem:$0x3FB8]  }
0x39: {  	_ = 	snop;
	(pc) =	sbr.ind lr, $3  }
0x3a: {  	_ = 	snop  }
0x3b: {  	_ = 	snop  }
0x3c: {  	p2 =	seq.s32 s10, $0x1;
	s10 =	sld [smem:$0x3FB7]  }
0x3d: {  	_ =	shalt  }
0x3e: {  	_ =	shalt  }
0x3f: {  	_ =	shalt  }
0x40: {  	_ =	shalt  }
0x41: {  	_ =	shalt  }
0x42: {  	_ =	shalt  }
0x43: {  	_ =	shalt  }
0x44: {  	_ =	shalt  }
0x45: {  	_ =	shalt  }
0x46: {  	_ =	shalt  }
0x47: {  	_ =	shalt  }
0x48: {  	_ =	shalt  }
0x49: {  	_ =	shalt  }
0x4a: {  	_ =	shalt  }
0x4b: {  	_ =	shalt  }
0x4c: {  	_ =	shalt  }
0x4d: {  	_ =	shalt  }
0x4e: {  	_ =	shalt  }
0x4f: {  	_ =	shalt  }
0x50: {  	_ =	shalt  }
0x51: {  	_ =	shalt  }
0x52: {  	_ =	shalt  }
0x53: {  	_ =	shalt  }
0x54: {  	_ =	shalt  }
0x55: {  	_ =	shalt  }
0x56: {  	_ =	shalt  }
0x57: {  	_ =	shalt  }
0x58: {  	_ =	shalt  }
0x59: {  	_ =	shalt  }
0x5a: {  	_ =	shalt  }
0x5b: {  	_ =	shalt  }
0x5c: {  	_ =	shalt  }
0x5d: {  	_ =	shalt  }
0x5e: {  	_ =	shalt  }
0x5f: {  	_ =	shalt  }
0x60: {  	_ =	shalt  }
0x61: {  	_ =	shalt  }
0x62: {  	_ =	shalt  }
0x63: {  	_ =	shalt  }
0x64: {  	_ =	shalt  }
0x65: {  	_ =	shalt  }
0x66: {  	_ =	shalt  }
0x67: {  	_ =	shalt  }
0x68: {  	_ =	shalt  }
0x69: {  	_ =	shalt  }
0x6a: {  	_ =	shalt  }
0x6b: {  	_ =	shalt  }
0x6c: {  	_ =	shalt  }
0x6d: {  	_ =	shalt  }
0x6e: {  	_ =	shalt  }
0x6f: {  	_ =	shalt  }
0x70: {  	_ =	shalt  }
0x71: {  	_ =	shalt  }
0x72: {  	_ =	shalt  }
0x73: {  	_ =	shalt  }
0x74: {  	_ =	shalt  }
0x75: {  	_ =	shalt  }
0x76: {  	_ =	shalt  }
0x77: {  	_ =	shalt  }
0x78: {  	_ =	shalt  }
0x79: {  	_ =	shalt  }
0x7a: {  	_ =	shalt  }
0x7b: {  	_ =	shalt  }
0x7c: {  	_ =	shalt  }
0x7d: {  	_ =	shalt  }
0x7e: {  	_ =	shalt  }
0x7f: {  	_ =	shalt  }
0x80: {  	_ =	shalt  }
0x81: {  	_ =	shalt  }
0x82: {  	_ =	shalt  }
0x83: {  	_ =	shalt  }
0x84: {  	_ =	shalt  }
0x85: {  	_ =	shalt  }
0x86: {  	_ =	shalt  }
0x87: {  	_ =	shalt  }
.Lfunc_end0:
.L_simem_size_0:
called_computation.2_lowered:
.L_overlay_start_0:
0x88: {  	s2 =	sld [smem:$0x3FD9]  }
0x89: {  	s3 =	sld [smem:$0x3FFE];
	_ =	sdelay $0x1  }
0x8a: {  	s1 =	srdreg.scid  }
0x8b: {  	s0 =	sand.u32 $0x1, s1  }
0x8c: {  	s16 =	sshll.u32 s0, $0xA;
	s2 =	sadd.s32 s3, s2  }
0x8d: {  	s2 =	sadd.s32 s2, s16  }
0x8e: {  	[smem:$0x3FC3] =	sst s2  }
0x8f: {  	_ = 	snop  }
0x90: {  	(tm) =	ssettm $0x1  }
0x91: {  	s17 =	sld [smem:$0x3FFB];
	_ =	sdelay $0x3  }
0x92: {  	_ =	strace s17  }
0x93: {  	s2 =	sld [smem:$0x3FFC];
	_ =	sdelay $0x3  }
0x94: {  	_ =	strace s2  }
0x95: {  	s2 =	sld [smem:$0x3FFD];
	_ =	sdelay $0x3  }
0x96: {  	_ =	strace s2  }
0x97: {  	_ =	strace $0x8FFFFFFF  }
0x98: {  	s18 =	sld [smem:$0x3FDB];
	_ =	sdelay $0x1  }
0x99: {  	s19 =	simm.s32 $_scs_section_size  }
0x9a: {  	s4 =	simm.s32 $_size__tile_overlayer_lowered;
	s5 =	simm.s32 $_tile_overlayer_lowered  }
0x9b: {  	s22 =	simm.s32 $0x1BFF;
	s21 =	sshll.u32 s5, $0x1;
	s2 =	sadd.s32 s19, s18  }
0x9c: {  	s6 =	simm.s32 $0x0;
	s20 =	sshll.u32 s4, $0x1;
	s4 =	sadd.s32 s21, s2  }
0x9d: {  	[timem:s6], [sflag:s22] =	dma.local [hbm:s4], s20  }
0x9e: {  	_ =	swait.ge [sflag:s22], s20  }
0x9f: {  	s3 =	ssub.s32 $0x0, s20;
	[sflag:s22] =	ssyncset.done $0x0  }
0xa0: {  	[sflag:s22] =	ssyncadd.s32 s3;
	_ =	sdelay $0x1  }
0xa1: {  	s23 =	simm.s32 $0x1B8B  }
0xa2: {  	_ =	swait.ge [sflag:s23], $0x1  }
0xa3: {  	[sflag:s23] =	ssyncset.done $0x0  }
0xa4: {  	s25 =	simm.s32 $0x1B8E;
	s24 =	sld [smem:$0x3FFE];
	[sflag:s23] =	ssyncadd.s32 $0xFFFFFFFF  }
0xa5: {  	s26 =	simm.s32 $execute0_lowered;
	[smem:$0x3FD2] =	sst s25  }
0xa6: {  	s4 =	sshll.u32 s26, $0x1;
	_ =	strace $0x8000004F;
	[dreg:$0x1] =	wrdreg $0xFFFFFFFF  }
0xa7: {  	s28 =	simm.s32 $_size_execute0_lowered;
	s2 =	sadd.s32 s2, s4;
	[dreg:$0x0] =	wrdreg $0x0  }
0xa8: {  	s4 =	sshll.u32 s28, $0x1;
	[dreg:$0x2] =	wrdreg s2  }
0xa9: {  	[dreg:$0x3] =	wrdreg s4  }
0xaa: {  	[dreg:$0x4] =	wrdreg $0xC0  }
0xab: {  	_ =	task [dreg:s6], $0x5FFFF  }
0xac: {  	[dreg:$0x1] =	wrdreg $0xFFFFFFFF  }
0xad: {  	[dreg:$0x0] =	wrdreg $0x60  }
0xae: {  	[dreg:$0x2] =	wrdreg s24  }
0xaf: {  	[dreg:$0x3] =	wrdreg $0x9  }
0xb0: {  	_ =	task.clear_ibuf [dreg:s6], $0x4FFFF;
	_ =	strace $0x9000004F  }
0xb1: {  	s29 =	simm.s32 $0x9;
	_ =	strace $0x80000051  }
0xb2: {  	_ =	swait.ge [sflag:s29], $0x1  }
0xb3: {  	[sflag:s29] =	ssyncadd.s32 $0xFFFFFFFF  }
0xb4: {  	_ =	strace $0x90000051  }
0xb5: {  	_ =	sfence  }
0xb6: {  	s30 =	sld [smem:$0x0];
	_ =	sdelay $0x2  }
0xb7: {  	s31 =	sshll.u32 s1, $0xD;
	s1 =	sshrl.u32 s1, $0x2  }
0xb8: {  	s3 =	sand.u32 $0x4000, s31;
	s1 =	sadd.s32 s1, s30  }
0xb9: {  	s0 =	sor.u32 s3, s0;
	s1 =	sshll.u32 s1, $0x11  }
0xba: {  	s0 =	sor.u32 s1, s0  }
0xbb: {  	s0 =	sadd.s32 $0x8F2B, s0  }
0xbc: {  	[sflag:s0] =	ssyncadd.remote.s32 $0x1  }
0xbd: {  	_ =	sfence.sel $0xFFFF  }
0xbe: {  	[dreg:$0x0] =	wrdreg $0xFFFFFFFF;
	(pc) =	sbr.abs _section_cstart, $3  }
0xbf: {  	[dreg:$0x1] =	wrdreg $0xFFFFFFFF  }
0xc0: {  	_ =	task.clear_ibuf [dreg:s6], $0x2FFFF;
	_ =	strace $0x9FFFFFFF  }
0xc1: {  	(tm) =	ssettm $0x7FFFFFFF  }
tec
execute0_lowered:
.L_overlay_start_1:
0x0: {  	(tag) =	ssettag $0x1  }
0x1: {  	s4 =	rddreg [dreg:$0x0]  }
0x2: {  	s0 =	rddreg [dreg:$0x1];
	s2 =	simm.s32 $0x0;
	s3 =	srdreg.scid  }
0x3: {  	s1 =	stileid.u32;
	s9 =	simm.s32 $0x880;
	s10 =	simm.s32 $0x1080  }
0x4: {  	s11 =	simm.s32 $0x1880;
	s12 =	simm.s32 $0x2080;
	s13 =	simm.s32 $0x2880  }
0x5: {  	s14 =	simm.s32 $0x3080;
	s15 =	simm.s32 $0x3880;
	s16 =	simm.s32 $0x1  }
0x6: {  	s17 =	simm.s32 $0x4080;
	s18 =	simm.s32 $0x0;
	s5 =	sand.u32 $0x1, s3  }
0x7: {  	[smem:$0x7FF] =	sst s2;
	s6 =	sshll.u32 s1, $0x7;
	s7 =	sshll.u32 s5, $0x6  }
0x8: {  	s3 =	sadd.s32 $0x33400, s4;
	_ =	strace $0x80000050;
	s6 =	sor.u32 s7, s6  }
0x9: {  	s5 =	ssub.s32 $0x2, s5;
	s7 =	sshrl.u32 s6, $0x3;
	s6 =	sshll.u32 s6, $0x4  }
0xa: {  	v2 =	vlaneseq.u32;
	s8 =	sshrl.u32 s5, $0x1;
	s7 =	sadd.s32 s7, s4;
	s6 =	sadd.s32 s6, s4  }
0xb: {  	vm0 =	vmmov $0xffff;
	v1 =	vshrl.u32 v2, $0x3;
	s8 =	ssub.s32 s5, s8;
	s4 =	sadd.s32 $0x33200, s7;
	s5 =	sadd.s32 $0x1000, s6  }
0xc: {  	v0 =	vand.u32 $0x7, v2;
	v2 =	vor.u32 $0x8, v2;
	v1 =	vmul.u32 $0x8, v1;
	s6 =	smax.u32 s8, $0x1;
	s7 =	simm.s32 $0x2;
	s8 =	simm.s32 $0x80  }
.LBB2_1:
0xd: {  	[tilespmem:s2], [sflag:$0x2] =	stream.linear.gather [hbm4b:s4+s2], $0x40, $0x38;
	[tilespmem:$0x6080] =	vst v63  }
0xe: {  	_ =	swait.ge [sflag:s7], $0x40  }
0xf: {  	[sflag:s7] =	ssyncset.done $0x0  }
0x10: {  	[sflag:s7] =	ssyncadd.s32 $0xFFFFFFC0  }
0x11: {  	v3 =	vld [tilespmem:$0x0];
	_ =	sdelay $0x4  }
0x12: {  	v4 =	vshll.u32 v3, $0x1  }
0x13: {  	v3 =	vand.u32 $0x7, v3;
	v4 =	vand.u32 $0xFFFFFFF0, v4  }
0x14: {  	v3 =	vor.u32 v3, v4  }
0x15: {  	v4 =	vperm.xlane v3, v0;
	_ =	sdelay $0x1  }
0x16: {  	v3 =	vperm.xlane v3, v2;
	v4 =	vadd.s32 v1, v4;
	_ =	sdelay $0x1  }
0x17: {  	v3 =	vadd.s32 v1, v3;
	_ =	sdelay $0x2  }
0x18: {  	[tilespmem:s8], [sflag:$0x1] =	stream.indirect_vreg.gather [hbm4b:s3+s2], $0x80, v4, vm0, $0xb8;
	[tilespmem:$0x6080] =	vst v63  }
0x19: {  	_ = 	snop  }
0x1a: {  	[tilespmem:s9], [sflag:$0x1] =	stream.indirect_vreg.gather [hbm4b:s3+s2], $0x80, v3, vm0, $0xb8;
	[tilespmem:$0x6080] =	vst v63  }
0x1b: {  	v3 =	vld [tilespmem:$0x10];
	_ =	sdelay $0x4  }
0x1c: {  	v4 =	vshll.u32 v3, $0x1  }
0x1d: {  	v3 =	vand.u32 $0x7, v3;
	v4 =	vand.u32 $0xFFFFFFF0, v4  }
0x1e: {  	v3 =	vor.u32 v3, v4  }
0x1f: {  	v4 =	vperm.xlane v3, v0;
	_ =	sdelay $0x1  }
0x20: {  	v3 =	vperm.xlane v3, v2;
	v4 =	vadd.s32 v1, v4;
	_ =	sdelay $0x1  }
0x21: {  	v3 =	vadd.s32 v1, v3;
	_ =	sdelay $0x2  }
0x22: {  	[tilespmem:s10], [sflag:$0x1] =	stream.indirect_vreg.gather [hbm4b:s3+s2], $0x80, v4, vm0, $0xb8;
	[tilespmem:$0x6080] =	vst v63  }
0x23: {  	_ = 	snop  }
0x24: {  	[tilespmem:s11], [sflag:$0x1] =	stream.indirect_vreg.gather [hbm4b:s3+s2], $0x80, v3, vm0, $0xb8;
	[tilespmem:$0x6080] =	vst v63  }
0x25: {  	v3 =	vld [tilespmem:$0x20];
	_ =	sdelay $0x4  }
0x26: {  	v4 =	vshll.u32 v3, $0x1  }
0x27: {  	v3 =	vand.u32 $0x7, v3;
	v4 =	vand.u32 $0xFFFFFFF0, v4  }
0x28: {  	v3 =	vor.u32 v3, v4  }
0x29: {  	v4 =	vperm.xlane v3, v0;
	_ =	sdelay $0x1  }
0x2a: {  	v3 =	vperm.xlane v3, v2;
	v4 =	vadd.s32 v1, v4;
	_ =	sdelay $0x1  }
0x2b: {  	v3 =	vadd.s32 v1, v3;
	_ =	sdelay $0x2  }
0x2c: {  	[tilespmem:s12], [sflag:$0x1] =	stream.indirect_vreg.gather [hbm4b:s3+s2], $0x80, v4, vm0, $0xb8;
	[tilespmem:$0x6080] =	vst v63  }
0x2d: {  	_ = 	snop  }
0x2e: {  	[tilespmem:s13], [sflag:$0x1] =	stream.indirect_vreg.gather [hbm4b:s3+s2], $0x80, v3, vm0, $0xb8;
	[tilespmem:$0x6080] =	vst v63  }
0x2f: {  	v3 =	vld [tilespmem:$0x30];
	_ =	sdelay $0x4  }
0x30: {  	v4 =	vshll.u32 v3, $0x1  }
0x31: {  	v3 =	vand.u32 $0x7, v3;
	v4 =	vand.u32 $0xFFFFFFF0, v4  }
0x32: {  	v3 =	vor.u32 v3, v4  }
0x33: {  	v4 =	vperm.xlane v3, v0;
	_ =	sdelay $0x1  }
0x34: {  	v3 =	vperm.xlane v3, v2;
	v4 =	vadd.s32 v1, v4;
	_ =	sdelay $0x1  }
0x35: {  	v5 =	vmov s2;
	v3 =	vadd.s32 v1, v3  }
0x36: {  	v6 =	vshll.u32 v5, $0x8;
	v5 =	vshll.u32 v5, $0x7  }
0x37: {  	v6 =	vand.u32 $0x3800, v6;
	v5 =	vand.u32 $0x380, v5  }
0x38: {  	[tilespmem:s14], [sflag:$0x1] =	stream.indirect_vreg.gather [hbm4b:s3+s2], $0x80, v4, vm0, $0xb8;
	v4 =	vor.u32 v5, v6;
	[tilespmem:$0x6080] =	vst v63  }
0x39: {  	v4 =	vor.u32 $0x400, v4  }
0x3a: {  	[tilespmem:s15], [sflag:$0x1] =	stream.indirect_vreg.gather [hbm4b:s3+s2], $0x80, v3, vm0, $0xb8;
	[tilespmem:$0x6080] =	vst v63  }
0x3b: {  	_ =	swait.ge [sflag:s16], $0x4000  }
0x3c: {  	[sflag:s16] =	ssyncset.done $0x0  }
0x3d: {  	[sflag:s16] =	ssyncadd.s32 $0xFFFFC000  }
0x3e: {  	v3 =	vld.idx.msk [tilespmem:v4+s8+$0x0], $0xffff;
	_ =	sdelay $0x4  }
0x3f: {  	vm1 =	vgt.f32 v3, $0.0e+00  }
0x40: {  	v3 =	vnsel vm1, $0x3F800000, v3  }
0x41: {  	(erf) = vrcp.f32 v3;
	_ =	sdelay $0x2  }
0x42: {  	s19 =	sand.u32 $0x3800, s2;
	s20 =	sand.u32 $0x380, s2  }
0x43: {  	s22 =	sor.u32 s20, s19  }
0x44: {  	v4 =	vld [tilespmem:s22+$0x80];
	_ =	sdelay $0x3  }
0x45: {  	v3 =	vpop (erf)  }
0x46: {  	v4 =	vmul.f32 v3, v4  }
0x47: {  	s19 =	simm.s32 $0x40C0  }
0x48: {  	[tilespmem:s19+$0xFFFFFFC0] =	vst v4  }
0x49: {  	v4 =	vld [tilespmem:s22+$0x90];
	_ =	sdelay $0x4  }
0x4a: {  	v4 =	vmul.f32 v3, v4;
	_ =	sdelay $0x1  }
0x4b: {  	[tilespmem:s19+$0xFFFFFFD0] =	vst v4  }
0x4c: {  	v4 =	vld [tilespmem:s22+$0xA0];
	_ =	sdelay $0x4  }
0x4d: {  	v4 =	vmul.f32 v4, v3;
	_ =	sdelay $0x1  }
0x4e: {  	[tilespmem:s19+$0xFFFFFFE0] =	vst v4  }
0x4f: {  	v4 =	vld [tilespmem:s22+$0xB0];
	_ =	sdelay $0x4  }
0x50: {  	v4 =	vmul.f32 v4, v3;
	_ =	sdelay $0x1  }
0x51: {  	[tilespmem:s19+$0xFFFFFFF0] =	vst v4  }
0x52: {  	v4 =	vld [tilespmem:s22+$0xC0];
	_ =	sdelay $0x4  }
0x53: {  	v4 =	vmul.f32 v4, v3;
	_ =	sdelay $0x1  }
0x54: {  	[tilespmem:s19+$0x0] =	vst v4  }
0x55: {  	v4 =	vld [tilespmem:s22+$0xD0];
	_ =	sdelay $0x4  }
0x56: {  	v4 =	vmul.f32 v4, v3;
	_ =	sdelay $0x1  }
0x57: {  	[tilespmem:s19+$0x10] =	vst v4  }
0x58: {  	v4 =	vld [tilespmem:s22+$0xE0];
	_ =	sdelay $0x4  }
0x59: {  	v5 =	vmul.f32 v4, v3  }
0x5a: {  	s31 =	simm.s32 $0x1  }
0x5b: {  	s23 =	simm.s32 $0x2;
	s21 =	simm.s32 $0x0;
	s20 =	simm.s32 $0x0;
	v4 =	vmov s31;
	[tilespmem:s19+$0x20] =	vst v5  }
.LBB2_2:
0x5c: {  	p0 =	sne.s32 s23, $0x3F;
	v5 =	vshll.u32 v4, $0x8;
	v4 =	vshll.u32 v4, $0x7;
	v6 =	vld [tilespmem:s22+$0xF0]  }
0x5d: {  	v5 =	vand.u32 $0x3800, v5;
	v4 =	vand.u32 $0x380, v4  }
0x5e: {  	v4 =	vor.u32 v4, v5  }
0x5f: {  	v4 =	vor.u32 $0x400, v4;
	_ =	sdelay $0x1  }
0x60: {  	v3 =	vmul.f32 v6, v3  }
0x61: {  	s20 =	sadd.s32 $0x100, s20;
	s21 =	sadd.s32 $0x80, s21  }
0x62: {  	s22 =	sand.u32 $0x3800, s20;
	s24 =	sand.u32 $0x380, s21;
	[tilespmem:s19+$0x30] =	vst v3  }
0x63: {  	s22 =	sor.u32 s24, s22;
	v3 =	vld.idx.msk [tilespmem:v4+s8+$0x0], $0xffff  }
0x64: {  	v4 =	vld [tilespmem:s22+$0x80];
	_ =	sdelay $0x4  }
0x65: {  	vm1 =	vgt.f32 v3, $0.0e+00  }
0x66: {  	v3 =	vnsel vm1, $0x3F800000, v3  }
0x67: {  	(erf) = vrcp.f32 v3;
	_ =	sdelay $0x8  }
0x68: {  	v3 =	vpop (erf)  }
0x69: {  	v4 =	vmul.f32 v3, v4  }
0x6a: {  	s19 =	sadd.s32 $0x80, s19  }
0x6b: {  	[tilespmem:s19+$0xFFFFFFC0] =	vst v4  }
0x6c: {  	v4 =	vld [tilespmem:s22+$0x90];
	_ =	sdelay $0x4  }
0x6d: {  	v4 =	vmul.f32 v3, v4;
	_ =	sdelay $0x1  }
0x6e: {  	[tilespmem:s19+$0xFFFFFFD0] =	vst v4  }
0x6f: {  	v4 =	vld [tilespmem:s22+$0xA0];
	_ =	sdelay $0x4  }
0x70: {  	v4 =	vmul.f32 v4, v3;
	_ =	sdelay $0x1  }
0x71: {  	[tilespmem:s19+$0xFFFFFFE0] =	vst v4  }
0x72: {  	v4 =	vld [tilespmem:s22+$0xB0];
	_ =	sdelay $0x4  }
0x73: {  	v4 =	vmul.f32 v4, v3;
	_ =	sdelay $0x1  }
0x74: {  	[tilespmem:s19+$0xFFFFFFF0] =	vst v4  }
0x75: {  	v4 =	vld [tilespmem:s22+$0xC0];
	_ =	sdelay $0x4  }
0x76: {  	v4 =	vmul.f32 v4, v3;
	_ =	sdelay $0x1  }
0x77: {  	[tilespmem:s19+$0x0] =	vst v4  }
0x78: {  	v4 =	vld [tilespmem:s22+$0xD0];
	_ =	sdelay $0x4  }
0x79: {  	v4 =	vmul.f32 v4, v3;
	_ =	sdelay $0x1  }
0x7a: {  	[tilespmem:s19+$0x10] =	vst v4  }
0x7b: {  	v4 =	vld [tilespmem:s22+$0xE0];
	_ =	sdelay $0x2  }
.Ltmp0:
0x7c: {  	(pc) =	sbr.rel @p0 .LBB2_2-.Ltmp0, $3  }
0x7d: {  	_ = 	snop  }
0x7e: {  	v5 =	vmul.f32 v4, v3;
	_ =	sdelay $0x1  }
0x7f: {  	v4 =	vmov s23;
	s23 =	sadd.s32 $0x1, s23;
	[tilespmem:s19+$0x20] =	vst v5  }
0x80: {  	v5 =	vshll.u32 v4, $0x8;
	v62 =	vshll.u32 v4, $0x7;
	v6 =	vld [tilespmem:s22+$0xF0]  }
0x81: {  	v5 =	vand.u32 $0x3800, v5;
	v4 =	vand.u32 $0x380, v62  }
0x82: {  	v4 =	vor.u32 v4, v5  }
0x83: {  	v4 =	vor.u32 $0x400, v4;
	_ =	sdelay $0x1  }
0x84: {  	v3 =	vmul.f32 v6, v3;
	_ =	sdelay $0x1  }
0x85: {  	[tilespmem:s19+$0x30] =	vst v3  }
0x86: {  	v3 =	vld.idx.msk [tilespmem:v4+s8+$0x0], $0xffff;
	_ =	sdelay $0x4  }
0x87: {  	vm1 =	vgt.f32 v3, $0.0e+00  }
0x88: {  	v3 =	vnsel vm1, $0x3F800000, v3  }
0x89: {  	(erf) = vrcp.f32 v3;
	_ =	sdelay $0x1  }
0x8a: {  	s20 =	sadd.s32 $0x100, s20;
	s21 =	sadd.s32 $0x80, s21  }
0x8b: {  	s20 =	sand.u32 $0x3800, s20;
	s21 =	sand.u32 $0x380, s21  }
0x8c: {  	s20 =	sor.u32 s21, s20  }
0x8d: {  	v3 =	vld [tilespmem:s20+$0x80];
	_ =	sdelay $0x3  }
0x8e: {  	v63 =	vpop (erf)  }
0x8f: {  	v3 =	vmul.f32 v63, v3  }
0x90: {  	s31 =	sadd.s32 $0x80, s19  }
0x91: {  	[tilespmem:s31+$0xFFFFFFC0] =	vst v3  }
0x92: {  	v3 =	vld [tilespmem:s20+$0x90];
	_ =	sdelay $0x4  }
0x93: {  	v3 =	vmul.f32 v63, v3;
	_ =	sdelay $0x1  }
0x94: {  	[tilespmem:s31+$0xFFFFFFD0] =	vst v3  }
0x95: {  	v3 =	vld [tilespmem:s20+$0xA0];
	_ =	sdelay $0x4  }
0x96: {  	v3 =	vmul.f32 v3, v63;
	_ =	sdelay $0x1  }
0x97: {  	[tilespmem:s31+$0xFFFFFFE0] =	vst v3  }
0x98: {  	v3 =	vld [tilespmem:s20+$0xB0];
	_ =	sdelay $0x4  }
0x99: {  	v3 =	vmul.f32 v3, v63;
	_ =	sdelay $0x1  }
0x9a: {  	[tilespmem:s31+$0xFFFFFFF0] =	vst v3  }
0x9b: {  	v3 =	vld [tilespmem:s20+$0xC0];
	_ =	sdelay $0x4  }
0x9c: {  	v3 =	vmul.f32 v3, v63;
	_ =	sdelay $0x1  }
0x9d: {  	[tilespmem:s31+$0x0] =	vst v3  }
0x9e: {  	v3 =	vld [tilespmem:s20+$0xD0];
	_ =	sdelay $0x4  }
0x9f: {  	v3 =	vmul.f32 v3, v63;
	_ =	sdelay $0x1  }
0xa0: {  	[tilespmem:s31+$0x10] =	vst v3  }
0xa1: {  	v3 =	vld [tilespmem:s20+$0xE0];
	_ =	sdelay $0x4  }
0xa2: {  	v3 =	vmul.f32 v3, v63;
	_ =	sdelay $0x1  }
0xa3: {  	[tilespmem:s31+$0x20] =	vst v3  }
0xa4: {  	v3 =	vld [tilespmem:s20+$0xF0];
	_ =	sdelay $0x4  }
0xa5: {  	s18 =	sadd.s32 $0x1, s18;
	v3 =	vmul.f32 v3, v63  }
0xa6: {  	p0 =	sne.s32 s18, s6  }
.Ltmp1:
0xa7: {  	[tilespmem:s31+$0x30] =	vst v3;
	(pc) =	sbr.rel @p0 .LBB2_1-.Ltmp1, $4  }
0xa8: {  	[hbm4b:s5+s2] =	stream.linear.scatter [tilespmem:s17], [sflag:$0x2], $0x2000, $0x38;
	[tilespmem:$0x6080] =	vst v63  }
0xa9: {  	_ =	swait.ge [sflag:s7], $0x2000  }
0xaa: {  	[sflag:s7] =	ssyncset.done $0x0  }
0xab: {  	[sflag:s7] =	ssyncadd.s32 $0xFFFFE000  }
0xac: {  	_ =	sfence.sel $0x180000  }
0xad: {  	[bflag:$0x0] =	sbarrier.arrive $0xFFFF  }
0xae: {  	p0 =	sne.s32 s1, $0x0;
	_ =	strace $0x90000050  }
0xaf: {  	s0 =	sadd.s32 @!p0 $0x100000, s0;
	[bflag:$0x2] =	sbarrier.arrive $0xFFFF  }
0xb0: {  	[sflag:s0] =	ssyncadd.tile.s32 @!p0 $0x1;
	_ =	shalt  }
.Lfunc_end2:
_tile_overlayer_lowered:
.L_overlay_start_2:
0xb1: {  	(tag) =	ssettag $0x2  }
0xb2: {  	s0 =	rddreg [dreg:$0x0];
	s2 =	stileid.u32  }
0xb3: {  	s1 =	rddreg [dreg:$0x1];
	p0 =	sne.s32 s2, $0x0  }
0xb4: {  	s3 =	rddreg [dreg:$0x2];
	[bflag:$0x3] =	sbarrier.arrive $0xFFFF;
	s2 =	simm.s32 @!p0 $0x1C02  }
0xb5: {  	[timem:s3], [sflag:s2] =	dma.local @!p0 [hbm:s0], s1  }
0xb6: {  	s0 =	simm.s32 @!p0 $0x2  }
0xb7: {  	_ =	swait.ge @!p0 [sflag:s0], s1  }
0xb8: {  	s1 =	ssub.s32 @!p0 $0x0, s1;
	[sflag:s0] =	ssyncset.done @!p0 $0x0  }
0xb9: {  	[sflag:s0] =	ssyncadd.s32 @!p0 s1  }
0xba: {  	[bflag:$0x3] =	sbarrier.arrive $0xFFFF  }
0xbb: {  	_ =	shalt  }

// kernel: kernel.6.cloned.1.call-start
scs
__scs_entry_jumppad:
0x0: {  	(pc) =	sbr.rel $0x88, $3  }
0x1: {  	(tag) =	ssettag $0x0;
	lr =	simm.s32 $0x1  }
0x2: {  	[smem:$0x3F9C] =	sst lr;
	_ =	strace $0xD0000000  }
0x3: {  	_ = 	snop  }
0x4: {  	_ = 	snop  }
0x5: {  	_ = 	snop  }
0x6: {  	_ = 	snop  }
0x7: {  	_ = 	snop  }
__scs_overlays_trampoline_lowered:
0x8: {  	[smem:$0x3FAB] =	sst s0  }
0x9: {  	[smem:$0x3FAC] =	sst s1  }
0xa: {  	[smem:$0x3FAD] =	sst s2  }
0xb: {  	[smem:$0x3FAE] =	sst s3  }
0xc: {  	[smem:$0x3FAF] =	sst s4  }
0xd: {  	[smem:$0x3FB0] =	sst s5  }
0xe: {  	[smem:$0x3FB1] =	sst s6  }
0xf: {  	[smem:$0x3FB2] =	sst s7  }
0x10: {  	[smem:$0x3FB3] =	sst s8  }
0x11: {  	[smem:$0x3FB4] =	sst s9;
	s0 =	simm.s32 @!p0 $0x0  }
0x12: {  	s1 =	sld [smem:$0x3F9A];
	s0 =	simm.s32 @p0 $0x1  }
0x13: {  	[smem:$0x3FB5] =	sst s0;
	s0 =	simm.s32 @!p1 $0x0  }
0x14: {  	s2 =	sld [smem:$0x3F99];
	s0 =	simm.s32 @p1 $0x1  }
0x15: {  	[smem:$0x3FB6] =	sst s0;
	s0 =	simm.s32 @!p2 $0x0  }
0x16: {  	s3 =	sld [smem:$0x3FDB];
	s0 =	simm.s32 @p2 $0x1  }
0x17: {  	s4 =	simm.s32 $0x1BF5;
	[smem:$0x3FB8] =	sst s0  }
0x18: {  	s0 =	sld [smem:$0x3F9B];
	_ =	swait.ge [sflag:s4], $0x0  }
0x19: {  	s7 =	sld [smem:$0x3F9C]  }
0x1a: {  	s8 =	sadd.s32 $0xFFFFE003, lr  }
0x1b: {  	s9 =	sadd.s32 $0xFFFFFEF7, lr;
	s5 =	simm.s32 $0xFFFFFFFF;
	p2 =	slt.u32 s8, $0xFFFFF086  }
0x1c: {  	p1 =	slt.u32 s9, $0xF7A;
	s5 =	simm.s32 @!p2 $0x0  }
0x1d: {  	s5 =	simm.s32 @p1 $0x1;
	p0 =	seq.s32 s7, s2  }
0x1e: {  	s7 =	smul.u32 @!p0 $0xF7A, s2;
	p2 =	seq.s32 @!p0 s5, $0x0  }
0x1f: {  	s9 =	smul.u32 $0xF7A, s1;
	s8 =	simm.s32 @!p0 $0x1BF5;
	p2 =	por !p2, p0  }
0x20: {  	[sflag:s8] =	ssyncset.s32 @!p0 $0xFFFFF086;
	s6 =	sadd.s32 @!p0 s3, s7;
	s7 =	simm.s32 @!p0 $0x108  }
0x21: {  	s3 =	sadd.s32 s3, s9;
	s6 =	sadd.s32 @!p0 $0x88, s6;
	s7 =	simm.s32 @p2 $0x1082  }
0x22: {  	[simem:s7], [sflag:s8] =	dma.local @!p0 [hbm:s6], $0xF7A  }
0x23: {  	s9 =	sor.u32 $0xD0000000, s2;
	s6 =	simm.s32 $0x108;
	_ =	swait.ge @!p0 [sflag:s8], $0x0  }
0x24: {  	s3 =	sadd.s32 $0x88, s3;
	s6 =	simm.s32 @!p1 $0x1082;
	[sflag:s4] =	ssyncset.s32 $0xFFFFF086  }
0x25: {  	[simem:s6], [sflag:s4] =	dma.local [hbm:s3], $0xF7A  }
0x26: {  	[smem:$0x3F9C] =	sst s1;
	(tag) =	ssettag s2;
	_ =	strace s9  }
0x27: {  	s1 =	sld [smem:$0x3FAC]  }
0x28: {  	s2 =	sld [smem:$0x3FAD]  }
0x29: {  	s4 =	sld [smem:$0x3FAF]  }
0x2a: {  	p0 =	seq.s32 s5, $0x0;
	s5 =	sld [smem:$0x3FB0]  }
0x2b: {  	s6 =	sld [smem:$0x3FB1]  }
0x2c: {  	s7 =	sld [smem:$0x3FB2]  }
0x2d: {  	s3 =	simm.s32 $0x108;
	s8 =	sld [smem:$0x3FB3]  }
0x2e: {  	s3 =	simm.s32 @!p0 $0x1082;
	s9 =	sld [smem:$0x3FB4]  }
0x2f: {  	lr =	sadd.s32 s0, s3;
	s0 =	sld [smem:$0x3FAB]  }
0x30: {  	s3 =	sld [smem:$0x3FAE]  }
0x31: {  	[smem:$0x3FB7] =	sst s10  }
0x32: {  	s10 =	sld [smem:$0x3FB5];
	_ =	sdelay $0x3  }
0x33: {  	p0 =	seq.s32 s10, $0x1;
	s10 =	sld [smem:$0x3FB7];
	_ =	sdelay $0x3  }
0x34: {  	[smem:$0x3FB7] =	sst s10  }
0x35: {  	s10 =	sld [smem:$0x3FB6];
	_ =	sdelay $0x3  }
0x36: {  	p1 =	seq.s32 s10, $0x1;
	s10 =	sld [smem:$0x3FB7];
	_ =	sdelay $0x3  }
0x37: {  	[smem:$0x3FB7] =	sst s10  }
0x38: {  	s10 =	sld [smem:$0x3FB8]  }
0x39: {  	_ = 	snop;
	(pc) =	sbr.ind lr, $3  }
0x3a: {  	_ = 	snop  }
0x3b: {  	_ = 	snop  }
0x3c: {  	p2 =	seq.s32 s10, $0x1;
	s10 =	sld [smem:$0x3FB7]  }
0x3d: {  	_ =	shalt  }
0x3e: {  	_ =	shalt  }
0x3f: {  	_ =	shalt  }
0x40: {  	_ =	shalt  }
0x41: {  	_ =	shalt  }
0x42: {  	_ =	shalt  }
0x43: {  	_ =	shalt  }
0x44: {  	_ =	shalt  }
0x45: {  	_ =	shalt  }
0x46: {  	_ =	shalt  }
0x47: {  	_ =	shalt  }
0x48: {  	_ =	shalt  }
0x49: {  	_ =	shalt  }
0x4a: {  	_ =	shalt  }
0x4b: {  	_ =	shalt  }
0x4c: {  	_ =	shalt  }
0x4d: {  	_ =	shalt  }
0x4e: {  	_ =	shalt  }
0x4f: {  	_ =	shalt  }
0x50: {  	_ =	shalt  }
0x51: {  	_ =	shalt  }
0x52: {  	_ =	shalt  }
0x53: {  	_ =	shalt  }
0x54: {  	_ =	shalt  }
0x55: {  	_ =	shalt  }
0x56: {  	_ =	shalt  }
0x57: {  	_ =	shalt  }
0x58: {  	_ =	shalt  }
0x59: {  	_ =	shalt  }
0x5a: {  	_ =	shalt  }
0x5b: {  	_ =	shalt  }
0x5c: {  	_ =	shalt  }
0x5d: {  	_ =	shalt  }
0x5e: {  	_ =	shalt  }
0x5f: {  	_ =	shalt  }
0x60: {  	_ =	shalt  }
0x61: {  	_ =	shalt  }
0x62: {  	_ =	shalt  }
0x63: {  	_ =	shalt  }
0x64: {  	_ =	shalt  }
0x65: {  	_ =	shalt  }
0x66: {  	_ =	shalt  }
0x67: {  	_ =	shalt  }
0x68: {  	_ =	shalt  }
0x69: {  	_ =	shalt  }
0x6a: {  	_ =	shalt  }
0x6b: {  	_ =	shalt  }
0x6c: {  	_ =	shalt  }
0x6d: {  	_ =	shalt  }
0x6e: {  	_ =	shalt  }
0x6f: {  	_ =	shalt  }
0x70: {  	_ =	shalt  }
0x71: {  	_ =	shalt  }
0x72: {  	_ =	shalt  }
0x73: {  	_ =	shalt  }
0x74: {  	_ =	shalt  }
0x75: {  	_ =	shalt  }
0x76: {  	_ =	shalt  }
0x77: {  	_ =	shalt  }
0x78: {  	_ =	shalt  }
0x79: {  	_ =	shalt  }
0x7a: {  	_ =	shalt  }
0x7b: {  	_ =	shalt  }
0x7c: {  	_ =	shalt  }
0x7d: {  	_ =	shalt  }
0x7e: {  	_ =	shalt  }
0x7f: {  	_ =	shalt  }
0x80: {  	_ =	shalt  }
0x81: {  	_ =	shalt  }
0x82: {  	_ =	shalt  }
0x83: {  	_ =	shalt  }
0x84: {  	_ =	shalt  }
0x85: {  	_ =	shalt  }
0x86: {  	_ =	shalt  }
0x87: {  	_ =	shalt  }
.Lfunc_end0:
.L_simem_size_0:
called_computation_lowered:
.L_overlay_start_0:
0x88: {  	s2 =	sld [smem:$0x3FD9]  }
0x89: {  	s3 =	sld [smem:$0x3FFE];
	_ =	sdelay $0x1  }
0x8a: {  	s1 =	srdreg.scid  }
0x8b: {  	s0 =	sand.u32 $0x1, s1  }
0x8c: {  	s17 =	sshll.u32 s0, $0xA;
	s2 =	sadd.s32 s3, s2  }
0x8d: {  	s2 =	sadd.s32 s2, s17  }
0x8e: {  	[smem:$0x3FC3] =	sst s2  }
0x8f: {  	_ = 	snop  }
0x90: {  	s2 =	sld [smem:$0x3FC7]  }
0x91: {  	s18 =	sld [smem:$0x3FC6]  }
0x92: {  	s4 =	sld [smem:$0x3FD0];
	(tm) =	ssettm $0x1  }
0x93: {  	s5 =	sld [smem:$0x3FFB];
	_ =	sdelay $0x3  }
0x94: {  	_ =	strace s5  }
0x95: {  	s5 =	sld [smem:$0x3FFC];
	_ =	sdelay $0x3  }
0x96: {  	_ =	strace s5  }
0x97: {  	s5 =	sld [smem:$0x3FFD];
	_ =	sdelay $0x3  }
0x98: {  	_ =	strace s5  }
0x99: {  	_ =	strace $0x8FFFFFFF  }
0x9a: {  	s19 =	sld [smem:$0x3FDB];
	_ =	sdelay $0x1  }
0x9b: {  	s6 =	simm.s32 $_scs_section_size  }
0x9c: {  	s7 =	simm.s32 $_size__tile_overlayer_lowered;
	s8 =	simm.s32 $_tile_overlayer_lowered  }
0x9d: {  	s22 =	simm.s32 $0x1BFF;
	s21 =	sshll.u32 s8, $0x1;
	s5 =	sadd.s32 s6, s19  }
0x9e: {  	s9 =	simm.s32 $0x0;
	s20 =	sshll.u32 s7, $0x1;
	s7 =	sadd.s32 s21, s5  }
0x9f: {  	[timem:s9], [sflag:s22] =	dma.local [hbm:s7], s20  }
0xa0: {  	_ =	swait.ge [sflag:s22], s20  }
0xa1: {  	s6 =	ssub.s32 $0x0, s20;
	[sflag:s22] =	ssyncset.done $0x0  }
0xa2: {  	[sflag:s22] =	ssyncadd.s32 s6;
	_ =	sdelay $0x1  }
0xa3: {  	s23 =	simm.s32 $0x1B8B  }
0xa4: {  	_ =	swait.ge [sflag:s23], $0x1  }
0xa5: {  	[sflag:s23] =	ssyncset.done $0x0  }
0xa6: {  	s25 =	simm.s32 $0x1B8E;
	s24 =	sld [smem:$0x3FFE];
	[sflag:s23] =	ssyncadd.s32 $0xFFFFFFFF  }
0xa7: {  	s26 =	simm.s32 $execute0_lowered;
	[smem:$0x3FD2] =	sst s25  }
0xa8: {  	s7 =	sshll.u32 s26, $0x1;
	_ =	strace $0x80000046;
	[dreg:$0x1] =	wrdreg $0xFFFFFFFF  }
0xa9: {  	s28 =	simm.s32 $_size_execute0_lowered;
	s5 =	sadd.s32 s5, s7;
	[dreg:$0x0] =	wrdreg $0x0  }
0xaa: {  	s7 =	sshll.u32 s28, $0x1;
	[dreg:$0x2] =	wrdreg s5  }
0xab: {  	[dreg:$0x3] =	wrdreg s7  }
0xac: {  	[dreg:$0x4] =	wrdreg $0xC0  }
0xad: {  	_ =	task [dreg:s9], $0x5FFFF  }
0xae: {  	[dreg:$0x1] =	wrdreg $0xFFFFFFFF  }
0xaf: {  	[dreg:$0x0] =	wrdreg $0x60  }
0xb0: {  	[dreg:$0x2] =	wrdreg s4  }
0xb1: {  	[dreg:$0x3] =	wrdreg s24  }
0xb2: {  	[dreg:$0x4] =	wrdreg s2  }
0xb3: {  	[dreg:$0x5] =	wrdreg s18  }
0xb4: {  	[dreg:$0x6] =	wrdreg $0x9  }
0xb5: {  	_ =	task.clear_ibuf [dreg:s9], $0x7FFFF;
	_ =	strace $0x90000046  }
0xb6: {  	s29 =	simm.s32 $0x9;
	_ =	strace $0x80000048  }
0xb7: {  	_ =	swait.ge [sflag:s29], $0x1  }
0xb8: {  	[sflag:s29] =	ssyncadd.s32 $0xFFFFFFFF  }
0xb9: {  	_ =	strace $0x90000048  }
0xba: {  	_ =	sfence  }
0xbb: {  	s30 =	sld [smem:$0x0];
	_ =	sdelay $0x2  }
0xbc: {  	s31 =	sshll.u32 s1, $0xD;
	s1 =	sshrl.u32 s1, $0x2  }
0xbd: {  	s3 =	sand.u32 $0x4000, s31;
	s1 =	sadd.s32 s1, s30  }
0xbe: {  	s0 =	sor.u32 s3, s0;
	s1 =	sshll.u32 s1, $0x11  }
0xbf: {  	s0 =	sor.u32 s1, s0  }
0xc0: {  	s0 =	sadd.s32 $0x8F2B, s0  }
0xc1: {  	[sflag:s0] =	ssyncadd.remote.s32 $0x1  }
0xc2: {  	_ =	sfence.sel $0xFFFF  }
0xc3: {  	[dreg:$0x0] =	wrdreg $0xFFFFFFFF;
	(pc) =	sbr.abs _section_cstart, $3  }
0xc4: {  	[dreg:$0x1] =	wrdreg $0xFFFFFFFF  }
0xc5: {  	_ =	task.clear_ibuf [dreg:s9], $0x2FFFF;
	_ =	strace $0x9FFFFFFF  }
0xc6: {  	(tm) =	ssettm $0x7FFFFFFF  }
0xc7: {  	_ =	shalt  }
tec
execute0_lowered:
.L_overlay_start_1:
0x0: {  	(tag) =	ssettag $0x1  }
0x1: {  	s0 =	rddreg [dreg:$0x1];
	s1 =	srdreg.scid  }
0x2: {  	s2 =	stileid.u32;
	s3 =	rddreg [dreg:$0x2]  }
0x3: {  	s5 =	simm.s32 $0x0;
	s18 =	simm.s32 $0x1;
	s19 =	simm.s32 $0x2780  }
0x4: {  	s20 =	simm.s32 $0x5F00;
	s22 =	simm.s32 $0x9E00;
	s23 =	simm.s32 $0xC580  }
0x5: {  	s28 =	simm.s32 $0x11480;
	s29 =	simm.s32 $0x13C00;
	s30 =	simm.s32 $0x13C80  }
0x6: {  	s31 =	simm.s32 $0x0;
	s21 =	simm.s32 $0x5700;
	s1 =	sand.u32 $0x1, s1  }
0x7: {  	s2 =	sshll.u32 s2, $0x1;
	[smem:$0x7FF] =	sst s5;
	s6 =	sadd.s32 $0x4E3000, s0  }
0x8: {  	s2 =	sor.u32 s1, s2;
	_ =	strace $0x80000047;
	s1 =	ssub.s32 $0x2, s1  }
0x9: {  	s4 =	smul.u32 $0x500, s2;
	s7 =	sshll.u32 s2, $0x4;
	s8 =	sshll.u32 s2, $0x3  }
0xa: {  	s25 =	sshrl.u32 s1, $0x1;
	s26 =	sshll.u32 s2, $0x2;
	s14 =	sshll.u32 s2, $0x6  }
0xb: {  	s17 =	sshllo.u32 s2, $0x2;
	p0 =	seq.s32 s2, $0x1F;
	s13 =	sadd.s32 s7, s0  }
0xc: {  	s1 =	ssub.s32 s1, s25;
	s7 =	smul.u32 $0x2710, s2;
	s25 =	sshll.u32 s17, $0x6  }
0xd: {  	p2 =	sgt.u32 s17, $0x7C;
	s4 =	sadd.s32 s4, s0;
	s0 =	sadd.s32 s8, s0  }
.Ltmp0:
0xe: {  	s13 =	sadd.s32 $0x33000, s13;
	s16 =	smax.u32 s1, $0x1;
	(pc) =	sbr.rel .LBB2_1-.Ltmp0, $4  }
0xf: {  	v0 =	vlaneseq.u32;
	s8 =	sadd.s32 $0x1000, s4;
	s9 =	sadd.s32 $0xB000, s4;
	s10 =	sadd.s32 $0x15000, s4  }
0x10: {  	v1 =	vmul.u32 $0x3, v0;
	s11 =	sadd.s32 $0x1F000, s4;
	s12 =	sadd.s32 $0x29000, s4;
	s4 =	sor.u32 $0x2, s26  }
0x11: {  	s25 =	sshrl.u32 @!p2 s25, $0x2;
	s24 =	sshll.u32 s4, $0x6;
	p1 =	sgt.u32 s4, $0x7C  }
0x12: {  	v2 =	vimm.s32 $0xFFFFFFFF;
	v3 =	vadd.s32 $0x1, v1;
	v4 =	vadd.s32 $0x2, v1;
	s15 =	sadd.s32 $0x33200, s0;
	s26 =	simm.s32 $0xED00;
	s24 =	sshrl.u32 @!p1 s24, $0x2  }
.LBB2_10:
0x13: {  	v5 =	vld [tilespmem:s14+$0x4F10];
	_ =	sdelay $0x7  }
0x14: {  	v5 =	vld.idx.msk [tilespmem:v5+s5+$0x0], $0xffff;
	_ =	sdelay $0x4  }
0x15: {  	[tilespmem:$0x13C90] =	vst v5  }
0x16: {  	v5 =	vld @!p1 [tilespmem:s24+$0x4F00];
	_ =	sdelay $0x6  }
0x17: {  	s0 =	simm.s32 @!p1 $0x0  }
0x18: {  	v5 =	vld.idx.msk @!p1 [tilespmem:v5+s0+$0x0], $0xffff;
	_ =	sdelay $0x4  }
0x19: {  	[tilespmem:$0x13CA0] =	vst @!p1 v5  }
0x1a: {  	v5 =	vld @!p2 [tilespmem:s25+$0x4F00];
	_ =	sdelay $0x6  }
0x1b: {  	s0 =	simm.s32 @!p2 $0x0  }
0x1c: {  	v5 =	vld.idx.msk @!p2 [tilespmem:v5+s0+$0x0], $0xffff;
	_ =	sdelay $0x4  }
0x1d: {  	v5 =	vpsel p2, $0x0, v5  }
.LBB2_11:
0x1e: {  	s31 =	sadd.s32 $0x1, s31  }
0x1f: {  	p3 =	sne.s32 s31, s16  }
.Ltmp1:
0x20: {  	[tilespmem:$0x13CB0] =	vst v5;
	(pc) =	sbr.rel @!p3 .LBB2_12-.Ltmp1, $4  }
0x21: {  	[hbm4b:s15+s5] =	stream.linear.scatter [tilespmem:s30], [sflag:$0x1], $0x40, $0x38;
	[tilespmem:$0x13D00] =	vst v63  }
0x22: {  	_ =	swait.ge [sflag:s18], $0x40  }
0x23: {  	[sflag:s18] =	ssyncset.done $0x0  }
0x24: {  	[sflag:s18] =	ssyncadd.s32 $0xFFFFFFC0  }
.LBB2_1:
0x25: {  	s0 =	rddreg [dreg:$0x3];
	s1 =	simm.s32 $0x4F00  }
0x26: {  	[tilespmem:s1], [sflag:$0x1] =	stream.linear.gather [hbm4b:s0+s5], $0x800, $0x38;
	[tilespmem:$0x13D00] =	vst v63  }
0x27: {  	_ =	swait.ge [sflag:s18], $0x800  }
0x28: {  	[sflag:s18] =	ssyncset.done $0x0  }
0x29: {  	[sflag:s18] =	ssyncadd.s32 $0xFFFFF800  }
0x2a: {  	s17 =	rddreg [dreg:$0x0]  }
0x2b: {  	[tilespmem:s19], [sflag:$0x1] =	stream.linear.gather [hbm4b:s17+s5], $0x2780, $0x38;
	[tilespmem:$0x13D00] =	vst v63  }
0x2c: {  	_ =	swait.ge [sflag:s18], $0x2780  }
0x2d: {  	[sflag:s18] =	ssyncset.done $0x0  }
0x2e: {  	s0 =	simm.s32 $0x0;
	[sflag:s18] =	ssyncadd.s32 $0xFFFFD880  }
.LBB2_2:
0x2f: {  	p3 =	sne.s32 s0, $0x9C00  }
.Ltmp2:
0x30: {  	_ = 	snop;
	(pc) =	sbr.rel @p3 .LBB2_2-.Ltmp2, $3  }
0x31: {  	_ =	sdelay $0x1  }
0x32: {  	s1 =	sshra.s32 s0, $0x2  }
0x33: {  	s0 =	sadd.s32 $0x40, s0;
	[tilespmem:s1+$0x0] =	vst v2  }
0x34: {  	s0 =	simm.s32 $0x4F00  }
0x35: {  	s2 =	simm.s32 $0x0;
	s1 =	simm.s32 $0x10;
	s4 =	simm.s32 $0x0;
	v5 =	vld [tilespmem:s0+$0x0]  }
.LBB2_4:
0x36: {  	p3 =	sne.s32 s1, $0x7C0;
	_ =	sdelay $0x3  }
.Ltmp3:
0x37: {  	(pc) =	sbr.rel @p3 .LBB2_4-.Ltmp3, $4  }
0x38: {  	_ = 	snop  }
0x39: {  	v6 =	vor.u32 s4, v0;
	s4 =	smov.u32 s1  }
0x3a: {  	s0 =	sadd.s32 $0x10, s0;
	[tilespmem:v5+s2+$0x0] =	vst.idx.msk $0xffff, v6  }
0x3b: {  	s1 =	sadd.s32 $0x10, s1;
	v5 =	vld [tilespmem:s0+$0x0]  }
0x3c: {  	_ =	sdelay $0x6  }
0x3d: {  	v6 =	vor.u32 s4, v0  }
0x3e: {  	s0 =	simm.s32 $0x0;
	[tilespmem:v5+s2+$0x0] =	vst.idx.msk $0xffff, v6  }
.LBB2_6:
0x3f: {  	s1 =	smul.u32 $0x7D0, s0;
	_ =	sdelay $0x1  }
0x40: {  	s1 =	sadd.s32 s7, s1  }
0x41: {  	s17 =	simm.s32 $0x0;
	s4 =	sshrl.u32 s1, $0x3  }
0x42: {  	v5 =	vmov s17;
	s1 =	smul.u32 $0x3, s1;
	s4 =	sadd.s32 s3, s4  }
0x43: {  	v5 =	vmul.u32 $0x3, v5;
	[tilespmem:s21], [sflag:$0x1] =	stream.linear.gather [hbm4b:s4+s17], $0x7D0, $0x38;
	[tilespmem:$0x13D00] =	vst v63  }
0x44: {  	_ =	swait.ge [sflag:s18], $0x7D0  }
0x45: {  	v5 =	vbroadcast v5, $0x0;
	s1 =	sshrl.u32 s1, $0x3;
	[sflag:s18] =	ssyncset.done $0x0  }
0x46: {  	s1 =	sadd.s32 s6, s1;
	[sflag:s18] =	ssyncadd.s32 $0xFFFFF830  }
0x47: {  	v6 =	vadd.s32 v1, v5;
	[tilespmem:s20], [sflag:$0x1] =	stream.linear.gather [hbm4b:s1+s17], $0x1770, $0x38;
	[tilespmem:$0x13D00] =	vst v63  }
0x48: {  	v7 =	vadd.s32 v3, v5;
	_ =	swait.ge [sflag:s18], $0x1770  }
0x49: {  	[sflag:s18] =	ssyncset.done $0x0  }
0x4a: {  	v5 =	vadd.s32 v4, v5;
	[sflag:s18] =	ssyncadd.s32 $0xFFFFE890  }
0x4b: {  	v8 =	vld [tilespmem:s21+$0x0]  }
0x4c: {  	v6 =	vld.idx.msk [tilespmem:v6+s20+$0x0], $0xffff  }
0x4d: {  	v7 =	vld.idx.msk [tilespmem:v7+s20+$0x0], $0xffff;
	_ =	sdelay $0x1  }
0x4e: {  	v5 =	vld.idx.msk [tilespmem:v5+s20+$0x0], $0xffff;
	_ =	sdelay $0x3  }
0x4f: {  	v8 =	vld.idx.msk [tilespmem:v8+s5+$0x0], $0xffff  }
0x50: {  	v9 =	vld.idx.msk [tilespmem:v6+s19+$0x0], $0xffff  }
0x51: {  	v10 =	vld.idx.msk [tilespmem:v7+s19+$0x0], $0xffff;
	_ =	sdelay $0x1  }
0x52: {  	v11 =	vld.idx.msk [tilespmem:v5+s19+$0x0], $0xffff;
	_ =	sdelay $0x2  }
0x53: {  	vm0 =	vgt.s32 v8, $0xFFFFFFFF;
	v9 =	vadd.f32 v10, v9  }
0x54: {  	v12 =	vmpcnt.ones.xlane vm0  }
0x55: {  	v9 =	vadd.f32 v11, v9  }
0x56: {  	v10 =	vxor.u32 $0x80000000, v12  }
0x57: {  	(xrf0) =	vmax.scan.msk.u32 $0xffff, v10;
	v9 =	vmul.f32 $3.333333430e-01, v9;
	_ =	sdelay $0x1  }
0x58: {  	v10 =	vmul.f32 $9.999999770e-03, v9;
	_ =	sdelay $0x2  }
0x59: {  	vm1 =	vge.f32 v9, $0.0e+00  }
0x5a: {  	v9 =	vsel vm1, v9, v10;
	v10, _, _ =	vpop (xrf0)  }
0x5b: {  	v9 =	vmul.f32 $1.442695020e+00, v9;
	(v2sf) =	vpush v10, $0xF;
	_ =	sdelay $0x1  }
0x5c: {  	(erf) = vpow2.f32 v9  }
0x5d: {  	s17 =	simm.s32 $0x10  }
0x5e: {  	v9 =	vmov s17  }
0x5f: {  	v9 =	vmul.u32 $0x3, v9;
	_ =	sdelay $0x1  }
0x60: {  	v9 =	vbroadcast v9, $0x0  }
0x61: {  	[tilespmem:s2+$0x7680] =	vst.msk vm0, v6  }
0x62: {  	[tilespmem:s2+$0x9E00] =	vst.msk vm0, v7;
	v6 =	vadd.s32 v1, v9  }
0x63: {  	[tilespmem:s2+$0xC580] =	vst.msk vm0, v5;
	v10 =	vadd.s32 v3, v9  }
0x64: {  	[tilespmem:s2+$0xED00] =	vst.msk vm0, v8;
	v5 =	vpop (erf)  }
0x65: {  	s1 =	simm.s32 $0x5710;
	v8 =	vadd.s32 v4, v9;
	[tilespmem:s2+$0x11480] =	vst.msk vm0, v5  }
0x66: {  	v7 =	vld [tilespmem:s1+$0x0]  }
0x67: {  	v5 =	vld.idx.msk [tilespmem:v6+s20+$0x0], $0xffff  }
0x68: {  	s4 =	simm.s32 $0x20;
	v6 =	vld.idx.msk [tilespmem:v10+s20+$0x0], $0xffff;
	s17 =	spop (v2sf)  }
.LBB2_7:
0x69: {  	p3 =	sne.s32 s4, $0x7C0  }
0x6a: {  	v8 =	vld.idx.msk [tilespmem:v8+s20+$0x0], $0xffff;
	s2 =	sadd.s32 s17, s2;
	s17 =	smov.u32 s4;
	s4 =	sadd.s32 $0x10, s4  }
0x6b: {  	s2 =	sadd.s32 $0x80000000, s2;
	_ =	sdelay $0x3  }
0x6c: {  	v7 =	vld.idx.msk [tilespmem:v7+s5+$0x0], $0xffff  }
0x6d: {  	v9 =	vld.idx.msk [tilespmem:v5+s19+$0x0], $0xffff  }
0x6e: {  	v10 =	vld.idx.msk [tilespmem:v6+s19+$0x0], $0xffff  }
0x6f: {  	v11 =	vld.idx.msk [tilespmem:v8+s19+$0x0], $0xffff;
	_ =	sdelay $0x2  }
0x70: {  	vm0 =	vgt.s32 v7, $0xFFFFFFFF  }
0x71: {  	[tilespmem:s2+$0x7680] =	vst.msk vm0, v5;
	v5 =	vmpcnt.ones.xlane vm0  }
0x72: {  	v9 =	vadd.f32 v10, v9;
	[tilespmem:s2+$0x9E00] =	vst.msk vm0, v6  }
0x73: {  	[tilespmem:s2+$0xC580] =	vst.msk vm0, v8;
	v5 =	vxor.u32 $0x80000000, v5  }
0x74: {  	v6 =	vadd.f32 v11, v9;
	[tilespmem:s2+$0xED00] =	vst.msk vm0, v7;
	(xrf0) =	vmax.scan.msk.u32 $0xffff, v5;
	_ =	sdelay $0x1  }
0x75: {  	v5 =	vmul.f32 $3.333333430e-01, v6;
	_ =	sdelay $0x1  }
0x76: {  	vm1 =	vge.f32 v5, $0.0e+00;
	v7 =	vmul.f32 $9.999999770e-03, v5;
	_ =	sdelay $0x1  }
0x77: {  	v5 =	vsel vm1, v5, v7;
	v6, _, _ =	vpop (xrf0)  }
0x78: {  	v5 =	vmul.f32 $1.442695020e+00, v5;
	(v2sf) =	vpush v6, $0xF;
	_ =	sdelay $0x1  }
0x79: {  	(erf) = vpow2.f32 v5;
	_ =	sdelay $0x1  }
0x7a: {  	v5 =	vmov s17  }
0x7b: {  	v5 =	vmul.u32 $0x3, v5;
	_ =	sdelay $0x1  }
0x7c: {  	v5 =	vbroadcast v5, $0x0;
	_ =	sdelay $0x1  }
0x7d: {  	v6 =	vadd.s32 v1, v5;
	v9 =	vadd.s32 v3, v5;
	v8 =	vadd.s32 v4, v5;
	_ =	sdelay $0x1  }
.Ltmp4:
0x7e: {  	s1 =	sadd.s32 $0x10, s1;
	v5 =	vpop (erf);
	(pc) =	sbr.rel @p3 .LBB2_7-.Ltmp4, $4  }
0x7f: {  	[tilespmem:s2+$0x11480] =	vst.msk vm0, v5  }
0x80: {  	v7 =	vld [tilespmem:s1+$0x0]  }
0x81: {  	v5 =	vld.idx.msk [tilespmem:v6+s20+$0x0], $0xffff  }
0x82: {  	v6 =	vld.idx.msk [tilespmem:v9+s20+$0x0], $0xffff;
	s17 =	spop (v2sf)  }
0x83: {  	_ =	sdelay $0x5  }
0x84: {  	v7 =	vld.idx.msk [tilespmem:v7+s5+$0x0], $0xffff  }
0x85: {  	v8 =	vld.idx.msk [tilespmem:v8+s20+$0x0], $0xffff;
	_ =	sdelay $0x3  }
0x86: {  	vm0 =	vgt.s32 v7, $0xFFFFFFFF  }
0x87: {  	v9 =	vld.idx.msk [tilespmem:v5+s19+$0x0], $0xffff;
	v10 =	vmpcnt.ones.xlane vm0  }
0x88: {  	v11 =	vld.idx.msk [tilespmem:v6+s19+$0x0], $0xffff  }
0x89: {  	v10 =	vxor.u32 $0x80000000, v10  }
0x8a: {  	v61 =	vld.idx.msk [tilespmem:v8+s19+$0x0], $0xffff;
	(xrf0) =	vmax.scan.msk.u32 $0xffff, v10;
	_ =	sdelay $0x2  }
0x8b: {  	v9 =	vadd.f32 v11, v9;
	_ =	sdelay $0x1  }
0x8c: {  	v9 =	vadd.f32 v61, v9  }
0x8d: {  	v62, _, _ =	vpop (xrf0)  }
0x8e: {  	v9 =	vmul.f32 $3.333333430e-01, v9;
	(v2sf) =	vpush v62, $0xF;
	_ =	sdelay $0x1  }
0x8f: {  	v63 =	vmul.f32 $9.999999770e-03, v9  }
0x90: {  	vm1 =	vge.f32 v9, $0.0e+00  }
0x91: {  	v9 =	vsel vm1, v9, v63  }
0x92: {  	v9 =	vmul.f32 $1.442695020e+00, v9;
	_ =	sdelay $0x1  }
0x93: {  	(erf) = vpow2.f32 v9;
	_ =	sdelay $0x3  }
0x94: {  	s1 =	sadd.s32 s17, s2;
	s0 =	sadd.s32 $0x1, s0  }
0x95: {  	s1 =	sadd.s32 $0x80000000, s1;
	p3 =	sne.s32 s0, $0x5  }
.Ltmp5:
0x96: {  	[tilespmem:s1+$0x7680] =	vst.msk vm0, v5;
	(pc) =	sbr.rel @p3 .LBB2_6-.Ltmp5, $4  }
0x97: {  	[tilespmem:s1+$0x9E00] =	vst.msk vm0, v6  }
0x98: {  	[tilespmem:s1+$0xC580] =	vst.msk vm0, v8;
	s17 =	spop (v2sf)  }
0x99: {  	[tilespmem:s1+$0xED00] =	vst.msk vm0, v7;
	v5 =	vpop (erf);
	s2 =	sadd.s32 s17, s1  }
0x9a: {  	[tilespmem:s1+$0x11480] =	vst.msk vm0, v5;
	s2 =	sadd.s32 $0x80000000, s2  }
0x9b: {  	s0 =	simm.s32 $0x7680  }
0x9c: {  	[hbm4b:s8+s5] =	stream.linear.scatter [tilespmem:s0], [sflag:$0x1], $0x2710, $0x38;
	[tilespmem:$0x13D00] =	vst v63  }
0x9d: {  	_ =	swait.ge [sflag:s18], $0x2710  }
0x9e: {  	[sflag:s18] =	ssyncset.done $0x0  }
0x9f: {  	[sflag:s18] =	ssyncadd.s32 $0xFFFFD8F0  }
0xa0: {  	[hbm4b:s9+s5] =	stream.linear.scatter [tilespmem:s22], [sflag:$0x1], $0x2710, $0x38;
	[tilespmem:$0x13D00] =	vst v63  }
0xa1: {  	_ =	swait.ge [sflag:s18], $0x2710  }
0xa2: {  	[sflag:s18] =	ssyncset.done $0x0  }
0xa3: {  	[sflag:s18] =	ssyncadd.s32 $0xFFFFD8F0  }
0xa4: {  	[hbm4b:s10+s5] =	stream.linear.scatter [tilespmem:s23], [sflag:$0x1], $0x2710, $0x38;
	[tilespmem:$0x13D00] =	vst v63  }
0xa5: {  	_ =	swait.ge [sflag:s18], $0x2710  }
0xa6: {  	[sflag:s18] =	ssyncset.done $0x0  }
0xa7: {  	[sflag:s18] =	ssyncadd.s32 $0xFFFFD8F0  }
0xa8: {  	[hbm4b:s11+s5] =	stream.linear.scatter [tilespmem:s26], [sflag:$0x1], $0x2710, $0x38;
	[tilespmem:$0x13D00] =	vst v63  }
0xa9: {  	_ =	swait.ge [sflag:s18], $0x2710  }
0xaa: {  	[sflag:s18] =	ssyncset.done $0x0  }
0xab: {  	[sflag:s18] =	ssyncadd.s32 $0xFFFFD8F0  }
0xac: {  	[hbm4b:s12+s5] =	stream.linear.scatter [tilespmem:s28], [sflag:$0x1], $0x2710, $0x38;
	[tilespmem:$0x13D00] =	vst v63  }
0xad: {  	_ =	swait.ge [sflag:s18], $0x2710  }
0xae: {  	[sflag:s18] =	ssyncset.done $0x0  }
0xaf: {  	v5 =	vmov s2;
	[sflag:s18] =	ssyncadd.s32 $0xFFFFD8F0  }
0xb0: {  	[tilespmem:$0x13C00] =	vst v5  }
0xb1: {  	[hbm4b:s13+s5] =	stream.linear.scatter [tilespmem:s29], [sflag:$0x1], $0x80, $0x38;
	[tilespmem:$0x13D00] =	vst v63  }
0xb2: {  	_ =	swait.ge [sflag:s18], $0x80  }
0xb3: {  	[sflag:s18] =	ssyncset.done $0x0  }
0xb4: {  	[sflag:s18] =	ssyncadd.s32 $0xFFFFFF80  }
0xb5: {  	v5 =	vld [tilespmem:s14+$0x4F00];
	_ =	sdelay $0x7  }
0xb6: {  	v5 =	vld.idx.msk [tilespmem:v5+s5+$0x0], $0xffff  }
.Ltmp6:
0xb7: {  	_ = 	snop;
	(pc) =	sbr.rel @!p0 .LBB2_10-.Ltmp6, $2  }
0xb8: {  	_ =	sdelay $0x2  }
0xb9: {  	[tilespmem:$0x13C80] =	vst v5  }
.Ltmp7:
0xba: {  	(pc) =	sbr.rel .LBB2_11-.Ltmp7, $4  }
0xbb: {  	_ = 	snop  }
0xbc: {  	v5 =	vimm.s32 $0x0  }
0xbd: {  	[tilespmem:$0x13C90] =	vst v5  }
0xbe: {  	[tilespmem:$0x13CA0] =	vst v5  }
.LBB2_12:
0xbf: {  	_ =	sfence.sel $0x180000  }
0xc0: {  	[bflag:$0x0] =	sbarrier.arrive $0xFFFF  }
0xc1: {  	_ =	strace $0x90000047  }
0xc2: {  	s0 =	stileid.u32;
	[bflag:$0x2] =	sbarrier.arrive $0xFFFF  }
0xc3: {  	p0 =	sne.s32 s0, $0x0;
	s0 =	rddreg [dreg:$0x4]  }
0xc4: {  	s0 =	sadd.s32 @!p0 $0x100000, s0  }
0xc5: {  	[sflag:s0] =	ssyncadd.tile.s32 @!p0 $0x1;
	_ =	shalt  }
.Lfunc_end2:
_tile_overlayer_lowered:
.L_overlay_start_2:
0xc6: {  	(tag) =	ssettag $0x2  }
0xc7: {  	s0 =	rddreg [dreg:$0x0];
	s2 =	stileid.u32  }
0xc8: {  	s1 =	rddreg [dreg:$0x1];
	p0 =	sne.s32 s2, $0x0  }
0xc9: {  	s3 =	rddreg [dreg:$0x2];
	[bflag:$0x3] =	sbarrier.arrive $0xFFFF;
	s2 =	simm.s32 @!p0 $0x1C01  }
0xca: {  	[timem:s3], [sflag:s2] =	dma.local @!p0 [hbm:s0], s1  }
0xcb: {  	s0 =	simm.s32 @!p0 $0x1  }
0xcc: {  	_ =	swait.ge @!p0 [sflag:s0], s1  }
0xcd: {  	s1 =	ssub.s32 @!p0 $0x0, s1;
	[sflag:s0] =	ssyncset.done @!p0 $0x0  }
0xce: {  	[sflag:s0] =	ssyncadd.s32 @!p0 s1  }
0xcf: {  	[bflag:$0x3] =	sbarrier.arrive $0xFFFF  }
0xd0: {  	_ =	shalt  }

// kernel: kernel.9.cloned.1.call-start
scs
__scs_entry_jumppad:
0x0: {  	(pc) =	sbr.rel $0x88, $3  }
0x1: {  	(tag) =	ssettag $0x0;
	lr =	simm.s32 $0x1  }
0x2: {  	[smem:$0x3F9C] =	sst lr;
	_ =	strace $0xD0000000  }
0x3: {  	_ = 	snop  }
0x4: {  	_ = 	snop  }
0x5: {  	_ = 	snop  }
0x6: {  	_ = 	snop  }
0x7: {  	_ = 	snop  }
__scs_overlays_trampoline_lowered:
0x8: {  	[smem:$0x3FAB] =	sst s0  }
0x9: {  	[smem:$0x3FAC] =	sst s1  }
0xa: {  	[smem:$0x3FAD] =	sst s2  }
0xb: {  	[smem:$0x3FAE] =	sst s3  }
0xc: {  	[smem:$0x3FAF] =	sst s4  }
0xd: {  	[smem:$0x3FB0] =	sst s5  }
0xe: {  	[smem:$0x3FB1] =	sst s6  }
0xf: {  	[smem:$0x3FB2] =	sst s7  }
0x10: {  	[smem:$0x3FB3] =	sst s8  }
0x11: {  	[smem:$0x3FB4] =	sst s9;
	s0 =	simm.s32 @!p0 $0x0  }
0x12: {  	s1 =	sld [smem:$0x3F9A];
	s0 =	simm.s32 @p0 $0x1  }
0x13: {  	[smem:$0x3FB5] =	sst s0;
	s0 =	simm.s32 @!p1 $0x0  }
0x14: {  	s2 =	sld [smem:$0x3F99];
	s0 =	simm.s32 @p1 $0x1  }
0x15: {  	[smem:$0x3FB6] =	sst s0;
	s0 =	simm.s32 @!p2 $0x0  }
0x16: {  	s3 =	sld [smem:$0x3FDB];
	s0 =	simm.s32 @p2 $0x1  }
0x17: {  	s4 =	simm.s32 $0x1BF5;
	[smem:$0x3FB8] =	sst s0  }
0x18: {  	s0 =	sld [smem:$0x3F9B];
	_ =	swait.ge [sflag:s4], $0x0  }
0x19: {  	s7 =	sld [smem:$0x3F9C]  }
0x1a: {  	s8 =	sadd.s32 $0xFFFFE003, lr  }
0x1b: {  	s9 =	sadd.s32 $0xFFFFFEF7, lr;
	s5 =	simm.s32 $0xFFFFFFFF;
	p2 =	slt.u32 s8, $0xFFFFF086  }
0x1c: {  	p1 =	slt.u32 s9, $0xF7A;
	s5 =	simm.s32 @!p2 $0x0  }
0x1d: {  	s5 =	simm.s32 @p1 $0x1;
	p0 =	seq.s32 s7, s2  }
0x1e: {  	s7 =	smul.u32 @!p0 $0xF7A, s2;
	p2 =	seq.s32 @!p0 s5, $0x0  }
0x1f: {  	s9 =	smul.u32 $0xF7A, s1;
	s8 =	simm.s32 @!p0 $0x1BF5;
	p2 =	por !p2, p0  }
0x20: {  	[sflag:s8] =	ssyncset.s32 @!p0 $0xFFFFF086;
	s6 =	sadd.s32 @!p0 s3, s7;
	s7 =	simm.s32 @!p0 $0x108  }
0x21: {  	s3 =	sadd.s32 s3, s9;
	s6 =	sadd.s32 @!p0 $0x88, s6;
	s7 =	simm.s32 @p2 $0x1082  }
0x22: {  	[simem:s7], [sflag:s8] =	dma.local @!p0 [hbm:s6], $0xF7A  }
0x23: {  	s9 =	sor.u32 $0xD0000000, s2;
	s6 =	simm.s32 $0x108;
	_ =	swait.ge @!p0 [sflag:s8], $0x0  }
0x24: {  	s3 =	sadd.s32 $0x88, s3;
	s6 =	simm.s32 @!p1 $0x1082;
	[sflag:s4] =	ssyncset.s32 $0xFFFFF086  }
0x25: {  	[simem:s6], [sflag:s4] =	dma.local [hbm:s3], $0xF7A  }
0x26: {  	[smem:$0x3F9C] =	sst s1;
	(tag) =	ssettag s2;
	_ =	strace s9  }
0x27: {  	s1 =	sld [smem:$0x3FAC]  }
0x28: {  	s2 =	sld [smem:$0x3FAD]  }
0x29: {  	s4 =	sld [smem:$0x3FAF]  }
0x2a: {  	p0 =	seq.s32 s5, $0x0;
	s5 =	sld [smem:$0x3FB0]  }
0x2b: {  	s6 =	sld [smem:$0x3FB1]  }
0x2c: {  	s7 =	sld [smem:$0x3FB2]  }
0x2d: {  	s3 =	simm.s32 $0x108;
	s8 =	sld [smem:$0x3FB3]  }
0x2e: {  	s3 =	simm.s32 @!p0 $0x1082;
	s9 =	sld [smem:$0x3FB4]  }
0x2f: {  	lr =	sadd.s32 s0, s3;
	s0 =	sld [smem:$0x3FAB]  }
0x30: {  	s3 =	sld [smem:$0x3FAE]  }
0x31: {  	[smem:$0x3FB7] =	sst s10  }
0x32: {  	s10 =	sld [smem:$0x3FB5];
	_ =	sdelay $0x3  }
0x33: {  	p0 =	seq.s32 s10, $0x1;
	s10 =	sld [smem:$0x3FB7];
	_ =	sdelay $0x3  }
0x34: {  	[smem:$0x3FB7] =	sst s10  }
0x35: {  	s10 =	sld [smem:$0x3FB6];
	_ =	sdelay $0x3  }
0x36: {  	p1 =	seq.s32 s10, $0x1;
	s10 =	sld [smem:$0x3FB7];
	_ =	sdelay $0x3  }
0x37: {  	[smem:$0x3FB7] =	sst s10  }
0x38: {  	s10 =	sld [smem:$0x3FB8]  }
0x39: {  	_ = 	snop;
	(pc) =	sbr.ind lr, $3  }
0x3a: {  	_ = 	snop  }
0x3b: {  	_ = 	snop  }
0x3c: {  	p2 =	seq.s32 s10, $0x1;
	s10 =	sld [smem:$0x3FB7]  }
0x3d: {  	_ =	shalt  }
0x3e: {  	_ =	shalt  }
0x3f: {  	_ =	shalt  }
0x40: {  	_ =	shalt  }
0x41: {  	_ =	shalt  }
0x42: {  	_ =	shalt  }
0x43: {  	_ =	shalt  }
0x44: {  	_ =	shalt  }
0x45: {  	_ =	shalt  }
0x46: {  	_ =	shalt  }
0x47: {  	_ =	shalt  }
0x48: {  	_ =	shalt  }
0x49: {  	_ =	shalt  }
0x4a: {  	_ =	shalt  }
0x4b: {  	_ =	shalt  }
0x4c: {  	_ =	shalt  }
0x4d: {  	_ =	shalt  }
0x4e: {  	_ =	shalt  }
0x4f: {  	_ =	shalt  }
0x50: {  	_ =	shalt  }
0x51: {  	_ =	shalt  }
0x52: {  	_ =	shalt  }
0x53: {  	_ =	shalt  }
0x54: {  	_ =	shalt  }
0x55: {  	_ =	shalt  }
0x56: {  	_ =	shalt  }
0x57: {  	_ =	shalt  }
0x58: {  	_ =	shalt  }
0x59: {  	_ =	shalt  }
0x5a: {  	_ =	shalt  }
0x5b: {  	_ =	shalt  }
0x5c: {  	_ =	shalt  }
0x5d: {  	_ =	shalt  }
0x5e: {  	_ =	shalt  }
0x5f: {  	_ =	shalt  }
0x60: {  	_ =	shalt  }
0x61: {  	_ =	shalt  }
0x62: {  	_ =	shalt  }
0x63: {  	_ =	shalt  }
0x64: {  	_ =	shalt  }
0x65: {  	_ =	shalt  }
0x66: {  	_ =	shalt  }
0x67: {  	_ =	shalt  }
0x68: {  	_ =	shalt  }
0x69: {  	_ =	shalt  }
0x6a: {  	_ =	shalt  }
0x6b: {  	_ =	shalt  }
0x6c: {  	_ =	shalt  }
0x6d: {  	_ =	shalt  }
0x6e: {  	_ =	shalt  }
0x6f: {  	_ =	shalt  }
0x70: {  	_ =	shalt  }
0x71: {  	_ =	shalt  }
0x72: {  	_ =	shalt  }
0x73: {  	_ =	shalt  }
0x74: {  	_ =	shalt  }
0x75: {  	_ =	shalt  }
0x76: {  	_ =	shalt  }
0x77: {  	_ =	shalt  }
0x78: {  	_ =	shalt  }
0x79: {  	_ =	shalt  }
0x7a: {  	_ =	shalt  }
0x7b: {  	_ =	shalt  }
0x7c: {  	_ =	shalt  }
0x7d: {  	_ =	shalt  }
0x7e: {  	_ =	shalt  }
0x7f: {  	_ =	shalt  }
0x80: {  	_ =	shalt  }
0x81: {  	_ =	shalt  }
0x82: {  	_ =	shalt  }
0x83: {  	_ =	shalt  }
0x84: {  	_ =	shalt  }
0x85: {  	_ =	shalt  }
0x86: {  	_ =	shalt  }
0x87: {  	_ =	shalt  }
.Lfunc_end0:
.L_simem_size_0:
called_computation.1_lowered:
.L_overlay_start_0:
0x88: {  	s2 =	sld [smem:$0x3FD9]  }
0x89: {  	s3 =	sld [smem:$0x3FFE];
	_ =	sdelay $0x1  }
0x8a: {  	s1 =	srdreg.scid  }
0x8b: {  	s0 =	sand.u32 $0x1, s1  }
0x8c: {  	s17 =	sshll.u32 s0, $0xA;
	s2 =	sadd.s32 s3, s2  }
0x8d: {  	s2 =	sadd.s32 s2, s17  }
0x8e: {  	[smem:$0x3FC3] =	sst s2  }
0x8f: {  	_ = 	snop  }
0x90: {  	s2 =	sld [smem:$0x3FC9];
	(tm) =	ssettm $0x1  }
0x91: {  	s18 =	sld [smem:$0x3FFB];
	_ =	sdelay $0x3  }
0x92: {  	_ =	strace s18  }
0x93: {  	s3 =	sld [smem:$0x3FFC];
	_ =	sdelay $0x3  }
0x94: {  	_ =	strace s3  }
0x95: {  	s3 =	sld [smem:$0x3FFD];
	_ =	sdelay $0x3  }
0x96: {  	_ =	strace s3  }
0x97: {  	_ =	strace $0x8FFFFFFF  }
0x98: {  	s19 =	sld [smem:$0x3FDB];
	_ =	sdelay $0x1  }
0x99: {  	s4 =	simm.s32 $_scs_section_size  }
0x9a: {  	s5 =	simm.s32 $_size__tile_overlayer_lowered;
	s6 =	simm.s32 $_tile_overlayer_lowered  }
0x9b: {  	s22 =	simm.s32 $0x1BFF;
	s21 =	sshll.u32 s6, $0x1;
	s3 =	sadd.s32 s4, s19  }
0x9c: {  	s7 =	simm.s32 $0x0;
	s20 =	sshll.u32 s5, $0x1;
	s5 =	sadd.s32 s21, s3  }
0x9d: {  	[timem:s7], [sflag:s22] =	dma.local [hbm:s5], s20  }
0x9e: {  	_ =	swait.ge [sflag:s22], s20  }
0x9f: {  	s4 =	ssub.s32 $0x0, s20;
	[sflag:s22] =	ssyncset.done $0x0  }
0xa0: {  	[sflag:s22] =	ssyncadd.s32 s4;
	_ =	sdelay $0x1  }
0xa1: {  	s23 =	simm.s32 $0x1B8B  }
0xa2: {  	_ =	swait.ge [sflag:s23], $0x1  }
0xa3: {  	[sflag:s23] =	ssyncset.done $0x0  }
0xa4: {  	s25 =	simm.s32 $0x1B8E;
	s24 =	sld [smem:$0x3FFE];
	[sflag:s23] =	ssyncadd.s32 $0xFFFFFFFF  }
0xa5: {  	s26 =	simm.s32 $execute0_lowered;
	[smem:$0x3FD2] =	sst s25  }
0xa6: {  	s5 =	sshll.u32 s26, $0x1;
	_ =	strace $0x80000049;
	[dreg:$0x1] =	wrdreg $0xFFFFFFFF  }
0xa7: {  	s28 =	simm.s32 $_size_execute0_lowered;
	s3 =	sadd.s32 s3, s5;
	[dreg:$0x0] =	wrdreg $0x0  }
0xa8: {  	s5 =	sshll.u32 s28, $0x1;
	[dreg:$0x2] =	wrdreg s3  }
0xa9: {  	[dreg:$0x3] =	wrdreg s5  }
0xaa: {  	[dreg:$0x4] =	wrdreg $0xC0  }
0xab: {  	_ =	task [dreg:s7], $0x5FFFF  }
0xac: {  	[dreg:$0x1] =	wrdreg $0xFFFFFFFF  }
0xad: {  	[dreg:$0x0] =	wrdreg $0x60  }
0xae: {  	[dreg:$0x2] =	wrdreg s2  }
0xaf: {  	[dreg:$0x3] =	wrdreg s24  }
0xb0: {  	[dreg:$0x4] =	wrdreg $0xAC000  }
0xb1: {  	[dreg:$0x5] =	wrdreg $0x9  }
0xb2: {  	_ =	task.clear_ibuf [dreg:s7], $0x6FFFF;
	_ =	strace $0x90000049  }
0xb3: {  	s29 =	simm.s32 $0x9;
	_ =	strace $0x8000004E  }
0xb4: {  	_ =	swait.ge [sflag:s29], $0x1  }
0xb5: {  	[sflag:s29] =	ssyncadd.s32 $0xFFFFFFFF  }
0xb6: {  	_ =	strace $0x9000004E  }
0xb7: {  	_ =	sfence  }
0xb8: {  	s30 =	sld [smem:$0x0];
	_ =	sdelay $0x2  }
0xb9: {  	s31 =	sshll.u32 s1, $0xD;
	s1 =	sshrl.u32 s1, $0x2  }
0xba: {  	s3 =	sand.u32 $0x4000, s31;
	s1 =	sadd.s32 s1, s30  }
0xbb: {  	s0 =	sor.u32 s3, s0;
	s1 =	sshll.u32 s1, $0x11  }
0xbc: {  	s0 =	sor.u32 s1, s0  }
0xbd: {  	s0 =	sadd.s32 $0x8F2B, s0  }
0xbe: {  	[sflag:s0] =	ssyncadd.remote.s32 $0x1  }
0xbf: {  	_ =	sfence.sel $0xFFFF  }
0xc0: {  	[dreg:$0x0] =	wrdreg $0xFFFFFFFF;
	(pc) =	sbr.abs _section_cstart, $3  }
0xc1: {  	[dreg:$0x1] =	wrdreg $0xFFFFFFFF  }
0xc2: {  	_ =	task.clear_ibuf [dreg:s7], $0x2FFFF;
	_ =	strace $0x9FFFFFFF  }
0xc3: {  	(tm) =	ssettm $0x7FFFFFFF  }
tec
execute0_lowered:
.L_overlay_start_1:
0x0: {  	(tag) =	ssettag $0x1  }
0x1: {  	s0 =	rddreg [dreg:$0x0]  }
0x2: {  	s2 =	rddreg [dreg:$0x1]  }
0x3: {  	s1 =	rddreg [dreg:$0x2]  }
0x4: {  	s13 =	simm.s32 $0x0;
	s3 =	srdreg.scid;
	s14 =	stileid.u32  }
0x5: {  	s17 =	simm.s32 $0x1;
	s22 =	simm.s32 $0x60;
	s23 =	simm.s32 $0x3A80  }
0x6: {  	s24 =	simm.s32 $0x3C00;
	s25 =	simm.s32 $0x3B00;
	s26 =	simm.s32 $0x3B80  }
0x7: {  	[smem:$0x7FF] =	sst s13;
	s4 =	sadd.s32 $0x1000, s2;
	s3 =	sand.u32 $0x1, s3  }
0x8: {  	s5 =	sadd.s32 $0xB000, s2;
	s8 =	sshll.u32 s14, $0x7;
	s6 =	sadd.s32 $0x15000, s2  }
0x9: {  	s7 =	sadd.s32 $0x1F000, s2;
	s11 =	smul.u32 $0x7D000, s14;
	s12 =	sadd.s32 $0x33000, s2  }
0xa: {  	s29 =	smul.u32 $0x3E80, s14;
	p0 =	sgt.u32 s14, $0x9;
	_ =	strace $0x8000004A  }
0xb: {  	s9 =	sshll.u32 s3, $0x6;
	[dreg:$0x4] =	wrdreg s12;
	s3 =	ssub.s32 $0x2, s3  }
0xc: {  	s9 =	sor.u32 s9, s8;
	s8 =	sadd.s32 $0x29000, s2;
	s28 =	sshrl.u32 s3, $0x1  }
0xd: {  	s11 =	sshrl.u32 s11, $0x2;
	s0 =	sadd.s32 s0, s29;
	s10 =	sshll.u32 s9, $0x5  }
0xe: {  	s3 =	ssub.s32 s3, s28;
	[dreg:$0x5] =	wrdreg s0;
	s2 =	sadd.s32 s10, s2  }
.Ltmp0:
0xf: {  	s10 =	sadd.s32 s11, s1;
	s31 =	smax.u32 s3, $0x1;
	(pc) =	sbr.rel .LBB2_1-.Ltmp0, $4  }
0x10: {  	s11 =	sshll.u32 @!p0 s14, $0x6;
	s2 =	sadd.s32 $0x33400, s2;
	[dreg:$0x7] =	wrdreg s31  }
0x11: {  	s15 =	simm.s32 $0x0;
	[dreg:$0x6] =	wrdreg s2;
	s2 =	sor.u32 @!p0 $0x1C02, s11  }
0x12: {  	v2 =	vimm.f32 $0.0e+00;
	v3 =	vlaneseq.u32;
	v4 =	vimm.s32 $0x0;
	s30 =	sadd.s32 $0x40, s9;
	[dreg:$0x8] =	wrdreg s2;
	s2 =	sshrl.u32 @!p0 s10, $0x3  }
0x13: {  	vm0 =	vmmov $0x1;
	v0 =	vmov s9;
	v1 =	vmov s30;
	s10 =	simm.s32 $0x2;
	[dreg:$0x9] =	wrdreg s2;
	s2 =	simm.s32 $0x0  }
.LBB2_19:
0x14: {  	s13 =	simm.s32 $0x0  }
0x15: {  	s0 =	rddreg [dreg:$0x6];
	s2 =	simm.s32 $0x6C00;
	s10 =	simm.s32 $0x2  }
0x16: {  	[hbm4b:s0+s13] =	stream.linear.scatter [tilespmem:s2], [sflag:$0x2], $0x4000, $0x38;
	[tilespmem:$0x1E480] =	vst v63  }
0x17: {  	_ =	swait.ge [sflag:s10], $0x4000  }
0x18: {  	s30 =	rddreg [dreg:$0xa]  }
0x19: {  	s31 =	rddreg [dreg:$0x7];
	s2 =	sadd.s32 $0x1, s30  }
0x1a: {  	p1 =	sne.s32 s2, s31  }
.Ltmp1:
0x1b: {  	_ = 	snop;
	(pc) =	sbr.rel @!p1 .LBB2_20-.Ltmp1, $3  }
0x1c: {  	_ =	sdelay $0x1  }
0x1d: {  	[sflag:s10] =	ssyncset.done $0x0  }
0x1e: {  	[sflag:s10] =	ssyncadd.s32 $0xFFFFC000  }
.LBB2_1:
0x1f: {  	[dreg:$0xa] =	wrdreg s2  }
0x20: {  	s0 =	rddreg [dreg:$0x5]  }
0x21: {  	s2 =	rddreg [dreg:$0x8]  }
0x22: {  	s3 =	rddreg [dreg:$0x9]  }
0x23: {  	[spmem:s3], [sflag:s2] =	dma.local @!p0 [hbm:s0], $0x3E80  }
0x24: {  	s0 =	simm.s32 @!p0 $0x2  }
0x25: {  	_ =	swait.ge @!p0 [sflag:s0], $0x3E80  }
0x26: {  	[sflag:s0] =	ssyncset.done @!p0 $0x0  }
0x27: {  	s28 =	simm.s32 $0x2A80;
	s21 =	rddreg [dreg:$0x4];
	[sflag:s0] =	ssyncadd.s32 @!p0 $0xFFFFC180  }
0x28: {  	[tilespmem:s28], [sflag:$0x2] =	stream.linear.gather [hbm4b:s21+s13], $0x1000, $0x38;
	[tilespmem:$0x1E480] =	vst v63  }
0x29: {  	_ =	swait.ge [sflag:s10], $0x1000  }
0x2a: {  	s29 =	sand.u32 $0x3800, s13;
	s30 =	sand.u32 $0x380, s13;
	[sflag:s10] =	ssyncset.done $0x0  }
0x2b: {  	s0 =	sor.u32 s30, s29;
	[sflag:s10] =	ssyncadd.s32 $0xFFFFF000  }
0x2c: {  	[tilespmem:s0+$0x7070] =	vst v2  }
0x2d: {  	[tilespmem:s0+$0x6C00] =	vst v2  }
0x2e: {  	[tilespmem:s0+$0x6C10] =	vst v2  }
0x2f: {  	[tilespmem:s0+$0x6C20] =	vst v2  }
0x30: {  	[tilespmem:s0+$0x6C30] =	vst v2  }
0x31: {  	[tilespmem:s0+$0x6C40] =	vst v2  }
0x32: {  	[tilespmem:s0+$0x6C50] =	vst v2  }
0x33: {  	[tilespmem:s0+$0x6C60] =	vst v2  }
0x34: {  	[tilespmem:s0+$0x6C70] =	vst v2  }
0x35: {  	[tilespmem:s0+$0x7000] =	vst v2  }
0x36: {  	[tilespmem:s0+$0x7010] =	vst v2  }
0x37: {  	[tilespmem:s0+$0x7020] =	vst v2  }
0x38: {  	[tilespmem:s0+$0x7030] =	vst v2  }
0x39: {  	s31 =	simm.s32 $0x100;
	s2 =	simm.s32 $0x80;
	[tilespmem:s0+$0x7040] =	vst v2  }
0x3a: {  	s9 =	sand.u32 $0x3800, s31;
	s3 =	simm.s32 $0x200;
	s10 =	sand.u32 $0x380, s2;
	[tilespmem:s0+$0x7050] =	vst v2  }
.LBB2_2:
0x3b: {  	p1 =	sne.s32 s3, $0x3F00;
	[tilespmem:s0+$0x7060] =	vst v2;
	s0 =	sor.u32 s10, s9  }
0x3c: {  	[tilespmem:s0+$0x7070] =	vst v2  }
0x3d: {  	[tilespmem:s0+$0x6C00] =	vst v2  }
0x3e: {  	[tilespmem:s0+$0x6C10] =	vst v2  }
0x3f: {  	[tilespmem:s0+$0x6C20] =	vst v2  }
0x40: {  	[tilespmem:s0+$0x6C30] =	vst v2  }
0x41: {  	[tilespmem:s0+$0x6C40] =	vst v2  }
0x42: {  	[tilespmem:s0+$0x6C50] =	vst v2  }
0x43: {  	[tilespmem:s0+$0x6C60] =	vst v2  }
0x44: {  	[tilespmem:s0+$0x6C70] =	vst v2  }
0x45: {  	[tilespmem:s0+$0x7000] =	vst v2  }
.Ltmp2:
0x46: {  	[tilespmem:s0+$0x7010] =	vst v2;
	(pc) =	sbr.rel @p1 .LBB2_2-.Ltmp2, $4  }
0x47: {  	[tilespmem:s0+$0x7020] =	vst v2  }
0x48: {  	[tilespmem:s0+$0x7030] =	vst v2  }
0x49: {  	s2 =	sadd.s32 $0x80, s2;
	[tilespmem:s0+$0x7040] =	vst v2  }
0x4a: {  	s9 =	sand.u32 $0x3800, s3;
	s3 =	sadd.s32 $0x100, s3;
	s10 =	sand.u32 $0x380, s2;
	[tilespmem:s0+$0x7050] =	vst v2  }
0x4b: {  	s2 =	sor.u32 s10, s9;
	[tilespmem:s0+$0x7060] =	vst v2  }
0x4c: {  	[tilespmem:s2+$0x7070] =	vst v2  }
0x4d: {  	[tilespmem:s2+$0x6C00] =	vst v2  }
0x4e: {  	[tilespmem:s2+$0x6C10] =	vst v2  }
0x4f: {  	[tilespmem:s2+$0x6C20] =	vst v2  }
0x50: {  	[tilespmem:s2+$0x6C30] =	vst v2  }
0x51: {  	[tilespmem:s2+$0x6C40] =	vst v2  }
0x52: {  	[tilespmem:s2+$0x6C50] =	vst v2  }
0x53: {  	[tilespmem:s2+$0x6C60] =	vst v2  }
0x54: {  	[tilespmem:s2+$0x6C70] =	vst v2  }
0x55: {  	[tilespmem:s2+$0x7000] =	vst v2  }
0x56: {  	[tilespmem:s2+$0x7010] =	vst v2  }
0x57: {  	[tilespmem:s2+$0x7020] =	vst v2  }
0x58: {  	[tilespmem:s2+$0x7030] =	vst v2  }
.Ltmp3:
0x59: {  	[tilespmem:s2+$0x7040] =	vst v2;
	(pc) =	sbr.rel .LBB2_4-.Ltmp3, $4  }
0x5a: {  	[tilespmem:s2+$0x7050] =	vst v2  }
0x5b: {  	[tilespmem:s2+$0x7060] =	vst v2  }
0x5c: {  	[bflag:$0x0] =	sbarrier.arrive $0xFFFF  }
0x5d: {  	s30 =	simm.s32 $0x0  }
.LBB2_18:
0x5e: {  	s30 =	sadd.s32 $0x1, s30  }
0x5f: {  	p1 =	sne.s32 s30, $0x20  }
.Ltmp4:
0x60: {  	_ = 	snop;
	(pc) =	sbr.rel @!p1 .LBB2_19-.Ltmp4, $1  }
0x61: {  	_ =	sdelay $0x3  }
.LBB2_4:
0x62: {  	s0 =	sshll.u32 s30, $0x7  }
0x63: {  	s0 =	sand.u32 $0x3FFFFF80, s0  }
0x64: {  	v5 =	vld [tilespmem:s0+$0x2A80];
	_ =	sdelay $0x4  }
0x65: {  	v5 =	vxor.u32 $0x80000000, v5  }
0x66: {  	(xrf0) =	vmax.scan.msk.u32 $0xffff, v5;
	_ =	sdelay $0x5  }
0x67: {  	v5, _, _ =	vpop (xrf0)  }
0x68: {  	(v2sf) =	vpush v5, $0xF;
	_ =	sdelay $0xe  }
0x69: {  	s0 =	spop (v2sf)  }
0x6a: {  	s2 =	sadd.s32 $0x800003FF, s0  }
0x6b: {  	s3 =	sand.u32 $0x3FF, s2  }
0x6c: {  	s29 =	sshra.s32 s2, $0x1F;
	p2 =	slt.s32 s2, $0x1;
	p1 =	sne.s32 s3, $0x0  }
0x6d: {  	s3 =	sshrl.u32 s29, $0x16;
	p1 =	por !p2, !p1  }
0x6e: {  	s2 =	sadd.s32 s3, s2;
	s3 =	simm.s32 $0x1;
	p1 =	por !p1, !p1  }
0x6f: {  	s2 =	sshra.s32 s2, $0xA;
	s3 =	simm.s32 @!p1 $0x0  }
0x70: {  	s31 =	ssub.s32 s2, s3  }
0x71: {  	p1 =	slt.s32 s31, $0x1  }
.Ltmp5:
0x72: {  	_ = 	snop;
	(pc) =	sbr.rel @p1 .LBB2_18-.Ltmp5, $1  }
0x73: {  	_ =	sdelay $0x3  }
.Ltmp6:
0x74: {  	(pc) =	sbr.rel .LBB2_6-.Ltmp6, $2  }
0x75: {  	_ =	sdelay $0x2  }
0x76: {  	s0 =	sxor.u32 $0x80000000, s0;
	s3 =	smul.u32 $0x2800, s30;
	s28 =	simm.s32 $0x0  }
.LBB2_17:
0x77: {  	s28 =	sadd.s32 $0x1, s28  }
0x78: {  	p1 =	sne.s32 s28, s31  }
.Ltmp7:
0x79: {  	_ = 	snop;
	(pc) =	sbr.rel @!p1 .LBB2_18-.Ltmp7, $1  }
0x7a: {  	_ =	sdelay $0x3  }
.LBB2_6:
0x7b: {  	s2 =	sshll.u32 s28, $0xA  }
0x7c: {  	s9 =	sadd.s32 s3, s2  }
0x7d: {  	s9 =	sshrl.u32 s9, $0x3  }
0x7e: {  	s10 =	sadd.s32 s7, s9  }
0x7f: {  	[tilespmem:s15], [sflag:$0x1] =	stream.linear.gather [hbm4b:s10+s15], $0x400, $0x38;
	[tilespmem:$0x1E480] =	vst v63  }
0x80: {  	s11 =	simm.s32 $0x400;
	s13 =	sadd.s32 s8, s9  }
0x81: {  	[tilespmem:s11], [sflag:$0x1] =	stream.linear.gather [hbm4b:s13+s15], $0x400, $0x38;
	[tilespmem:$0x1E480] =	vst v63  }
0x82: {  	s16 =	simm.s32 $0x800;
	s14 =	sadd.s32 s4, s9  }
0x83: {  	[tilespmem:s16], [sflag:$0x1] =	stream.linear.gather [hbm4b:s14+s15], $0x400, $0x38;
	[tilespmem:$0x1E480] =	vst v63  }
0x84: {  	s19 =	simm.s32 $0xC00;
	s18 =	sadd.s32 s5, s9  }
0x85: {  	[tilespmem:s19], [sflag:$0x1] =	stream.linear.gather [hbm4b:s18+s15], $0x400, $0x38;
	[tilespmem:$0x1E480] =	vst v63  }
0x86: {  	s20 =	simm.s32 $0x1000;
	s9 =	sadd.s32 s6, s9  }
0x87: {  	[tilespmem:s20], [sflag:$0x1] =	stream.linear.gather [hbm4b:s9+s15], $0x400, $0x38;
	[tilespmem:$0x1E480] =	vst v63  }
0x88: {  	s2 =	ssub.s32 s0, s2;
	_ =	swait.ge [sflag:s17], $0x400  }
0x89: {  	p1 =	slt.s32 s2, $0x400;
	s9 =	smov.u32 s2;
	[sflag:s17] =	ssyncset.done $0x0  }
0x8a: {  	s9 =	simm.s32 @!p1 $0x400;
	[sflag:s17] =	ssyncadd.s32 $0xFFFFFC00  }
0x8b: {  	p2 =	slt.s32 s2, $0xFFFFFFF2;
	s9 =	sadd.s32 $0xF, s9;
	_ =	swait.ge [sflag:s17], $0x400  }
0x8c: {  	s21 =	sand.u32 $0xF, s9;
	s29 =	sshra.s32 s9, $0x1F;
	[sflag:s17] =	ssyncset.done $0x0  }
0x8d: {  	p6 =	sne.s32 s21, $0x0;
	s10 =	sshrl.u32 s29, $0x1C;
	[sflag:s17] =	ssyncadd.s32 $0xFFFFFC00  }
0x8e: {  	p1 =	por !p2, !p6;
	s9 =	sadd.s32 s10, s9;
	_ =	swait.ge [sflag:s17], $0x400  }
0x8f: {  	s10 =	simm.s32 $0x1;
	p1 =	por !p1, !p1;
	[sflag:s17] =	ssyncset.done $0x0  }
0x90: {  	s9 =	sshra.s32 s9, $0x4;
	s10 =	simm.s32 @!p1 $0x0;
	[sflag:s17] =	ssyncadd.s32 $0xFFFFFC00  }
0x91: {  	s14 =	ssub.s32 s9, s10;
	_ =	swait.ge [sflag:s17], $0x400  }
0x92: {  	p1 =	slt.s32 s14, $0x1;
	[sflag:s17] =	ssyncset.done $0x0  }
.Ltmp8:
0x93: {  	[sflag:s17] =	ssyncadd.s32 $0xFFFFFC00;
	(pc) =	sbr.rel @p1 .LBB2_13-.Ltmp8, $4  }
0x94: {  	_ =	swait.ge [sflag:s17], $0x400  }
0x95: {  	[sflag:s17] =	ssyncset.done $0x0  }
0x96: {  	[sflag:s17] =	ssyncadd.s32 $0xFFFFFC00  }
0x97: {  	s10 =	simm.s32 $0x0;
	_ =	strace $0x8000004B  }
0x98: {  	p2 =	sne.s32 s14, $0x1  }
.Ltmp9:
0x99: {  	_ = 	snop;
	(pc) =	sbr.rel @!p2 .LBB2_8-.Ltmp9, $4  }
0x9a: {  	_ = 	snop  }
0x9b: {  	s9 =	simm.s32 $0x0  }
0x9c: {  	s13 =	simm.s32 $0x800;
	s12 =	simm.s32 $0xC00;
	s11 =	simm.s32 $0x1000  }
0x9d: {  	v5 =	vmov s2;
	s10 =	simm.s32 $0x400;
	s2 =	sadd.s32 $0xFFFFFFFF, s14;
	p1 =	por $0x0, $0x0;
	v6 =	vld [tilespmem:s9+$0x0]  }
0x9e: {  	_ =	sdelay $0x1  }
0x9f: {  	v7 =	vld [tilespmem:s13+$0x0]  }
0xa0: {  	v8 =	vor.u32 s9, v3  }
0xa1: {  	vm2 =	vlt.s32 v8, v5;
	vm1 =	vlt.s32 v6, v1  }
0xa2: {  	vm3 =	vge.s32 v6, v0;
	vm1 =	vmand vm1, vm2  }
0xa3: {  	vm1 =	vmand vm1, vm3  }
0xa4: {  	[tilespmem:s9+$0x1400] =	vst.msk vm1, v7  }
0xa5: {  	v7 =	vld [tilespmem:s12+$0x0];
	_ =	sdelay $0x1  }
0xa6: {  	v8 =	vmpcnt.ones.xlane vm1;
	_ =	sdelay $0x1  }
0xa7: {  	v8 =	vxor.u32 $0x80000000, v8  }
0xa8: {  	(xrf0) =	vmax.scan.msk.u32 $0xffff, v8;
	[tilespmem:s9+$0x1880] =	vst.msk vm1, v7  }
0xa9: {  	v7 =	vld [tilespmem:s11+$0x0];
	_ =	sdelay $0x4  }
0xaa: {  	[tilespmem:s9+$0x1D00] =	vst.msk vm1, v7;
	v7, _, _ =	vpop (xrf0)  }
0xab: {  	(v2sf) =	vpush v7, $0xF;
	_ =	sdelay $0x1  }
0xac: {  	v6 =	vsub.s32 v6, v0  }
0xad: {  	[tilespmem:s9+$0x2180] =	vst.msk vm1, v6  }
0xae: {  	v6 =	vld [tilespmem:s10+$0x0]  }
0xaf: {  	p2 =	sne.s32 s2, $0x1  }
.Ltmp10:
0xb0: {  	_ = 	snop;
	(pc) =	sbr.rel @!p2 .LBB2_10-.Ltmp10, $4  }
0xb1: {  	_ = 	snop  }
0xb2: {  	s19 =	simm.s32 $0x10;
	s20 =	sadd.s32 $0xFFFFFFFF, s2;
	s13 =	simm.s32 $0x810  }
0xb3: {  	p1 =	por $0x1, $0x1;
	s18 =	simm.s32 $0x0;
	s16 =	simm.s32 $0x0;
	[tilespmem:s9+$0x2600] =	vst.msk vm1, v6  }
0xb4: {  	s29 =	simm.s32 $0xC00;
	s2 =	simm.s32 $0x1000;
	s14 =	simm.s32 $0x400;
	v6 =	vld [tilespmem:s19+$0x0]  }
.LBB2_11:
0xb5: {  	p2 =	sne.s32 s20, $0x1;
	v7 =	vld [tilespmem:s13+$0x0];
	_ =	sdelay $0x1  }
0xb6: {  	s18 =	sadd.s32 $0x10, s18  }
0xb7: {  	v8 =	vor.u32 s18, v3  }
0xb8: {  	vm2 =	vlt.s32 v8, v5;
	vm1 =	vlt.s32 v6, v1;
	v8 =	vsub.s32 v6, v0;
	s21 =	spop (v2sf)  }
0xb9: {  	vm3 =	vge.s32 v6, v0;
	vm1 =	vmand vm1, vm2;
	s16 =	sadd.s32 s21, s16  }
0xba: {  	vm1 =	vmand vm1, vm3;
	s16 =	sadd.s32 $0x80000000, s16  }
0xbb: {  	s29 =	sadd.s32 $0x10, s29;
	[tilespmem:s16+$0x1400] =	vst.msk vm1, v7;
	v6 =	vmpcnt.ones.xlane vm1  }
0xbc: {  	v7 =	vld [tilespmem:s29+$0x0]  }
0xbd: {  	v6 =	vxor.u32 $0x80000000, v6  }
0xbe: {  	(xrf0) =	vmax.scan.msk.u32 $0xffff, v6;
	_ =	sdelay $0x2  }
0xbf: {  	s2 =	sadd.s32 $0x10, s2;
	[tilespmem:s16+$0x1880] =	vst.msk vm1, v7  }
0xc0: {  	v6 =	vld [tilespmem:s2+$0x0];
	_ =	sdelay $0x1  }
0xc1: {  	v7, _, _ =	vpop (xrf0)  }
0xc2: {  	(v2sf) =	vpush v7, $0xF;
	_ =	sdelay $0x1  }
0xc3: {  	[tilespmem:s16+$0x1D00] =	vst.msk vm1, v6  }
0xc4: {  	s14 =	sadd.s32 $0x10, s14;
	[tilespmem:s16+$0x2180] =	vst.msk vm1, v8  }
0xc5: {  	v6 =	vld [tilespmem:s14+$0x0];
	_ =	sdelay $0x1  }
.Ltmp11:
0xc6: {  	(pc) =	sbr.rel @p2 .LBB2_11-.Ltmp11, $3  }
0xc7: {  	_ =	sdelay $0x1  }
0xc8: {  	s19 =	sadd.s32 $0x10, s19;
	[tilespmem:s16+$0x2600] =	vst.msk vm1, v6  }
0xc9: {  	s20 =	sadd.s32 $0xFFFFFFFF, s20;
	s13 =	sadd.s32 $0x10, s13;
	v6 =	vld [tilespmem:s19+$0x0]  }
.LBB2_12:
0xca: {  	_ = 	snop  }
0xcb: {  	s18 =	sadd.s32 @p1 $0x10, s18;
	s19 =	simm.s32 $0x0  }
0xcc: {  	s19 =	smov.u32 @p1 s18  }
0xcd: {  	v7 =	vor.u32 s19, v3  }
0xce: {  	vm2 =	vlt.s32 v7, v5;
	vm1 =	vlt.s32 v6, v1  }
0xcf: {  	vm3 =	vge.s32 v6, v0;
	vm1 =	vmand vm1, vm2  }
0xd0: {  	vm1 =	vmand vm1, vm3  }
0xd1: {  	v5 =	vmpcnt.ones.xlane vm1;
	_ =	sdelay $0x1  }
0xd2: {  	v5 =	vxor.u32 $0x80000000, v5  }
0xd3: {  	v7 =	vld [tilespmem:s13+$0x0];
	(xrf0) =	vmax.scan.msk.u32 $0xffff, v5  }
0xd4: {  	s13 =	spop @p1 (v2sf)  }
0xd5: {  	s13 =	sadd.s32 @p1 s13, s16  }
0xd6: {  	s13 =	sadd.s32 @p1 $0x80000000, s13  }
0xd7: {  	s9 =	smov.u32 @p1 s13;
	s13 =	sadd.s32 @p1 $0x10, s29  }
0xd8: {  	[tilespmem:s9+$0x1400] =	vst.msk vm1, v7;
	s12 =	smov.u32 @p1 s13  }
0xd9: {  	v5 =	vld [tilespmem:s12+$0x0];
	v7, _, _ =	vpop (xrf0)  }
0xda: {  	(v2sf) =	vpush v7, $0xF;
	_ =	sdelay $0x2  }
0xdb: {  	s2 =	sadd.s32 @p1 $0x10, s2  }
0xdc: {  	s11 =	smov.u32 @p1 s2;
	[tilespmem:s9+$0x1880] =	vst.msk vm1, v5  }
0xdd: {  	v5 =	vld [tilespmem:s11+$0x0];
	_ =	sdelay $0x4  }
0xde: {  	s2 =	sadd.s32 @p1 $0x10, s14;
	v6 =	vsub.s32 v6, v0;
	[tilespmem:s9+$0x1D00] =	vst.msk vm1, v5  }
0xdf: {  	s10 =	smov.u32 @p1 s2;
	[tilespmem:s9+$0x2180] =	vst.msk vm1, v6  }
0xe0: {  	v5 =	vld [tilespmem:s10+$0x0];
	_ =	sdelay $0x2  }
0xe1: {  	s29 =	spop (v2sf)  }
0xe2: {  	s2 =	sadd.s32 s29, s9  }
0xe3: {  	[tilespmem:s9+$0x2600] =	vst.msk vm1, v5;
	s10 =	sadd.s32 $0x80000000, s2  }
.LBB2_13:
0xe4: {  	s2 =	sadd.s32 $0x1F, s10  }
0xe5: {  	s9 =	sand.u32 $0x1F, s2  }
0xe6: {  	s29 =	sshra.s32 s2, $0x1F;
	p2 =	slt.s32 s2, $0x1;
	p1 =	sne.s32 s9, $0x0  }
0xe7: {  	_ =	strace $0x9000004B;
	[tilespmem:s10+$0x1400] =	vst v4;
	s9 =	sshrl.u32 s29, $0x1B;
	p1 =	por !p2, !p1  }
0xe8: {  	[tilespmem:s10+$0x1880] =	vst v4;
	s2 =	sadd.s32 s9, s2;
	s9 =	simm.s32 $0x1;
	p1 =	por !p1, !p1  }
0xe9: {  	[tilespmem:s10+$0x1D00] =	vst v4;
	s2 =	sshra.s32 s2, $0x5;
	s9 =	simm.s32 @!p1 $0x0  }
0xea: {  	[tilespmem:s10+$0x2180] =	vst v4;
	s9 =	ssub.s32 s2, s9  }
0xeb: {  	[tilespmem:s10+$0x2600] =	vst v2;
	p1 =	slt.s32 s9, $0x1  }
.Ltmp12:
0xec: {  	[tilespmem:s10+$0x1410] =	vst v4;
	(pc) =	sbr.rel @p1 .LBB2_17-.Ltmp12, $4  }
0xed: {  	[tilespmem:s10+$0x1890] =	vst v4  }
0xee: {  	[tilespmem:s10+$0x1D10] =	vst v4  }
0xef: {  	[tilespmem:s10+$0x2190] =	vst v4  }
0xf0: {  	[tilespmem:s10+$0x2610] =	vst v2;
	s10 =	simm.s32 $0x0;
	s11 =	simm.s32 $0x0  }
.LBB2_14:
0xf1: {  	s2 =	sshll.u32 s11, $0x5  }
0xf2: {  	v5 =	vld [tilespmem:s2+$0x1400];
	_ =	sdelay $0x4  }
0xf3: {  	[tilespmem:$0x3A80] =	vst v5  }
0xf4: {  	v5 =	vld [tilespmem:s2+$0x1880];
	_ =	sdelay $0x4  }
0xf5: {  	[tilespmem:$0x3AA0] =	vst v5  }
0xf6: {  	v5 =	vld [tilespmem:s2+$0x1D00];
	_ =	sdelay $0x4  }
0xf7: {  	[tilespmem:$0x3AC0] =	vst v5  }
0xf8: {  	v5 =	vld [tilespmem:s2+$0x2600];
	_ =	sdelay $0x4  }
0xf9: {  	[tilespmem:$0x3B00] =	vst v5  }
0xfa: {  	v5 =	vld [tilespmem:s2+$0x2180];
	_ =	sdelay $0x4  }
0xfb: {  	[tilespmem:$0x3B80] =	vst v5  }
0xfc: {  	v5 =	vld [tilespmem:s2+$0x1410];
	_ =	sdelay $0x4  }
0xfd: {  	[tilespmem:$0x3A90] =	vst v5  }
0xfe: {  	v5 =	vld [tilespmem:s2+$0x1890];
	_ =	sdelay $0x4  }
0xff: {  	[tilespmem:$0x3AB0] =	vst v5  }
0x100: {  	v5 =	vld [tilespmem:s2+$0x1D10];
	_ =	sdelay $0x4  }
0x101: {  	[tilespmem:$0x3AD0] =	vst v5  }
0x102: {  	v5 =	vld [tilespmem:s2+$0x2610];
	_ =	sdelay $0x4  }
0x103: {  	[tilespmem:$0x3B10] =	vst v5  }
0x104: {  	v5 =	vld [tilespmem:s2+$0x2190];
	_ =	sdelay $0x4  }
0x105: {  	[tilespmem:$0x3B90] =	vst v5  }
0x106: {  	_ =	strace $0x8000004C  }
0x107: {  	[tilespmem:s24], [sflag:$0x1] =	stream.indirect.gather [spmem:s1], $0x80, s23, s22, $0x2000b8;
	[tilespmem:$0x1E480] =	vst v63  }
0x108: {  	v5 =	vmov s10;
	_ =	swait.ge [sflag:s17], $0x3000  }
0x109: {  	[sflag:s17] =	ssyncset.done $0x0  }
0x10a: {  	[sflag:s17] =	ssyncadd.s32 $0xFFFFD000  }
0x10b: {  	_ =	strace $0x9000004C  }
0x10c: {  	_ =	strace $0x8000004D  }
0x10d: {  	v6 =	vld.idx.msk [tilespmem:v5+s26+$0x0], $0xffff;
	_ =	sdelay $0x4  }
0x10e: {  	v6 =	vxor.u32 $0x80000000, v6  }
0x10f: {  	(xrf0) =	vmax.scan.msk.u32 $0xffff, v6;
	_ =	sdelay $0x5  }
0x110: {  	v6, _, _ =	vpop (xrf0)  }
0x111: {  	(v2sf) =	vpush v6, $0xF;
	_ =	sdelay $0xa  }
0x112: {  	s12 =	simm.s32 $0x4C40  }
0x113: {  	v7 =	vld [tilespmem:s12+$0xFFFFEFC0]  }
0x114: {  	v6 =	vld [tilespmem:s12+$0xFFFFFFC0]  }
0x115: {  	v9 =	vld.idx.msk [tilespmem:v5+s25+$0x0], $0xffff  }
0x116: {  	v8 =	vld [tilespmem:s12+$0xFC0];
	s29 =	spop (v2sf)  }
0x117: {  	s13 =	sshll.u32 s29, $0x8;
	s2 =	sshll.u32 s29, $0x7  }
0x118: {  	s13 =	sand.u32 $0xFFFFF800, s13;
	s2 =	sand.u32 $0x380, s2  }
0x119: {  	v6 =	vadd.f32 v6, v7;
	s13 =	sor.u32 s2, s13  }
0x11a: {  	v7 =	vld [tilespmem:s13+$0x6C00]  }
0x11b: {  	v5 =	vmul.f32 $3.333333430e-01, v9;
	v6 =	vadd.f32 v8, v6;
	_ =	sdelay $0x1  }
0x11c: {  	v6 =	vmul.f32 v6, v5;
	_ =	sdelay $0x1  }
0x11d: {  	v6 =	vadd.f32 v6, v7;
	_ =	sdelay $0x1  }
0x11e: {  	[tilespmem:s13+$0x6C00] =	vst v6  }
0x11f: {  	v6 =	vld [tilespmem:s12+$0xFFFFEFD0]  }
0x120: {  	v7 =	vld [tilespmem:s12+$0xFFFFFFD0];
	_ =	sdelay $0x1  }
0x121: {  	v8 =	vld [tilespmem:s12+$0xFD0];
	_ =	sdelay $0x2  }
0x122: {  	v6 =	vadd.f32 v7, v6  }
0x123: {  	v7 =	vld [tilespmem:s13+$0x6C10]  }
0x124: {  	v6 =	vadd.f32 v8, v6;
	_ =	sdelay $0x1  }
0x125: {  	v6 =	vmul.f32 v6, v5;
	_ =	sdelay $0x1  }
0x126: {  	v6 =	vadd.f32 v6, v7;
	_ =	sdelay $0x1  }
0x127: {  	[tilespmem:s13+$0x6C10] =	vst v6  }
0x128: {  	v6 =	vld [tilespmem:s12+$0xFFFFEFE0]  }
0x129: {  	v7 =	vld [tilespmem:s12+$0xFFFFFFE0];
	_ =	sdelay $0x1  }
0x12a: {  	v8 =	vld [tilespmem:s12+$0xFE0];
	_ =	sdelay $0x2  }
0x12b: {  	v6 =	vadd.f32 v7, v6  }
0x12c: {  	v7 =	vld [tilespmem:s13+$0x6C20]  }
0x12d: {  	v6 =	vadd.f32 v8, v6;
	_ =	sdelay $0x1  }
0x12e: {  	v6 =	vmul.f32 v6, v5;
	_ =	sdelay $0x1  }
0x12f: {  	v6 =	vadd.f32 v6, v7;
	_ =	sdelay $0x1  }
0x130: {  	[tilespmem:s13+$0x6C20] =	vst v6  }
0x131: {  	v6 =	vld [tilespmem:s12+$0xFFFFEFF0]  }
0x132: {  	v7 =	vld [tilespmem:s12+$0xFFFFFFF0];
	_ =	sdelay $0x1  }
0x133: {  	v8 =	vld [tilespmem:s12+$0xFF0];
	_ =	sdelay $0x2  }
0x134: {  	v6 =	vadd.f32 v7, v6  }
0x135: {  	v7 =	vld [tilespmem:s13+$0x6C30]  }
0x136: {  	v6 =	vadd.f32 v8, v6;
	_ =	sdelay $0x1  }
0x137: {  	v6 =	vmul.f32 v6, v5;
	_ =	sdelay $0x1  }
0x138: {  	v6 =	vadd.f32 v6, v7;
	_ =	sdelay $0x1  }
0x139: {  	[tilespmem:s13+$0x6C30] =	vst v6  }
0x13a: {  	v6 =	vld [tilespmem:s12+$0xFFFFF000]  }
0x13b: {  	v7 =	vld [tilespmem:s12+$0x0];
	_ =	sdelay $0x1  }
0x13c: {  	v8 =	vld [tilespmem:s12+$0x1000];
	_ =	sdelay $0x2  }
0x13d: {  	v6 =	vadd.f32 v7, v6  }
0x13e: {  	v7 =	vld [tilespmem:s13+$0x6C40]  }
0x13f: {  	v6 =	vadd.f32 v8, v6;
	_ =	sdelay $0x1  }
0x140: {  	v6 =	vmul.f32 v6, v5;
	_ =	sdelay $0x1  }
0x141: {  	v7 =	vadd.f32 v6, v7;
	_ =	sdelay $0x1  }
0x142: {  	[tilespmem:s13+$0x6C40] =	vst v7  }
0x143: {  	v7 =	vld [tilespmem:s12+$0xFFFFF010]  }
0x144: {  	v8 =	vld [tilespmem:s12+$0x10];
	_ =	sdelay $0x1  }
0x145: {  	v10 =	vld [tilespmem:s12+$0x1010];
	_ =	sdelay $0x2  }
0x146: {  	v7 =	vadd.f32 v8, v7  }
0x147: {  	v8 =	vld [tilespmem:s13+$0x6C50]  }
0x148: {  	v7 =	vadd.f32 v10, v7;
	_ =	sdelay $0x1  }
0x149: {  	v7 =	vmul.f32 v7, v5;
	_ =	sdelay $0x1  }
0x14a: {  	v7 =	vadd.f32 v7, v8;
	_ =	sdelay $0x1  }
0x14b: {  	[tilespmem:s13+$0x6C50] =	vst v7  }
0x14c: {  	v7 =	vld [tilespmem:s12+$0xFFFFF020]  }
0x14d: {  	v8 =	vld [tilespmem:s12+$0x20];
	_ =	sdelay $0x1  }
0x14e: {  	v10 =	vld [tilespmem:s12+$0x1020];
	_ =	sdelay $0x2  }
0x14f: {  	v7 =	vadd.f32 v8, v7  }
0x150: {  	v8 =	vld [tilespmem:s13+$0x6C60]  }
0x151: {  	v7 =	vadd.f32 v10, v7;
	_ =	sdelay $0x1  }
0x152: {  	v7 =	vmul.f32 v7, v5  }
0x153: {  	v10 =	vld [tilespmem:s13+$0x7000]  }
0x154: {  	v7 =	vadd.f32 v7, v8;
	_ =	sdelay $0x1  }
0x155: {  	[tilespmem:s13+$0x6C60] =	vst v7  }
0x156: {  	v7 =	vnsel vm0, $0x0, v9;
	v8 =	vld [tilespmem:s12+$0xFFFFF030]  }
0x157: {  	v9 =	vld [tilespmem:s12+$0x30];
	v10 =	vadd.f32 v10, v7  }
0x158: {  	v6 =	vld [tilespmem:s13+$0x6C70]  }
0x159: {  	s14 =	simm.s32 $0x1;
	v7 =	vld [tilespmem:s12+$0x1030];
	[tilespmem:s13+$0x7000] =	vst v10  }
.LBB2_15:
0x15a: {  	_ = 	snop  }
0x15b: {  	p1 =	sne.s32 s14, $0x1F  }
0x15c: {  	s12 =	sadd.s32 $0x80, s12;
	s2 =	smov.u32 s14;
	s14 =	sadd.s32 $0x1, s14;
	v8 =	vadd.f32 v9, v8  }
0x15d: {  	_ = 	snop  }
0x15e: {  	v7 =	vadd.f32 v7, v8  }
0x15f: {  	v8 =	vmov s2  }
0x160: {  	v5 =	vmul.f32 v7, v5;
	_ =	sdelay $0x1  }
0x161: {  	v5 =	vadd.f32 v5, v6;
	_ =	sdelay $0x1  }
0x162: {  	[tilespmem:s13+$0x6C70] =	vst v5  }
0x163: {  	v5 =	vld.idx.msk [tilespmem:v8+s26+$0x0], $0xffff;
	_ =	sdelay $0x5  }
0x164: {  	v5 =	vxor.u32 $0x80000000, v5  }
0x165: {  	(xrf0) =	vmax.scan.msk.u32 $0xffff, v5;
	_ =	sdelay $0x5  }
0x166: {  	v5, _, _ =	vpop (xrf0)  }
0x167: {  	(v2sf) =	vpush v5, $0xF;
	_ =	sdelay $0xb  }
0x168: {  	v5 =	vld [tilespmem:s12+$0xFFFFFFC0]  }
0x169: {  	v6 =	vld [tilespmem:s12+$0xFFFFEFC0]  }
0x16a: {  	v7 =	vld.idx.msk [tilespmem:v8+s25+$0x0], $0xffff  }
0x16b: {  	v8 =	vld [tilespmem:s12+$0xFC0];
	s2 =	spop (v2sf)  }
0x16c: {  	s13 =	sshll.u32 s2, $0x8;
	s2 =	sshll.u32 s2, $0x7  }
0x16d: {  	s13 =	sand.u32 $0xFFFFF800, s13;
	s2 =	sand.u32 $0x380, s2  }
0x16e: {  	s13 =	sor.u32 s2, s13;
	v6 =	vadd.f32 v5, v6  }
0x16f: {  	v9 =	vld [tilespmem:s13+$0x6C00]  }
0x170: {  	v5 =	vmul.f32 $3.333333430e-01, v7;
	v8 =	vadd.f32 v8, v6;
	v6 =	vld [tilespmem:s13+$0x6C70];
	_ =	sdelay $0x1  }
0x171: {  	v8 =	vmul.f32 v8, v5;
	_ =	sdelay $0x1  }
0x172: {  	v8 =	vadd.f32 v8, v9;
	_ =	sdelay $0x1  }
0x173: {  	[tilespmem:s13+$0x6C00] =	vst v8  }
0x174: {  	v8 =	vld [tilespmem:s12+$0xFFFFEFD0]  }
0x175: {  	v9 =	vld [tilespmem:s12+$0xFFFFFFD0]  }
0x176: {  	v10 =	vld [tilespmem:s12+$0xFD0];
	_ =	sdelay $0x3  }
0x177: {  	v8 =	vadd.f32 v9, v8  }
0x178: {  	v9 =	vld [tilespmem:s13+$0x6C10]  }
0x179: {  	v8 =	vadd.f32 v10, v8;
	_ =	sdelay $0x1  }
0x17a: {  	v8 =	vmul.f32 v8, v5;
	_ =	sdelay $0x1  }
0x17b: {  	v8 =	vadd.f32 v8, v9;
	_ =	sdelay $0x1  }
0x17c: {  	[tilespmem:s13+$0x6C10] =	vst v8  }
0x17d: {  	v8 =	vld [tilespmem:s12+$0xFFFFEFE0]  }
0x17e: {  	v9 =	vld [tilespmem:s12+$0xFFFFFFE0];
	_ =	sdelay $0x1  }
0x17f: {  	v10 =	vld [tilespmem:s12+$0xFE0];
	_ =	sdelay $0x2  }
0x180: {  	v8 =	vadd.f32 v9, v8  }
0x181: {  	v9 =	vld [tilespmem:s13+$0x6C20]  }
0x182: {  	v8 =	vadd.f32 v10, v8;
	_ =	sdelay $0x1  }
0x183: {  	v8 =	vmul.f32 v8, v5;
	_ =	sdelay $0x1  }
0x184: {  	v8 =	vadd.f32 v8, v9;
	_ =	sdelay $0x1  }
0x185: {  	[tilespmem:s13+$0x6C20] =	vst v8  }
0x186: {  	v8 =	vld [tilespmem:s12+$0xFFFFEFF0]  }
0x187: {  	v9 =	vld [tilespmem:s12+$0xFFFFFFF0]  }
0x188: {  	v10 =	vld [tilespmem:s12+$0xFF0];
	_ =	sdelay $0x3  }
0x189: {  	v8 =	vadd.f32 v9, v8  }
0x18a: {  	v9 =	vld [tilespmem:s13+$0x6C30]  }
0x18b: {  	v8 =	vadd.f32 v10, v8;
	_ =	sdelay $0x1  }
0x18c: {  	v8 =	vmul.f32 v8, v5;
	_ =	sdelay $0x1  }
0x18d: {  	v8 =	vadd.f32 v8, v9;
	_ =	sdelay $0x1  }
0x18e: {  	[tilespmem:s13+$0x6C30] =	vst v8  }
0x18f: {  	v8 =	vld [tilespmem:s12+$0xFFFFF000]  }
0x190: {  	v9 =	vld [tilespmem:s12+$0x0];
	_ =	sdelay $0x1  }
0x191: {  	v10 =	vld [tilespmem:s12+$0x1000];
	_ =	sdelay $0x2  }
0x192: {  	v8 =	vadd.f32 v9, v8  }
0x193: {  	v9 =	vld [tilespmem:s13+$0x6C40]  }
0x194: {  	v8 =	vadd.f32 v10, v8;
	_ =	sdelay $0x1  }
0x195: {  	v8 =	vmul.f32 v8, v5;
	_ =	sdelay $0x1  }
0x196: {  	v8 =	vadd.f32 v8, v9;
	_ =	sdelay $0x1  }
0x197: {  	[tilespmem:s13+$0x6C40] =	vst v8  }
0x198: {  	v8 =	vld [tilespmem:s12+$0xFFFFF010]  }
0x199: {  	v9 =	vld [tilespmem:s12+$0x10]  }
0x19a: {  	v10 =	vld [tilespmem:s12+$0x1010];
	_ =	sdelay $0x3  }
0x19b: {  	v8 =	vadd.f32 v9, v8  }
0x19c: {  	v9 =	vld [tilespmem:s13+$0x6C50]  }
0x19d: {  	v8 =	vadd.f32 v10, v8;
	_ =	sdelay $0x1  }
0x19e: {  	v8 =	vmul.f32 v8, v5;
	_ =	sdelay $0x1  }
0x19f: {  	v8 =	vadd.f32 v8, v9;
	_ =	sdelay $0x1  }
0x1a0: {  	[tilespmem:s13+$0x6C50] =	vst v8  }
0x1a1: {  	v8 =	vld [tilespmem:s12+$0xFFFFF020]  }
0x1a2: {  	v9 =	vld [tilespmem:s12+$0x20]  }
0x1a3: {  	v10 =	vld [tilespmem:s12+$0x1020];
	_ =	sdelay $0x3  }
0x1a4: {  	v8 =	vadd.f32 v9, v8  }
0x1a5: {  	v9 =	vld [tilespmem:s13+$0x6C60]  }
0x1a6: {  	v8 =	vadd.f32 v10, v8;
	_ =	sdelay $0x1  }
0x1a7: {  	v8 =	vmul.f32 v8, v5  }
0x1a8: {  	v10 =	vld [tilespmem:s13+$0x7000]  }
0x1a9: {  	v8 =	vadd.f32 v8, v9;
	_ =	sdelay $0x1  }
.Ltmp13:
0x1aa: {  	[tilespmem:s13+$0x6C60] =	vst v8;
	(pc) =	sbr.rel @p1 .LBB2_15-.Ltmp13, $4  }
0x1ab: {  	v7 =	vnsel vm0, $0x0, v7;
	v8 =	vld [tilespmem:s12+$0xFFFFF030]  }
0x1ac: {  	v9 =	vld [tilespmem:s12+$0x30];
	v10 =	vadd.f32 v10, v7  }
0x1ad: {  	v7 =	vld [tilespmem:s12+$0x1030]  }
0x1ae: {  	[tilespmem:s13+$0x7000] =	vst v10  }
0x1af: {  	_ =	sdelay $0x1  }
0x1b0: {  	v8 =	vadd.f32 v9, v8;
	_ =	sdelay $0x1  }
0x1b1: {  	v7 =	vadd.f32 v7, v8  }
0x1b2: {  	s11 =	sadd.s32 $0x1, s11  }
0x1b3: {  	p1 =	sne.s32 s11, s9;
	v5 =	vmul.f32 v7, v5  }
.Ltmp14:
0x1b4: {  	_ = 	snop;
	(pc) =	sbr.rel @p1 .LBB2_14-.Ltmp14, $4  }
.Ltmp15:
0x1b5: {  	v5 =	vadd.f32 v5, v6;
	(pc) =	sbr.rel @!p1 .LBB2_17-.Ltmp15, $4  }
0x1b6: {  	_ = 	snop  }
0x1b7: {  	[tilespmem:s13+$0x6C70] =	vst v5  }
0x1b8: {  	_ =	strace $0x9000004D  }
0x1b9: {  	_ = 	snop  }
.LBB2_8:
.Ltmp16:
0x1ba: {  	(pc) =	sbr.rel .LBB2_12-.Ltmp16, $3  }
0x1bb: {  	_ =	sdelay $0x1  }
0x1bc: {  	s18 =	simm.s32 $0x0;
	s16 =	simm.s32 $0x0  }
0x1bd: {  	s29 =	simm.s32 $0xC00;
	s2 =	simm.s32 $0x1000;
	s14 =	simm.s32 $0x400  }
.LBB2_10:
.Ltmp17:
0x1be: {  	(pc) =	sbr.rel .LBB2_12-.Ltmp17, $3  }
0x1bf: {  	_ =	sdelay $0x1  }
0x1c0: {  	s18 =	simm.s32 $0x0;
	s16 =	simm.s32 $0x0  }
0x1c1: {  	s29 =	simm.s32 $0xC00;
	s2 =	simm.s32 $0x1000;
	s14 =	simm.s32 $0x400  }
.LBB2_20:
0x1c2: {  	_ =	sfence.sel $0x180000  }
0x1c3: {  	[bflag:$0x0] =	sbarrier.arrive $0xFFFF  }
0x1c4: {  	_ =	strace $0x9000004A  }
0x1c5: {  	s0 =	stileid.u32;
	[bflag:$0x2] =	sbarrier.arrive $0xFFFF  }
0x1c6: {  	p0 =	sne.s32 s0, $0x0;
	s0 =	rddreg [dreg:$0x3]  }
0x1c7: {  	s0 =	sadd.s32 @!p0 $0x100000, s0  }
0x1c8: {  	[sflag:s0] =	ssyncadd.tile.s32 @!p0 $0x1;
	_ =	shalt  }
.Lfunc_end2:
_tile_overlayer_lowered:
.L_overlay_start_2:
0x1c9: {  	(tag) =	ssettag $0x2  }
0x1ca: {  	s0 =	rddreg [dreg:$0x0];
	s2 =	stileid.u32  }
0x1cb: {  	s1 =	rddreg [dreg:$0x1];
	p0 =	sne.s32 s2, $0x0  }
0x1cc: {  	s3 =	rddreg [dreg:$0x2];
	[bflag:$0x3] =	sbarrier.arrive $0xFFFF;
	s2 =	simm.s32 @!p0 $0x1C02  }
0x1cd: {  	[timem:s3], [sflag:s2] =	dma.local @!p0 [hbm:s0], s1  }
0x1ce: {  	s0 =	simm.s32 @!p0 $0x2  }
0x1cf: {  	_ =	swait.ge @!p0 [sflag:s0], s1  }
0x1d0: {  	s1 =	ssub.s32 @!p0 $0x0, s1;
	[sflag:s0] =	ssyncset.done @!p0 $0x0  }
0x1d1: {  	[sflag:s0] =	ssyncadd.s32 @!p0 s1  }
0x1d2: {  	[bflag:$0x3] =	sbarrier.arrive $0xFFFF  }
0x1d3: {  	_ =	shalt  }

</sc_bundles>
